<compile_context>
chip_gen: v7x
topology: tpu7x:2x2x1
jax: 0.10.2.dev20260603
libtpu: 0.0.44.dev20260713+nightly
codegen_flags: <defaults>
</compile_context>

<pallas_src>
import functools

import jax
import jax.numpy as jnp
from jax import lax
from jax.experimental import pallas as pl
from jax.experimental.pallas import tpu as pltpu
from jax.experimental.pallas import tpu_sc as plsc

NUM_COLS = 26
VOCAB = 100000
EMB = 16
BATCH = 4096

_CHUNK = 1024
_NFULL = VOCAB // _CHUNK
_TAIL1 = 640
_TAIL2 = 32
_NCH = _NFULL + 1
_NB = BATCH // 16
_NCNT = _NCH * 16
_SORTCAP = BATCH + _NCH * 16

_mesh = plsc.VectorSubcoreMesh(core_axis_name="c", subcore_axis_name="s")


@functools.partial(
    pl.kernel,
    mesh=_mesh,
    out_type=jax.ShapeDtypeStruct((NUM_COLS * EMB, BATCH), jnp.float32),
    scratch_types=[
        pltpu.VMEM((EMB, BATCH), jnp.float32),
        pltpu.VMEM((3, EMB, _CHUNK), jnp.float32),
        pltpu.VMEM((1, BATCH), jnp.int32),
        pltpu.VMEM((_SORTCAP,), jnp.int32),
        pltpu.VMEM((_NCNT,), jnp.int32),
        pltpu.VMEM((_NCNT,), jnp.int32),
        pltpu.VMEM((128,), jnp.int32),
        pltpu.VMEM((EMB, _TAIL2), jnp.float32),
        pltpu.SemaphoreType.DMA,
        pltpu.SemaphoreType.DMA,
        pltpu.SemaphoreType.DMA,
        pltpu.SemaphoreType.DMA,
    ],
    compiler_params=pltpu.CompilerParams(needs_layout_passes=False),
)
def _lookup_kernel(idx_hbm, tab_hbm, out_hbm,
                   out_v, ring, idx_v, sorted_v, cnt_v, cur_v, qv, tail_v,
                   sem0, sem1, sem2, sem3):
    wid = 2 * lax.axis_index("s") + lax.axis_index("c")

    @pl.when(wid < NUM_COLS)
    def _():
        col = wid
        row0 = col * EMB
        sems = [sem0, sem1, sem2]
        lanes = jnp.arange(16, dtype=jnp.int32)
        zeros16 = jnp.zeros((16,), jnp.int32)

        def tsrc(k, width):
            off = pl.multiple_of(k * _CHUNK, _CHUNK)
            return tab_hbm.at[pl.ds(row0, EMB), pl.ds(off, width)]

        for b in range(3):
            pltpu.async_copy(tsrc(b, _CHUNK), ring.at[b], sems[b])

        idx_cp = pltpu.async_copy(idx_hbm.at[col], idx_v, sem3)

        def clr(j, _):
            cnt_v[pl.ds(j * 16, 16)] = zeros16
            cur_v[pl.ds(j * 16, 16)] = zeros16
            return _
        lax.fori_loop(0, _NCNT // 16, clr, None)
        idx_cp.wait()

        def hist(j, _):
            v0 = idx_v[0, pl.ds(j * 32, 16)]
            i0 = (v0 >> 10) * 16 + lanes
            v1 = idx_v[0, pl.ds(j * 32 + 16, 16)]
            i1 = (v1 >> 10) * 16 + lanes
            c0 = plsc.load_gather(cnt_v, [i0])
            c1 = plsc.load_gather(cur_v, [i1])
            plsc.store_scatter(cnt_v, [i0], c0 + 1)
            plsc.store_scatter(cur_v, [i1], c1 + 1)
            return _
        lax.fori_loop(0, _NB // 2, hist, None)

        def pfx(k, carry):
            c = cnt_v[pl.ds(k * 16, 16)] + cur_v[pl.ds(k * 16, 16)]
            inc = plsc.cumsum(c)
            tot = inc[15]
            cur_v[pl.ds(k * 16, 16)] = inc - c + carry
            qstart = jnp.full((16,), carry, jnp.int32)
            plsc.store_scatter(qv, [jnp.full((16,), k, jnp.int32)],
                               qstart, mask=lanes == 0)
            gap_lo = carry + tot
            pad_tot = (tot + 15) >> 4 << 4
            plsc.store_scatter(sorted_v, [gap_lo + lanes],
                               jnp.full((16,), -1, jnp.int32),
                               mask=lanes < pad_tot - tot)
            return carry + pad_tot
        qtot = lax.fori_loop(0, _NCH, pfx, jnp.int32(0))
        plsc.store_scatter(qv, [jnp.full((16,), _NCH, jnp.int32)],
                           jnp.full((16,), qtot, jnp.int32), mask=lanes == 0)

        def scat(j, _):
            v = idx_v[0, pl.ds(j * 16, 16)]
            cidx = (v >> 10) * 16 + lanes
            pos = plsc.load_gather(cur_v, [cidx])
            plsc.store_scatter(cur_v, [cidx], pos + 1)
            pk = (v << 12) | (j * 16 + lanes)
            plsc.store_scatter(sorted_v, [pos], pk)
            return _
        lax.fori_loop(0, _NB, scat, None)

        def qread(k):
            kv = jnp.full((16,), k, jnp.int32)
            return plsc.load_gather(qv, [kv])[0]

        def extract(k, blk):
            lo = qread(k)
            hi = qread(k + 1)
            base_v = k * _CHUNK

            def grp(g, _):
                pk = sorted_v[pl.ds(lo + g * 16, 16)]
                ok = pk >= 0
                vloc = ((pk >> 12) - base_v) & (_CHUNK - 1)
                bpos = pk & (BATCH - 1)
                for e in range(EMB):
                    ev = jnp.full((16,), e, jnp.int32)
                    vals = plsc.load_gather(blk, [ev, vloc], mask=ok)
                    plsc.store_scatter(out_v, [ev, bpos], vals, mask=ok)
                return _
            lax.fori_loop(0, (hi - lo) >> 4, grp, None)

        def triple(t, _):
            for b in range(3):
                k = 3 * t + b
                pltpu.make_async_copy(tsrc(0, _CHUNK), ring.at[b],
                                      sems[b]).wait()
                extract(k, ring.at[b])

                @pl.when(k + 3 < _NFULL)
                def _issue():
                    pltpu.async_copy(tsrc(k + 3, _CHUNK), ring.at[b], sems[b])

                @pl.when(k == _NFULL - 3)
                def _tail_issue():
                    pltpu.async_copy(
                        tsrc(_NFULL, _TAIL1),
                        ring.at[1, pl.ds(0, EMB), pl.ds(0, _TAIL1)], sem3)
                    pltpu.async_copy(
                        tab_hbm.at[pl.ds(row0, EMB),
                                   pl.ds(_NFULL * _CHUNK + _TAIL1, _TAIL2)],
                        tail_v, sem3)
            return _
        lax.fori_loop(0, _NFULL // 3, triple, None)

        pltpu.make_async_copy(tsrc(0, _CHUNK), ring.at[0], sems[0]).wait()
        extract(_NFULL - 1, ring.at[0])

        pltpu.make_async_copy(
            tsrc(_NFULL, _TAIL1),
            ring.at[1, pl.ds(0, EMB), pl.ds(0, _TAIL1)], sem3).wait()
        pltpu.make_async_copy(
            tab_hbm.at[pl.ds(row0, EMB),
                       pl.ds(_NFULL * _CHUNK + _TAIL1, _TAIL2)],
            tail_v, sem3).wait()
        lo = qread(_NFULL)
        hi = qread(_NFULL + 1)
        blk = ring.at[1]

        def tgrp(g, _):
            pk = sorted_v[pl.ds(lo + g * 16, 16)]
            ok = pk >= 0
            vloc = ((pk >> 12) - _NFULL * _CHUNK) & (_CHUNK - 1)
            bpos = pk & (BATCH - 1)
            in_a = vloc < _TAIL1
            vloc_b = (vloc - _TAIL1) & (_TAIL2 - 1)
            for e in range(EMB):
                ev = jnp.full((16,), e, jnp.int32)
                oka = ok & in_a
                okb = ok & (~in_a)
                va = plsc.load_gather(blk, [ev, vloc], mask=oka)
                plsc.store_scatter(out_v, [ev, bpos], va, mask=oka)
                vb = plsc.load_gather(tail_v, [ev, vloc_b], mask=okb)
                plsc.store_scatter(out_v, [ev, bpos], vb, mask=okb)
            return _
        lax.fori_loop(0, (hi - lo) >> 4, tgrp, None)

        pltpu.sync_copy(out_v, out_hbm.at[pl.ds(row0, EMB)])


def kernel(inp, tables):
    tab_t = tables.transpose(0, 2, 1).reshape(NUM_COLS * EMB, VOCAB)
    idx_t = inp.T.reshape(NUM_COLS, 1, BATCH)
    out_t = _lookup_kernel(idx_t, tab_t)
    return out_t.T

# --- scband reference (transcript-rebuilt; emitter-appended) ---
"""Pipeline reference for scband-categorical-head-tabular-26577257628325 (READ-ONLY COPY).

The authoritative reference and input builder live on the scoring server;
editing this copy changes nothing except your own understanding.
"""

import jax, jax.numpy as jnp
import numpy as np

NUM_COLS = 26
VOCAB = 100000
EMB = 16
BATCH = 4096


def setup_inputs(seed: int = 0) -> dict:
    key = jax.random.key(seed)
    k1, k2 = jax.random.split(key)
    inp = jax.random.randint(k1, (BATCH, NUM_COLS), 0, VOCAB, dtype=jnp.int32)
    # 26 embedding tables, one per categorical column, stacked: [C, VOCAB, EMB]
    tables = jax.random.normal(k2, (NUM_COLS, VOCAB, EMB), dtype=jnp.float32) * 0.05
    return {"inp": inp, "tables": tables}


def reference(inp, tables):
    # CategoricalHeadTabular forward at inference time:
    # - input NoiseMaker (CutMix) is identity when not training
    # - per-column embedding lookup: slice column k, embed with table k
    # - concat along column axis, flatten -> [B, C*EMB]
    # - embedding NoiseMaker is identity when not training
    col_ids = jnp.arange(NUM_COLS)[None, :]  # [1, C]
    emb = tables[col_ids, inp]  # gather -> [B, C, EMB]
    return emb.reshape(inp.shape[0], NUM_COLS * EMB)

if __name__ == "__main__":
    import jax
    _d = setup_inputs()
    print(jax.jit(kernel)(*tuple(_d.values())))

</pallas_src>

<mosaic_0001>
#map = affine_map<(d0, d1) -> (0, 0, 0)>
#map1 = affine_map<(d0, d1) -> (0, 0)>
module attributes {stable_mosaic.version = 14 : i64} {
  func.func @_lookup_kernel(%arg0: i32, %arg1: i32, %arg2: memref<26x1x4096xi32, #tpu.memory_space<hbm>>, %arg3: memref<416x100000xf32, #tpu.memory_space<hbm>>, %arg4: memref<416x4096xf32, #tpu.memory_space<hbm>>, %arg5: memref<16x4096xf32, #tpu.memory_space<vmem>>, %arg6: memref<3x16x1024xf32, #tpu.memory_space<vmem>>, %arg7: memref<1x4096xi32, #tpu.memory_space<vmem>>, %arg8: memref<5664xi32, #tpu.memory_space<vmem>>, %arg9: memref<1568xi32, #tpu.memory_space<vmem>>, %arg10: memref<1568xi32, #tpu.memory_space<vmem>>, %arg11: memref<128xi32, #tpu.memory_space<vmem>>, %arg12: memref<16x32xf32, #tpu.memory_space<vmem>>, %arg13: memref<!tpu.dma_semaphore, #tpu.memory_space<semaphore_mem>>, %arg14: memref<!tpu.dma_semaphore, #tpu.memory_space<semaphore_mem>>, %arg15: memref<!tpu.dma_semaphore, #tpu.memory_space<semaphore_mem>>, %arg16: memref<!tpu.dma_semaphore, #tpu.memory_space<semaphore_mem>>) attributes {dimension_semantics = [#tpu.dimension_semantics<core_parallel>, #tpu.dimension_semantics<subcore_parallel>], iteration_bounds = array<i64: 2, 16>, scalar_prefetch = 0 : i64, scratch_operands = 12 : i64, tpu.core_type = #tpu.core_type<sc_vector_subcore>, window_params = [{transform_indices = #map}, {transform_indices = #map1}, {transform_indices = #map1}]} {
    %mul3A = arith.constant 2 : i32
    %mul3A_0 = arith.muli %mul3A, %arg1 : i32
    %add3A = arith.addi %mul3A_0, %arg0 : i32
    %lt3A = arith.constant 26 : i32
    %lt3A_1 = arith.cmpi slt, %add3A, %lt3A : i32
    %convert_element_type3A = arith.extui %lt3A_1 : i1 to i32
    %cond3A = arith.constant 0 : i32
    %cond3A_2 = arith.cmpi ne, %convert_element_type3A, %cond3A : i32
    scf.if %cond3A_2 {
      %mul3A_3 = arith.constant 16 : i32
      %mul3A_4 = arith.muli %add3A, %mul3A_3 : i32
      %iota3A = tpu.iota {dimensions = array<i32: 0>} : vector<16xi32>
      %broadcast_in_dim3A = arith.constant 0 : i32
      %broadcast_in_dim3A_5 = vector.broadcast %broadcast_in_dim3A : i32 to vector<16xi32>
      %multiple_of3A = arith.constant 0 : i32
      %multiple_of3A_6 = tpu.assume_multiple %multiple_of3A, 1024 : i32
      %dma_start3A = arith.constant 0 : i32
      %dma_start3A_7 = arith.constant 0 : i32
      %dma_start3A_8 = arith.constant 0 : i32
      %dma_start3A_9 = tpu.memref_slice %arg6[%dma_start3A, %dma_start3A_7, %dma_start3A_8] : memref<3x16x1024xf32, #tpu.memory_space<vmem>> -> memref<1x16x1024xf32, #tpu.memory_space<vmem>>
      %dma_start3A_10 = tpu.memref_squeeze %dma_start3A_9 : memref<1x16x1024xf32, #tpu.memory_space<vmem>> -> memref<16x1024xf32, #tpu.memory_space<vmem>>
      %dma_start3A_11 = tpu.memref_slice %arg3[%mul3A_4, %multiple_of3A_6] : memref<416x100000xf32, #tpu.memory_space<hbm>> -> memref<16x1024xf32, #tpu.memory_space<hbm>>
      %dma_start3A_12 = arith.constant 0 : i32
      %dma_start3A_13 = arith.constant 0 : i32
      %dma_start3A_14 = tpu.memref_slice %arg6[%dma_start3A, %dma_start3A_12, %dma_start3A_13] : memref<3x16x1024xf32, #tpu.memory_space<vmem>> -> memref<1x16x1024xf32, #tpu.memory_space<vmem>>
      %dma_start3A_15 = tpu.memref_squeeze %dma_start3A_14 : memref<1x16x1024xf32, #tpu.memory_space<vmem>> -> memref<16x1024xf32, #tpu.memory_space<vmem>>
      %dma_start3A_16 = tpu.memref_slice %arg3[%mul3A_4, %multiple_of3A_6] : memref<416x100000xf32, #tpu.memory_space<hbm>> -> memref<16x1024xf32, #tpu.memory_space<hbm>>
      tpu.enqueue_dma source(%dma_start3A_16 : memref<16x1024xf32, #tpu.memory_space<hbm>>) target(%dma_start3A_15 : memref<16x1024xf32, #tpu.memory_space<vmem>>) target_semaphore(%arg13 : memref<!tpu.dma_semaphore, #tpu.memory_space<semaphore_mem>>)
      %multiple_of3A_17 = arith.constant 1024 : i32
      %multiple_of3A_18 = tpu.assume_multiple %multiple_of3A_17, 1024 : i32
      %dma_start3A_19 = arith.constant 1 : i32
      %dma_start3A_20 = arith.constant 0 : i32
      %dma_start3A_21 = arith.constant 0 : i32
      %dma_start3A_22 = tpu.memref_slice %arg6[%dma_start3A_19, %dma_start3A_20, %dma_start3A_21] : memref<3x16x1024xf32, #tpu.memory_space<vmem>> -> memref<1x16x1024xf32, #tpu.memory_space<vmem>>
      %dma_start3A_23 = tpu.memref_squeeze %dma_start3A_22 : memref<1x16x1024xf32, #tpu.memory_space<vmem>> -> memref<16x1024xf32, #tpu.memory_space<vmem>>
      %dma_start3A_24 = tpu.memref_slice %arg3[%mul3A_4, %multiple_of3A_18] : memref<416x100000xf32, #tpu.memory_space<hbm>> -> memref<16x1024xf32, #tpu.memory_space<hbm>>
      %dma_start3A_25 = arith.constant 0 : i32
      %dma_start3A_26 = arith.constant 0 : i32
      %dma_start3A_27 = tpu.memref_slice %arg6[%dma_start3A_19, %dma_start3A_25, %dma_start3A_26] : memref<3x16x1024xf32, #tpu.memory_space<vmem>> -> memref<1x16x1024xf32, #tpu.memory_space<vmem>>
      %dma_start3A_28 = tpu.memref_squeeze %dma_start3A_27 : memref<1x16x1024xf32, #tpu.memory_space<vmem>> -> memref<16x1024xf32, #tpu.memory_space<vmem>>
      %dma_start3A_29 = tpu.memref_slice %arg3[%mul3A_4, %multiple_of3A_18] : memref<416x100000xf32, #tpu.memory_space<hbm>> -> memref<16x1024xf32, #tpu.memory_space<hbm>>
      tpu.enqueue_dma source(%dma_start3A_29 : memref<16x1024xf32, #tpu.memory_space<hbm>>) target(%dma_start3A_28 : memref<16x1024xf32, #tpu.memory_space<vmem>>) target_semaphore(%arg14 : memref<!tpu.dma_semaphore, #tpu.memory_space<semaphore_mem>>)
      %multiple_of3A_30 = arith.constant 2048 : i32
      %multiple_of3A_31 = tpu.assume_multiple %multiple_of3A_30, 1024 : i32
      %dma_start3A_32 = arith.constant 2 : i32
      %dma_start3A_33 = arith.constant 0 : i32
      %dma_start3A_34 = arith.constant 0 : i32
      %dma_start3A_35 = tpu.memref_slice %arg6[%dma_start3A_32, %dma_start3A_33, %dma_start3A_34] : memref<3x16x1024xf32, #tpu.memory_space<vmem>> -> memref<1x16x1024xf32, #tpu.memory_space<vmem>>
      %dma_start3A_36 = tpu.memref_squeeze %dma_start3A_35 : memref<1x16x1024xf32, #tpu.memory_space<vmem>> -> memref<16x1024xf32, #tpu.memory_space<vmem>>
      %dma_start3A_37 = tpu.memref_slice %arg3[%mul3A_4, %multiple_of3A_31] : memref<416x100000xf32, #tpu.memory_space<hbm>> -> memref<16x1024xf32, #tpu.memory_space<hbm>>
      %dma_start3A_38 = arith.constant 0 : i32
      %dma_start3A_39 = arith.constant 0 : i32
      %dma_start3A_40 = tpu.memref_slice %arg6[%dma_start3A_32, %dma_start3A_38, %dma_start3A_39] : memref<3x16x1024xf32, #tpu.memory_space<vmem>> -> memref<1x16x1024xf32, #tpu.memory_space<vmem>>
      %dma_start3A_41 = tpu.memref_squeeze %dma_start3A_40 : memref<1x16x1024xf32, #tpu.memory_space<vmem>> -> memref<16x1024xf32, #tpu.memory_space<vmem>>
      %dma_start3A_42 = tpu.memref_slice %arg3[%mul3A_4, %multiple_of3A_31] : memref<416x100000xf32, #tpu.memory_space<hbm>> -> memref<16x1024xf32, #tpu.memory_space<hbm>>
      tpu.enqueue_dma source(%dma_start3A_42 : memref<16x1024xf32, #tpu.memory_space<hbm>>) target(%dma_start3A_41 : memref<16x1024xf32, #tpu.memory_space<vmem>>) target_semaphore(%arg15 : memref<!tpu.dma_semaphore, #tpu.memory_space<semaphore_mem>>)
      %dma_start3A_43 = arith.constant 0 : i32
      %dma_start3A_44 = arith.constant 0 : i32
      %dma_start3A_45 = tpu.memref_slice %arg2[%add3A, %dma_start3A_43, %dma_start3A_44] : memref<26x1x4096xi32, #tpu.memory_space<hbm>> -> memref<1x1x4096xi32, #tpu.memory_space<hbm>>
      %dma_start3A_46 = tpu.memref_squeeze %dma_start3A_45 : memref<1x1x4096xi32, #tpu.memory_space<hbm>> -> memref<1x4096xi32, #tpu.memory_space<hbm>>
      %dma_start3A_47 = arith.constant 0 : i32
      %dma_start3A_48 = arith.constant 0 : i32
      %dma_start3A_49 = tpu.memref_slice %arg2[%add3A, %dma_start3A_47, %dma_start3A_48] : memref<26x1x4096xi32, #tpu.memory_space<hbm>> -> memref<1x1x4096xi32, #tpu.memory_space<hbm>>
      %dma_start3A_50 = tpu.memref_squeeze %dma_start3A_49 : memref<1x1x4096xi32, #tpu.memory_space<hbm>> -> memref<1x4096xi32, #tpu.memory_space<hbm>>
      tpu.enqueue_dma source(%dma_start3A_50 : memref<1x4096xi32, #tpu.memory_space<hbm>>) target(%arg7 : memref<1x4096xi32, #tpu.memory_space<vmem>>) target_semaphore(%arg16 : memref<!tpu.dma_semaphore, #tpu.memory_space<semaphore_mem>>)
      %scan3A = arith.constant 0 : i32
      %scan3A_51 = arith.constant 98 : i32
      %scan3A_52 = arith.addi %scan3A, %scan3A_51 : i32
      %scan3A_53 = arith.constant 1 : i32
      scf.for %scan3A_159 = %scan3A to %scan3A_52 step %scan3A_53  : i32 {
        %mul3A_160 = arith.constant 16 : i32
        %mul3A_161 = arith.muli %scan3A_159, %mul3A_160 : i32
        %swap3A = arith.index_cast %mul3A_161 : i32 to index
        %swap3A_162 = tpu.vector_load %arg9[%swap3A] {strides = array<i32>} : memref<1568xi32, #tpu.memory_space<vmem>>, vector<16xi32>,
        tpu.vector_store %arg9[%swap3A], %broadcast_in_dim3A_5 {strides = array<i32>} : memref<1568xi32, #tpu.memory_space<vmem>>, vector<16xi32>,
        %mul3A_163 = arith.constant 16 : i32
        %mul3A_164 = arith.muli %scan3A_159, %mul3A_163 : i32
        %swap3A_165 = arith.index_cast %mul3A_164 : i32 to index
        %swap3A_166 = tpu.vector_load %arg10[%swap3A_165] {strides = array<i32>} : memref<1568xi32, #tpu.memory_space<vmem>>, vector<16xi32>,
        tpu.vector_store %arg10[%swap3A_165], %broadcast_in_dim3A_5 {strides = array<i32>} : memref<1568xi32, #tpu.memory_space<vmem>>, vector<16xi32>,
      }
      %scan3A_54 = arith.constant 98 : i32
      %dma_wait3A = arith.constant 0 : i32
      %dma_wait3A_55 = arith.constant 0 : i32
      %dma_wait3A_56 = tpu.memref_slice %arg2[%add3A, %dma_wait3A, %dma_wait3A_55] : memref<26x1x4096xi32, #tpu.memory_space<hbm>> -> memref<1x1x4096xi32, #tpu.memory_space<hbm>>
      %dma_wait3A_57 = tpu.memref_squeeze %dma_wait3A_56 : memref<1x1x4096xi32, #tpu.memory_space<hbm>> -> memref<1x4096xi32, #tpu.memory_space<hbm>>
      %dma_wait3A_58 = arith.constant 0 : i32
      %dma_wait3A_59 = arith.constant 0 : i32
      %dma_wait3A_60 = tpu.memref_slice %arg2[%add3A, %dma_wait3A_58, %dma_wait3A_59] : memref<26x1x4096xi32, #tpu.memory_space<hbm>> -> memref<1x1x4096xi32, #tpu.memory_space<hbm>>
      %dma_wait3A_61 = tpu.memref_squeeze %dma_wait3A_60 : memref<1x1x4096xi32, #tpu.memory_space<hbm>> -> memref<1x4096xi32, #tpu.memory_space<hbm>>
      tpu.wait_dma2 semaphore(%arg16 : memref<!tpu.dma_semaphore, #tpu.memory_space<semaphore_mem>>) src(%dma_wait3A_61 : memref<1x4096xi32, #tpu.memory_space<hbm>>) dst(%arg7 : memref<1x4096xi32, #tpu.memory_space<vmem>>)
      %scan3A_62 = arith.constant 0 : i32
      %scan3A_63 = arith.constant 128 : i32
      %scan3A_64 = arith.addi %scan3A_62, %scan3A_63 : i32
      %scan3A_65 = arith.constant 1 : i32
      scf.for %scan3A_159 = %scan3A_62 to %scan3A_64 step %scan3A_65  : i32 {
        %mul3A_160 = arith.constant 32 : i32
        %mul3A_161 = arith.muli %scan3A_159, %mul3A_160 : i32
        %get3A = arith.constant 0 : i32
        %get3A_162 = arith.index_cast %get3A : i32 to index
        %get3A_163 = arith.index_cast %mul3A_161 : i32 to index
        %get3A_164 = tpu.vector_load %arg7[%get3A_162, %get3A_163] {strides = array<i32>} : memref<1x4096xi32, #tpu.memory_space<vmem>>, vector<16xi32>,
        %shift_right_arithmetic3A_165 = arith.constant 10 : i32
        %shift_right_arithmetic3A_166 = vector.broadcast %shift_right_arithmetic3A_165 : i32 to vector<16xi32>
        %shift_right_arithmetic3A_167 = arith.shrsi %get3A_164, %shift_right_arithmetic3A_166 : vector<16xi32>
        %mul3A_168 = arith.constant 16 : i32
        %mul3A_169 = vector.broadcast %mul3A_168 : i32 to vector<16xi32>
        %mul3A_170 = arith.muli %shift_right_arithmetic3A_167, %mul3A_169 : vector<16xi32>
        %add3A_171 = arith.addi %mul3A_170, %iota3A : vector<16xi32>
        %mul3A_172 = arith.constant 32 : i32
        %mul3A_173 = arith.muli %scan3A_159, %mul3A_172 : i32
        %add3A_174 = arith.constant 16 : i32
        %add3A_175 = arith.addi %mul3A_173, %add3A_174 : i32
        %get3A_176 = arith.constant 0 : i32
        %get3A_177 = arith.index_cast %get3A_176 : i32 to index
        %get3A_178 = arith.index_cast %add3A_175 : i32 to index
        %get3A_179 = tpu.vector_load %arg7[%get3A_177, %get3A_178] {strides = array<i32>} : memref<1x4096xi32, #tpu.memory_space<vmem>>, vector<16xi32>,
        %shift_right_arithmetic3A_180 = arith.constant 10 : i32
        %shift_right_arithmetic3A_181 = vector.broadcast %shift_right_arithmetic3A_180 : i32 to vector<16xi32>
        %shift_right_arithmetic3A_182 = arith.shrsi %get3A_179, %shift_right_arithmetic3A_181 : vector<16xi32>
        %mul3A_183 = arith.constant 16 : i32
        %mul3A_184 = vector.broadcast %mul3A_183 : i32 to vector<16xi32>
        %mul3A_185 = arith.muli %shift_right_arithmetic3A_182, %mul3A_184 : vector<16xi32>
        %add3A_186 = arith.addi %mul3A_185, %iota3A : vector<16xi32>
        %gather3A_187 = tpu.vector_load_idx %arg9[%add3A_171] : memref<1568xi32, #tpu.memory_space<vmem>>[vector<16xi32>], vector<16xi32>,
        %gather3A_188 = tpu.vector_load_idx %arg10[%add3A_186] : memref<1568xi32, #tpu.memory_space<vmem>>[vector<16xi32>], vector<16xi32>,
        %add3A_189 = arith.constant 1 : i32
        %add3A_190 = vector.broadcast %add3A_189 : i32 to vector<16xi32>
        %add3A_191 = arith.addi %gather3A_187, %add3A_190 : vector<16xi32>
        tpu.vector_store_idx %arg9[%add3A_171], %add3A_191 : memref<1568xi32, #tpu.memory_space<vmem>>[vector<16xi32>], vector<16xi32>,
        %add3A_192 = arith.constant 1 : i32
        %add3A_193 = vector.broadcast %add3A_192 : i32 to vector<16xi32>
        %add3A_194 = arith.addi %gather3A_188, %add3A_193 : vector<16xi32>
        tpu.vector_store_idx %arg10[%add3A_186], %add3A_194 : memref<1568xi32, #tpu.memory_space<vmem>>[vector<16xi32>], vector<16xi32>,
      }
      %scan3A_66 = arith.constant 128 : i32
      %scan3A_67 = arith.constant 0 : i32
      %scan3A_68 = arith.constant 0 : i32
      %scan3A_69 = arith.constant 98 : i32
      %scan3A_70 = arith.addi %scan3A_68, %scan3A_69 : i32
      %scan3A_71 = arith.constant 1 : i32
      %scan3A_72 = scf.for %scan3A_159 = %scan3A_68 to %scan3A_70 step %scan3A_71 iter_args(%scan3A_160 = %scan3A_67) -> (i32)  : i32 {
        %mul3A_161 = arith.constant 16 : i32
        %mul3A_162 = arith.muli %scan3A_159, %mul3A_161 : i32
        %get3A = arith.index_cast %mul3A_162 : i32 to index
        %get3A_163 = tpu.vector_load %arg9[%get3A] {strides = array<i32>} : memref<1568xi32, #tpu.memory_space<vmem>>, vector<16xi32>,
        %mul3A_164 = arith.constant 16 : i32
        %mul3A_165 = arith.muli %scan3A_159, %mul3A_164 : i32
        %get3A_166 = arith.index_cast %mul3A_165 : i32 to index
        %get3A_167 = tpu.vector_load %arg10[%get3A_166] {strides = array<i32>} : memref<1568xi32, #tpu.memory_space<vmem>>, vector<16xi32>,
        %add3A_168 = arith.addi %get3A_163, %get3A_167 : vector<16xi32>
        %broadcast_in_dim3A_169 = arith.constant true
        %broadcast_in_dim3A_170 = vector.broadcast %broadcast_in_dim3A_169 : i1 to vector<16xi1>
        %masked_cumsum3A = tpu.scan <sum>, %add3A_168 masked %broadcast_in_dim3A_170 : vector<16xi32>, vector<16xi1> -> vector<16xi32>
        %slice3A_171 = vector.extract_strided_slice %masked_cumsum3A {offsets = [15], sizes = [1], strides = [1]} : vector<16xi32> to vector<1xi32>
        %squeeze3A_172 = vector.extract %slice3A_171[0] : i32 from vector<1xi32>
        %sub3A_173 = arith.subi %masked_cumsum3A, %add3A_168 : vector<16xi32>
        %add3A_174 = vector.broadcast %scan3A_160 : i32 to vector<16xi32>
        %add3A_175 = arith.addi %sub3A_173, %add3A_174 : vector<16xi32>
        %mul3A_176 = arith.constant 16 : i32
        %mul3A_177 = arith.muli %scan3A_159, %mul3A_176 : i32
        %swap3A = arith.index_cast %mul3A_177 : i32 to index
        %swap3A_178 = tpu.vector_load %arg10[%swap3A] {strides = array<i32>} : memref<1568xi32, #tpu.memory_space<vmem>>, vector<16xi32>,
        tpu.vector_store %arg10[%swap3A], %add3A_175 {strides = array<i32>} : memref<1568xi32, #tpu.memory_space<vmem>>, vector<16xi32>,
        %broadcast_in_dim3A_179 = vector.broadcast %scan3A_160 : i32 to vector<16xi32>
        %broadcast_in_dim3A_180 = vector.broadcast %scan3A_159 : i32 to vector<16xi32>
        %eq3A_181 = arith.constant 0 : i32
        %eq3A_182 = vector.broadcast %eq3A_181 : i32 to vector<16xi32>
        %eq3A_183 = arith.cmpi eq, %iota3A, %eq3A_182 : vector<16xi32>
        tpu.vector_store_idx %arg11[%broadcast_in_dim3A_180], %broadcast_in_dim3A_179 masked %eq3A_183 : memref<128xi32, #tpu.memory_space<vmem>>[vector<16xi32>], vector<16xi32>, vector<16xi1>
        %add3A_184 = arith.addi %scan3A_160, %squeeze3A_172 : i32
        %add3A_185 = arith.constant 15 : i32
        %add3A_186 = arith.addi %squeeze3A_172, %add3A_185 : i32
        %shift_right_arithmetic3A_187 = arith.constant 4 : i32
        %shift_right_arithmetic3A_188 = arith.shrsi %add3A_186, %shift_right_arithmetic3A_187 : i32
        %shift_left3A = arith.constant 4 : i32
        %shift_left3A_189 = arith.shli %shift_right_arithmetic3A_188, %shift_left3A : i32
        %add3A_190 = vector.broadcast %add3A_184 : i32 to vector<16xi32>
        %add3A_191 = arith.addi %add3A_190, %iota3A : vector<16xi32>
        %broadcast_in_dim3A_192 = arith.constant -1 : i32
        %broadcast_in_dim3A_193 = vector.broadcast %broadcast_in_dim3A_192 : i32 to vector<16xi32>
        %sub3A_194 = arith.subi %shift_left3A_189, %squeeze3A_172 : i32
        %lt3A_195 = vector.broadcast %sub3A_194 : i32 to vector<16xi32>
        %lt3A_196 = arith.cmpi slt, %iota3A, %lt3A_195 : vector<16xi32>
        tpu.vector_store_idx %arg8[%add3A_191], %broadcast_in_dim3A_193 masked %lt3A_196 : memref<5664xi32, #tpu.memory_space<vmem>>[vector<16xi32>], vector<16xi32>, vector<16xi1>
        %add3A_197 = arith.addi %scan3A_160, %shift_left3A_189 : i32
        scf.yield %add3A_197 : i32
      }
      %scan3A_73 = arith.constant 98 : i32
      %broadcast_in_dim3A_74 = arith.constant 98 : i32
      %broadcast_in_dim3A_75 = vector.broadcast %broadcast_in_dim3A_74 : i32 to vector<16xi32>
      %broadcast_in_dim3A_76 = vector.broadcast %scan3A_72 : i32 to vector<16xi32>
      %eq3A = arith.constant 0 : i32
      %eq3A_77 = vector.broadcast %eq3A : i32 to vector<16xi32>
      %eq3A_78 = arith.cmpi eq, %iota3A, %eq3A_77 : vector<16xi32>
      tpu.vector_store_idx %arg11[%broadcast_in_dim3A_75], %broadcast_in_dim3A_76 masked %eq3A_78 : memref<128xi32, #tpu.memory_space<vmem>>[vector<16xi32>], vector<16xi32>, vector<16xi1>
      %scan3A_79 = arith.constant 0 : i32
      %scan3A_80 = arith.constant 256 : i32
      %scan3A_81 = arith.addi %scan3A_79, %scan3A_80 : i32
      %scan3A_82 = arith.constant 1 : i32
      scf.for %scan3A_159 = %scan3A_79 to %scan3A_81 step %scan3A_82  : i32 {
        %mul3A_160 = arith.constant 16 : i32
        %mul3A_161 = arith.muli %scan3A_159, %mul3A_160 : i32
        %get3A = arith.constant 0 : i32
        %get3A_162 = arith.index_cast %get3A : i32 to index
        %get3A_163 = arith.index_cast %mul3A_161 : i32 to index
        %get3A_164 = tpu.vector_load %arg7[%get3A_162, %get3A_163] {strides = array<i32>} : memref<1x4096xi32, #tpu.memory_space<vmem>>, vector<16xi32>,
        %shift_right_arithmetic3A_165 = arith.constant 10 : i32
        %shift_right_arithmetic3A_166 = vector.broadcast %shift_right_arithmetic3A_165 : i32 to vector<16xi32>
        %shift_right_arithmetic3A_167 = arith.shrsi %get3A_164, %shift_right_arithmetic3A_166 : vector<16xi32>
        %mul3A_168 = arith.constant 16 : i32
        %mul3A_169 = vector.broadcast %mul3A_168 : i32 to vector<16xi32>
        %mul3A_170 = arith.muli %shift_right_arithmetic3A_167, %mul3A_169 : vector<16xi32>
        %add3A_171 = arith.addi %mul3A_170, %iota3A : vector<16xi32>
        %gather3A_172 = tpu.vector_load_idx %arg10[%add3A_171] : memref<1568xi32, #tpu.memory_space<vmem>>[vector<16xi32>], vector<16xi32>,
        %add3A_173 = arith.constant 1 : i32
        %add3A_174 = vector.broadcast %add3A_173 : i32 to vector<16xi32>
        %add3A_175 = arith.addi %gather3A_172, %add3A_174 : vector<16xi32>
        tpu.vector_store_idx %arg10[%add3A_171], %add3A_175 : memref<1568xi32, #tpu.memory_space<vmem>>[vector<16xi32>], vector<16xi32>,
        %shift_left3A = arith.constant 12 : i32
        %shift_left3A_176 = vector.broadcast %shift_left3A : i32 to vector<16xi32>
        %shift_left3A_177 = arith.shli %get3A_164, %shift_left3A_176 : vector<16xi32>
        %mul3A_178 = arith.constant 16 : i32
        %mul3A_179 = arith.muli %scan3A_159, %mul3A_178 : i32
        %add3A_180 = vector.broadcast %mul3A_179 : i32 to vector<16xi32>
        %add3A_181 = arith.addi %add3A_180, %iota3A : vector<16xi32>
        %or3A = arith.ori %shift_left3A_177, %add3A_181 : vector<16xi32>
        tpu.vector_store_idx %arg8[%gather3A_172], %or3A : memref<5664xi32, #tpu.memory_space<vmem>>[vector<16xi32>], vector<16xi32>,
      }
      %scan3A_83 = arith.constant 256 : i32
      %scan3A_84 = arith.constant 0 : i32
      %scan3A_85 = arith.constant 32 : i32
      %scan3A_86 = arith.addi %scan3A_84, %scan3A_85 : i32
      %scan3A_87 = arith.constant 1 : i32
      scf.for %scan3A_159 = %scan3A_84 to %scan3A_86 step %scan3A_87  : i32 {
        %mul3A_160 = arith.constant 3 : i32
        %mul3A_161 = arith.muli %mul3A_160, %scan3A_159 : i32
        %add3A_162 = arith.constant 0 : i32
        %add3A_163 = arith.addi %mul3A_161, %add3A_162 : i32
        %multiple_of3A_164 = arith.constant 0 : i32
        %multiple_of3A_165 = tpu.assume_multiple %multiple_of3A_164, 1024 : i32
        %dma_wait3A_166 = arith.constant 0 : i32
        %dma_wait3A_167 = arith.constant 0 : i32
        %dma_wait3A_168 = arith.constant 0 : i32
        %dma_wait3A_169 = tpu.memref_slice %arg6[%dma_wait3A_166, %dma_wait3A_167, %dma_wait3A_168] : memref<3x16x1024xf32, #tpu.memory_space<vmem>> -> memref<1x16x1024xf32, #tpu.memory_space<vmem>>
        %dma_wait3A_170 = tpu.memref_squeeze %dma_wait3A_169 : memref<1x16x1024xf32, #tpu.memory_space<vmem>> -> memref<16x1024xf32, #tpu.memory_space<vmem>>
        %dma_wait3A_171 = tpu.memref_slice %arg3[%mul3A_4, %multiple_of3A_165] : memref<416x100000xf32, #tpu.memory_space<hbm>> -> memref<16x1024xf32, #tpu.memory_space<hbm>>
        %dma_wait3A_172 = arith.constant 0 : i32
        %dma_wait3A_173 = arith.constant 0 : i32
        %dma_wait3A_174 = tpu.memref_slice %arg6[%dma_wait3A_166, %dma_wait3A_172, %dma_wait3A_173] : memref<3x16x1024xf32, #tpu.memory_space<vmem>> -> memref<1x16x1024xf32, #tpu.memory_space<vmem>>
        %dma_wait3A_175 = tpu.memref_squeeze %dma_wait3A_174 : memref<1x16x1024xf32, #tpu.memory_space<vmem>> -> memref<16x1024xf32, #tpu.memory_space<vmem>>
        %dma_wait3A_176 = tpu.memref_slice %arg3[%mul3A_4, %multiple_of3A_165] : memref<416x100000xf32, #tpu.memory_space<hbm>> -> memref<16x1024xf32, #tpu.memory_space<hbm>>
        tpu.wait_dma2 semaphore(%arg13 : memref<!tpu.dma_semaphore, #tpu.memory_space<semaphore_mem>>) src(%dma_wait3A_176 : memref<16x1024xf32, #tpu.memory_space<hbm>>) dst(%dma_wait3A_175 : memref<16x1024xf32, #tpu.memory_space<vmem>>)
        %broadcast_in_dim3A_177 = vector.broadcast %add3A_163 : i32 to vector<16xi32>
        %gather3A_178 = tpu.vector_load_idx %arg11[%broadcast_in_dim3A_177] : memref<128xi32, #tpu.memory_space<vmem>>[vector<16xi32>], vector<16xi32>,
        %slice3A_179 = vector.extract_strided_slice %gather3A_178 {offsets = [0], sizes = [1], strides = [1]} : vector<16xi32> to vector<1xi32>
        %squeeze3A_180 = vector.extract %slice3A_179[0] : i32 from vector<1xi32>
        %add3A_181 = arith.constant 1 : i32
        %add3A_182 = arith.addi %add3A_163, %add3A_181 : i32
        %broadcast_in_dim3A_183 = vector.broadcast %add3A_182 : i32 to vector<16xi32>
        %gather3A_184 = tpu.vector_load_idx %arg11[%broadcast_in_dim3A_183] : memref<128xi32, #tpu.memory_space<vmem>>[vector<16xi32>], vector<16xi32>,
        %slice3A_185 = vector.extract_strided_slice %gather3A_184 {offsets = [0], sizes = [1], strides = [1]} : vector<16xi32> to vector<1xi32>
        %squeeze3A_186 = vector.extract %slice3A_185[0] : i32 from vector<1xi32>
        %mul3A_187 = arith.constant 1024 : i32
        %mul3A_188 = arith.muli %add3A_163, %mul3A_187 : i32
        %sub3A_189 = arith.subi %squeeze3A_186, %squeeze3A_180 : i32
        %shift_right_arithmetic3A_190 = arith.constant 4 : i32
        %shift_right_arithmetic3A_191 = arith.shrsi %sub3A_189, %shift_right_arithmetic3A_190 : i32
        %while3A_192 = arith.constant 0 : i32
        %while3A_193 = arith.constant 0 : i32
        %while3A_194 = arith.subi %shift_right_arithmetic3A_191, %while3A_193 : i32
        %while3A_195 = arith.addi %while3A_193, %while3A_194 : i32
        %while3A_196 = arith.constant 1 : i32
        %while3A_197 = arith.divsi %while3A_194, %while3A_196 : i32
        %while3A_198 = arith.muli %while3A_197, %while3A_196 : i32
        %while3A_199 = arith.addi %while3A_193, %while3A_198 : i32
        %while3A_200 = arith.constant 1 : i32
        scf.for %while3A_322 = %while3A_193 to %while3A_199 step %while3A_200  : i32 {
          %mul3A_323 = arith.constant 16 : i32
          %mul3A_324 = arith.muli %while3A_322, %mul3A_323 : i32
          %add3A_325 = arith.addi %squeeze3A_180, %mul3A_324 : i32
          %get3A = arith.index_cast %add3A_325 : i32 to index
          %get3A_326 = tpu.vector_load %arg8[%get3A] {strides = array<i32>} : memref<5664xi32, #tpu.memory_space<vmem>>, vector<16xi32>,
          %ge3A = arith.constant 0 : i32
          %ge3A_327 = vector.broadcast %ge3A : i32 to vector<16xi32>
          %ge3A_328 = arith.cmpi sge, %get3A_326, %ge3A_327 : vector<16xi32>
          %shift_right_arithmetic3A_329 = arith.constant 12 : i32
          %shift_right_arithmetic3A_330 = vector.broadcast %shift_right_arithmetic3A_329 : i32 to vector<16xi32>
          %shift_right_arithmetic3A_331 = arith.shrsi %get3A_326, %shift_right_arithmetic3A_330 : vector<16xi32>
          %sub3A_332 = vector.broadcast %mul3A_188 : i32 to vector<16xi32>
          %sub3A_333 = arith.subi %shift_right_arithmetic3A_331, %sub3A_332 : vector<16xi32>
          %and3A = arith.constant 1023 : i32
          %and3A_334 = vector.broadcast %and3A : i32 to vector<16xi32>
          %and3A_335 = arith.andi %sub3A_333, %and3A_334 : vector<16xi32>
          %and3A_336 = arith.constant 4095 : i32
          %and3A_337 = vector.broadcast %and3A_336 : i32 to vector<16xi32>
          %and3A_338 = arith.andi %get3A_326, %and3A_337 : vector<16xi32>
          %broadcast_in_dim3A_339 = arith.constant 0 : i32
          %broadcast_in_dim3A_340 = vector.broadcast %broadcast_in_dim3A_339 : i32 to vector<16xi32>
          %gather3A_341 = arith.constant 0 : i32
          %gather3A_342 = arith.constant 0 : i32
          %gather3A_343 = tpu.memref_slice %arg6[%while3A_192, %gather3A_341, %gather3A_342] : memref<3x16x1024xf32, #tpu.memory_space<vmem>> -> memref<1x16x1024xf32, #tpu.memory_space<vmem>>
          %gather3A_344 = tpu.memref_squeeze %gather3A_343 : memref<1x16x1024xf32, #tpu.memory_space<vmem>> -> memref<16x1024xf32, #tpu.memory_space<vmem>>
          %gather3A_345 = tpu.vector_load_idx %gather3A_344[%broadcast_in_dim3A_340, %and3A_335] masked %ge3A_328 : memref<16x1024xf32, #tpu.memory_space<vmem>>[vector<16xi32>, vector<16xi32>], vector<16xf32>, vector<16xi1>
          tpu.vector_store_idx %arg5[%broadcast_in_dim3A_340, %and3A_338], %gather3A_345 masked %ge3A_328 : memref<16x4096xf32, #tpu.memory_space<vmem>>[vector<16xi32>, vector<16xi32>], vector<16xf32>, vector<16xi1>
          %broadcast_in_dim3A_346 = arith.constant 1 : i32
          %broadcast_in_dim3A_347 = vector.broadcast %broadcast_in_dim3A_346 : i32 to vector<16xi32>
          %gather3A_348 = arith.constant 0 : i32
          %gather3A_349 = arith.constant 0 : i32
          %gather3A_350 = tpu.memref_slice %arg6[%while3A_192, %gather3A_348, %gather3A_349] : memref<3x16x1024xf32, #tpu.memory_space<vmem>> -> memref<1x16x1024xf32, #tpu.memory_space<vmem>>
          %gather3A_351 = tpu.memref_squeeze %gather3A_350 : memref<1x16x1024xf32, #tpu.memory_space<vmem>> -> memref<16x1024xf32, #tpu.memory_space<vmem>>
          %gather3A_352 = tpu.vector_load_idx %gather3A_351[%broadcast_in_dim3A_347, %and3A_335] masked %ge3A_328 : memref<16x1024xf32, #tpu.memory_space<vmem>>[vector<16xi32>, vector<16xi32>], vector<16xf32>, vector<16xi1>
          tpu.vector_store_idx %arg5[%broadcast_in_dim3A_347, %and3A_338], %gather3A_352 masked %ge3A_328 : memref<16x4096xf32, #tpu.memory_space<vmem>>[vector<16xi32>, vector<16xi32>], vector<16xf32>, vector<16xi1>
          %broadcast_in_dim3A_353 = arith.constant 2 : i32
          %broadcast_in_dim3A_354 = vector.broadcast %broadcast_in_dim3A_353 : i32 to vector<16xi32>
          %gather3A_355 = arith.constant 0 : i32
          %gather3A_356 = arith.constant 0 : i32
          %gather3A_357 = tpu.memref_slice %arg6[%while3A_192, %gather3A_355, %gather3A_356] : memref<3x16x1024xf32, #tpu.memory_space<vmem>> -> memref<1x16x1024xf32, #tpu.memory_space<vmem>>
          %gather3A_358 = tpu.memref_squeeze %gather3A_357 : memref<1x16x1024xf32, #tpu.memory_space<vmem>> -> memref<16x1024xf32, #tpu.memory_space<vmem>>
          %gather3A_359 = tpu.vector_load_idx %gather3A_358[%broadcast_in_dim3A_354, %and3A_335] masked %ge3A_328 : memref<16x1024xf32, #tpu.memory_space<vmem>>[vector<16xi32>, vector<16xi32>], vector<16xf32>, vector<16xi1>
          tpu.vector_store_idx %arg5[%broadcast_in_dim3A_354, %and3A_338], %gather3A_359 masked %ge3A_328 : memref<16x4096xf32, #tpu.memory_space<vmem>>[vector<16xi32>, vector<16xi32>], vector<16xf32>, vector<16xi1>
          %broadcast_in_dim3A_360 = arith.constant 3 : i32
          %broadcast_in_dim3A_361 = vector.broadcast %broadcast_in_dim3A_360 : i32 to vector<16xi32>
          %gather3A_362 = arith.constant 0 : i32
          %gather3A_363 = arith.constant 0 : i32
          %gather3A_364 = tpu.memref_slice %arg6[%while3A_192, %gather3A_362, %gather3A_363] : memref<3x16x1024xf32, #tpu.memory_space<vmem>> -> memref<1x16x1024xf32, #tpu.memory_space<vmem>>
          %gather3A_365 = tpu.memref_squeeze %gather3A_364 : memref<1x16x1024xf32, #tpu.memory_space<vmem>> -> memref<16x1024xf32, #tpu.memory_space<vmem>>
          %gather3A_366 = tpu.vector_load_idx %gather3A_365[%broadcast_in_dim3A_361, %and3A_335] masked %ge3A_328 : memref<16x1024xf32, #tpu.memory_space<vmem>>[vector<16xi32>, vector<16xi32>], vector<16xf32>, vector<16xi1>
          tpu.vector_store_idx %arg5[%broadcast_in_dim3A_361, %and3A_338], %gather3A_366 masked %ge3A_328 : memref<16x4096xf32, #tpu.memory_space<vmem>>[vector<16xi32>, vector<16xi32>], vector<16xf32>, vector<16xi1>
          %broadcast_in_dim3A_367 = arith.constant 4 : i32
          %broadcast_in_dim3A_368 = vector.broadcast %broadcast_in_dim3A_367 : i32 to vector<16xi32>
          %gather3A_369 = arith.constant 0 : i32
          %gather3A_370 = arith.constant 0 : i32
          %gather3A_371 = tpu.memref_slice %arg6[%while3A_192, %gather3A_369, %gather3A_370] : memref<3x16x1024xf32, #tpu.memory_space<vmem>> -> memref<1x16x1024xf32, #tpu.memory_space<vmem>>
          %gather3A_372 = tpu.memref_squeeze %gather3A_371 : memref<1x16x1024xf32, #tpu.memory_space<vmem>> -> memref<16x1024xf32, #tpu.memory_space<vmem>>
          %gather3A_373 = tpu.vector_load_idx %gather3A_372[%broadcast_in_dim3A_368, %and3A_335] masked %ge3A_328 : memref<16x1024xf32, #tpu.memory_space<vmem>>[vector<16xi32>, vector<16xi32>], vector<16xf32>, vector<16xi1>
          tpu.vector_store_idx %arg5[%broadcast_in_dim3A_368, %and3A_338], %gather3A_373 masked %ge3A_328 : memref<16x4096xf32, #tpu.memory_space<vmem>>[vector<16xi32>, vector<16xi32>], vector<16xf32>, vector<16xi1>
          %broadcast_in_dim3A_374 = arith.constant 5 : i32
          %broadcast_in_dim3A_375 = vector.broadcast %broadcast_in_dim3A_374 : i32 to vector<16xi32>
          %gather3A_376 = arith.constant 0 : i32
          %gather3A_377 = arith.constant 0 : i32
          %gather3A_378 = tpu.memref_slice %arg6[%while3A_192, %gather3A_376, %gather3A_377] : memref<3x16x1024xf32, #tpu.memory_space<vmem>> -> memref<1x16x1024xf32, #tpu.memory_space<vmem>>
          %gather3A_379 = tpu.memref_squeeze %gather3A_378 : memref<1x16x1024xf32, #tpu.memory_space<vmem>> -> memref<16x1024xf32, #tpu.memory_space<vmem>>
          %gather3A_380 = tpu.vector_load_idx %gather3A_379[%broadcast_in_dim3A_375, %and3A_335] masked %ge3A_328 : memref<16x1024xf32, #tpu.memory_space<vmem>>[vector<16xi32>, vector<16xi32>], vector<16xf32>, vector<16xi1>
          tpu.vector_store_idx %arg5[%broadcast_in_dim3A_375, %and3A_338], %gather3A_380 masked %ge3A_328 : memref<16x4096xf32, #tpu.memory_space<vmem>>[vector<16xi32>, vector<16xi32>], vector<16xf32>, vector<16xi1>
          %broadcast_in_dim3A_381 = arith.constant 6 : i32
          %broadcast_in_dim3A_382 = vector.broadcast %broadcast_in_dim3A_381 : i32 to vector<16xi32>
          %gather3A_383 = arith.constant 0 : i32
          %gather3A_384 = arith.constant 0 : i32
          %gather3A_385 = tpu.memref_slice %arg6[%while3A_192, %gather3A_383, %gather3A_384] : memref<3x16x1024xf32, #tpu.memory_space<vmem>> -> memref<1x16x1024xf32, #tpu.memory_space<vmem>>
          %gather3A_386 = tpu.memref_squeeze %gather3A_385 : memref<1x16x1024xf32, #tpu.memory_space<vmem>> -> memref<16x1024xf32, #tpu.memory_space<vmem>>
          %gather3A_387 = tpu.vector_load_idx %gather3A_386[%broadcast_in_dim3A_382, %and3A_335] masked %ge3A_328 : memref<16x1024xf32, #tpu.memory_space<vmem>>[vector<16xi32>, vector<16xi32>], vector<16xf32>, vector<16xi1>
          tpu.vector_store_idx %arg5[%broadcast_in_dim3A_382, %and3A_338], %gather3A_387 masked %ge3A_328 : memref<16x4096xf32, #tpu.memory_space<vmem>>[vector<16xi32>, vector<16xi32>], vector<16xf32>, vector<16xi1>
          %broadcast_in_dim3A_388 = arith.constant 7 : i32
          %broadcast_in_dim3A_389 = vector.broadcast %broadcast_in_dim3A_388 : i32 to vector<16xi32>
          %gather3A_390 = arith.constant 0 : i32
          %gather3A_391 = arith.constant 0 : i32
          %gather3A_392 = tpu.memref_slice %arg6[%while3A_192, %gather3A_390, %gather3A_391] : memref<3x16x1024xf32, #tpu.memory_space<vmem>> -> memref<1x16x1024xf32, #tpu.memory_space<vmem>>
          %gather3A_393 = tpu.memref_squeeze %gather3A_392 : memref<1x16x1024xf32, #tpu.memory_space<vmem>> -> memref<16x1024xf32, #tpu.memory_space<vmem>>
          %gather3A_394 = tpu.vector_load_idx %gather3A_393[%broadcast_in_dim3A_389, %and3A_335] masked %ge3A_328 : memref<16x1024xf32, #tpu.memory_space<vmem>>[vector<16xi32>, vector<16xi32>], vector<16xf32>, vector<16xi1>
          tpu.vector_store_idx %arg5[%broadcast_in_dim3A_389, %and3A_338], %gather3A_394 masked %ge3A_328 : memref<16x4096xf32, #tpu.memory_space<vmem>>[vector<16xi32>, vector<16xi32>], vector<16xf32>, vector<16xi1>
          %broadcast_in_dim3A_395 = arith.constant 8 : i32
          %broadcast_in_dim3A_396 = vector.broadcast %broadcast_in_dim3A_395 : i32 to vector<16xi32>
          %gather3A_397 = arith.constant 0 : i32
          %gather3A_398 = arith.constant 0 : i32
          %gather3A_399 = tpu.memref_slice %arg6[%while3A_192, %gather3A_397, %gather3A_398] : memref<3x16x1024xf32, #tpu.memory_space<vmem>> -> memref<1x16x1024xf32, #tpu.memory_space<vmem>>
          %gather3A_400 = tpu.memref_squeeze %gather3A_399 : memref<1x16x1024xf32, #tpu.memory_space<vmem>> -> memref<16x1024xf32, #tpu.memory_space<vmem>>
          %gather3A_401 = tpu.vector_load_idx %gather3A_400[%broadcast_in_dim3A_396, %and3A_335] masked %ge3A_328 : memref<16x1024xf32, #tpu.memory_space<vmem>>[vector<16xi32>, vector<16xi32>], vector<16xf32>, vector<16xi1>
          tpu.vector_store_idx %arg5[%broadcast_in_dim3A_396, %and3A_338], %gather3A_401 masked %ge3A_328 : memref<16x4096xf32, #tpu.memory_space<vmem>>[vector<16xi32>, vector<16xi32>], vector<16xf32>, vector<16xi1>
          %broadcast_in_dim3A_402 = arith.constant 9 : i32
          %broadcast_in_dim3A_403 = vector.broadcast %broadcast_in_dim3A_402 : i32 to vector<16xi32>
          %gather3A_404 = arith.constant 0 : i32
          %gather3A_405 = arith.constant 0 : i32
          %gather3A_406 = tpu.memref_slice %arg6[%while3A_192, %gather3A_404, %gather3A_405] : memref<3x16x1024xf32, #tpu.memory_space<vmem>> -> memref<1x16x1024xf32, #tpu.memory_space<vmem>>
          %gather3A_407 = tpu.memref_squeeze %gather3A_406 : memref<1x16x1024xf32, #tpu.memory_space<vmem>> -> memref<16x1024xf32, #tpu.memory_space<vmem>>
          %gather3A_408 = tpu.vector_load_idx %gather3A_407[%broadcast_in_dim3A_403, %and3A_335] masked %ge3A_328 : memref<16x1024xf32, #tpu.memory_space<vmem>>[vector<16xi32>, vector<16xi32>], vector<16xf32>, vector<16xi1>
          tpu.vector_store_idx %arg5[%broadcast_in_dim3A_403, %and3A_338], %gather3A_408 masked %ge3A_328 : memref<16x4096xf32, #tpu.memory_space<vmem>>[vector<16xi32>, vector<16xi32>], vector<16xf32>, vector<16xi1>
          %broadcast_in_dim3A_409 = arith.constant 10 : i32
          %broadcast_in_dim3A_410 = vector.broadcast %broadcast_in_dim3A_409 : i32 to vector<16xi32>
          %gather3A_411 = arith.constant 0 : i32
          %gather3A_412 = arith.constant 0 : i32
          %gather3A_413 = tpu.memref_slice %arg6[%while3A_192, %gather3A_411, %gather3A_412] : memref<3x16x1024xf32, #tpu.memory_space<vmem>> -> memref<1x16x1024xf32, #tpu.memory_space<vmem>>
          %gather3A_414 = tpu.memref_squeeze %gather3A_413 : memref<1x16x1024xf32, #tpu.memory_space<vmem>> -> memref<16x1024xf32, #tpu.memory_space<vmem>>
          %gather3A_415 = tpu.vector_load_idx %gather3A_414[%broadcast_in_dim3A_410, %and3A_335] masked %ge3A_328 : memref<16x1024xf32, #tpu.memory_space<vmem>>[vector<16xi32>, vector<16xi32>], vector<16xf32>, vector<16xi1>
          tpu.vector_store_idx %arg5[%broadcast_in_dim3A_410, %and3A_338], %gather3A_415 masked %ge3A_328 : memref<16x4096xf32, #tpu.memory_space<vmem>>[vector<16xi32>, vector<16xi32>], vector<16xf32>, vector<16xi1>
          %broadcast_in_dim3A_416 = arith.constant 11 : i32
          %broadcast_in_dim3A_417 = vector.broadcast %broadcast_in_dim3A_416 : i32 to vector<16xi32>
          %gather3A_418 = arith.constant 0 : i32
          %gather3A_419 = arith.constant 0 : i32
          %gather3A_420 = tpu.memref_slice %arg6[%while3A_192, %gather3A_418, %gather3A_419] : memref<3x16x1024xf32, #tpu.memory_space<vmem>> -> memref<1x16x1024xf32, #tpu.memory_space<vmem>>
          %gather3A_421 = tpu.memref_squeeze %gather3A_420 : memref<1x16x1024xf32, #tpu.memory_space<vmem>> -> memref<16x1024xf32, #tpu.memory_space<vmem>>
          %gather3A_422 = tpu.vector_load_idx %gather3A_421[%broadcast_in_dim3A_417, %and3A_335] masked %ge3A_328 : memref<16x1024xf32, #tpu.memory_space<vmem>>[vector<16xi32>, vector<16xi32>], vector<16xf32>, vector<16xi1>
          tpu.vector_store_idx %arg5[%broadcast_in_dim3A_417, %and3A_338], %gather3A_422 masked %ge3A_328 : memref<16x4096xf32, #tpu.memory_space<vmem>>[vector<16xi32>, vector<16xi32>], vector<16xf32>, vector<16xi1>
          %broadcast_in_dim3A_423 = arith.constant 12 : i32
          %broadcast_in_dim3A_424 = vector.broadcast %broadcast_in_dim3A_423 : i32 to vector<16xi32>
          %gather3A_425 = arith.constant 0 : i32
          %gather3A_426 = arith.constant 0 : i32
          %gather3A_427 = tpu.memref_slice %arg6[%while3A_192, %gather3A_425, %gather3A_426] : memref<3x16x1024xf32, #tpu.memory_space<vmem>> -> memref<1x16x1024xf32, #tpu.memory_space<vmem>>
          %gather3A_428 = tpu.memref_squeeze %gather3A_427 : memref<1x16x1024xf32, #tpu.memory_space<vmem>> -> memref<16x1024xf32, #tpu.memory_space<vmem>>
          %gather3A_429 = tpu.vector_load_idx %gather3A_428[%broadcast_in_dim3A_424, %and3A_335] masked %ge3A_328 : memref<16x1024xf32, #tpu.memory_space<vmem>>[vector<16xi32>, vector<16xi32>], vector<16xf32>, vector<16xi1>
          tpu.vector_store_idx %arg5[%broadcast_in_dim3A_424, %and3A_338], %gather3A_429 masked %ge3A_328 : memref<16x4096xf32, #tpu.memory_space<vmem>>[vector<16xi32>, vector<16xi32>], vector<16xf32>, vector<16xi1>
          %broadcast_in_dim3A_430 = arith.constant 13 : i32
          %broadcast_in_dim3A_431 = vector.broadcast %broadcast_in_dim3A_430 : i32 to vector<16xi32>
          %gather3A_432 = arith.constant 0 : i32
          %gather3A_433 = arith.constant 0 : i32
          %gather3A_434 = tpu.memref_slice %arg6[%while3A_192, %gather3A_432, %gather3A_433] : memref<3x16x1024xf32, #tpu.memory_space<vmem>> -> memref<1x16x1024xf32, #tpu.memory_space<vmem>>
          %gather3A_435 = tpu.memref_squeeze %gather3A_434 : memref<1x16x1024xf32, #tpu.memory_space<vmem>> -> memref<16x1024xf32, #tpu.memory_space<vmem>>
          %gather3A_436 = tpu.vector_load_idx %gather3A_435[%broadcast_in_dim3A_431, %and3A_335] masked %ge3A_328 : memref<16x1024xf32, #tpu.memory_space<vmem>>[vector<16xi32>, vector<16xi32>], vector<16xf32>, vector<16xi1>
          tpu.vector_store_idx %arg5[%broadcast_in_dim3A_431, %and3A_338], %gather3A_436 masked %ge3A_328 : memref<16x4096xf32, #tpu.memory_space<vmem>>[vector<16xi32>, vector<16xi32>], vector<16xf32>, vector<16xi1>
          %broadcast_in_dim3A_437 = arith.constant 14 : i32
          %broadcast_in_dim3A_438 = vector.broadcast %broadcast_in_dim3A_437 : i32 to vector<16xi32>
          %gather3A_439 = arith.constant 0 : i32
          %gather3A_440 = arith.constant 0 : i32
          %gather3A_441 = tpu.memref_slice %arg6[%while3A_192, %gather3A_439, %gather3A_440] : memref<3x16x1024xf32, #tpu.memory_space<vmem>> -> memref<1x16x1024xf32, #tpu.memory_space<vmem>>
          %gather3A_442 = tpu.memref_squeeze %gather3A_441 : memref<1x16x1024xf32, #tpu.memory_space<vmem>> -> memref<16x1024xf32, #tpu.memory_space<vmem>>
          %gather3A_443 = tpu.vector_load_idx %gather3A_442[%broadcast_in_dim3A_438, %and3A_335] masked %ge3A_328 : memref<16x1024xf32, #tpu.memory_space<vmem>>[vector<16xi32>, vector<16xi32>], vector<16xf32>, vector<16xi1>
          tpu.vector_store_idx %arg5[%broadcast_in_dim3A_438, %and3A_338], %gather3A_443 masked %ge3A_328 : memref<16x4096xf32, #tpu.memory_space<vmem>>[vector<16xi32>, vector<16xi32>], vector<16xf32>, vector<16xi1>
          %broadcast_in_dim3A_444 = arith.constant 15 : i32
          %broadcast_in_dim3A_445 = vector.broadcast %broadcast_in_dim3A_444 : i32 to vector<16xi32>
          %gather3A_446 = arith.constant 0 : i32
          %gather3A_447 = arith.constant 0 : i32
          %gather3A_448 = tpu.memref_slice %arg6[%while3A_192, %gather3A_446, %gather3A_447] : memref<3x16x1024xf32, #tpu.memory_space<vmem>> -> memref<1x16x1024xf32, #tpu.memory_space<vmem>>
          %gather3A_449 = tpu.memref_squeeze %gather3A_448 : memref<1x16x1024xf32, #tpu.memory_space<vmem>> -> memref<16x1024xf32, #tpu.memory_space<vmem>>
          %gather3A_450 = tpu.vector_load_idx %gather3A_449[%broadcast_in_dim3A_445, %and3A_335] masked %ge3A_328 : memref<16x1024xf32, #tpu.memory_space<vmem>>[vector<16xi32>, vector<16xi32>], vector<16xf32>, vector<16xi1>
          tpu.vector_store_idx %arg5[%broadcast_in_dim3A_445, %and3A_338], %gather3A_450 masked %ge3A_328 : memref<16x4096xf32, #tpu.memory_space<vmem>>[vector<16xi32>, vector<16xi32>], vector<16xf32>, vector<16xi1>
        }
        %while3A_201 = arith.constant 1 : i32
        scf.for %while3A_322 = %while3A_199 to %while3A_195 step %while3A_201  : i32 {
          %mul3A_323 = arith.constant 16 : i32
          %mul3A_324 = arith.muli %while3A_322, %mul3A_323 : i32
          %add3A_325 = arith.addi %squeeze3A_180, %mul3A_324 : i32
          %get3A = arith.index_cast %add3A_325 : i32 to index
          %get3A_326 = tpu.vector_load %arg8[%get3A] {strides = array<i32>} : memref<5664xi32, #tpu.memory_space<vmem>>, vector<16xi32>,
          %ge3A = arith.constant 0 : i32
          %ge3A_327 = vector.broadcast %ge3A : i32 to vector<16xi32>
          %ge3A_328 = arith.cmpi sge, %get3A_326, %ge3A_327 : vector<16xi32>
          %shift_right_arithmetic3A_329 = arith.constant 12 : i32
          %shift_right_arithmetic3A_330 = vector.broadcast %shift_right_arithmetic3A_329 : i32 to vector<16xi32>
          %shift_right_arithmetic3A_331 = arith.shrsi %get3A_326, %shift_right_arithmetic3A_330 : vector<16xi32>
          %sub3A_332 = vector.broadcast %mul3A_188 : i32 to vector<16xi32>
          %sub3A_333 = arith.subi %shift_right_arithmetic3A_331, %sub3A_332 : vector<16xi32>
          %and3A = arith.constant 1023 : i32
          %and3A_334 = vector.broadcast %and3A : i32 to vector<16xi32>
          %and3A_335 = arith.andi %sub3A_333, %and3A_334 : vector<16xi32>
          %and3A_336 = arith.constant 4095 : i32
          %and3A_337 = vector.broadcast %and3A_336 : i32 to vector<16xi32>
          %and3A_338 = arith.andi %get3A_326, %and3A_337 : vector<16xi32>
          %broadcast_in_dim3A_339 = arith.constant 0 : i32
          %broadcast_in_dim3A_340 = vector.broadcast %broadcast_in_dim3A_339 : i32 to vector<16xi32>
          %gather3A_341 = arith.constant 0 : i32
          %gather3A_342 = arith.constant 0 : i32
          %gather3A_343 = tpu.memref_slice %arg6[%while3A_192, %gather3A_341, %gather3A_342] : memref<3x16x1024xf32, #tpu.memory_space<vmem>> -> memref<1x16x1024xf32, #tpu.memory_space<vmem>>
          %gather3A_344 = tpu.memref_squeeze %gather3A_343 : memref<1x16x1024xf32, #tpu.memory_space<vmem>> -> memref<16x1024xf32, #tpu.memory_space<vmem>>
          %gather3A_345 = tpu.vector_load_idx %gather3A_344[%broadcast_in_dim3A_340, %and3A_335] masked %ge3A_328 : memref<16x1024xf32, #tpu.memory_space<vmem>>[vector<16xi32>, vector<16xi32>], vector<16xf32>, vector<16xi1>
          tpu.vector_store_idx %arg5[%broadcast_in_dim3A_340, %and3A_338], %gather3A_345 masked %ge3A_328 : memref<16x4096xf32, #tpu.memory_space<vmem>>[vector<16xi32>, vector<16xi32>], vector<16xf32>, vector<16xi1>
          %broadcast_in_dim3A_346 = arith.constant 1 : i32
          %broadcast_in_dim3A_347 = vector.broadcast %broadcast_in_dim3A_346 : i32 to vector<16xi32>
          %gather3A_348 = arith.constant 0 : i32
          %gather3A_349 = arith.constant 0 : i32
          %gather3A_350 = tpu.memref_slice %arg6[%while3A_192, %gather3A_348, %gather3A_349] : memref<3x16x1024xf32, #tpu.memory_space<vmem>> -> memref<1x16x1024xf32, #tpu.memory_space<vmem>>
          %gather3A_351 = tpu.memref_squeeze %gather3A_350 : memref<1x16x1024xf32, #tpu.memory_space<vmem>> -> memref<16x1024xf32, #tpu.memory_space<vmem>>
          %gather3A_352 = tpu.vector_load_idx %gather3A_351[%broadcast_in_dim3A_347, %and3A_335] masked %ge3A_328 : memref<16x1024xf32, #tpu.memory_space<vmem>>[vector<16xi32>, vector<16xi32>], vector<16xf32>, vector<16xi1>
          tpu.vector_store_idx %arg5[%broadcast_in_dim3A_347, %and3A_338], %gather3A_352 masked %ge3A_328 : memref<16x4096xf32, #tpu.memory_space<vmem>>[vector<16xi32>, vector<16xi32>], vector<16xf32>, vector<16xi1>
          %broadcast_in_dim3A_353 = arith.constant 2 : i32
          %broadcast_in_dim3A_354 = vector.broadcast %broadcast_in_dim3A_353 : i32 to vector<16xi32>
          %gather3A_355 = arith.constant 0 : i32
          %gather3A_356 = arith.constant 0 : i32
          %gather3A_357 = tpu.memref_slice %arg6[%while3A_192, %gather3A_355, %gather3A_356] : memref<3x16x1024xf32, #tpu.memory_space<vmem>> -> memref<1x16x1024xf32, #tpu.memory_space<vmem>>
          %gather3A_358 = tpu.memref_squeeze %gather3A_357 : memref<1x16x1024xf32, #tpu.memory_space<vmem>> -> memref<16x1024xf32, #tpu.memory_space<vmem>>
          %gather3A_359 = tpu.vector_load_idx %gather3A_358[%broadcast_in_dim3A_354, %and3A_335] masked %ge3A_328 : memref<16x1024xf32, #tpu.memory_space<vmem>>[vector<16xi32>, vector<16xi32>], vector<16xf32>, vector<16xi1>
          tpu.vector_store_idx %arg5[%broadcast_in_dim3A_354, %and3A_338], %gather3A_359 masked %ge3A_328 : memref<16x4096xf32, #tpu.memory_space<vmem>>[vector<16xi32>, vector<16xi32>], vector<16xf32>, vector<16xi1>
          %broadcast_in_dim3A_360 = arith.constant 3 : i32
          %broadcast_in_dim3A_361 = vector.broadcast %broadcast_in_dim3A_360 : i32 to vector<16xi32>
          %gather3A_362 = arith.constant 0 : i32
          %gather3A_363 = arith.constant 0 : i32
          %gather3A_364 = tpu.memref_slice %arg6[%while3A_192, %gather3A_362, %gather3A_363] : memref<3x16x1024xf32, #tpu.memory_space<vmem>> -> memref<1x16x1024xf32, #tpu.memory_space<vmem>>
          %gather3A_365 = tpu.memref_squeeze %gather3A_364 : memref<1x16x1024xf32, #tpu.memory_space<vmem>> -> memref<16x1024xf32, #tpu.memory_space<vmem>>
          %gather3A_366 = tpu.vector_load_idx %gather3A_365[%broadcast_in_dim3A_361, %and3A_335] masked %ge3A_328 : memref<16x1024xf32, #tpu.memory_space<vmem>>[vector<16xi32>, vector<16xi32>], vector<16xf32>, vector<16xi1>
          tpu.vector_store_idx %arg5[%broadcast_in_dim3A_361, %and3A_338], %gather3A_366 masked %ge3A_328 : memref<16x4096xf32, #tpu.memory_space<vmem>>[vector<16xi32>, vector<16xi32>], vector<16xf32>, vector<16xi1>
          %broadcast_in_dim3A_367 = arith.constant 4 : i32
          %broadcast_in_dim3A_368 = vector.broadcast %broadcast_in_dim3A_367 : i32 to vector<16xi32>
          %gather3A_369 = arith.constant 0 : i32
          %gather3A_370 = arith.constant 0 : i32
          %gather3A_371 = tpu.memref_slice %arg6[%while3A_192, %gather3A_369, %gather3A_370] : memref<3x16x1024xf32, #tpu.memory_space<vmem>> -> memref<1x16x1024xf32, #tpu.memory_space<vmem>>
          %gather3A_372 = tpu.memref_squeeze %gather3A_371 : memref<1x16x1024xf32, #tpu.memory_space<vmem>> -> memref<16x1024xf32, #tpu.memory_space<vmem>>
          %gather3A_373 = tpu.vector_load_idx %gather3A_372[%broadcast_in_dim3A_368, %and3A_335] masked %ge3A_328 : memref<16x1024xf32, #tpu.memory_space<vmem>>[vector<16xi32>, vector<16xi32>], vector<16xf32>, vector<16xi1>
          tpu.vector_store_idx %arg5[%broadcast_in_dim3A_368, %and3A_338], %gather3A_373 masked %ge3A_328 : memref<16x4096xf32, #tpu.memory_space<vmem>>[vector<16xi32>, vector<16xi32>], vector<16xf32>, vector<16xi1>
          %broadcast_in_dim3A_374 = arith.constant 5 : i32
          %broadcast_in_dim3A_375 = vector.broadcast %broadcast_in_dim3A_374 : i32 to vector<16xi32>
          %gather3A_376 = arith.constant 0 : i32
          %gather3A_377 = arith.constant 0 : i32
          %gather3A_378 = tpu.memref_slice %arg6[%while3A_192, %gather3A_376, %gather3A_377] : memref<3x16x1024xf32, #tpu.memory_space<vmem>> -> memref<1x16x1024xf32, #tpu.memory_space<vmem>>
          %gather3A_379 = tpu.memref_squeeze %gather3A_378 : memref<1x16x1024xf32, #tpu.memory_space<vmem>> -> memref<16x1024xf32, #tpu.memory_space<vmem>>
          %gather3A_380 = tpu.vector_load_idx %gather3A_379[%broadcast_in_dim3A_375, %and3A_335] masked %ge3A_328 : memref<16x1024xf32, #tpu.memory_space<vmem>>[vector<16xi32>, vector<16xi32>], vector<16xf32>, vector<16xi1>
          tpu.vector_store_idx %arg5[%broadcast_in_dim3A_375, %and3A_338], %gather3A_380 masked %ge3A_328 : memref<16x4096xf32, #tpu.memory_space<vmem>>[vector<16xi32>, vector<16xi32>], vector<16xf32>, vector<16xi1>
          %broadcast_in_dim3A_381 = arith.constant 6 : i32
          %broadcast_in_dim3A_382 = vector.broadcast %broadcast_in_dim3A_381 : i32 to vector<16xi32>
          %gather3A_383 = arith.constant 0 : i32
          %gather3A_384 = arith.constant 0 : i32
          %gather3A_385 = tpu.memref_slice %arg6[%while3A_192, %gather3A_383, %gather3A_384] : memref<3x16x1024xf32, #tpu.memory_space<vmem>> -> memref<1x16x1024xf32, #tpu.memory_space<vmem>>
          %gather3A_386 = tpu.memref_squeeze %gather3A_385 : memref<1x16x1024xf32, #tpu.memory_space<vmem>> -> memref<16x1024xf32, #tpu.memory_space<vmem>>
          %gather3A_387 = tpu.vector_load_idx %gather3A_386[%broadcast_in_dim3A_382, %and3A_335] masked %ge3A_328 : memref<16x1024xf32, #tpu.memory_space<vmem>>[vector<16xi32>, vector<16xi32>], vector<16xf32>, vector<16xi1>
          tpu.vector_store_idx %arg5[%broadcast_in_dim3A_382, %and3A_338], %gather3A_387 masked %ge3A_328 : memref<16x4096xf32, #tpu.memory_space<vmem>>[vector<16xi32>, vector<16xi32>], vector<16xf32>, vector<16xi1>
          %broadcast_in_dim3A_388 = arith.constant 7 : i32
          %broadcast_in_dim3A_389 = vector.broadcast %broadcast_in_dim3A_388 : i32 to vector<16xi32>
          %gather3A_390 = arith.constant 0 : i32
          %gather3A_391 = arith.constant 0 : i32
          %gather3A_392 = tpu.memref_slice %arg6[%while3A_192, %gather3A_390, %gather3A_391] : memref<3x16x1024xf32, #tpu.memory_space<vmem>> -> memref<1x16x1024xf32, #tpu.memory_space<vmem>>
          %gather3A_393 = tpu.memref_squeeze %gather3A_392 : memref<1x16x1024xf32, #tpu.memory_space<vmem>> -> memref<16x1024xf32, #tpu.memory_space<vmem>>
          %gather3A_394 = tpu.vector_load_idx %gather3A_393[%broadcast_in_dim3A_389, %and3A_335] masked %ge3A_328 : memref<16x1024xf32, #tpu.memory_space<vmem>>[vector<16xi32>, vector<16xi32>], vector<16xf32>, vector<16xi1>
          tpu.vector_store_idx %arg5[%broadcast_in_dim3A_389, %and3A_338], %gather3A_394 masked %ge3A_328 : memref<16x4096xf32, #tpu.memory_space<vmem>>[vector<16xi32>, vector<16xi32>], vector<16xf32>, vector<16xi1>
          %broadcast_in_dim3A_395 = arith.constant 8 : i32
          %broadcast_in_dim3A_396 = vector.broadcast %broadcast_in_dim3A_395 : i32 to vector<16xi32>
          %gather3A_397 = arith.constant 0 : i32
          %gather3A_398 = arith.constant 0 : i32
          %gather3A_399 = tpu.memref_slice %arg6[%while3A_192, %gather3A_397, %gather3A_398] : memref<3x16x1024xf32, #tpu.memory_space<vmem>> -> memref<1x16x1024xf32, #tpu.memory_space<vmem>>
          %gather3A_400 = tpu.memref_squeeze %gather3A_399 : memref<1x16x1024xf32, #tpu.memory_space<vmem>> -> memref<16x1024xf32, #tpu.memory_space<vmem>>
          %gather3A_401 = tpu.vector_load_idx %gather3A_400[%broadcast_in_dim3A_396, %and3A_335] masked %ge3A_328 : memref<16x1024xf32, #tpu.memory_space<vmem>>[vector<16xi32>, vector<16xi32>], vector<16xf32>, vector<16xi1>
          tpu.vector_store_idx %arg5[%broadcast_in_dim3A_396, %and3A_338], %gather3A_401 masked %ge3A_328 : memref<16x4096xf32, #tpu.memory_space<vmem>>[vector<16xi32>, vector<16xi32>], vector<16xf32>, vector<16xi1>
          %broadcast_in_dim3A_402 = arith.constant 9 : i32
          %broadcast_in_dim3A_403 = vector.broadcast %broadcast_in_dim3A_402 : i32 to vector<16xi32>
          %gather3A_404 = arith.constant 0 : i32
          %gather3A_405 = arith.constant 0 : i32
          %gather3A_406 = tpu.memref_slice %arg6[%while3A_192, %gather3A_404, %gather3A_405] : memref<3x16x1024xf32, #tpu.memory_space<vmem>> -> memref<1x16x1024xf32, #tpu.memory_space<vmem>>
          %gather3A_407 = tpu.memref_squeeze %gather3A_406 : memref<1x16x1024xf32, #tpu.memory_space<vmem>> -> memref<16x1024xf32, #tpu.memory_space<vmem>>
          %gather3A_408 = tpu.vector_load_idx %gather3A_407[%broadcast_in_dim3A_403, %and3A_335] masked %ge3A_328 : memref<16x1024xf32, #tpu.memory_space<vmem>>[vector<16xi32>, vector<16xi32>], vector<16xf32>, vector<16xi1>
          tpu.vector_store_idx %arg5[%broadcast_in_dim3A_403, %and3A_338], %gather3A_408 masked %ge3A_328 : memref<16x4096xf32, #tpu.memory_space<vmem>>[vector<16xi32>, vector<16xi32>], vector<16xf32>, vector<16xi1>
          %broadcast_in_dim3A_409 = arith.constant 10 : i32
          %broadcast_in_dim3A_410 = vector.broadcast %broadcast_in_dim3A_409 : i32 to vector<16xi32>
          %gather3A_411 = arith.constant 0 : i32
          %gather3A_412 = arith.constant 0 : i32
          %gather3A_413 = tpu.memref_slice %arg6[%while3A_192, %gather3A_411, %gather3A_412] : memref<3x16x1024xf32, #tpu.memory_space<vmem>> -> memref<1x16x1024xf32, #tpu.memory_space<vmem>>
          %gather3A_414 = tpu.memref_squeeze %gather3A_413 : memref<1x16x1024xf32, #tpu.memory_space<vmem>> -> memref<16x1024xf32, #tpu.memory_space<vmem>>
          %gather3A_415 = tpu.vector_load_idx %gather3A_414[%broadcast_in_dim3A_410, %and3A_335] masked %ge3A_328 : memref<16x1024xf32, #tpu.memory_space<vmem>>[vector<16xi32>, vector<16xi32>], vector<16xf32>, vector<16xi1>
          tpu.vector_store_idx %arg5[%broadcast_in_dim3A_410, %and3A_338], %gather3A_415 masked %ge3A_328 : memref<16x4096xf32, #tpu.memory_space<vmem>>[vector<16xi32>, vector<16xi32>], vector<16xf32>, vector<16xi1>
          %broadcast_in_dim3A_416 = arith.constant 11 : i32
          %broadcast_in_dim3A_417 = vector.broadcast %broadcast_in_dim3A_416 : i32 to vector<16xi32>
          %gather3A_418 = arith.constant 0 : i32
          %gather3A_419 = arith.constant 0 : i32
          %gather3A_420 = tpu.memref_slice %arg6[%while3A_192, %gather3A_418, %gather3A_419] : memref<3x16x1024xf32, #tpu.memory_space<vmem>> -> memref<1x16x1024xf32, #tpu.memory_space<vmem>>
          %gather3A_421 = tpu.memref_squeeze %gather3A_420 : memref<1x16x1024xf32, #tpu.memory_space<vmem>> -> memref<16x1024xf32, #tpu.memory_space<vmem>>
          %gather3A_422 = tpu.vector_load_idx %gather3A_421[%broadcast_in_dim3A_417, %and3A_335] masked %ge3A_328 : memref<16x1024xf32, #tpu.memory_space<vmem>>[vector<16xi32>, vector<16xi32>], vector<16xf32>, vector<16xi1>
          tpu.vector_store_idx %arg5[%broadcast_in_dim3A_417, %and3A_338], %gather3A_422 masked %ge3A_328 : memref<16x4096xf32, #tpu.memory_space<vmem>>[vector<16xi32>, vector<16xi32>], vector<16xf32>, vector<16xi1>
          %broadcast_in_dim3A_423 = arith.constant 12 : i32
          %broadcast_in_dim3A_424 = vector.broadcast %broadcast_in_dim3A_423 : i32 to vector<16xi32>
          %gather3A_425 = arith.constant 0 : i32
          %gather3A_426 = arith.constant 0 : i32
          %gather3A_427 = tpu.memref_slice %arg6[%while3A_192, %gather3A_425, %gather3A_426] : memref<3x16x1024xf32, #tpu.memory_space<vmem>> -> memref<1x16x1024xf32, #tpu.memory_space<vmem>>
          %gather3A_428 = tpu.memref_squeeze %gather3A_427 : memref<1x16x1024xf32, #tpu.memory_space<vmem>> -> memref<16x1024xf32, #tpu.memory_space<vmem>>
          %gather3A_429 = tpu.vector_load_idx %gather3A_428[%broadcast_in_dim3A_424, %and3A_335] masked %ge3A_328 : memref<16x1024xf32, #tpu.memory_space<vmem>>[vector<16xi32>, vector<16xi32>], vector<16xf32>, vector<16xi1>
          tpu.vector_store_idx %arg5[%broadcast_in_dim3A_424, %and3A_338], %gather3A_429 masked %ge3A_328 : memref<16x4096xf32, #tpu.memory_space<vmem>>[vector<16xi32>, vector<16xi32>], vector<16xf32>, vector<16xi1>
          %broadcast_in_dim3A_430 = arith.constant 13 : i32
          %broadcast_in_dim3A_431 = vector.broadcast %broadcast_in_dim3A_430 : i32 to vector<16xi32>
          %gather3A_432 = arith.constant 0 : i32
          %gather3A_433 = arith.constant 0 : i32
          %gather3A_434 = tpu.memref_slice %arg6[%while3A_192, %gather3A_432, %gather3A_433] : memref<3x16x1024xf32, #tpu.memory_space<vmem>> -> memref<1x16x1024xf32, #tpu.memory_space<vmem>>
          %gather3A_435 = tpu.memref_squeeze %gather3A_434 : memref<1x16x1024xf32, #tpu.memory_space<vmem>> -> memref<16x1024xf32, #tpu.memory_space<vmem>>
          %gather3A_436 = tpu.vector_load_idx %gather3A_435[%broadcast_in_dim3A_431, %and3A_335] masked %ge3A_328 : memref<16x1024xf32, #tpu.memory_space<vmem>>[vector<16xi32>, vector<16xi32>], vector<16xf32>, vector<16xi1>
          tpu.vector_store_idx %arg5[%broadcast_in_dim3A_431, %and3A_338], %gather3A_436 masked %ge3A_328 : memref<16x4096xf32, #tpu.memory_space<vmem>>[vector<16xi32>, vector<16xi32>], vector<16xf32>, vector<16xi1>
          %broadcast_in_dim3A_437 = arith.constant 14 : i32
          %broadcast_in_dim3A_438 = vector.broadcast %broadcast_in_dim3A_437 : i32 to vector<16xi32>
          %gather3A_439 = arith.constant 0 : i32
          %gather3A_440 = arith.constant 0 : i32
          %gather3A_441 = tpu.memref_slice %arg6[%while3A_192, %gather3A_439, %gather3A_440] : memref<3x16x1024xf32, #tpu.memory_space<vmem>> -> memref<1x16x1024xf32, #tpu.memory_space<vmem>>
          %gather3A_442 = tpu.memref_squeeze %gather3A_441 : memref<1x16x1024xf32, #tpu.memory_space<vmem>> -> memref<16x1024xf32, #tpu.memory_space<vmem>>
          %gather3A_443 = tpu.vector_load_idx %gather3A_442[%broadcast_in_dim3A_438, %and3A_335] masked %ge3A_328 : memref<16x1024xf32, #tpu.memory_space<vmem>>[vector<16xi32>, vector<16xi32>], vector<16xf32>, vector<16xi1>
          tpu.vector_store_idx %arg5[%broadcast_in_dim3A_438, %and3A_338], %gather3A_443 masked %ge3A_328 : memref<16x4096xf32, #tpu.memory_space<vmem>>[vector<16xi32>, vector<16xi32>], vector<16xf32>, vector<16xi1>
          %broadcast_in_dim3A_444 = arith.constant 15 : i32
          %broadcast_in_dim3A_445 = vector.broadcast %broadcast_in_dim3A_444 : i32 to vector<16xi32>
          %gather3A_446 = arith.constant 0 : i32
          %gather3A_447 = arith.constant 0 : i32
          %gather3A_448 = tpu.memref_slice %arg6[%while3A_192, %gather3A_446, %gather3A_447] : memref<3x16x1024xf32, #tpu.memory_space<vmem>> -> memref<1x16x1024xf32, #tpu.memory_space<vmem>>
          %gather3A_449 = tpu.memref_squeeze %gather3A_448 : memref<1x16x1024xf32, #tpu.memory_space<vmem>> -> memref<16x1024xf32, #tpu.memory_space<vmem>>
          %gather3A_450 = tpu.vector_load_idx %gather3A_449[%broadcast_in_dim3A_445, %and3A_335] masked %ge3A_328 : memref<16x1024xf32, #tpu.memory_space<vmem>>[vector<16xi32>, vector<16xi32>], vector<16xf32>, vector<16xi1>
          tpu.vector_store_idx %arg5[%broadcast_in_dim3A_445, %and3A_338], %gather3A_450 masked %ge3A_328 : memref<16x4096xf32, #tpu.memory_space<vmem>>[vector<16xi32>, vector<16xi32>], vector<16xf32>, vector<16xi1>
        }
        %add3A_202 = arith.constant 3 : i32
        %add3A_203 = arith.addi %add3A_163, %add3A_202 : i32
        %lt3A_204 = arith.constant 97 : i32
        %lt3A_205 = arith.cmpi slt, %add3A_203, %lt3A_204 : i32
        %convert_element_type3A_206 = arith.extui %lt3A_205 : i1 to i32
        %cond3A_207 = arith.constant 0 : i32
        %cond3A_208 = arith.cmpi ne, %convert_element_type3A_206, %cond3A_207 : i32
        scf.if %cond3A_208 {
          %add3A_322 = arith.constant 3 : i32
          %add3A_323 = arith.addi %add3A_163, %add3A_322 : i32
          %mul3A_324 = arith.constant 1024 : i32
          %mul3A_325 = arith.muli %add3A_323, %mul3A_324 : i32
          %multiple_of3A_326 = tpu.assume_multiple %mul3A_325, 1024 : i32
          %dma_start3A_327 = arith.constant 0 : i32
          %dma_start3A_328 = arith.constant 0 : i32
          %dma_start3A_329 = arith.constant 0 : i32
          %dma_start3A_330 = tpu.memref_slice %arg6[%dma_start3A_327, %dma_start3A_328, %dma_start3A_329] : memref<3x16x1024xf32, #tpu.memory_space<vmem>> -> memref<1x16x1024xf32, #tpu.memory_space<vmem>>
          %dma_start3A_331 = tpu.memref_squeeze %dma_start3A_330 : memref<1x16x1024xf32, #tpu.memory_space<vmem>> -> memref<16x1024xf32, #tpu.memory_space<vmem>>
          %dma_start3A_332 = tpu.memref_slice %arg3[%mul3A_4, %multiple_of3A_326] : memref<416x100000xf32, #tpu.memory_space<hbm>> -> memref<16x1024xf32, #tpu.memory_space<hbm>>
          %dma_start3A_333 = arith.constant 0 : i32
          %dma_start3A_334 = arith.constant 0 : i32
          %dma_start3A_335 = tpu.memref_slice %arg6[%dma_start3A_327, %dma_start3A_333, %dma_start3A_334] : memref<3x16x1024xf32, #tpu.memory_space<vmem>> -> memref<1x16x1024xf32, #tpu.memory_space<vmem>>
          %dma_start3A_336 = tpu.memref_squeeze %dma_start3A_335 : memref<1x16x1024xf32, #tpu.memory_space<vmem>> -> memref<16x1024xf32, #tpu.memory_space<vmem>>
          %dma_start3A_337 = tpu.memref_slice %arg3[%mul3A_4, %multiple_of3A_326] : memref<416x100000xf32, #tpu.memory_space<hbm>> -> memref<16x1024xf32, #tpu.memory_space<hbm>>
          tpu.enqueue_dma source(%dma_start3A_337 : memref<16x1024xf32, #tpu.memory_space<hbm>>) target(%dma_start3A_336 : memref<16x1024xf32, #tpu.memory_space<vmem>>) target_semaphore(%arg13 : memref<!tpu.dma_semaphore, #tpu.memory_space<semaphore_mem>>)
        } else {
        }
        %eq3A_209 = arith.constant 94 : i32
        %eq3A_210 = arith.cmpi eq, %add3A_163, %eq3A_209 : i32
        %convert_element_type3A_211 = arith.extui %eq3A_210 : i1 to i32
        %cond3A_212 = arith.constant 0 : i32
        %cond3A_213 = arith.cmpi ne, %convert_element_type3A_211, %cond3A_212 : i32
        scf.if %cond3A_213 {
          %multiple_of3A_322 = arith.constant 99328 : i32
          %multiple_of3A_323 = tpu.assume_multiple %multiple_of3A_322, 1024 : i32
          %dma_start3A_324 = arith.constant 1 : i32
          %dma_start3A_325 = arith.constant 0 : i32
          %dma_start3A_326 = arith.constant 0 : i32
          %dma_start3A_327 = tpu.memref_slice %arg6[%dma_start3A_324, %dma_start3A_325, %dma_start3A_326] : memref<3x16x1024xf32, #tpu.memory_space<vmem>> -> memref<1x16x640xf32, #tpu.memory_space<vmem>>
          %dma_start3A_328 = tpu.memref_squeeze %dma_start3A_327 : memref<1x16x640xf32, #tpu.memory_space<vmem>> -> memref<16x640xf32, #tpu.memory_space<vmem>>
          %dma_start3A_329 = tpu.memref_slice %arg3[%mul3A_4, %multiple_of3A_323] : memref<416x100000xf32, #tpu.memory_space<hbm>> -> memref<16x640xf32, #tpu.memory_space<hbm>>
          %dma_start3A_330 = arith.constant 0 : i32
          %dma_start3A_331 = arith.constant 0 : i32
          %dma_start3A_332 = tpu.memref_slice %arg6[%dma_start3A_324, %dma_start3A_330, %dma_start3A_331] : memref<3x16x1024xf32, #tpu.memory_space<vmem>> -> memref<1x16x640xf32, #tpu.memory_space<vmem>>
          %dma_start3A_333 = tpu.memref_squeeze %dma_start3A_332 : memref<1x16x640xf32, #tpu.memory_space<vmem>> -> memref<16x640xf32, #tpu.memory_space<vmem>>
          %dma_start3A_334 = tpu.memref_slice %arg3[%mul3A_4, %multiple_of3A_323] : memref<416x100000xf32, #tpu.memory_space<hbm>> -> memref<16x640xf32, #tpu.memory_space<hbm>>
          tpu.enqueue_dma source(%dma_start3A_334 : memref<16x640xf32, #tpu.memory_space<hbm>>) target(%dma_start3A_333 : memref<16x640xf32, #tpu.memory_space<vmem>>) target_semaphore(%arg16 : memref<!tpu.dma_semaphore, #tpu.memory_space<semaphore_mem>>)
          %dma_start3A_335 = arith.constant 99968 : i32
          %dma_start3A_336 = tpu.memref_slice %arg3[%mul3A_4, %dma_start3A_335] : memref<416x100000xf32, #tpu.memory_space<hbm>> -> memref<16x32xf32, #tpu.memory_space<hbm>>
          %dma_start3A_337 = arith.constant 99968 : i32
          %dma_start3A_338 = tpu.memref_slice %arg3[%mul3A_4, %dma_start3A_337] : memref<416x100000xf32, #tpu.memory_space<hbm>> -> memref<16x32xf32, #tpu.memory_space<hbm>>
          tpu.enqueue_dma source(%dma_start3A_338 : memref<16x32xf32, #tpu.memory_space<hbm>>) target(%arg12 : memref<16x32xf32, #tpu.memory_space<vmem>>) target_semaphore(%arg16 : memref<!tpu.dma_semaphore, #tpu.memory_space<semaphore_mem>>)
        } else {
        }
        %mul3A_214 = arith.constant 3 : i32
        %mul3A_215 = arith.muli %mul3A_214, %scan3A_159 : i32
        %add3A_216 = arith.constant 1 : i32
        %add3A_217 = arith.addi %mul3A_215, %add3A_216 : i32
        %multiple_of3A_218 = arith.constant 0 : i32
        %multiple_of3A_219 = tpu.assume_multiple %multiple_of3A_218, 1024 : i32
        %dma_wait3A_220 = arith.constant 1 : i32
        %dma_wait3A_221 = arith.constant 0 : i32
        %dma_wait3A_222 = arith.constant 0 : i32
        %dma_wait3A_223 = tpu.memref_slice %arg6[%dma_wait3A_220, %dma_wait3A_221, %dma_wait3A_222] : memref<3x16x1024xf32, #tpu.memory_space<vmem>> -> memref<1x16x1024xf32, #tpu.memory_space<vmem>>
        %dma_wait3A_224 = tpu.memref_squeeze %dma_wait3A_223 : memref<1x16x1024xf32, #tpu.memory_space<vmem>> -> memref<16x1024xf32, #tpu.memory_space<vmem>>
        %dma_wait3A_225 = tpu.memref_slice %arg3[%mul3A_4, %multiple_of3A_219] : memref<416x100000xf32, #tpu.memory_space<hbm>> -> memref<16x1024xf32, #tpu.memory_space<hbm>>
        %dma_wait3A_226 = arith.constant 0 : i32
        %dma_wait3A_227 = arith.constant 0 : i32
        %dma_wait3A_228 = tpu.memref_slice %arg6[%dma_wait3A_220, %dma_wait3A_226, %dma_wait3A_227] : memref<3x16x1024xf32, #tpu.memory_space<vmem>> -> memref<1x16x1024xf32, #tpu.memory_space<vmem>>
        %dma_wait3A_229 = tpu.memref_squeeze %dma_wait3A_228 : memref<1x16x1024xf32, #tpu.memory_space<vmem>> -> memref<16x1024xf32, #tpu.memory_space<vmem>>
        %dma_wait3A_230 = tpu.memref_slice %arg3[%mul3A_4, %multiple_of3A_219] : memref<416x100000xf32, #tpu.memory_space<hbm>> -> memref<16x1024xf32, #tpu.memory_space<hbm>>
        tpu.wait_dma2 semaphore(%arg14 : memref<!tpu.dma_semaphore, #tpu.memory_space<semaphore_mem>>) src(%dma_wait3A_230 : memref<16x1024xf32, #tpu.memory_space<hbm>>) dst(%dma_wait3A_229 : memref<16x1024xf32, #tpu.memory_space<vmem>>)
        %broadcast_in_dim3A_231 = vector.broadcast %add3A_217 : i32 to vector<16xi32>
        %gather3A_232 = tpu.vector_load_idx %arg11[%broadcast_in_dim3A_231] : memref<128xi32, #tpu.memory_space<vmem>>[vector<16xi32>], vector<16xi32>,
        %slice3A_233 = vector.extract_strided_slice %gather3A_232 {offsets = [0], sizes = [1], strides = [1]} : vector<16xi32> to vector<1xi32>
        %squeeze3A_234 = vector.extract %slice3A_233[0] : i32 from vector<1xi32>
        %add3A_235 = arith.constant 1 : i32
        %add3A_236 = arith.addi %add3A_217, %add3A_235 : i32
        %broadcast_in_dim3A_237 = vector.broadcast %add3A_236 : i32 to vector<16xi32>
        %gather3A_238 = tpu.vector_load_idx %arg11[%broadcast_in_dim3A_237] : memref<128xi32, #tpu.memory_space<vmem>>[vector<16xi32>], vector<16xi32>,
        %slice3A_239 = vector.extract_strided_slice %gather3A_238 {offsets = [0], sizes = [1], strides = [1]} : vector<16xi32> to vector<1xi32>
        %squeeze3A_240 = vector.extract %slice3A_239[0] : i32 from vector<1xi32>
        %mul3A_241 = arith.constant 1024 : i32
        %mul3A_242 = arith.muli %add3A_217, %mul3A_241 : i32
        %sub3A_243 = arith.subi %squeeze3A_240, %squeeze3A_234 : i32
        %shift_right_arithmetic3A_244 = arith.constant 4 : i32
        %shift_right_arithmetic3A_245 = arith.shrsi %sub3A_243, %shift_right_arithmetic3A_244 : i32
        %while3A_246 = arith.constant 1 : i32
        %while3A_247 = arith.constant 0 : i32
        %while3A_248 = arith.subi %shift_right_arithmetic3A_245, %while3A_247 : i32
        %while3A_249 = arith.addi %while3A_247, %while3A_248 : i32
        %while3A_250 = arith.constant 1 : i32
        %while3A_251 = arith.divsi %while3A_248, %while3A_250 : i32
        %while3A_252 = arith.muli %while3A_251, %while3A_250 : i32
        %while3A_253 = arith.addi %while3A_247, %while3A_252 : i32
        %while3A_254 = arith.constant 1 : i32
        scf.for %while3A_322 = %while3A_247 to %while3A_253 step %while3A_254  : i32 {
          %mul3A_323 = arith.constant 16 : i32
          %mul3A_324 = arith.muli %while3A_322, %mul3A_323 : i32
          %add3A_325 = arith.addi %squeeze3A_234, %mul3A_324 : i32
          %get3A = arith.index_cast %add3A_325 : i32 to index
          %get3A_326 = tpu.vector_load %arg8[%get3A] {strides = array<i32>} : memref<5664xi32, #tpu.memory_space<vmem>>, vector<16xi32>,
          %ge3A = arith.constant 0 : i32
          %ge3A_327 = vector.broadcast %ge3A : i32 to vector<16xi32>
          %ge3A_328 = arith.cmpi sge, %get3A_326, %ge3A_327 : vector<16xi32>
          %shift_right_arithmetic3A_329 = arith.constant 12 : i32
          %shift_right_arithmetic3A_330 = vector.broadcast %shift_right_arithmetic3A_329 : i32 to vector<16xi32>
          %shift_right_arithmetic3A_331 = arith.shrsi %get3A_326, %shift_right_arithmetic3A_330 : vector<16xi32>
          %sub3A_332 = vector.broadcast %mul3A_242 : i32 to vector<16xi32>
          %sub3A_333 = arith.subi %shift_right_arithmetic3A_331, %sub3A_332 : vector<16xi32>
          %and3A = arith.constant 1023 : i32
          %and3A_334 = vector.broadcast %and3A : i32 to vector<16xi32>
          %and3A_335 = arith.andi %sub3A_333, %and3A_334 : vector<16xi32>
          %and3A_336 = arith.constant 4095 : i32
          %and3A_337 = vector.broadcast %and3A_336 : i32 to vector<16xi32>
          %and3A_338 = arith.andi %get3A_326, %and3A_337 : vector<16xi32>
          %broadcast_in_dim3A_339 = arith.constant 0 : i32
          %broadcast_in_dim3A_340 = vector.broadcast %broadcast_in_dim3A_339 : i32 to vector<16xi32>
          %gather3A_341 = arith.constant 0 : i32
          %gather3A_342 = arith.constant 0 : i32
          %gather3A_343 = tpu.memref_slice %arg6[%while3A_246, %gather3A_341, %gather3A_342] : memref<3x16x1024xf32, #tpu.memory_space<vmem>> -> memref<1x16x1024xf32, #tpu.memory_space<vmem>>
          %gather3A_344 = tpu.memref_squeeze %gather3A_343 : memref<1x16x1024xf32, #tpu.memory_space<vmem>> -> memref<16x1024xf32, #tpu.memory_space<vmem>>
          %gather3A_345 = tpu.vector_load_idx %gather3A_344[%broadcast_in_dim3A_340, %and3A_335] masked %ge3A_328 : memref<16x1024xf32, #tpu.memory_space<vmem>>[vector<16xi32>, vector<16xi32>], vector<16xf32>, vector<16xi1>
          tpu.vector_store_idx %arg5[%broadcast_in_dim3A_340, %and3A_338], %gather3A_345 masked %ge3A_328 : memref<16x4096xf32, #tpu.memory_space<vmem>>[vector<16xi32>, vector<16xi32>], vector<16xf32>, vector<16xi1>
          %broadcast_in_dim3A_346 = arith.constant 1 : i32
          %broadcast_in_dim3A_347 = vector.broadcast %broadcast_in_dim3A_346 : i32 to vector<16xi32>
          %gather3A_348 = arith.constant 0 : i32
          %gather3A_349 = arith.constant 0 : i32
          %gather3A_350 = tpu.memref_slice %arg6[%while3A_246, %gather3A_348, %gather3A_349] : memref<3x16x1024xf32, #tpu.memory_space<vmem>> -> memref<1x16x1024xf32, #tpu.memory_space<vmem>>
          %gather3A_351 = tpu.memref_squeeze %gather3A_350 : memref<1x16x1024xf32, #tpu.memory_space<vmem>> -> memref<16x1024xf32, #tpu.memory_space<vmem>>
          %gather3A_352 = tpu.vector_load_idx %gather3A_351[%broadcast_in_dim3A_347, %and3A_335] masked %ge3A_328 : memref<16x1024xf32, #tpu.memory_space<vmem>>[vector<16xi32>, vector<16xi32>], vector<16xf32>, vector<16xi1>
          tpu.vector_store_idx %arg5[%broadcast_in_dim3A_347, %and3A_338], %gather3A_352 masked %ge3A_328 : memref<16x4096xf32, #tpu.memory_space<vmem>>[vector<16xi32>, vector<16xi32>], vector<16xf32>, vector<16xi1>
          %broadcast_in_dim3A_353 = arith.constant 2 : i32
          %broadcast_in_dim3A_354 = vector.broadcast %broadcast_in_dim3A_353 : i32 to vector<16xi32>
          %gather3A_355 = arith.constant 0 : i32
          %gather3A_356 = arith.constant 0 : i32
          %gather3A_357 = tpu.memref_slice %arg6[%while3A_246, %gather3A_355, %gather3A_356] : memref<3x16x1024xf32, #tpu.memory_space<vmem>> -> memref<1x16x1024xf32, #tpu.memory_space<vmem>>
          %gather3A_358 = tpu.memref_squeeze %gather3A_357 : memref<1x16x1024xf32, #tpu.memory_space<vmem>> -> memref<16x1024xf32, #tpu.memory_space<vmem>>
          %gather3A_359 = tpu.vector_load_idx %gather3A_358[%broadcast_in_dim3A_354, %and3A_335] masked %ge3A_328 : memref<16x1024xf32, #tpu.memory_space<vmem>>[vector<16xi32>, vector<16xi32>], vector<16xf32>, vector<16xi1>
          tpu.vector_store_idx %arg5[%broadcast_in_dim3A_354, %and3A_338], %gather3A_359 masked %ge3A_328 : memref<16x4096xf32, #tpu.memory_space<vmem>>[vector<16xi32>, vector<16xi32>], vector<16xf32>, vector<16xi1>
          %broadcast_in_dim3A_360 = arith.constant 3 : i32
          %broadcast_in_dim3A_361 = vector.broadcast %broadcast_in_dim3A_360 : i32 to vector<16xi32>
          %gather3A_362 = arith.constant 0 : i32
          %gather3A_363 = arith.constant 0 : i32
          %gather3A_364 = tpu.memref_slice %arg6[%while3A_246, %gather3A_362, %gather3A_363] : memref<3x16x1024xf32, #tpu.memory_space<vmem>> -> memref<1x16x1024xf32, #tpu.memory_space<vmem>>
          %gather3A_365 = tpu.memref_squeeze %gather3A_364 : memref<1x16x1024xf32, #tpu.memory_space<vmem>> -> memref<16x1024xf32, #tpu.memory_space<vmem>>
          %gather3A_366 = tpu.vector_load_idx %gather3A_365[%broadcast_in_dim3A_361, %and3A_335] masked %ge3A_328 : memref<16x1024xf32, #tpu.memory_space<vmem>>[vector<16xi32>, vector<16xi32>], vector<16xf32>, vector<16xi1>
          tpu.vector_store_idx %arg5[%broadcast_in_dim3A_361, %and3A_338], %gather3A_366 masked %ge3A_328 : memref<16x4096xf32, #tpu.memory_space<vmem>>[vector<16xi32>, vector<16xi32>], vector<16xf32>, vector<16xi1>
          %broadcast_in_dim3A_367 = arith.constant 4 : i32
          %broadcast_in_dim3A_368 = vector.broadcast %broadcast_in_dim3A_367 : i32 to vector<16xi32>
          %gather3A_369 = arith.constant 0 : i32
          %gather3A_370 = arith.constant 0 : i32
          %gather3A_371 = tpu.memref_slice %arg6[%while3A_246, %gather3A_369, %gather3A_370] : memref<3x16x1024xf32, #tpu.memory_space<vmem>> -> memref<1x16x1024xf32, #tpu.memory_space<vmem>>
          %gather3A_372 = tpu.memref_squeeze %gather3A_371 : memref<1x16x1024xf32, #tpu.memory_space<vmem>> -> memref<16x1024xf32, #tpu.memory_space<vmem>>
          %gather3A_373 = tpu.vector_load_idx %gather3A_372[%broadcast_in_dim3A_368, %and3A_335] masked %ge3A_328 : memref<16x1024xf32, #tpu.memory_space<vmem>>[vector<16xi32>, vector<16xi32>], vector<16xf32>, vector<16xi1>
          tpu.vector_store_idx %arg5[%broadcast_in_dim3A_368, %and3A_338], %gather3A_373 masked %ge3A_328 : memref<16x4096xf32, #tpu.memory_space<vmem>>[vector<16xi32>, vector<16xi32>], vector<16xf32>, vector<16xi1>
          %broadcast_in_dim3A_374 = arith.constant 5 : i32
          %broadcast_in_dim3A_375 = vector.broadcast %broadcast_in_dim3A_374 : i32 to vector<16xi32>
          %gather3A_376 = arith.constant 0 : i32
          %gather3A_377 = arith.constant 0 : i32
          %gather3A_378 = tpu.memref_slice %arg6[%while3A_246, %gather3A_376, %gather3A_377] : memref<3x16x1024xf32, #tpu.memory_space<vmem>> -> memref<1x16x1024xf32, #tpu.memory_space<vmem>>
          %gather3A_379 = tpu.memref_squeeze %gather3A_378 : memref<1x16x1024xf32, #tpu.memory_space<vmem>> -> memref<16x1024xf32, #tpu.memory_space<vmem>>
          %gather3A_380 = tpu.vector_load_idx %gather3A_379[%broadcast_in_dim3A_375, %and3A_335] masked %ge3A_328 : memref<16x1024xf32, #tpu.memory_space<vmem>>[vector<16xi32>, vector<16xi32>], vector<16xf32>, vector<16xi1>
          tpu.vector_store_idx %arg5[%broadcast_in_dim3A_375, %and3A_338], %gather3A_380 masked %ge3A_328 : memref<16x4096xf32, #tpu.memory_space<vmem>>[vector<16xi32>, vector<16xi32>], vector<16xf32>, vector<16xi1>
          %broadcast_in_dim3A_381 = arith.constant 6 : i32
          %broadcast_in_dim3A_382 = vector.broadcast %broadcast_in_dim3A_381 : i32 to vector<16xi32>
          %gather3A_383 = arith.constant 0 : i32
          %gather3A_384 = arith.constant 0 : i32
          %gather3A_385 = tpu.memref_slice %arg6[%while3A_246, %gather3A_383, %gather3A_384] : memref<3x16x1024xf32, #tpu.memory_space<vmem>> -> memref<1x16x1024xf32, #tpu.memory_space<vmem>>
          %gather3A_386 = tpu.memref_squeeze %gather3A_385 : memref<1x16x1024xf32, #tpu.memory_space<vmem>> -> memref<16x1024xf32, #tpu.memory_space<vmem>>
          %gather3A_387 = tpu.vector_load_idx %gather3A_386[%broadcast_in_dim3A_382, %and3A_335] masked %ge3A_328 : memref<16x1024xf32, #tpu.memory_space<vmem>>[vector<16xi32>, vector<16xi32>], vector<16xf32>, vector<16xi1>
          tpu.vector_store_idx %arg5[%broadcast_in_dim3A_382, %and3A_338], %gather3A_387 masked %ge3A_328 : memref<16x4096xf32, #tpu.memory_space<vmem>>[vector<16xi32>, vector<16xi32>], vector<16xf32>, vector<16xi1>
          %broadcast_in_dim3A_388 = arith.constant 7 : i32
          %broadcast_in_dim3A_389 = vector.broadcast %broadcast_in_dim3A_388 : i32 to vector<16xi32>
          %gather3A_390 = arith.constant 0 : i32
          %gather3A_391 = arith.constant 0 : i32
          %gather3A_392 = tpu.memref_slice %arg6[%while3A_246, %gather3A_390, %gather3A_391] : memref<3x16x1024xf32, #tpu.memory_space<vmem>> -> memref<1x16x1024xf32, #tpu.memory_space<vmem>>
          %gather3A_393 = tpu.memref_squeeze %gather3A_392 : memref<1x16x1024xf32, #tpu.memory_space<vmem>> -> memref<16x1024xf32, #tpu.memory_space<vmem>>
          %gather3A_394 = tpu.vector_load_idx %gather3A_393[%broadcast_in_dim3A_389, %and3A_335] masked %ge3A_328 : memref<16x1024xf32, #tpu.memory_space<vmem>>[vector<16xi32>, vector<16xi32>], vector<16xf32>, vector<16xi1>
          tpu.vector_store_idx %arg5[%broadcast_in_dim3A_389, %and3A_338], %gather3A_394 masked %ge3A_328 : memref<16x4096xf32, #tpu.memory_space<vmem>>[vector<16xi32>, vector<16xi32>], vector<16xf32>, vector<16xi1>
          %broadcast_in_dim3A_395 = arith.constant 8 : i32
          %broadcast_in_dim3A_396 = vector.broadcast %broadcast_in_dim3A_395 : i32 to vector<16xi32>
          %gather3A_397 = arith.constant 0 : i32
          %gather3A_398 = arith.constant 0 : i32
          %gather3A_399 = tpu.memref_slice %arg6[%while3A_246, %gather3A_397, %gather3A_398] : memref<3x16x1024xf32, #tpu.memory_space<vmem>> -> memref<1x16x1024xf32, #tpu.memory_space<vmem>>
          %gather3A_400 = tpu.memref_squeeze %gather3A_399 : memref<1x16x1024xf32, #tpu.memory_space<vmem>> -> memref<16x1024xf32, #tpu.memory_space<vmem>>
          %gather3A_401 = tpu.vector_load_idx %gather3A_400[%broadcast_in_dim3A_396, %and3A_335] masked %ge3A_328 : memref<16x1024xf32, #tpu.memory_space<vmem>>[vector<16xi32>, vector<16xi32>], vector<16xf32>, vector<16xi1>
          tpu.vector_store_idx %arg5[%broadcast_in_dim3A_396, %and3A_338], %gather3A_401 masked %ge3A_328 : memref<16x4096xf32, #tpu.memory_space<vmem>>[vector<16xi32>, vector<16xi32>], vector<16xf32>, vector<16xi1>
          %broadcast_in_dim3A_402 = arith.constant 9 : i32
          %broadcast_in_dim3A_403 = vector.broadcast %broadcast_in_dim3A_402 : i32 to vector<16xi32>
          %gather3A_404 = arith.constant 0 : i32
          %gather3A_405 = arith.constant 0 : i32
          %gather3A_406 = tpu.memref_slice %arg6[%while3A_246, %gather3A_404, %gather3A_405] : memref<3x16x1024xf32, #tpu.memory_space<vmem>> -> memref<1x16x1024xf32, #tpu.memory_space<vmem>>
          %gather3A_407 = tpu.memref_squeeze %gather3A_406 : memref<1x16x1024xf32, #tpu.memory_space<vmem>> -> memref<16x1024xf32, #tpu.memory_space<vmem>>
          %gather3A_408 = tpu.vector_load_idx %gather3A_407[%broadcast_in_dim3A_403, %and3A_335] masked %ge3A_328 : memref<16x1024xf32, #tpu.memory_space<vmem>>[vector<16xi32>, vector<16xi32>], vector<16xf32>, vector<16xi1>
          tpu.vector_store_idx %arg5[%broadcast_in_dim3A_403, %and3A_338], %gather3A_408 masked %ge3A_328 : memref<16x4096xf32, #tpu.memory_space<vmem>>[vector<16xi32>, vector<16xi32>], vector<16xf32>, vector<16xi1>
          %broadcast_in_dim3A_409 = arith.constant 10 : i32
          %broadcast_in_dim3A_410 = vector.broadcast %broadcast_in_dim3A_409 : i32 to vector<16xi32>
          %gather3A_411 = arith.constant 0 : i32
          %gather3A_412 = arith.constant 0 : i32
          %gather3A_413 = tpu.memref_slice %arg6[%while3A_246, %gather3A_411, %gather3A_412] : memref<3x16x1024xf32, #tpu.memory_space<vmem>> -> memref<1x16x1024xf32, #tpu.memory_space<vmem>>
          %gather3A_414 = tpu.memref_squeeze %gather3A_413 : memref<1x16x1024xf32, #tpu.memory_space<vmem>> -> memref<16x1024xf32, #tpu.memory_space<vmem>>
          %gather3A_415 = tpu.vector_load_idx %gather3A_414[%broadcast_in_dim3A_410, %and3A_335] masked %ge3A_328 : memref<16x1024xf32, #tpu.memory_space<vmem>>[vector<16xi32>, vector<16xi32>], vector<16xf32>, vector<16xi1>
          tpu.vector_store_idx %arg5[%broadcast_in_dim3A_410, %and3A_338], %gather3A_415 masked %ge3A_328 : memref<16x4096xf32, #tpu.memory_space<vmem>>[vector<16xi32>, vector<16xi32>], vector<16xf32>, vector<16xi1>
          %broadcast_in_dim3A_416 = arith.constant 11 : i32
          %broadcast_in_dim3A_417 = vector.broadcast %broadcast_in_dim3A_416 : i32 to vector<16xi32>
          %gather3A_418 = arith.constant 0 : i32
          %gather3A_419 = arith.constant 0 : i32
          %gather3A_420 = tpu.memref_slice %arg6[%while3A_246, %gather3A_418, %gather3A_419] : memref<3x16x1024xf32, #tpu.memory_space<vmem>> -> memref<1x16x1024xf32, #tpu.memory_space<vmem>>
          %gather3A_421 = tpu.memref_squeeze %gather3A_420 : memref<1x16x1024xf32, #tpu.memory_space<vmem>> -> memref<16x1024xf32, #tpu.memory_space<vmem>>
          %gather3A_422 = tpu.vector_load_idx %gather3A_421[%broadcast_in_dim3A_417, %and3A_335] masked %ge3A_328 : memref<16x1024xf32, #tpu.memory_space<vmem>>[vector<16xi32>, vector<16xi32>], vector<16xf32>, vector<16xi1>
          tpu.vector_store_idx %arg5[%broadcast_in_dim3A_417, %and3A_338], %gather3A_422 masked %ge3A_328 : memref<16x4096xf32, #tpu.memory_space<vmem>>[vector<16xi32>, vector<16xi32>], vector<16xf32>, vector<16xi1>
          %broadcast_in_dim3A_423 = arith.constant 12 : i32
          %broadcast_in_dim3A_424 = vector.broadcast %broadcast_in_dim3A_423 : i32 to vector<16xi32>
          %gather3A_425 = arith.constant 0 : i32
          %gather3A_426 = arith.constant 0 : i32
          %gather3A_427 = tpu.memref_slice %arg6[%while3A_246, %gather3A_425, %gather3A_426] : memref<3x16x1024xf32, #tpu.memory_space<vmem>> -> memref<1x16x1024xf32, #tpu.memory_space<vmem>>
          %gather3A_428 = tpu.memref_squeeze %gather3A_427 : memref<1x16x1024xf32, #tpu.memory_space<vmem>> -> memref<16x1024xf32, #tpu.memory_space<vmem>>
          %gather3A_429 = tpu.vector_load_idx %gather3A_428[%broadcast_in_dim3A_424, %and3A_335] masked %ge3A_328 : memref<16x1024xf32, #tpu.memory_space<vmem>>[vector<16xi32>, vector<16xi32>], vector<16xf32>, vector<16xi1>
          tpu.vector_store_idx %arg5[%broadcast_in_dim3A_424, %and3A_338], %gather3A_429 masked %ge3A_328 : memref<16x4096xf32, #tpu.memory_space<vmem>>[vector<16xi32>, vector<16xi32>], vector<16xf32>, vector<16xi1>
          %broadcast_in_dim3A_430 = arith.constant 13 : i32
          %broadcast_in_dim3A_431 = vector.broadcast %broadcast_in_dim3A_430 : i32 to vector<16xi32>
          %gather3A_432 = arith.constant 0 : i32
          %gather3A_433 = arith.constant 0 : i32
          %gather3A_434 = tpu.memref_slice %arg6[%while3A_246, %gather3A_432, %gather3A_433] : memref<3x16x1024xf32, #tpu.memory_space<vmem>> -> memref<1x16x1024xf32, #tpu.memory_space<vmem>>
          %gather3A_435 = tpu.memref_squeeze %gather3A_434 : memref<1x16x1024xf32, #tpu.memory_space<vmem>> -> memref<16x1024xf32, #tpu.memory_space<vmem>>
          %gather3A_436 = tpu.vector_load_idx %gather3A_435[%broadcast_in_dim3A_431, %and3A_335] masked %ge3A_328 : memref<16x1024xf32, #tpu.memory_space<vmem>>[vector<16xi32>, vector<16xi32>], vector<16xf32>, vector<16xi1>
          tpu.vector_store_idx %arg5[%broadcast_in_dim3A_431, %and3A_338], %gather3A_436 masked %ge3A_328 : memref<16x4096xf32, #tpu.memory_space<vmem>>[vector<16xi32>, vector<16xi32>], vector<16xf32>, vector<16xi1>
          %broadcast_in_dim3A_437 = arith.constant 14 : i32
          %broadcast_in_dim3A_438 = vector.broadcast %broadcast_in_dim3A_437 : i32 to vector<16xi32>
          %gather3A_439 = arith.constant 0 : i32
          %gather3A_440 = arith.constant 0 : i32
          %gather3A_441 = tpu.memref_slice %arg6[%while3A_246, %gather3A_439, %gather3A_440] : memref<3x16x1024xf32, #tpu.memory_space<vmem>> -> memref<1x16x1024xf32, #tpu.memory_space<vmem>>
          %gather3A_442 = tpu.memref_squeeze %gather3A_441 : memref<1x16x1024xf32, #tpu.memory_space<vmem>> -> memref<16x1024xf32, #tpu.memory_space<vmem>>
          %gather3A_443 = tpu.vector_load_idx %gather3A_442[%broadcast_in_dim3A_438, %and3A_335] masked %ge3A_328 : memref<16x1024xf32, #tpu.memory_space<vmem>>[vector<16xi32>, vector<16xi32>], vector<16xf32>, vector<16xi1>
          tpu.vector_store_idx %arg5[%broadcast_in_dim3A_438, %and3A_338], %gather3A_443 masked %ge3A_328 : memref<16x4096xf32, #tpu.memory_space<vmem>>[vector<16xi32>, vector<16xi32>], vector<16xf32>, vector<16xi1>
          %broadcast_in_dim3A_444 = arith.constant 15 : i32
          %broadcast_in_dim3A_445 = vector.broadcast %broadcast_in_dim3A_444 : i32 to vector<16xi32>
          %gather3A_446 = arith.constant 0 : i32
          %gather3A_447 = arith.constant 0 : i32
          %gather3A_448 = tpu.memref_slice %arg6[%while3A_246, %gather3A_446, %gather3A_447] : memref<3x16x1024xf32, #tpu.memory_space<vmem>> -> memref<1x16x1024xf32, #tpu.memory_space<vmem>>
          %gather3A_449 = tpu.memref_squeeze %gather3A_448 : memref<1x16x1024xf32, #tpu.memory_space<vmem>> -> memref<16x1024xf32, #tpu.memory_space<vmem>>
          %gather3A_450 = tpu.vector_load_idx %gather3A_449[%broadcast_in_dim3A_445, %and3A_335] masked %ge3A_328 : memref<16x1024xf32, #tpu.memory_space<vmem>>[vector<16xi32>, vector<16xi32>], vector<16xf32>, vector<16xi1>
          tpu.vector_store_idx %arg5[%broadcast_in_dim3A_445, %and3A_338], %gather3A_450 masked %ge3A_328 : memref<16x4096xf32, #tpu.memory_space<vmem>>[vector<16xi32>, vector<16xi32>], vector<16xf32>, vector<16xi1>
        }
        %while3A_255 = arith.constant 1 : i32
        scf.for %while3A_322 = %while3A_253 to %while3A_249 step %while3A_255  : i32 {
          %mul3A_323 = arith.constant 16 : i32
          %mul3A_324 = arith.muli %while3A_322, %mul3A_323 : i32
          %add3A_325 = arith.addi %squeeze3A_234, %mul3A_324 : i32
          %get3A = arith.index_cast %add3A_325 : i32 to index
          %get3A_326 = tpu.vector_load %arg8[%get3A] {strides = array<i32>} : memref<5664xi32, #tpu.memory_space<vmem>>, vector<16xi32>,
          %ge3A = arith.constant 0 : i32
          %ge3A_327 = vector.broadcast %ge3A : i32 to vector<16xi32>
          %ge3A_328 = arith.cmpi sge, %get3A_326, %ge3A_327 : vector<16xi32>
          %shift_right_arithmetic3A_329 = arith.constant 12 : i32
          %shift_right_arithmetic3A_330 = vector.broadcast %shift_right_arithmetic3A_329 : i32 to vector<16xi32>
          %shift_right_arithmetic3A_331 = arith.shrsi %get3A_326, %shift_right_arithmetic3A_330 : vector<16xi32>
          %sub3A_332 = vector.broadcast %mul3A_242 : i32 to vector<16xi32>
          %sub3A_333 = arith.subi %shift_right_arithmetic3A_331, %sub3A_332 : vector<16xi32>
          %and3A = arith.constant 1023 : i32
          %and3A_334 = vector.broadcast %and3A : i32 to vector<16xi32>
          %and3A_335 = arith.andi %sub3A_333, %and3A_334 : vector<16xi32>
          %and3A_336 = arith.constant 4095 : i32
          %and3A_337 = vector.broadcast %and3A_336 : i32 to vector<16xi32>
          %and3A_338 = arith.andi %get3A_326, %and3A_337 : vector<16xi32>
          %broadcast_in_dim3A_339 = arith.constant 0 : i32
          %broadcast_in_dim3A_340 = vector.broadcast %broadcast_in_dim3A_339 : i32 to vector<16xi32>
          %gather3A_341 = arith.constant 0 : i32
          %gather3A_342 = arith.constant 0 : i32
          %gather3A_343 = tpu.memref_slice %arg6[%while3A_246, %gather3A_341, %gather3A_342] : memref<3x16x1024xf32, #tpu.memory_space<vmem>> -> memref<1x16x1024xf32, #tpu.memory_space<vmem>>
          %gather3A_344 = tpu.memref_squeeze %gather3A_343 : memref<1x16x1024xf32, #tpu.memory_space<vmem>> -> memref<16x1024xf32, #tpu.memory_space<vmem>>
          %gather3A_345 = tpu.vector_load_idx %gather3A_344[%broadcast_in_dim3A_340, %and3A_335] masked %ge3A_328 : memref<16x1024xf32, #tpu.memory_space<vmem>>[vector<16xi32>, vector<16xi32>], vector<16xf32>, vector<16xi1>
          tpu.vector_store_idx %arg5[%broadcast_in_dim3A_340, %and3A_338], %gather3A_345 masked %ge3A_328 : memref<16x4096xf32, #tpu.memory_space<vmem>>[vector<16xi32>, vector<16xi32>], vector<16xf32>, vector<16xi1>
          %broadcast_in_dim3A_346 = arith.constant 1 : i32
          %broadcast_in_dim3A_347 = vector.broadcast %broadcast_in_dim3A_346 : i32 to vector<16xi32>
          %gather3A_348 = arith.constant 0 : i32
          %gather3A_349 = arith.constant 0 : i32
          %gather3A_350 = tpu.memref_slice %arg6[%while3A_246, %gather3A_348, %gather3A_349] : memref<3x16x1024xf32, #tpu.memory_space<vmem>> -> memref<1x16x1024xf32, #tpu.memory_space<vmem>>
          %gather3A_351 = tpu.memref_squeeze %gather3A_350 : memref<1x16x1024xf32, #tpu.memory_space<vmem>> -> memref<16x1024xf32, #tpu.memory_space<vmem>>
          %gather3A_352 = tpu.vector_load_idx %gather3A_351[%broadcast_in_dim3A_347, %and3A_335] masked %ge3A_328 : memref<16x1024xf32, #tpu.memory_space<vmem>>[vector<16xi32>, vector<16xi32>], vector<16xf32>, vector<16xi1>
          tpu.vector_store_idx %arg5[%broadcast_in_dim3A_347, %and3A_338], %gather3A_352 masked %ge3A_328 : memref<16x4096xf32, #tpu.memory_space<vmem>>[vector<16xi32>, vector<16xi32>], vector<16xf32>, vector<16xi1>
          %broadcast_in_dim3A_353 = arith.constant 2 : i32
          %broadcast_in_dim3A_354 = vector.broadcast %broadcast_in_dim3A_353 : i32 to vector<16xi32>
          %gather3A_355 = arith.constant 0 : i32
          %gather3A_356 = arith.constant 0 : i32
          %gather3A_357 = tpu.memref_slice %arg6[%while3A_246, %gather3A_355, %gather3A_356] : memref<3x16x1024xf32, #tpu.memory_space<vmem>> -> memref<1x16x1024xf32, #tpu.memory_space<vmem>>
          %gather3A_358 = tpu.memref_squeeze %gather3A_357 : memref<1x16x1024xf32, #tpu.memory_space<vmem>> -> memref<16x1024xf32, #tpu.memory_space<vmem>>
          %gather3A_359 = tpu.vector_load_idx %gather3A_358[%broadcast_in_dim3A_354, %and3A_335] masked %ge3A_328 : memref<16x1024xf32, #tpu.memory_space<vmem>>[vector<16xi32>, vector<16xi32>], vector<16xf32>, vector<16xi1>
          tpu.vector_store_idx %arg5[%broadcast_in_dim3A_354, %and3A_338], %gather3A_359 masked %ge3A_328 : memref<16x4096xf32, #tpu.memory_space<vmem>>[vector<16xi32>, vector<16xi32>], vector<16xf32>, vector<16xi1>
          %broadcast_in_dim3A_360 = arith.constant 3 : i32
          %broadcast_in_dim3A_361 = vector.broadcast %broadcast_in_dim3A_360 : i32 to vector<16xi32>
          %gather3A_362 = arith.constant 0 : i32
          %gather3A_363 = arith.constant 0 : i32
          %gather3A_364 = tpu.memref_slice %arg6[%while3A_246, %gather3A_362, %gather3A_363] : memref<3x16x1024xf32, #tpu.memory_space<vmem>> -> memref<1x16x1024xf32, #tpu.memory_space<vmem>>
          %gather3A_365 = tpu.memref_squeeze %gather3A_364 : memref<1x16x1024xf32, #tpu.memory_space<vmem>> -> memref<16x1024xf32, #tpu.memory_space<vmem>>
          %gather3A_366 = tpu.vector_load_idx %gather3A_365[%broadcast_in_dim3A_361, %and3A_335] masked %ge3A_328 : memref<16x1024xf32, #tpu.memory_space<vmem>>[vector<16xi32>, vector<16xi32>], vector<16xf32>, vector<16xi1>
          tpu.vector_store_idx %arg5[%broadcast_in_dim3A_361, %and3A_338], %gather3A_366 masked %ge3A_328 : memref<16x4096xf32, #tpu.memory_space<vmem>>[vector<16xi32>, vector<16xi32>], vector<16xf32>, vector<16xi1>
          %broadcast_in_dim3A_367 = arith.constant 4 : i32
          %broadcast_in_dim3A_368 = vector.broadcast %broadcast_in_dim3A_367 : i32 to vector<16xi32>
          %gather3A_369 = arith.constant 0 : i32
          %gather3A_370 = arith.constant 0 : i32
          %gather3A_371 = tpu.memref_slice %arg6[%while3A_246, %gather3A_369, %gather3A_370] : memref<3x16x1024xf32, #tpu.memory_space<vmem>> -> memref<1x16x1024xf32, #tpu.memory_space<vmem>>
          %gather3A_372 = tpu.memref_squeeze %gather3A_371 : memref<1x16x1024xf32, #tpu.memory_space<vmem>> -> memref<16x1024xf32, #tpu.memory_space<vmem>>
          %gather3A_373 = tpu.vector_load_idx %gather3A_372[%broadcast_in_dim3A_368, %and3A_335] masked %ge3A_328 : memref<16x1024xf32, #tpu.memory_space<vmem>>[vector<16xi32>, vector<16xi32>], vector<16xf32>, vector<16xi1>
          tpu.vector_store_idx %arg5[%broadcast_in_dim3A_368, %and3A_338], %gather3A_373 masked %ge3A_328 : memref<16x4096xf32, #tpu.memory_space<vmem>>[vector<16xi32>, vector<16xi32>], vector<16xf32>, vector<16xi1>
          %broadcast_in_dim3A_374 = arith.constant 5 : i32
          %broadcast_in_dim3A_375 = vector.broadcast %broadcast_in_dim3A_374 : i32 to vector<16xi32>
          %gather3A_376 = arith.constant 0 : i32
          %gather3A_377 = arith.constant 0 : i32
          %gather3A_378 = tpu.memref_slice %arg6[%while3A_246, %gather3A_376, %gather3A_377] : memref<3x16x1024xf32, #tpu.memory_space<vmem>> -> memref<1x16x1024xf32, #tpu.memory_space<vmem>>
          %gather3A_379 = tpu.memref_squeeze %gather3A_378 : memref<1x16x1024xf32, #tpu.memory_space<vmem>> -> memref<16x1024xf32, #tpu.memory_space<vmem>>
          %gather3A_380 = tpu.vector_load_idx %gather3A_379[%broadcast_in_dim3A_375, %and3A_335] masked %ge3A_328 : memref<16x1024xf32, #tpu.memory_space<vmem>>[vector<16xi32>, vector<16xi32>], vector<16xf32>, vector<16xi1>
          tpu.vector_store_idx %arg5[%broadcast_in_dim3A_375, %and3A_338], %gather3A_380 masked %ge3A_328 : memref<16x4096xf32, #tpu.memory_space<vmem>>[vector<16xi32>, vector<16xi32>], vector<16xf32>, vector<16xi1>
          %broadcast_in_dim3A_381 = arith.constant 6 : i32
          %broadcast_in_dim3A_382 = vector.broadcast %broadcast_in_dim3A_381 : i32 to vector<16xi32>
          %gather3A_383 = arith.constant 0 : i32
          %gather3A_384 = arith.constant 0 : i32
          %gather3A_385 = tpu.memref_slice %arg6[%while3A_246, %gather3A_383, %gather3A_384] : memref<3x16x1024xf32, #tpu.memory_space<vmem>> -> memref<1x16x1024xf32, #tpu.memory_space<vmem>>
          %gather3A_386 = tpu.memref_squeeze %gather3A_385 : memref<1x16x1024xf32, #tpu.memory_space<vmem>> -> memref<16x1024xf32, #tpu.memory_space<vmem>>
          %gather3A_387 = tpu.vector_load_idx %gather3A_386[%broadcast_in_dim3A_382, %and3A_335] masked %ge3A_328 : memref<16x1024xf32, #tpu.memory_space<vmem>>[vector<16xi32>, vector<16xi32>], vector<16xf32>, vector<16xi1>
          tpu.vector_store_idx %arg5[%broadcast_in_dim3A_382, %and3A_338], %gather3A_387 masked %ge3A_328 : memref<16x4096xf32, #tpu.memory_space<vmem>>[vector<16xi32>, vector<16xi32>], vector<16xf32>, vector<16xi1>
          %broadcast_in_dim3A_388 = arith.constant 7 : i32
          %broadcast_in_dim3A_389 = vector.broadcast %broadcast_in_dim3A_388 : i32 to vector<16xi32>
          %gather3A_390 = arith.constant 0 : i32
          %gather3A_391 = arith.constant 0 : i32
          %gather3A_392 = tpu.memref_slice %arg6[%while3A_246, %gather3A_390, %gather3A_391] : memref<3x16x1024xf32, #tpu.memory_space<vmem>> -> memref<1x16x1024xf32, #tpu.memory_space<vmem>>
          %gather3A_393 = tpu.memref_squeeze %gather3A_392 : memref<1x16x1024xf32, #tpu.memory_space<vmem>> -> memref<16x1024xf32, #tpu.memory_space<vmem>>
          %gather3A_394 = tpu.vector_load_idx %gather3A_393[%broadcast_in_dim3A_389, %and3A_335] masked %ge3A_328 : memref<16x1024xf32, #tpu.memory_space<vmem>>[vector<16xi32>, vector<16xi32>], vector<16xf32>, vector<16xi1>
          tpu.vector_store_idx %arg5[%broadcast_in_dim3A_389, %and3A_338], %gather3A_394 masked %ge3A_328 : memref<16x4096xf32, #tpu.memory_space<vmem>>[vector<16xi32>, vector<16xi32>], vector<16xf32>, vector<16xi1>
          %broadcast_in_dim3A_395 = arith.constant 8 : i32
          %broadcast_in_dim3A_396 = vector.broadcast %broadcast_in_dim3A_395 : i32 to vector<16xi32>
          %gather3A_397 = arith.constant 0 : i32
          %gather3A_398 = arith.constant 0 : i32
          %gather3A_399 = tpu.memref_slice %arg6[%while3A_246, %gather3A_397, %gather3A_398] : memref<3x16x1024xf32, #tpu.memory_space<vmem>> -> memref<1x16x1024xf32, #tpu.memory_space<vmem>>
          %gather3A_400 = tpu.memref_squeeze %gather3A_399 : memref<1x16x1024xf32, #tpu.memory_space<vmem>> -> memref<16x1024xf32, #tpu.memory_space<vmem>>
          %gather3A_401 = tpu.vector_load_idx %gather3A_400[%broadcast_in_dim3A_396, %and3A_335] masked %ge3A_328 : memref<16x1024xf32, #tpu.memory_space<vmem>>[vector<16xi32>, vector<16xi32>], vector<16xf32>, vector<16xi1>
          tpu.vector_store_idx %arg5[%broadcast_in_dim3A_396, %and3A_338], %gather3A_401 masked %ge3A_328 : memref<16x4096xf32, #tpu.memory_space<vmem>>[vector<16xi32>, vector<16xi32>], vector<16xf32>, vector<16xi1>
          %broadcast_in_dim3A_402 = arith.constant 9 : i32
          %broadcast_in_dim3A_403 = vector.broadcast %broadcast_in_dim3A_402 : i32 to vector<16xi32>
          %gather3A_404 = arith.constant 0 : i32
          %gather3A_405 = arith.constant 0 : i32
          %gather3A_406 = tpu.memref_slice %arg6[%while3A_246, %gather3A_404, %gather3A_405] : memref<3x16x1024xf32, #tpu.memory_space<vmem>> -> memref<1x16x1024xf32, #tpu.memory_space<vmem>>
          %gather3A_407 = tpu.memref_squeeze %gather3A_406 : memref<1x16x1024xf32, #tpu.memory_space<vmem>> -> memref<16x1024xf32, #tpu.memory_space<vmem>>
          %gather3A_408 = tpu.vector_load_idx %gather3A_407[%broadcast_in_dim3A_403, %and3A_335] masked %ge3A_328 : memref<16x1024xf32, #tpu.memory_space<vmem>>[vector<16xi32>, vector<16xi32>], vector<16xf32>, vector<16xi1>
          tpu.vector_store_idx %arg5[%broadcast_in_dim3A_403, %and3A_338], %gather3A_408 masked %ge3A_328 : memref<16x4096xf32, #tpu.memory_space<vmem>>[vector<16xi32>, vector<16xi32>], vector<16xf32>, vector<16xi1>
          %broadcast_in_dim3A_409 = arith.constant 10 : i32
          %broadcast_in_dim3A_410 = vector.broadcast %broadcast_in_dim3A_409 : i32 to vector<16xi32>
          %gather3A_411 = arith.constant 0 : i32
          %gather3A_412 = arith.constant 0 : i32
          %gather3A_413 = tpu.memref_slice %arg6[%while3A_246, %gather3A_411, %gather3A_412] : memref<3x16x1024xf32, #tpu.memory_space<vmem>> -> memref<1x16x1024xf32, #tpu.memory_space<vmem>>
          %gather3A_414 = tpu.memref_squeeze %gather3A_413 : memref<1x16x1024xf32, #tpu.memory_space<vmem>> -> memref<16x1024xf32, #tpu.memory_space<vmem>>
          %gather3A_415 = tpu.vector_load_idx %gather3A_414[%broadcast_in_dim3A_410, %and3A_335] masked %ge3A_328 : memref<16x1024xf32, #tpu.memory_space<vmem>>[vector<16xi32>, vector<16xi32>], vector<16xf32>, vector<16xi1>
          tpu.vector_store_idx %arg5[%broadcast_in_dim3A_410, %and3A_338], %gather3A_415 masked %ge3A_328 : memref<16x4096xf32, #tpu.memory_space<vmem>>[vector<16xi32>, vector<16xi32>], vector<16xf32>, vector<16xi1>
          %broadcast_in_dim3A_416 = arith.constant 11 : i32
          %broadcast_in_dim3A_417 = vector.broadcast %broadcast_in_dim3A_416 : i32 to vector<16xi32>
          %gather3A_418 = arith.constant 0 : i32
          %gather3A_419 = arith.constant 0 : i32
          %gather3A_420 = tpu.memref_slice %arg6[%while3A_246, %gather3A_418, %gather3A_419] : memref<3x16x1024xf32, #tpu.memory_space<vmem>> -> memref<1x16x1024xf32, #tpu.memory_space<vmem>>
          %gather3A_421 = tpu.memref_squeeze %gather3A_420 : memref<1x16x1024xf32, #tpu.memory_space<vmem>> -> memref<16x1024xf32, #tpu.memory_space<vmem>>
          %gather3A_422 = tpu.vector_load_idx %gather3A_421[%broadcast_in_dim3A_417, %and3A_335] masked %ge3A_328 : memref<16x1024xf32, #tpu.memory_space<vmem>>[vector<16xi32>, vector<16xi32>], vector<16xf32>, vector<16xi1>
          tpu.vector_store_idx %arg5[%broadcast_in_dim3A_417, %and3A_338], %gather3A_422 masked %ge3A_328 : memref<16x4096xf32, #tpu.memory_space<vmem>>[vector<16xi32>, vector<16xi32>], vector<16xf32>, vector<16xi1>
          %broadcast_in_dim3A_423 = arith.constant 12 : i32
          %broadcast_in_dim3A_424 = vector.broadcast %broadcast_in_dim3A_423 : i32 to vector<16xi32>
          %gather3A_425 = arith.constant 0 : i32
          %gather3A_426 = arith.constant 0 : i32
          %gather3A_427 = tpu.memref_slice %arg6[%while3A_246, %gather3A_425, %gather3A_426] : memref<3x16x1024xf32, #tpu.memory_space<vmem>> -> memref<1x16x1024xf32, #tpu.memory_space<vmem>>
          %gather3A_428 = tpu.memref_squeeze %gather3A_427 : memref<1x16x1024xf32, #tpu.memory_space<vmem>> -> memref<16x1024xf32, #tpu.memory_space<vmem>>
          %gather3A_429 = tpu.vector_load_idx %gather3A_428[%broadcast_in_dim3A_424, %and3A_335] masked %ge3A_328 : memref<16x1024xf32, #tpu.memory_space<vmem>>[vector<16xi32>, vector<16xi32>], vector<16xf32>, vector<16xi1>
          tpu.vector_store_idx %arg5[%broadcast_in_dim3A_424, %and3A_338], %gather3A_429 masked %ge3A_328 : memref<16x4096xf32, #tpu.memory_space<vmem>>[vector<16xi32>, vector<16xi32>], vector<16xf32>, vector<16xi1>
          %broadcast_in_dim3A_430 = arith.constant 13 : i32
          %broadcast_in_dim3A_431 = vector.broadcast %broadcast_in_dim3A_430 : i32 to vector<16xi32>
          %gather3A_432 = arith.constant 0 : i32
          %gather3A_433 = arith.constant 0 : i32
          %gather3A_434 = tpu.memref_slice %arg6[%while3A_246, %gather3A_432, %gather3A_433] : memref<3x16x1024xf32, #tpu.memory_space<vmem>> -> memref<1x16x1024xf32, #tpu.memory_space<vmem>>
          %gather3A_435 = tpu.memref_squeeze %gather3A_434 : memref<1x16x1024xf32, #tpu.memory_space<vmem>> -> memref<16x1024xf32, #tpu.memory_space<vmem>>
          %gather3A_436 = tpu.vector_load_idx %gather3A_435[%broadcast_in_dim3A_431, %and3A_335] masked %ge3A_328 : memref<16x1024xf32, #tpu.memory_space<vmem>>[vector<16xi32>, vector<16xi32>], vector<16xf32>, vector<16xi1>
          tpu.vector_store_idx %arg5[%broadcast_in_dim3A_431, %and3A_338], %gather3A_436 masked %ge3A_328 : memref<16x4096xf32, #tpu.memory_space<vmem>>[vector<16xi32>, vector<16xi32>], vector<16xf32>, vector<16xi1>
          %broadcast_in_dim3A_437 = arith.constant 14 : i32
          %broadcast_in_dim3A_438 = vector.broadcast %broadcast_in_dim3A_437 : i32 to vector<16xi32>
          %gather3A_439 = arith.constant 0 : i32
          %gather3A_440 = arith.constant 0 : i32
          %gather3A_441 = tpu.memref_slice %arg6[%while3A_246, %gather3A_439, %gather3A_440] : memref<3x16x1024xf32, #tpu.memory_space<vmem>> -> memref<1x16x1024xf32, #tpu.memory_space<vmem>>
          %gather3A_442 = tpu.memref_squeeze %gather3A_441 : memref<1x16x1024xf32, #tpu.memory_space<vmem>> -> memref<16x1024xf32, #tpu.memory_space<vmem>>
          %gather3A_443 = tpu.vector_load_idx %gather3A_442[%broadcast_in_dim3A_438, %and3A_335] masked %ge3A_328 : memref<16x1024xf32, #tpu.memory_space<vmem>>[vector<16xi32>, vector<16xi32>], vector<16xf32>, vector<16xi1>
          tpu.vector_store_idx %arg5[%broadcast_in_dim3A_438, %and3A_338], %gather3A_443 masked %ge3A_328 : memref<16x4096xf32, #tpu.memory_space<vmem>>[vector<16xi32>, vector<16xi32>], vector<16xf32>, vector<16xi1>
          %broadcast_in_dim3A_444 = arith.constant 15 : i32
          %broadcast_in_dim3A_445 = vector.broadcast %broadcast_in_dim3A_444 : i32 to vector<16xi32>
          %gather3A_446 = arith.constant 0 : i32
          %gather3A_447 = arith.constant 0 : i32
          %gather3A_448 = tpu.memref_slice %arg6[%while3A_246, %gather3A_446, %gather3A_447] : memref<3x16x1024xf32, #tpu.memory_space<vmem>> -> memref<1x16x1024xf32, #tpu.memory_space<vmem>>
          %gather3A_449 = tpu.memref_squeeze %gather3A_448 : memref<1x16x1024xf32, #tpu.memory_space<vmem>> -> memref<16x1024xf32, #tpu.memory_space<vmem>>
          %gather3A_450 = tpu.vector_load_idx %gather3A_449[%broadcast_in_dim3A_445, %and3A_335] masked %ge3A_328 : memref<16x1024xf32, #tpu.memory_space<vmem>>[vector<16xi32>, vector<16xi32>], vector<16xf32>, vector<16xi1>
          tpu.vector_store_idx %arg5[%broadcast_in_dim3A_445, %and3A_338], %gather3A_450 masked %ge3A_328 : memref<16x4096xf32, #tpu.memory_space<vmem>>[vector<16xi32>, vector<16xi32>], vector<16xf32>, vector<16xi1>
        }
        %add3A_256 = arith.constant 3 : i32
        %add3A_257 = arith.addi %add3A_217, %add3A_256 : i32
        %lt3A_258 = arith.constant 97 : i32
        %lt3A_259 = arith.cmpi slt, %add3A_257, %lt3A_258 : i32
        %convert_element_type3A_260 = arith.extui %lt3A_259 : i1 to i32
        %cond3A_261 = arith.constant 0 : i32
        %cond3A_262 = arith.cmpi ne, %convert_element_type3A_260, %cond3A_261 : i32
        scf.if %cond3A_262 {
          %add3A_322 = arith.constant 3 : i32
          %add3A_323 = arith.addi %add3A_217, %add3A_322 : i32
          %mul3A_324 = arith.constant 1024 : i32
          %mul3A_325 = arith.muli %add3A_323, %mul3A_324 : i32
          %multiple_of3A_326 = tpu.assume_multiple %mul3A_325, 1024 : i32
          %dma_start3A_327 = arith.constant 1 : i32
          %dma_start3A_328 = arith.constant 0 : i32
          %dma_start3A_329 = arith.constant 0 : i32
          %dma_start3A_330 = tpu.memref_slice %arg6[%dma_start3A_327, %dma_start3A_328, %dma_start3A_329] : memref<3x16x1024xf32, #tpu.memory_space<vmem>> -> memref<1x16x1024xf32, #tpu.memory_space<vmem>>
          %dma_start3A_331 = tpu.memref_squeeze %dma_start3A_330 : memref<1x16x1024xf32, #tpu.memory_space<vmem>> -> memref<16x1024xf32, #tpu.memory_space<vmem>>
          %dma_start3A_332 = tpu.memref_slice %arg3[%mul3A_4, %multiple_of3A_326] : memref<416x100000xf32, #tpu.memory_space<hbm>> -> memref<16x1024xf32, #tpu.memory_space<hbm>>
          %dma_start3A_333 = arith.constant 0 : i32
          %dma_start3A_334 = arith.constant 0 : i32
          %dma_start3A_335 = tpu.memref_slice %arg6[%dma_start3A_327, %dma_start3A_333, %dma_start3A_334] : memref<3x16x1024xf32, #tpu.memory_space<vmem>> -> memref<1x16x1024xf32, #tpu.memory_space<vmem>>
          %dma_start3A_336 = tpu.memref_squeeze %dma_start3A_335 : memref<1x16x1024xf32, #tpu.memory_space<vmem>> -> memref<16x1024xf32, #tpu.memory_space<vmem>>
          %dma_start3A_337 = tpu.memref_slice %arg3[%mul3A_4, %multiple_of3A_326] : memref<416x100000xf32, #tpu.memory_space<hbm>> -> memref<16x1024xf32, #tpu.memory_space<hbm>>
          tpu.enqueue_dma source(%dma_start3A_337 : memref<16x1024xf32, #tpu.memory_space<hbm>>) target(%dma_start3A_336 : memref<16x1024xf32, #tpu.memory_space<vmem>>) target_semaphore(%arg14 : memref<!tpu.dma_semaphore, #tpu.memory_space<semaphore_mem>>)
        } else {
        }
        %eq3A_263 = arith.constant 94 : i32
        %eq3A_264 = arith.cmpi eq, %add3A_217, %eq3A_263 : i32
        %convert_element_type3A_265 = arith.extui %eq3A_264 : i1 to i32
        %cond3A_266 = arith.constant 0 : i32
        %cond3A_267 = arith.cmpi ne, %convert_element_type3A_265, %cond3A_266 : i32
        scf.if %cond3A_267 {
          %multiple_of3A_322 = arith.constant 99328 : i32
          %multiple_of3A_323 = tpu.assume_multiple %multiple_of3A_322, 1024 : i32
          %dma_start3A_324 = arith.constant 1 : i32
          %dma_start3A_325 = arith.constant 0 : i32
          %dma_start3A_326 = arith.constant 0 : i32
          %dma_start3A_327 = tpu.memref_slice %arg6[%dma_start3A_324, %dma_start3A_325, %dma_start3A_326] : memref<3x16x1024xf32, #tpu.memory_space<vmem>> -> memref<1x16x640xf32, #tpu.memory_space<vmem>>
          %dma_start3A_328 = tpu.memref_squeeze %dma_start3A_327 : memref<1x16x640xf32, #tpu.memory_space<vmem>> -> memref<16x640xf32, #tpu.memory_space<vmem>>
          %dma_start3A_329 = tpu.memref_slice %arg3[%mul3A_4, %multiple_of3A_323] : memref<416x100000xf32, #tpu.memory_space<hbm>> -> memref<16x640xf32, #tpu.memory_space<hbm>>
          %dma_start3A_330 = arith.constant 0 : i32
          %dma_start3A_331 = arith.constant 0 : i32
          %dma_start3A_332 = tpu.memref_slice %arg6[%dma_start3A_324, %dma_start3A_330, %dma_start3A_331] : memref<3x16x1024xf32, #tpu.memory_space<vmem>> -> memref<1x16x640xf32, #tpu.memory_space<vmem>>
          %dma_start3A_333 = tpu.memref_squeeze %dma_start3A_332 : memref<1x16x640xf32, #tpu.memory_space<vmem>> -> memref<16x640xf32, #tpu.memory_space<vmem>>
          %dma_start3A_334 = tpu.memref_slice %arg3[%mul3A_4, %multiple_of3A_323] : memref<416x100000xf32, #tpu.memory_space<hbm>> -> memref<16x640xf32, #tpu.memory_space<hbm>>
          tpu.enqueue_dma source(%dma_start3A_334 : memref<16x640xf32, #tpu.memory_space<hbm>>) target(%dma_start3A_333 : memref<16x640xf32, #tpu.memory_space<vmem>>) target_semaphore(%arg16 : memref<!tpu.dma_semaphore, #tpu.memory_space<semaphore_mem>>)
          %dma_start3A_335 = arith.constant 99968 : i32
          %dma_start3A_336 = tpu.memref_slice %arg3[%mul3A_4, %dma_start3A_335] : memref<416x100000xf32, #tpu.memory_space<hbm>> -> memref<16x32xf32, #tpu.memory_space<hbm>>
          %dma_start3A_337 = arith.constant 99968 : i32
          %dma_start3A_338 = tpu.memref_slice %arg3[%mul3A_4, %dma_start3A_337] : memref<416x100000xf32, #tpu.memory_space<hbm>> -> memref<16x32xf32, #tpu.memory_space<hbm>>
          tpu.enqueue_dma source(%dma_start3A_338 : memref<16x32xf32, #tpu.memory_space<hbm>>) target(%arg12 : memref<16x32xf32, #tpu.memory_space<vmem>>) target_semaphore(%arg16 : memref<!tpu.dma_semaphore, #tpu.memory_space<semaphore_mem>>)
        } else {
        }
        %mul3A_268 = arith.constant 3 : i32
        %mul3A_269 = arith.muli %mul3A_268, %scan3A_159 : i32
        %add3A_270 = arith.constant 2 : i32
        %add3A_271 = arith.addi %mul3A_269, %add3A_270 : i32
        %multiple_of3A_272 = arith.constant 0 : i32
        %multiple_of3A_273 = tpu.assume_multiple %multiple_of3A_272, 1024 : i32
        %dma_wait3A_274 = arith.constant 2 : i32
        %dma_wait3A_275 = arith.constant 0 : i32
        %dma_wait3A_276 = arith.constant 0 : i32
        %dma_wait3A_277 = tpu.memref_slice %arg6[%dma_wait3A_274, %dma_wait3A_275, %dma_wait3A_276] : memref<3x16x1024xf32, #tpu.memory_space<vmem>> -> memref<1x16x1024xf32, #tpu.memory_space<vmem>>
        %dma_wait3A_278 = tpu.memref_squeeze %dma_wait3A_277 : memref<1x16x1024xf32, #tpu.memory_space<vmem>> -> memref<16x1024xf32, #tpu.memory_space<vmem>>
        %dma_wait3A_279 = tpu.memref_slice %arg3[%mul3A_4, %multiple_of3A_273] : memref<416x100000xf32, #tpu.memory_space<hbm>> -> memref<16x1024xf32, #tpu.memory_space<hbm>>
        %dma_wait3A_280 = arith.constant 0 : i32
        %dma_wait3A_281 = arith.constant 0 : i32
        %dma_wait3A_282 = tpu.memref_slice %arg6[%dma_wait3A_274, %dma_wait3A_280, %dma_wait3A_281] : memref<3x16x1024xf32, #tpu.memory_space<vmem>> -> memref<1x16x1024xf32, #tpu.memory_space<vmem>>
        %dma_wait3A_283 = tpu.memref_squeeze %dma_wait3A_282 : memref<1x16x1024xf32, #tpu.memory_space<vmem>> -> memref<16x1024xf32, #tpu.memory_space<vmem>>
        %dma_wait3A_284 = tpu.memref_slice %arg3[%mul3A_4, %multiple_of3A_273] : memref<416x100000xf32, #tpu.memory_space<hbm>> -> memref<16x1024xf32, #tpu.memory_space<hbm>>
        tpu.wait_dma2 semaphore(%arg15 : memref<!tpu.dma_semaphore, #tpu.memory_space<semaphore_mem>>) src(%dma_wait3A_284 : memref<16x1024xf32, #tpu.memory_space<hbm>>) dst(%dma_wait3A_283 : memref<16x1024xf32, #tpu.memory_space<vmem>>)
        %broadcast_in_dim3A_285 = vector.broadcast %add3A_271 : i32 to vector<16xi32>
        %gather3A_286 = tpu.vector_load_idx %arg11[%broadcast_in_dim3A_285] : memref<128xi32, #tpu.memory_space<vmem>>[vector<16xi32>], vector<16xi32>,
        %slice3A_287 = vector.extract_strided_slice %gather3A_286 {offsets = [0], sizes = [1], strides = [1]} : vector<16xi32> to vector<1xi32>
        %squeeze3A_288 = vector.extract %slice3A_287[0] : i32 from vector<1xi32>
        %add3A_289 = arith.constant 1 : i32
        %add3A_290 = arith.addi %add3A_271, %add3A_289 : i32
        %broadcast_in_dim3A_291 = vector.broadcast %add3A_290 : i32 to vector<16xi32>
        %gather3A_292 = tpu.vector_load_idx %arg11[%broadcast_in_dim3A_291] : memref<128xi32, #tpu.memory_space<vmem>>[vector<16xi32>], vector<16xi32>,
        %slice3A_293 = vector.extract_strided_slice %gather3A_292 {offsets = [0], sizes = [1], strides = [1]} : vector<16xi32> to vector<1xi32>
        %squeeze3A_294 = vector.extract %slice3A_293[0] : i32 from vector<1xi32>
        %mul3A_295 = arith.constant 1024 : i32
        %mul3A_296 = arith.muli %add3A_271, %mul3A_295 : i32
        %sub3A_297 = arith.subi %squeeze3A_294, %squeeze3A_288 : i32
        %shift_right_arithmetic3A_298 = arith.constant 4 : i32
        %shift_right_arithmetic3A_299 = arith.shrsi %sub3A_297, %shift_right_arithmetic3A_298 : i32
        %while3A_300 = arith.constant 2 : i32
        %while3A_301 = arith.constant 0 : i32
        %while3A_302 = arith.subi %shift_right_arithmetic3A_299, %while3A_301 : i32
        %while3A_303 = arith.addi %while3A_301, %while3A_302 : i32
        %while3A_304 = arith.constant 1 : i32
        %while3A_305 = arith.divsi %while3A_302, %while3A_304 : i32
        %while3A_306 = arith.muli %while3A_305, %while3A_304 : i32
        %while3A_307 = arith.addi %while3A_301, %while3A_306 : i32
        %while3A_308 = arith.constant 1 : i32
        scf.for %while3A_322 = %while3A_301 to %while3A_307 step %while3A_308  : i32 {
          %mul3A_323 = arith.constant 16 : i32
          %mul3A_324 = arith.muli %while3A_322, %mul3A_323 : i32
          %add3A_325 = arith.addi %squeeze3A_288, %mul3A_324 : i32
          %get3A = arith.index_cast %add3A_325 : i32 to index
          %get3A_326 = tpu.vector_load %arg8[%get3A] {strides = array<i32>} : memref<5664xi32, #tpu.memory_space<vmem>>, vector<16xi32>,
          %ge3A = arith.constant 0 : i32
          %ge3A_327 = vector.broadcast %ge3A : i32 to vector<16xi32>
          %ge3A_328 = arith.cmpi sge, %get3A_326, %ge3A_327 : vector<16xi32>
          %shift_right_arithmetic3A_329 = arith.constant 12 : i32
          %shift_right_arithmetic3A_330 = vector.broadcast %shift_right_arithmetic3A_329 : i32 to vector<16xi32>
          %shift_right_arithmetic3A_331 = arith.shrsi %get3A_326, %shift_right_arithmetic3A_330 : vector<16xi32>
          %sub3A_332 = vector.broadcast %mul3A_296 : i32 to vector<16xi32>
          %sub3A_333 = arith.subi %shift_right_arithmetic3A_331, %sub3A_332 : vector<16xi32>
          %and3A = arith.constant 1023 : i32
          %and3A_334 = vector.broadcast %and3A : i32 to vector<16xi32>
          %and3A_335 = arith.andi %sub3A_333, %and3A_334 : vector<16xi32>
          %and3A_336 = arith.constant 4095 : i32
          %and3A_337 = vector.broadcast %and3A_336 : i32 to vector<16xi32>
          %and3A_338 = arith.andi %get3A_326, %and3A_337 : vector<16xi32>
          %broadcast_in_dim3A_339 = arith.constant 0 : i32
          %broadcast_in_dim3A_340 = vector.broadcast %broadcast_in_dim3A_339 : i32 to vector<16xi32>
          %gather3A_341 = arith.constant 0 : i32
          %gather3A_342 = arith.constant 0 : i32
          %gather3A_343 = tpu.memref_slice %arg6[%while3A_300, %gather3A_341, %gather3A_342] : memref<3x16x1024xf32, #tpu.memory_space<vmem>> -> memref<1x16x1024xf32, #tpu.memory_space<vmem>>
          %gather3A_344 = tpu.memref_squeeze %gather3A_343 : memref<1x16x1024xf32, #tpu.memory_space<vmem>> -> memref<16x1024xf32, #tpu.memory_space<vmem>>
          %gather3A_345 = tpu.vector_load_idx %gather3A_344[%broadcast_in_dim3A_340, %and3A_335] masked %ge3A_328 : memref<16x1024xf32, #tpu.memory_space<vmem>>[vector<16xi32>, vector<16xi32>], vector<16xf32>, vector<16xi1>
          tpu.vector_store_idx %arg5[%broadcast_in_dim3A_340, %and3A_338], %gather3A_345 masked %ge3A_328 : memref<16x4096xf32, #tpu.memory_space<vmem>>[vector<16xi32>, vector<16xi32>], vector<16xf32>, vector<16xi1>
          %broadcast_in_dim3A_346 = arith.constant 1 : i32
          %broadcast_in_dim3A_347 = vector.broadcast %broadcast_in_dim3A_346 : i32 to vector<16xi32>
          %gather3A_348 = arith.constant 0 : i32
          %gather3A_349 = arith.constant 0 : i32
          %gather3A_350 = tpu.memref_slice %arg6[%while3A_300, %gather3A_348, %gather3A_349] : memref<3x16x1024xf32, #tpu.memory_space<vmem>> -> memref<1x16x1024xf32, #tpu.memory_space<vmem>>
          %gather3A_351 = tpu.memref_squeeze %gather3A_350 : memref<1x16x1024xf32, #tpu.memory_space<vmem>> -> memref<16x1024xf32, #tpu.memory_space<vmem>>
          %gather3A_352 = tpu.vector_load_idx %gather3A_351[%broadcast_in_dim3A_347, %and3A_335] masked %ge3A_328 : memref<16x1024xf32, #tpu.memory_space<vmem>>[vector<16xi32>, vector<16xi32>], vector<16xf32>, vector<16xi1>
          tpu.vector_store_idx %arg5[%broadcast_in_dim3A_347, %and3A_338], %gather3A_352 masked %ge3A_328 : memref<16x4096xf32, #tpu.memory_space<vmem>>[vector<16xi32>, vector<16xi32>], vector<16xf32>, vector<16xi1>
          %broadcast_in_dim3A_353 = arith.constant 2 : i32
          %broadcast_in_dim3A_354 = vector.broadcast %broadcast_in_dim3A_353 : i32 to vector<16xi32>
          %gather3A_355 = arith.constant 0 : i32
          %gather3A_356 = arith.constant 0 : i32
          %gather3A_357 = tpu.memref_slice %arg6[%while3A_300, %gather3A_355, %gather3A_356] : memref<3x16x1024xf32, #tpu.memory_space<vmem>> -> memref<1x16x1024xf32, #tpu.memory_space<vmem>>
          %gather3A_358 = tpu.memref_squeeze %gather3A_357 : memref<1x16x1024xf32, #tpu.memory_space<vmem>> -> memref<16x1024xf32, #tpu.memory_space<vmem>>
          %gather3A_359 = tpu.vector_load_idx %gather3A_358[%broadcast_in_dim3A_354, %and3A_335] masked %ge3A_328 : memref<16x1024xf32, #tpu.memory_space<vmem>>[vector<16xi32>, vector<16xi32>], vector<16xf32>, vector<16xi1>
          tpu.vector_store_idx %arg5[%broadcast_in_dim3A_354, %and3A_338], %gather3A_359 masked %ge3A_328 : memref<16x4096xf32, #tpu.memory_space<vmem>>[vector<16xi32>, vector<16xi32>], vector<16xf32>, vector<16xi1>
          %broadcast_in_dim3A_360 = arith.constant 3 : i32
          %broadcast_in_dim3A_361 = vector.broadcast %broadcast_in_dim3A_360 : i32 to vector<16xi32>
          %gather3A_362 = arith.constant 0 : i32
          %gather3A_363 = arith.constant 0 : i32
          %gather3A_364 = tpu.memref_slice %arg6[%while3A_300, %gather3A_362, %gather3A_363] : memref<3x16x1024xf32, #tpu.memory_space<vmem>> -> memref<1x16x1024xf32, #tpu.memory_space<vmem>>
          %gather3A_365 = tpu.memref_squeeze %gather3A_364 : memref<1x16x1024xf32, #tpu.memory_space<vmem>> -> memref<16x1024xf32, #tpu.memory_space<vmem>>
          %gather3A_366 = tpu.vector_load_idx %gather3A_365[%broadcast_in_dim3A_361, %and3A_335] masked %ge3A_328 : memref<16x1024xf32, #tpu.memory_space<vmem>>[vector<16xi32>, vector<16xi32>], vector<16xf32>, vector<16xi1>
          tpu.vector_store_idx %arg5[%broadcast_in_dim3A_361, %and3A_338], %gather3A_366 masked %ge3A_328 : memref<16x4096xf32, #tpu.memory_space<vmem>>[vector<16xi32>, vector<16xi32>], vector<16xf32>, vector<16xi1>
          %broadcast_in_dim3A_367 = arith.constant 4 : i32
          %broadcast_in_dim3A_368 = vector.broadcast %broadcast_in_dim3A_367 : i32 to vector<16xi32>
          %gather3A_369 = arith.constant 0 : i32
          %gather3A_370 = arith.constant 0 : i32
          %gather3A_371 = tpu.memref_slice %arg6[%while3A_300, %gather3A_369, %gather3A_370] : memref<3x16x1024xf32, #tpu.memory_space<vmem>> -> memref<1x16x1024xf32, #tpu.memory_space<vmem>>
          %gather3A_372 = tpu.memref_squeeze %gather3A_371 : memref<1x16x1024xf32, #tpu.memory_space<vmem>> -> memref<16x1024xf32, #tpu.memory_space<vmem>>
          %gather3A_373 = tpu.vector_load_idx %gather3A_372[%broadcast_in_dim3A_368, %and3A_335] masked %ge3A_328 : memref<16x1024xf32, #tpu.memory_space<vmem>>[vector<16xi32>, vector<16xi32>], vector<16xf32>, vector<16xi1>
          tpu.vector_store_idx %arg5[%broadcast_in_dim3A_368, %and3A_338], %gather3A_373 masked %ge3A_328 : memref<16x4096xf32, #tpu.memory_space<vmem>>[vector<16xi32>, vector<16xi32>], vector<16xf32>, vector<16xi1>
          %broadcast_in_dim3A_374 = arith.constant 5 : i32
          %broadcast_in_dim3A_375 = vector.broadcast %broadcast_in_dim3A_374 : i32 to vector<16xi32>
          %gather3A_376 = arith.constant 0 : i32
          %gather3A_377 = arith.constant 0 : i32
          %gather3A_378 = tpu.memref_slice %arg6[%while3A_300, %gather3A_376, %gather3A_377] : memref<3x16x1024xf32, #tpu.memory_space<vmem>> -> memref<1x16x1024xf32, #tpu.memory_space<vmem>>
          %gather3A_379 = tpu.memref_squeeze %gather3A_378 : memref<1x16x1024xf32, #tpu.memory_space<vmem>> -> memref<16x1024xf32, #tpu.memory_space<vmem>>
          %gather3A_380 = tpu.vector_load_idx %gather3A_379[%broadcast_in_dim3A_375, %and3A_335] masked %ge3A_328 : memref<16x1024xf32, #tpu.memory_space<vmem>>[vector<16xi32>, vector<16xi32>], vector<16xf32>, vector<16xi1>
          tpu.vector_store_idx %arg5[%broadcast_in_dim3A_375, %and3A_338], %gather3A_380 masked %ge3A_328 : memref<16x4096xf32, #tpu.memory_space<vmem>>[vector<16xi32>, vector<16xi32>], vector<16xf32>, vector<16xi1>
          %broadcast_in_dim3A_381 = arith.constant 6 : i32
          %broadcast_in_dim3A_382 = vector.broadcast %broadcast_in_dim3A_381 : i32 to vector<16xi32>
          %gather3A_383 = arith.constant 0 : i32
          %gather3A_384 = arith.constant 0 : i32
          %gather3A_385 = tpu.memref_slice %arg6[%while3A_300, %gather3A_383, %gather3A_384] : memref<3x16x1024xf32, #tpu.memory_space<vmem>> -> memref<1x16x1024xf32, #tpu.memory_space<vmem>>
          %gather3A_386 = tpu.memref_squeeze %gather3A_385 : memref<1x16x1024xf32, #tpu.memory_space<vmem>> -> memref<16x1024xf32, #tpu.memory_space<vmem>>
          %gather3A_387 = tpu.vector_load_idx %gather3A_386[%broadcast_in_dim3A_382, %and3A_335] masked %ge3A_328 : memref<16x1024xf32, #tpu.memory_space<vmem>>[vector<16xi32>, vector<16xi32>], vector<16xf32>, vector<16xi1>
          tpu.vector_store_idx %arg5[%broadcast_in_dim3A_382, %and3A_338], %gather3A_387 masked %ge3A_328 : memref<16x4096xf32, #tpu.memory_space<vmem>>[vector<16xi32>, vector<16xi32>], vector<16xf32>, vector<16xi1>
          %broadcast_in_dim3A_388 = arith.constant 7 : i32
          %broadcast_in_dim3A_389 = vector.broadcast %broadcast_in_dim3A_388 : i32 to vector<16xi32>
          %gather3A_390 = arith.constant 0 : i32
          %gather3A_391 = arith.constant 0 : i32
          %gather3A_392 = tpu.memref_slice %arg6[%while3A_300, %gather3A_390, %gather3A_391] : memref<3x16x1024xf32, #tpu.memory_space<vmem>> -> memref<1x16x1024xf32, #tpu.memory_space<vmem>>
          %gather3A_393 = tpu.memref_squeeze %gather3A_392 : memref<1x16x1024xf32, #tpu.memory_space<vmem>> -> memref<16x1024xf32, #tpu.memory_space<vmem>>
          %gather3A_394 = tpu.vector_load_idx %gather3A_393[%broadcast_in_dim3A_389, %and3A_335] masked %ge3A_328 : memref<16x1024xf32, #tpu.memory_space<vmem>>[vector<16xi32>, vector<16xi32>], vector<16xf32>, vector<16xi1>
          tpu.vector_store_idx %arg5[%broadcast_in_dim3A_389, %and3A_338], %gather3A_394 masked %ge3A_328 : memref<16x4096xf32, #tpu.memory_space<vmem>>[vector<16xi32>, vector<16xi32>], vector<16xf32>, vector<16xi1>
          %broadcast_in_dim3A_395 = arith.constant 8 : i32
          %broadcast_in_dim3A_396 = vector.broadcast %broadcast_in_dim3A_395 : i32 to vector<16xi32>
          %gather3A_397 = arith.constant 0 : i32
          %gather3A_398 = arith.constant 0 : i32
          %gather3A_399 = tpu.memref_slice %arg6[%while3A_300, %gather3A_397, %gather3A_398] : memref<3x16x1024xf32, #tpu.memory_space<vmem>> -> memref<1x16x1024xf32, #tpu.memory_space<vmem>>
          %gather3A_400 = tpu.memref_squeeze %gather3A_399 : memref<1x16x1024xf32, #tpu.memory_space<vmem>> -> memref<16x1024xf32, #tpu.memory_space<vmem>>
          %gather3A_401 = tpu.vector_load_idx %gather3A_400[%broadcast_in_dim3A_396, %and3A_335] masked %ge3A_328 : memref<16x1024xf32, #tpu.memory_space<vmem>>[vector<16xi32>, vector<16xi32>], vector<16xf32>, vector<16xi1>
          tpu.vector_store_idx %arg5[%broadcast_in_dim3A_396, %and3A_338], %gather3A_401 masked %ge3A_328 : memref<16x4096xf32, #tpu.memory_space<vmem>>[vector<16xi32>, vector<16xi32>], vector<16xf32>, vector<16xi1>
          %broadcast_in_dim3A_402 = arith.constant 9 : i32
          %broadcast_in_dim3A_403 = vector.broadcast %broadcast_in_dim3A_402 : i32 to vector<16xi32>
          %gather3A_404 = arith.constant 0 : i32
          %gather3A_405 = arith.constant 0 : i32
          %gather3A_406 = tpu.memref_slice %arg6[%while3A_300, %gather3A_404, %gather3A_405] : memref<3x16x1024xf32, #tpu.memory_space<vmem>> -> memref<1x16x1024xf32, #tpu.memory_space<vmem>>
          %gather3A_407 = tpu.memref_squeeze %gather3A_406 : memref<1x16x1024xf32, #tpu.memory_space<vmem>> -> memref<16x1024xf32, #tpu.memory_space<vmem>>
          %gather3A_408 = tpu.vector_load_idx %gather3A_407[%broadcast_in_dim3A_403, %and3A_335] masked %ge3A_328 : memref<16x1024xf32, #tpu.memory_space<vmem>>[vector<16xi32>, vector<16xi32>], vector<16xf32>, vector<16xi1>
          tpu.vector_store_idx %arg5[%broadcast_in_dim3A_403, %and3A_338], %gather3A_408 masked %ge3A_328 : memref<16x4096xf32, #tpu.memory_space<vmem>>[vector<16xi32>, vector<16xi32>], vector<16xf32>, vector<16xi1>
          %broadcast_in_dim3A_409 = arith.constant 10 : i32
          %broadcast_in_dim3A_410 = vector.broadcast %broadcast_in_dim3A_409 : i32 to vector<16xi32>
          %gather3A_411 = arith.constant 0 : i32
          %gather3A_412 = arith.constant 0 : i32
          %gather3A_413 = tpu.memref_slice %arg6[%while3A_300, %gather3A_411, %gather3A_412] : memref<3x16x1024xf32, #tpu.memory_space<vmem>> -> memref<1x16x1024xf32, #tpu.memory_space<vmem>>
          %gather3A_414 = tpu.memref_squeeze %gather3A_413 : memref<1x16x1024xf32, #tpu.memory_space<vmem>> -> memref<16x1024xf32, #tpu.memory_space<vmem>>
          %gather3A_415 = tpu.vector_load_idx %gather3A_414[%broadcast_in_dim3A_410, %and3A_335] masked %ge3A_328 : memref<16x1024xf32, #tpu.memory_space<vmem>>[vector<16xi32>, vector<16xi32>], vector<16xf32>, vector<16xi1>
          tpu.vector_store_idx %arg5[%broadcast_in_dim3A_410, %and3A_338], %gather3A_415 masked %ge3A_328 : memref<16x4096xf32, #tpu.memory_space<vmem>>[vector<16xi32>, vector<16xi32>], vector<16xf32>, vector<16xi1>
          %broadcast_in_dim3A_416 = arith.constant 11 : i32
          %broadcast_in_dim3A_417 = vector.broadcast %broadcast_in_dim3A_416 : i32 to vector<16xi32>
          %gather3A_418 = arith.constant 0 : i32
          %gather3A_419 = arith.constant 0 : i32
          %gather3A_420 = tpu.memref_slice %arg6[%while3A_300, %gather3A_418, %gather3A_419] : memref<3x16x1024xf32, #tpu.memory_space<vmem>> -> memref<1x16x1024xf32, #tpu.memory_space<vmem>>
          %gather3A_421 = tpu.memref_squeeze %gather3A_420 : memref<1x16x1024xf32, #tpu.memory_space<vmem>> -> memref<16x1024xf32, #tpu.memory_space<vmem>>
          %gather3A_422 = tpu.vector_load_idx %gather3A_421[%broadcast_in_dim3A_417, %and3A_335] masked %ge3A_328 : memref<16x1024xf32, #tpu.memory_space<vmem>>[vector<16xi32>, vector<16xi32>], vector<16xf32>, vector<16xi1>
          tpu.vector_store_idx %arg5[%broadcast_in_dim3A_417, %and3A_338], %gather3A_422 masked %ge3A_328 : memref<16x4096xf32, #tpu.memory_space<vmem>>[vector<16xi32>, vector<16xi32>], vector<16xf32>, vector<16xi1>
          %broadcast_in_dim3A_423 = arith.constant 12 : i32
          %broadcast_in_dim3A_424 = vector.broadcast %broadcast_in_dim3A_423 : i32 to vector<16xi32>
          %gather3A_425 = arith.constant 0 : i32
          %gather3A_426 = arith.constant 0 : i32
          %gather3A_427 = tpu.memref_slice %arg6[%while3A_300, %gather3A_425, %gather3A_426] : memref<3x16x1024xf32, #tpu.memory_space<vmem>> -> memref<1x16x1024xf32, #tpu.memory_space<vmem>>
          %gather3A_428 = tpu.memref_squeeze %gather3A_427 : memref<1x16x1024xf32, #tpu.memory_space<vmem>> -> memref<16x1024xf32, #tpu.memory_space<vmem>>
          %gather3A_429 = tpu.vector_load_idx %gather3A_428[%broadcast_in_dim3A_424, %and3A_335] masked %ge3A_328 : memref<16x1024xf32, #tpu.memory_space<vmem>>[vector<16xi32>, vector<16xi32>], vector<16xf32>, vector<16xi1>
          tpu.vector_store_idx %arg5[%broadcast_in_dim3A_424, %and3A_338], %gather3A_429 masked %ge3A_328 : memref<16x4096xf32, #tpu.memory_space<vmem>>[vector<16xi32>, vector<16xi32>], vector<16xf32>, vector<16xi1>
          %broadcast_in_dim3A_430 = arith.constant 13 : i32
          %broadcast_in_dim3A_431 = vector.broadcast %broadcast_in_dim3A_430 : i32 to vector<16xi32>
          %gather3A_432 = arith.constant 0 : i32
          %gather3A_433 = arith.constant 0 : i32
          %gather3A_434 = tpu.memref_slice %arg6[%while3A_300, %gather3A_432, %gather3A_433] : memref<3x16x1024xf32, #tpu.memory_space<vmem>> -> memref<1x16x1024xf32, #tpu.memory_space<vmem>>
          %gather3A_435 = tpu.memref_squeeze %gather3A_434 : memref<1x16x1024xf32, #tpu.memory_space<vmem>> -> memref<16x1024xf32, #tpu.memory_space<vmem>>
          %gather3A_436 = tpu.vector_load_idx %gather3A_435[%broadcast_in_dim3A_431, %and3A_335] masked %ge3A_328 : memref<16x1024xf32, #tpu.memory_space<vmem>>[vector<16xi32>, vector<16xi32>], vector<16xf32>, vector<16xi1>
          tpu.vector_store_idx %arg5[%broadcast_in_dim3A_431, %and3A_338], %gather3A_436 masked %ge3A_328 : memref<16x4096xf32, #tpu.memory_space<vmem>>[vector<16xi32>, vector<16xi32>], vector<16xf32>, vector<16xi1>
          %broadcast_in_dim3A_437 = arith.constant 14 : i32
          %broadcast_in_dim3A_438 = vector.broadcast %broadcast_in_dim3A_437 : i32 to vector<16xi32>
          %gather3A_439 = arith.constant 0 : i32
          %gather3A_440 = arith.constant 0 : i32
          %gather3A_441 = tpu.memref_slice %arg6[%while3A_300, %gather3A_439, %gather3A_440] : memref<3x16x1024xf32, #tpu.memory_space<vmem>> -> memref<1x16x1024xf32, #tpu.memory_space<vmem>>
          %gather3A_442 = tpu.memref_squeeze %gather3A_441 : memref<1x16x1024xf32, #tpu.memory_space<vmem>> -> memref<16x1024xf32, #tpu.memory_space<vmem>>
          %gather3A_443 = tpu.vector_load_idx %gather3A_442[%broadcast_in_dim3A_438, %and3A_335] masked %ge3A_328 : memref<16x1024xf32, #tpu.memory_space<vmem>>[vector<16xi32>, vector<16xi32>], vector<16xf32>, vector<16xi1>
          tpu.vector_store_idx %arg5[%broadcast_in_dim3A_438, %and3A_338], %gather3A_443 masked %ge3A_328 : memref<16x4096xf32, #tpu.memory_space<vmem>>[vector<16xi32>, vector<16xi32>], vector<16xf32>, vector<16xi1>
          %broadcast_in_dim3A_444 = arith.constant 15 : i32
          %broadcast_in_dim3A_445 = vector.broadcast %broadcast_in_dim3A_444 : i32 to vector<16xi32>
          %gather3A_446 = arith.constant 0 : i32
          %gather3A_447 = arith.constant 0 : i32
          %gather3A_448 = tpu.memref_slice %arg6[%while3A_300, %gather3A_446, %gather3A_447] : memref<3x16x1024xf32, #tpu.memory_space<vmem>> -> memref<1x16x1024xf32, #tpu.memory_space<vmem>>
          %gather3A_449 = tpu.memref_squeeze %gather3A_448 : memref<1x16x1024xf32, #tpu.memory_space<vmem>> -> memref<16x1024xf32, #tpu.memory_space<vmem>>
          %gather3A_450 = tpu.vector_load_idx %gather3A_449[%broadcast_in_dim3A_445, %and3A_335] masked %ge3A_328 : memref<16x1024xf32, #tpu.memory_space<vmem>>[vector<16xi32>, vector<16xi32>], vector<16xf32>, vector<16xi1>
          tpu.vector_store_idx %arg5[%broadcast_in_dim3A_445, %and3A_338], %gather3A_450 masked %ge3A_328 : memref<16x4096xf32, #tpu.memory_space<vmem>>[vector<16xi32>, vector<16xi32>], vector<16xf32>, vector<16xi1>
        }
        %while3A_309 = arith.constant 1 : i32
        scf.for %while3A_322 = %while3A_307 to %while3A_303 step %while3A_309  : i32 {
          %mul3A_323 = arith.constant 16 : i32
          %mul3A_324 = arith.muli %while3A_322, %mul3A_323 : i32
          %add3A_325 = arith.addi %squeeze3A_288, %mul3A_324 : i32
          %get3A = arith.index_cast %add3A_325 : i32 to index
          %get3A_326 = tpu.vector_load %arg8[%get3A] {strides = array<i32>} : memref<5664xi32, #tpu.memory_space<vmem>>, vector<16xi32>,
          %ge3A = arith.constant 0 : i32
          %ge3A_327 = vector.broadcast %ge3A : i32 to vector<16xi32>
          %ge3A_328 = arith.cmpi sge, %get3A_326, %ge3A_327 : vector<16xi32>
          %shift_right_arithmetic3A_329 = arith.constant 12 : i32
          %shift_right_arithmetic3A_330 = vector.broadcast %shift_right_arithmetic3A_329 : i32 to vector<16xi32>
          %shift_right_arithmetic3A_331 = arith.shrsi %get3A_326, %shift_right_arithmetic3A_330 : vector<16xi32>
          %sub3A_332 = vector.broadcast %mul3A_296 : i32 to vector<16xi32>
          %sub3A_333 = arith.subi %shift_right_arithmetic3A_331, %sub3A_332 : vector<16xi32>
          %and3A = arith.constant 1023 : i32
          %and3A_334 = vector.broadcast %and3A : i32 to vector<16xi32>
          %and3A_335 = arith.andi %sub3A_333, %and3A_334 : vector<16xi32>
          %and3A_336 = arith.constant 4095 : i32
          %and3A_337 = vector.broadcast %and3A_336 : i32 to vector<16xi32>
          %and3A_338 = arith.andi %get3A_326, %and3A_337 : vector<16xi32>
          %broadcast_in_dim3A_339 = arith.constant 0 : i32
          %broadcast_in_dim3A_340 = vector.broadcast %broadcast_in_dim3A_339 : i32 to vector<16xi32>
          %gather3A_341 = arith.constant 0 : i32
          %gather3A_342 = arith.constant 0 : i32
          %gather3A_343 = tpu.memref_slice %arg6[%while3A_300, %gather3A_341, %gather3A_342] : memref<3x16x1024xf32, #tpu.memory_space<vmem>> -> memref<1x16x1024xf32, #tpu.memory_space<vmem>>
          %gather3A_344 = tpu.memref_squeeze %gather3A_343 : memref<1x16x1024xf32, #tpu.memory_space<vmem>> -> memref<16x1024xf32, #tpu.memory_space<vmem>>
          %gather3A_345 = tpu.vector_load_idx %gather3A_344[%broadcast_in_dim3A_340, %and3A_335] masked %ge3A_328 : memref<16x1024xf32, #tpu.memory_space<vmem>>[vector<16xi32>, vector<16xi32>], vector<16xf32>, vector<16xi1>
          tpu.vector_store_idx %arg5[%broadcast_in_dim3A_340, %and3A_338], %gather3A_345 masked %ge3A_328 : memref<16x4096xf32, #tpu.memory_space<vmem>>[vector<16xi32>, vector<16xi32>], vector<16xf32>, vector<16xi1>
          %broadcast_in_dim3A_346 = arith.constant 1 : i32
          %broadcast_in_dim3A_347 = vector.broadcast %broadcast_in_dim3A_346 : i32 to vector<16xi32>
          %gather3A_348 = arith.constant 0 : i32
          %gather3A_349 = arith.constant 0 : i32
          %gather3A_350 = tpu.memref_slice %arg6[%while3A_300, %gather3A_348, %gather3A_349] : memref<3x16x1024xf32, #tpu.memory_space<vmem>> -> memref<1x16x1024xf32, #tpu.memory_space<vmem>>
          %gather3A_351 = tpu.memref_squeeze %gather3A_350 : memref<1x16x1024xf32, #tpu.memory_space<vmem>> -> memref<16x1024xf32, #tpu.memory_space<vmem>>
          %gather3A_352 = tpu.vector_load_idx %gather3A_351[%broadcast_in_dim3A_347, %and3A_335] masked %ge3A_328 : memref<16x1024xf32, #tpu.memory_space<vmem>>[vector<16xi32>, vector<16xi32>], vector<16xf32>, vector<16xi1>
          tpu.vector_store_idx %arg5[%broadcast_in_dim3A_347, %and3A_338], %gather3A_352 masked %ge3A_328 : memref<16x4096xf32, #tpu.memory_space<vmem>>[vector<16xi32>, vector<16xi32>], vector<16xf32>, vector<16xi1>
          %broadcast_in_dim3A_353 = arith.constant 2 : i32
          %broadcast_in_dim3A_354 = vector.broadcast %broadcast_in_dim3A_353 : i32 to vector<16xi32>
          %gather3A_355 = arith.constant 0 : i32
          %gather3A_356 = arith.constant 0 : i32
          %gather3A_357 = tpu.memref_slice %arg6[%while3A_300, %gather3A_355, %gather3A_356] : memref<3x16x1024xf32, #tpu.memory_space<vmem>> -> memref<1x16x1024xf32, #tpu.memory_space<vmem>>
          %gather3A_358 = tpu.memref_squeeze %gather3A_357 : memref<1x16x1024xf32, #tpu.memory_space<vmem>> -> memref<16x1024xf32, #tpu.memory_space<vmem>>
          %gather3A_359 = tpu.vector_load_idx %gather3A_358[%broadcast_in_dim3A_354, %and3A_335] masked %ge3A_328 : memref<16x1024xf32, #tpu.memory_space<vmem>>[vector<16xi32>, vector<16xi32>], vector<16xf32>, vector<16xi1>
          tpu.vector_store_idx %arg5[%broadcast_in_dim3A_354, %and3A_338], %gather3A_359 masked %ge3A_328 : memref<16x4096xf32, #tpu.memory_space<vmem>>[vector<16xi32>, vector<16xi32>], vector<16xf32>, vector<16xi1>
          %broadcast_in_dim3A_360 = arith.constant 3 : i32
          %broadcast_in_dim3A_361 = vector.broadcast %broadcast_in_dim3A_360 : i32 to vector<16xi32>
          %gather3A_362 = arith.constant 0 : i32
          %gather3A_363 = arith.constant 0 : i32
          %gather3A_364 = tpu.memref_slice %arg6[%while3A_300, %gather3A_362, %gather3A_363] : memref<3x16x1024xf32, #tpu.memory_space<vmem>> -> memref<1x16x1024xf32, #tpu.memory_space<vmem>>
          %gather3A_365 = tpu.memref_squeeze %gather3A_364 : memref<1x16x1024xf32, #tpu.memory_space<vmem>> -> memref<16x1024xf32, #tpu.memory_space<vmem>>
          %gather3A_366 = tpu.vector_load_idx %gather3A_365[%broadcast_in_dim3A_361, %and3A_335] masked %ge3A_328 : memref<16x1024xf32, #tpu.memory_space<vmem>>[vector<16xi32>, vector<16xi32>], vector<16xf32>, vector<16xi1>
          tpu.vector_store_idx %arg5[%broadcast_in_dim3A_361, %and3A_338], %gather3A_366 masked %ge3A_328 : memref<16x4096xf32, #tpu.memory_space<vmem>>[vector<16xi32>, vector<16xi32>], vector<16xf32>, vector<16xi1>
          %broadcast_in_dim3A_367 = arith.constant 4 : i32
          %broadcast_in_dim3A_368 = vector.broadcast %broadcast_in_dim3A_367 : i32 to vector<16xi32>
          %gather3A_369 = arith.constant 0 : i32
          %gather3A_370 = arith.constant 0 : i32
          %gather3A_371 = tpu.memref_slice %arg6[%while3A_300, %gather3A_369, %gather3A_370] : memref<3x16x1024xf32, #tpu.memory_space<vmem>> -> memref<1x16x1024xf32, #tpu.memory_space<vmem>>
          %gather3A_372 = tpu.memref_squeeze %gather3A_371 : memref<1x16x1024xf32, #tpu.memory_space<vmem>> -> memref<16x1024xf32, #tpu.memory_space<vmem>>
          %gather3A_373 = tpu.vector_load_idx %gather3A_372[%broadcast_in_dim3A_368, %and3A_335] masked %ge3A_328 : memref<16x1024xf32, #tpu.memory_space<vmem>>[vector<16xi32>, vector<16xi32>], vector<16xf32>, vector<16xi1>
          tpu.vector_store_idx %arg5[%broadcast_in_dim3A_368, %and3A_338], %gather3A_373 masked %ge3A_328 : memref<16x4096xf32, #tpu.memory_space<vmem>>[vector<16xi32>, vector<16xi32>], vector<16xf32>, vector<16xi1>
          %broadcast_in_dim3A_374 = arith.constant 5 : i32
          %broadcast_in_dim3A_375 = vector.broadcast %broadcast_in_dim3A_374 : i32 to vector<16xi32>
          %gather3A_376 = arith.constant 0 : i32
          %gather3A_377 = arith.constant 0 : i32
          %gather3A_378 = tpu.memref_slice %arg6[%while3A_300, %gather3A_376, %gather3A_377] : memref<3x16x1024xf32, #tpu.memory_space<vmem>> -> memref<1x16x1024xf32, #tpu.memory_space<vmem>>
          %gather3A_379 = tpu.memref_squeeze %gather3A_378 : memref<1x16x1024xf32, #tpu.memory_space<vmem>> -> memref<16x1024xf32, #tpu.memory_space<vmem>>
          %gather3A_380 = tpu.vector_load_idx %gather3A_379[%broadcast_in_dim3A_375, %and3A_335] masked %ge3A_328 : memref<16x1024xf32, #tpu.memory_space<vmem>>[vector<16xi32>, vector<16xi32>], vector<16xf32>, vector<16xi1>
          tpu.vector_store_idx %arg5[%broadcast_in_dim3A_375, %and3A_338], %gather3A_380 masked %ge3A_328 : memref<16x4096xf32, #tpu.memory_space<vmem>>[vector<16xi32>, vector<16xi32>], vector<16xf32>, vector<16xi1>
          %broadcast_in_dim3A_381 = arith.constant 6 : i32
          %broadcast_in_dim3A_382 = vector.broadcast %broadcast_in_dim3A_381 : i32 to vector<16xi32>
          %gather3A_383 = arith.constant 0 : i32
          %gather3A_384 = arith.constant 0 : i32
          %gather3A_385 = tpu.memref_slice %arg6[%while3A_300, %gather3A_383, %gather3A_384] : memref<3x16x1024xf32, #tpu.memory_space<vmem>> -> memref<1x16x1024xf32, #tpu.memory_space<vmem>>
          %gather3A_386 = tpu.memref_squeeze %gather3A_385 : memref<1x16x1024xf32, #tpu.memory_space<vmem>> -> memref<16x1024xf32, #tpu.memory_space<vmem>>
          %gather3A_387 = tpu.vector_load_idx %gather3A_386[%broadcast_in_dim3A_382, %and3A_335] masked %ge3A_328 : memref<16x1024xf32, #tpu.memory_space<vmem>>[vector<16xi32>, vector<16xi32>], vector<16xf32>, vector<16xi1>
          tpu.vector_store_idx %arg5[%broadcast_in_dim3A_382, %and3A_338], %gather3A_387 masked %ge3A_328 : memref<16x4096xf32, #tpu.memory_space<vmem>>[vector<16xi32>, vector<16xi32>], vector<16xf32>, vector<16xi1>
          %broadcast_in_dim3A_388 = arith.constant 7 : i32
          %broadcast_in_dim3A_389 = vector.broadcast %broadcast_in_dim3A_388 : i32 to vector<16xi32>
          %gather3A_390 = arith.constant 0 : i32
          %gather3A_391 = arith.constant 0 : i32
          %gather3A_392 = tpu.memref_slice %arg6[%while3A_300, %gather3A_390, %gather3A_391] : memref<3x16x1024xf32, #tpu.memory_space<vmem>> -> memref<1x16x1024xf32, #tpu.memory_space<vmem>>
          %gather3A_393 = tpu.memref_squeeze %gather3A_392 : memref<1x16x1024xf32, #tpu.memory_space<vmem>> -> memref<16x1024xf32, #tpu.memory_space<vmem>>
          %gather3A_394 = tpu.vector_load_idx %gather3A_393[%broadcast_in_dim3A_389, %and3A_335] masked %ge3A_328 : memref<16x1024xf32, #tpu.memory_space<vmem>>[vector<16xi32>, vector<16xi32>], vector<16xf32>, vector<16xi1>
          tpu.vector_store_idx %arg5[%broadcast_in_dim3A_389, %and3A_338], %gather3A_394 masked %ge3A_328 : memref<16x4096xf32, #tpu.memory_space<vmem>>[vector<16xi32>, vector<16xi32>], vector<16xf32>, vector<16xi1>
          %broadcast_in_dim3A_395 = arith.constant 8 : i32
          %broadcast_in_dim3A_396 = vector.broadcast %broadcast_in_dim3A_395 : i32 to vector<16xi32>
          %gather3A_397 = arith.constant 0 : i32
          %gather3A_398 = arith.constant 0 : i32
          %gather3A_399 = tpu.memref_slice %arg6[%while3A_300, %gather3A_397, %gather3A_398] : memref<3x16x1024xf32, #tpu.memory_space<vmem>> -> memref<1x16x1024xf32, #tpu.memory_space<vmem>>
          %gather3A_400 = tpu.memref_squeeze %gather3A_399 : memref<1x16x1024xf32, #tpu.memory_space<vmem>> -> memref<16x1024xf32, #tpu.memory_space<vmem>>
          %gather3A_401 = tpu.vector_load_idx %gather3A_400[%broadcast_in_dim3A_396, %and3A_335] masked %ge3A_328 : memref<16x1024xf32, #tpu.memory_space<vmem>>[vector<16xi32>, vector<16xi32>], vector<16xf32>, vector<16xi1>
          tpu.vector_store_idx %arg5[%broadcast_in_dim3A_396, %and3A_338], %gather3A_401 masked %ge3A_328 : memref<16x4096xf32, #tpu.memory_space<vmem>>[vector<16xi32>, vector<16xi32>], vector<16xf32>, vector<16xi1>
          %broadcast_in_dim3A_402 = arith.constant 9 : i32
          %broadcast_in_dim3A_403 = vector.broadcast %broadcast_in_dim3A_402 : i32 to vector<16xi32>
          %gather3A_404 = arith.constant 0 : i32
          %gather3A_405 = arith.constant 0 : i32
          %gather3A_406 = tpu.memref_slice %arg6[%while3A_300, %gather3A_404, %gather3A_405] : memref<3x16x1024xf32, #tpu.memory_space<vmem>> -> memref<1x16x1024xf32, #tpu.memory_space<vmem>>
          %gather3A_407 = tpu.memref_squeeze %gather3A_406 : memref<1x16x1024xf32, #tpu.memory_space<vmem>> -> memref<16x1024xf32, #tpu.memory_space<vmem>>
          %gather3A_408 = tpu.vector_load_idx %gather3A_407[%broadcast_in_dim3A_403, %and3A_335] masked %ge3A_328 : memref<16x1024xf32, #tpu.memory_space<vmem>>[vector<16xi32>, vector<16xi32>], vector<16xf32>, vector<16xi1>
          tpu.vector_store_idx %arg5[%broadcast_in_dim3A_403, %and3A_338], %gather3A_408 masked %ge3A_328 : memref<16x4096xf32, #tpu.memory_space<vmem>>[vector<16xi32>, vector<16xi32>], vector<16xf32>, vector<16xi1>
          %broadcast_in_dim3A_409 = arith.constant 10 : i32
          %broadcast_in_dim3A_410 = vector.broadcast %broadcast_in_dim3A_409 : i32 to vector<16xi32>
          %gather3A_411 = arith.constant 0 : i32
          %gather3A_412 = arith.constant 0 : i32
          %gather3A_413 = tpu.memref_slice %arg6[%while3A_300, %gather3A_411, %gather3A_412] : memref<3x16x1024xf32, #tpu.memory_space<vmem>> -> memref<1x16x1024xf32, #tpu.memory_space<vmem>>
          %gather3A_414 = tpu.memref_squeeze %gather3A_413 : memref<1x16x1024xf32, #tpu.memory_space<vmem>> -> memref<16x1024xf32, #tpu.memory_space<vmem>>
          %gather3A_415 = tpu.vector_load_idx %gather3A_414[%broadcast_in_dim3A_410, %and3A_335] masked %ge3A_328 : memref<16x1024xf32, #tpu.memory_space<vmem>>[vector<16xi32>, vector<16xi32>], vector<16xf32>, vector<16xi1>
          tpu.vector_store_idx %arg5[%broadcast_in_dim3A_410, %and3A_338], %gather3A_415 masked %ge3A_328 : memref<16x4096xf32, #tpu.memory_space<vmem>>[vector<16xi32>, vector<16xi32>], vector<16xf32>, vector<16xi1>
          %broadcast_in_dim3A_416 = arith.constant 11 : i32
          %broadcast_in_dim3A_417 = vector.broadcast %broadcast_in_dim3A_416 : i32 to vector<16xi32>
          %gather3A_418 = arith.constant 0 : i32
          %gather3A_419 = arith.constant 0 : i32
          %gather3A_420 = tpu.memref_slice %arg6[%while3A_300, %gather3A_418, %gather3A_419] : memref<3x16x1024xf32, #tpu.memory_space<vmem>> -> memref<1x16x1024xf32, #tpu.memory_space<vmem>>
          %gather3A_421 = tpu.memref_squeeze %gather3A_420 : memref<1x16x1024xf32, #tpu.memory_space<vmem>> -> memref<16x1024xf32, #tpu.memory_space<vmem>>
          %gather3A_422 = tpu.vector_load_idx %gather3A_421[%broadcast_in_dim3A_417, %and3A_335] masked %ge3A_328 : memref<16x1024xf32, #tpu.memory_space<vmem>>[vector<16xi32>, vector<16xi32>], vector<16xf32>, vector<16xi1>
          tpu.vector_store_idx %arg5[%broadcast_in_dim3A_417, %and3A_338], %gather3A_422 masked %ge3A_328 : memref<16x4096xf32, #tpu.memory_space<vmem>>[vector<16xi32>, vector<16xi32>], vector<16xf32>, vector<16xi1>
          %broadcast_in_dim3A_423 = arith.constant 12 : i32
          %broadcast_in_dim3A_424 = vector.broadcast %broadcast_in_dim3A_423 : i32 to vector<16xi32>
          %gather3A_425 = arith.constant 0 : i32
          %gather3A_426 = arith.constant 0 : i32
          %gather3A_427 = tpu.memref_slice %arg6[%while3A_300, %gather3A_425, %gather3A_426] : memref<3x16x1024xf32, #tpu.memory_space<vmem>> -> memref<1x16x1024xf32, #tpu.memory_space<vmem>>
          %gather3A_428 = tpu.memref_squeeze %gather3A_427 : memref<1x16x1024xf32, #tpu.memory_space<vmem>> -> memref<16x1024xf32, #tpu.memory_space<vmem>>
          %gather3A_429 = tpu.vector_load_idx %gather3A_428[%broadcast_in_dim3A_424, %and3A_335] masked %ge3A_328 : memref<16x1024xf32, #tpu.memory_space<vmem>>[vector<16xi32>, vector<16xi32>], vector<16xf32>, vector<16xi1>
          tpu.vector_store_idx %arg5[%broadcast_in_dim3A_424, %and3A_338], %gather3A_429 masked %ge3A_328 : memref<16x4096xf32, #tpu.memory_space<vmem>>[vector<16xi32>, vector<16xi32>], vector<16xf32>, vector<16xi1>
          %broadcast_in_dim3A_430 = arith.constant 13 : i32
          %broadcast_in_dim3A_431 = vector.broadcast %broadcast_in_dim3A_430 : i32 to vector<16xi32>
          %gather3A_432 = arith.constant 0 : i32
          %gather3A_433 = arith.constant 0 : i32
          %gather3A_434 = tpu.memref_slice %arg6[%while3A_300, %gather3A_432, %gather3A_433] : memref<3x16x1024xf32, #tpu.memory_space<vmem>> -> memref<1x16x1024xf32, #tpu.memory_space<vmem>>
          %gather3A_435 = tpu.memref_squeeze %gather3A_434 : memref<1x16x1024xf32, #tpu.memory_space<vmem>> -> memref<16x1024xf32, #tpu.memory_space<vmem>>
          %gather3A_436 = tpu.vector_load_idx %gather3A_435[%broadcast_in_dim3A_431, %and3A_335] masked %ge3A_328 : memref<16x1024xf32, #tpu.memory_space<vmem>>[vector<16xi32>, vector<16xi32>], vector<16xf32>, vector<16xi1>
          tpu.vector_store_idx %arg5[%broadcast_in_dim3A_431, %and3A_338], %gather3A_436 masked %ge3A_328 : memref<16x4096xf32, #tpu.memory_space<vmem>>[vector<16xi32>, vector<16xi32>], vector<16xf32>, vector<16xi1>
          %broadcast_in_dim3A_437 = arith.constant 14 : i32
          %broadcast_in_dim3A_438 = vector.broadcast %broadcast_in_dim3A_437 : i32 to vector<16xi32>
          %gather3A_439 = arith.constant 0 : i32
          %gather3A_440 = arith.constant 0 : i32
          %gather3A_441 = tpu.memref_slice %arg6[%while3A_300, %gather3A_439, %gather3A_440] : memref<3x16x1024xf32, #tpu.memory_space<vmem>> -> memref<1x16x1024xf32, #tpu.memory_space<vmem>>
          %gather3A_442 = tpu.memref_squeeze %gather3A_441 : memref<1x16x1024xf32, #tpu.memory_space<vmem>> -> memref<16x1024xf32, #tpu.memory_space<vmem>>
          %gather3A_443 = tpu.vector_load_idx %gather3A_442[%broadcast_in_dim3A_438, %and3A_335] masked %ge3A_328 : memref<16x1024xf32, #tpu.memory_space<vmem>>[vector<16xi32>, vector<16xi32>], vector<16xf32>, vector<16xi1>
          tpu.vector_store_idx %arg5[%broadcast_in_dim3A_438, %and3A_338], %gather3A_443 masked %ge3A_328 : memref<16x4096xf32, #tpu.memory_space<vmem>>[vector<16xi32>, vector<16xi32>], vector<16xf32>, vector<16xi1>
          %broadcast_in_dim3A_444 = arith.constant 15 : i32
          %broadcast_in_dim3A_445 = vector.broadcast %broadcast_in_dim3A_444 : i32 to vector<16xi32>
          %gather3A_446 = arith.constant 0 : i32
          %gather3A_447 = arith.constant 0 : i32
          %gather3A_448 = tpu.memref_slice %arg6[%while3A_300, %gather3A_446, %gather3A_447] : memref<3x16x1024xf32, #tpu.memory_space<vmem>> -> memref<1x16x1024xf32, #tpu.memory_space<vmem>>
          %gather3A_449 = tpu.memref_squeeze %gather3A_448 : memref<1x16x1024xf32, #tpu.memory_space<vmem>> -> memref<16x1024xf32, #tpu.memory_space<vmem>>
          %gather3A_450 = tpu.vector_load_idx %gather3A_449[%broadcast_in_dim3A_445, %and3A_335] masked %ge3A_328 : memref<16x1024xf32, #tpu.memory_space<vmem>>[vector<16xi32>, vector<16xi32>], vector<16xf32>, vector<16xi1>
          tpu.vector_store_idx %arg5[%broadcast_in_dim3A_445, %and3A_338], %gather3A_450 masked %ge3A_328 : memref<16x4096xf32, #tpu.memory_space<vmem>>[vector<16xi32>, vector<16xi32>], vector<16xf32>, vector<16xi1>
        }
        %add3A_310 = arith.constant 3 : i32
        %add3A_311 = arith.addi %add3A_271, %add3A_310 : i32
        %lt3A_312 = arith.constant 97 : i32
        %lt3A_313 = arith.cmpi slt, %add3A_311, %lt3A_312 : i32
        %convert_element_type3A_314 = arith.extui %lt3A_313 : i1 to i32
        %cond3A_315 = arith.constant 0 : i32
        %cond3A_316 = arith.cmpi ne, %convert_element_type3A_314, %cond3A_315 : i32
        scf.if %cond3A_316 {
          %add3A_322 = arith.constant 3 : i32
          %add3A_323 = arith.addi %add3A_271, %add3A_322 : i32
          %mul3A_324 = arith.constant 1024 : i32
          %mul3A_325 = arith.muli %add3A_323, %mul3A_324 : i32
          %multiple_of3A_326 = tpu.assume_multiple %mul3A_325, 1024 : i32
          %dma_start3A_327 = arith.constant 2 : i32
          %dma_start3A_328 = arith.constant 0 : i32
          %dma_start3A_329 = arith.constant 0 : i32
          %dma_start3A_330 = tpu.memref_slice %arg6[%dma_start3A_327, %dma_start3A_328, %dma_start3A_329] : memref<3x16x1024xf32, #tpu.memory_space<vmem>> -> memref<1x16x1024xf32, #tpu.memory_space<vmem>>
          %dma_start3A_331 = tpu.memref_squeeze %dma_start3A_330 : memref<1x16x1024xf32, #tpu.memory_space<vmem>> -> memref<16x1024xf32, #tpu.memory_space<vmem>>
          %dma_start3A_332 = tpu.memref_slice %arg3[%mul3A_4, %multiple_of3A_326] : memref<416x100000xf32, #tpu.memory_space<hbm>> -> memref<16x1024xf32, #tpu.memory_space<hbm>>
          %dma_start3A_333 = arith.constant 0 : i32
          %dma_start3A_334 = arith.constant 0 : i32
          %dma_start3A_335 = tpu.memref_slice %arg6[%dma_start3A_327, %dma_start3A_333, %dma_start3A_334] : memref<3x16x1024xf32, #tpu.memory_space<vmem>> -> memref<1x16x1024xf32, #tpu.memory_space<vmem>>
          %dma_start3A_336 = tpu.memref_squeeze %dma_start3A_335 : memref<1x16x1024xf32, #tpu.memory_space<vmem>> -> memref<16x1024xf32, #tpu.memory_space<vmem>>
          %dma_start3A_337 = tpu.memref_slice %arg3[%mul3A_4, %multiple_of3A_326] : memref<416x100000xf32, #tpu.memory_space<hbm>> -> memref<16x1024xf32, #tpu.memory_space<hbm>>
          tpu.enqueue_dma source(%dma_start3A_337 : memref<16x1024xf32, #tpu.memory_space<hbm>>) target(%dma_start3A_336 : memref<16x1024xf32, #tpu.memory_space<vmem>>) target_semaphore(%arg15 : memref<!tpu.dma_semaphore, #tpu.memory_space<semaphore_mem>>)
        } else {
        }
        %eq3A_317 = arith.constant 94 : i32
        %eq3A_318 = arith.cmpi eq, %add3A_271, %eq3A_317 : i32
        %convert_element_type3A_319 = arith.extui %eq3A_318 : i1 to i32
        %cond3A_320 = arith.constant 0 : i32
        %cond3A_321 = arith.cmpi ne, %convert_element_type3A_319, %cond3A_320 : i32
        scf.if %cond3A_321 {
          %multiple_of3A_322 = arith.constant 99328 : i32
          %multiple_of3A_323 = tpu.assume_multiple %multiple_of3A_322, 1024 : i32
          %dma_start3A_324 = arith.constant 1 : i32
          %dma_start3A_325 = arith.constant 0 : i32
          %dma_start3A_326 = arith.constant 0 : i32
          %dma_start3A_327 = tpu.memref_slice %arg6[%dma_start3A_324, %dma_start3A_325, %dma_start3A_326] : memref<3x16x1024xf32, #tpu.memory_space<vmem>> -> memref<1x16x640xf32, #tpu.memory_space<vmem>>
          %dma_start3A_328 = tpu.memref_squeeze %dma_start3A_327 : memref<1x16x640xf32, #tpu.memory_space<vmem>> -> memref<16x640xf32, #tpu.memory_space<vmem>>
          %dma_start3A_329 = tpu.memref_slice %arg3[%mul3A_4, %multiple_of3A_323] : memref<416x100000xf32, #tpu.memory_space<hbm>> -> memref<16x640xf32, #tpu.memory_space<hbm>>
          %dma_start3A_330 = arith.constant 0 : i32
          %dma_start3A_331 = arith.constant 0 : i32
          %dma_start3A_332 = tpu.memref_slice %arg6[%dma_start3A_324, %dma_start3A_330, %dma_start3A_331] : memref<3x16x1024xf32, #tpu.memory_space<vmem>> -> memref<1x16x640xf32, #tpu.memory_space<vmem>>
          %dma_start3A_333 = tpu.memref_squeeze %dma_start3A_332 : memref<1x16x640xf32, #tpu.memory_space<vmem>> -> memref<16x640xf32, #tpu.memory_space<vmem>>
          %dma_start3A_334 = tpu.memref_slice %arg3[%mul3A_4, %multiple_of3A_323] : memref<416x100000xf32, #tpu.memory_space<hbm>> -> memref<16x640xf32, #tpu.memory_space<hbm>>
          tpu.enqueue_dma source(%dma_start3A_334 : memref<16x640xf32, #tpu.memory_space<hbm>>) target(%dma_start3A_333 : memref<16x640xf32, #tpu.memory_space<vmem>>) target_semaphore(%arg16 : memref<!tpu.dma_semaphore, #tpu.memory_space<semaphore_mem>>)
          %dma_start3A_335 = arith.constant 99968 : i32
          %dma_start3A_336 = tpu.memref_slice %arg3[%mul3A_4, %dma_start3A_335] : memref<416x100000xf32, #tpu.memory_space<hbm>> -> memref<16x32xf32, #tpu.memory_space<hbm>>
          %dma_start3A_337 = arith.constant 99968 : i32
          %dma_start3A_338 = tpu.memref_slice %arg3[%mul3A_4, %dma_start3A_337] : memref<416x100000xf32, #tpu.memory_space<hbm>> -> memref<16x32xf32, #tpu.memory_space<hbm>>
          tpu.enqueue_dma source(%dma_start3A_338 : memref<16x32xf32, #tpu.memory_space<hbm>>) target(%arg12 : memref<16x32xf32, #tpu.memory_space<vmem>>) target_semaphore(%arg16 : memref<!tpu.dma_semaphore, #tpu.memory_space<semaphore_mem>>)
        } else {
        }
      }
      %scan3A_88 = arith.constant 32 : i32
      %multiple_of3A_89 = arith.constant 0 : i32
      %multiple_of3A_90 = tpu.assume_multiple %multiple_of3A_89, 1024 : i32
      %dma_wait3A_91 = arith.constant 0 : i32
      %dma_wait3A_92 = arith.constant 0 : i32
      %dma_wait3A_93 = arith.constant 0 : i32
      %dma_wait3A_94 = tpu.memref_slice %arg6[%dma_wait3A_91, %dma_wait3A_92, %dma_wait3A_93] : memref<3x16x1024xf32, #tpu.memory_space<vmem>> -> memref<1x16x1024xf32, #tpu.memory_space<vmem>>
      %dma_wait3A_95 = tpu.memref_squeeze %dma_wait3A_94 : memref<1x16x1024xf32, #tpu.memory_space<vmem>> -> memref<16x1024xf32, #tpu.memory_space<vmem>>
      %dma_wait3A_96 = tpu.memref_slice %arg3[%mul3A_4, %multiple_of3A_90] : memref<416x100000xf32, #tpu.memory_space<hbm>> -> memref<16x1024xf32, #tpu.memory_space<hbm>>
      %dma_wait3A_97 = arith.constant 0 : i32
      %dma_wait3A_98 = arith.constant 0 : i32
      %dma_wait3A_99 = tpu.memref_slice %arg6[%dma_wait3A_91, %dma_wait3A_97, %dma_wait3A_98] : memref<3x16x1024xf32, #tpu.memory_space<vmem>> -> memref<1x16x1024xf32, #tpu.memory_space<vmem>>
      %dma_wait3A_100 = tpu.memref_squeeze %dma_wait3A_99 : memref<1x16x1024xf32, #tpu.memory_space<vmem>> -> memref<16x1024xf32, #tpu.memory_space<vmem>>
      %dma_wait3A_101 = tpu.memref_slice %arg3[%mul3A_4, %multiple_of3A_90] : memref<416x100000xf32, #tpu.memory_space<hbm>> -> memref<16x1024xf32, #tpu.memory_space<hbm>>
      tpu.wait_dma2 semaphore(%arg13 : memref<!tpu.dma_semaphore, #tpu.memory_space<semaphore_mem>>) src(%dma_wait3A_101 : memref<16x1024xf32, #tpu.memory_space<hbm>>) dst(%dma_wait3A_100 : memref<16x1024xf32, #tpu.memory_space<vmem>>)
      %broadcast_in_dim3A_102 = arith.constant 96 : i32
      %broadcast_in_dim3A_103 = vector.broadcast %broadcast_in_dim3A_102 : i32 to vector<16xi32>
      %gather3A = tpu.vector_load_idx %arg11[%broadcast_in_dim3A_103] : memref<128xi32, #tpu.memory_space<vmem>>[vector<16xi32>], vector<16xi32>,
      %slice3A = vector.extract_strided_slice %gather3A {offsets = [0], sizes = [1], strides = [1]} : vector<16xi32> to vector<1xi32>
      %squeeze3A = vector.extract %slice3A[0] : i32 from vector<1xi32>
      %broadcast_in_dim3A_104 = arith.constant 97 : i32
      %broadcast_in_dim3A_105 = vector.broadcast %broadcast_in_dim3A_104 : i32 to vector<16xi32>
      %gather3A_106 = tpu.vector_load_idx %arg11[%broadcast_in_dim3A_105] : memref<128xi32, #tpu.memory_space<vmem>>[vector<16xi32>], vector<16xi32>,
      %slice3A_107 = vector.extract_strided_slice %gather3A_106 {offsets = [0], sizes = [1], strides = [1]} : vector<16xi32> to vector<1xi32>
      %squeeze3A_108 = vector.extract %slice3A_107[0] : i32 from vector<1xi32>
      %sub3A = arith.subi %squeeze3A_108, %squeeze3A : i32
      %shift_right_arithmetic3A = arith.constant 4 : i32
      %shift_right_arithmetic3A_109 = arith.shrsi %sub3A, %shift_right_arithmetic3A : i32
      %while3A = arith.constant 0 : i32
      %while3A_110 = arith.constant 0 : i32
      %while3A_111 = arith.subi %shift_right_arithmetic3A_109, %while3A_110 : i32
      %while3A_112 = arith.addi %while3A_110, %while3A_111 : i32
      %while3A_113 = arith.constant 1 : i32
      %while3A_114 = arith.divsi %while3A_111, %while3A_113 : i32
      %while3A_115 = arith.muli %while3A_114, %while3A_113 : i32
      %while3A_116 = arith.addi %while3A_110, %while3A_115 : i32
      %while3A_117 = arith.constant 1 : i32
      scf.for %while3A_159 = %while3A_110 to %while3A_116 step %while3A_117  : i32 {
        %mul3A_160 = arith.constant 16 : i32
        %mul3A_161 = arith.muli %while3A_159, %mul3A_160 : i32
        %add3A_162 = arith.addi %squeeze3A, %mul3A_161 : i32
        %get3A = arith.index_cast %add3A_162 : i32 to index
        %get3A_163 = tpu.vector_load %arg8[%get3A] {strides = array<i32>} : memref<5664xi32, #tpu.memory_space<vmem>>, vector<16xi32>,
        %ge3A = arith.constant 0 : i32
        %ge3A_164 = vector.broadcast %ge3A : i32 to vector<16xi32>
        %ge3A_165 = arith.cmpi sge, %get3A_163, %ge3A_164 : vector<16xi32>
        %shift_right_arithmetic3A_166 = arith.constant 12 : i32
        %shift_right_arithmetic3A_167 = vector.broadcast %shift_right_arithmetic3A_166 : i32 to vector<16xi32>
        %shift_right_arithmetic3A_168 = arith.shrsi %get3A_163, %shift_right_arithmetic3A_167 : vector<16xi32>
        %sub3A_169 = arith.constant 98304 : i32
        %sub3A_170 = vector.broadcast %sub3A_169 : i32 to vector<16xi32>
        %sub3A_171 = arith.subi %shift_right_arithmetic3A_168, %sub3A_170 : vector<16xi32>
        %and3A = arith.constant 1023 : i32
        %and3A_172 = vector.broadcast %and3A : i32 to vector<16xi32>
        %and3A_173 = arith.andi %sub3A_171, %and3A_172 : vector<16xi32>
        %and3A_174 = arith.constant 4095 : i32
        %and3A_175 = vector.broadcast %and3A_174 : i32 to vector<16xi32>
        %and3A_176 = arith.andi %get3A_163, %and3A_175 : vector<16xi32>
        %broadcast_in_dim3A_177 = arith.constant 0 : i32
        %broadcast_in_dim3A_178 = vector.broadcast %broadcast_in_dim3A_177 : i32 to vector<16xi32>
        %gather3A_179 = arith.constant 0 : i32
        %gather3A_180 = arith.constant 0 : i32
        %gather3A_181 = tpu.memref_slice %arg6[%while3A, %gather3A_179, %gather3A_180] : memref<3x16x1024xf32, #tpu.memory_space<vmem>> -> memref<1x16x1024xf32, #tpu.memory_space<vmem>>
        %gather3A_182 = tpu.memref_squeeze %gather3A_181 : memref<1x16x1024xf32, #tpu.memory_space<vmem>> -> memref<16x1024xf32, #tpu.memory_space<vmem>>
        %gather3A_183 = tpu.vector_load_idx %gather3A_182[%broadcast_in_dim3A_178, %and3A_173] masked %ge3A_165 : memref<16x1024xf32, #tpu.memory_space<vmem>>[vector<16xi32>, vector<16xi32>], vector<16xf32>, vector<16xi1>
        tpu.vector_store_idx %arg5[%broadcast_in_dim3A_178, %and3A_176], %gather3A_183 masked %ge3A_165 : memref<16x4096xf32, #tpu.memory_space<vmem>>[vector<16xi32>, vector<16xi32>], vector<16xf32>, vector<16xi1>
        %broadcast_in_dim3A_184 = arith.constant 1 : i32
        %broadcast_in_dim3A_185 = vector.broadcast %broadcast_in_dim3A_184 : i32 to vector<16xi32>
        %gather3A_186 = arith.constant 0 : i32
        %gather3A_187 = arith.constant 0 : i32
        %gather3A_188 = tpu.memref_slice %arg6[%while3A, %gather3A_186, %gather3A_187] : memref<3x16x1024xf32, #tpu.memory_space<vmem>> -> memref<1x16x1024xf32, #tpu.memory_space<vmem>>
        %gather3A_189 = tpu.memref_squeeze %gather3A_188 : memref<1x16x1024xf32, #tpu.memory_space<vmem>> -> memref<16x1024xf32, #tpu.memory_space<vmem>>
        %gather3A_190 = tpu.vector_load_idx %gather3A_189[%broadcast_in_dim3A_185, %and3A_173] masked %ge3A_165 : memref<16x1024xf32, #tpu.memory_space<vmem>>[vector<16xi32>, vector<16xi32>], vector<16xf32>, vector<16xi1>
        tpu.vector_store_idx %arg5[%broadcast_in_dim3A_185, %and3A_176], %gather3A_190 masked %ge3A_165 : memref<16x4096xf32, #tpu.memory_space<vmem>>[vector<16xi32>, vector<16xi32>], vector<16xf32>, vector<16xi1>
        %broadcast_in_dim3A_191 = arith.constant 2 : i32
        %broadcast_in_dim3A_192 = vector.broadcast %broadcast_in_dim3A_191 : i32 to vector<16xi32>
        %gather3A_193 = arith.constant 0 : i32
        %gather3A_194 = arith.constant 0 : i32
        %gather3A_195 = tpu.memref_slice %arg6[%while3A, %gather3A_193, %gather3A_194] : memref<3x16x1024xf32, #tpu.memory_space<vmem>> -> memref<1x16x1024xf32, #tpu.memory_space<vmem>>
        %gather3A_196 = tpu.memref_squeeze %gather3A_195 : memref<1x16x1024xf32, #tpu.memory_space<vmem>> -> memref<16x1024xf32, #tpu.memory_space<vmem>>
        %gather3A_197 = tpu.vector_load_idx %gather3A_196[%broadcast_in_dim3A_192, %and3A_173] masked %ge3A_165 : memref<16x1024xf32, #tpu.memory_space<vmem>>[vector<16xi32>, vector<16xi32>], vector<16xf32>, vector<16xi1>
        tpu.vector_store_idx %arg5[%broadcast_in_dim3A_192, %and3A_176], %gather3A_197 masked %ge3A_165 : memref<16x4096xf32, #tpu.memory_space<vmem>>[vector<16xi32>, vector<16xi32>], vector<16xf32>, vector<16xi1>
        %broadcast_in_dim3A_198 = arith.constant 3 : i32
        %broadcast_in_dim3A_199 = vector.broadcast %broadcast_in_dim3A_198 : i32 to vector<16xi32>
        %gather3A_200 = arith.constant 0 : i32
        %gather3A_201 = arith.constant 0 : i32
        %gather3A_202 = tpu.memref_slice %arg6[%while3A, %gather3A_200, %gather3A_201] : memref<3x16x1024xf32, #tpu.memory_space<vmem>> -> memref<1x16x1024xf32, #tpu.memory_space<vmem>>
        %gather3A_203 = tpu.memref_squeeze %gather3A_202 : memref<1x16x1024xf32, #tpu.memory_space<vmem>> -> memref<16x1024xf32, #tpu.memory_space<vmem>>
        %gather3A_204 = tpu.vector_load_idx %gather3A_203[%broadcast_in_dim3A_199, %and3A_173] masked %ge3A_165 : memref<16x1024xf32, #tpu.memory_space<vmem>>[vector<16xi32>, vector<16xi32>], vector<16xf32>, vector<16xi1>
        tpu.vector_store_idx %arg5[%broadcast_in_dim3A_199, %and3A_176], %gather3A_204 masked %ge3A_165 : memref<16x4096xf32, #tpu.memory_space<vmem>>[vector<16xi32>, vector<16xi32>], vector<16xf32>, vector<16xi1>
        %broadcast_in_dim3A_205 = arith.constant 4 : i32
        %broadcast_in_dim3A_206 = vector.broadcast %broadcast_in_dim3A_205 : i32 to vector<16xi32>
        %gather3A_207 = arith.constant 0 : i32
        %gather3A_208 = arith.constant 0 : i32
        %gather3A_209 = tpu.memref_slice %arg6[%while3A, %gather3A_207, %gather3A_208] : memref<3x16x1024xf32, #tpu.memory_space<vmem>> -> memref<1x16x1024xf32, #tpu.memory_space<vmem>>
        %gather3A_210 = tpu.memref_squeeze %gather3A_209 : memref<1x16x1024xf32, #tpu.memory_space<vmem>> -> memref<16x1024xf32, #tpu.memory_space<vmem>>
        %gather3A_211 = tpu.vector_load_idx %gather3A_210[%broadcast_in_dim3A_206, %and3A_173] masked %ge3A_165 : memref<16x1024xf32, #tpu.memory_space<vmem>>[vector<16xi32>, vector<16xi32>], vector<16xf32>, vector<16xi1>
        tpu.vector_store_idx %arg5[%broadcast_in_dim3A_206, %and3A_176], %gather3A_211 masked %ge3A_165 : memref<16x4096xf32, #tpu.memory_space<vmem>>[vector<16xi32>, vector<16xi32>], vector<16xf32>, vector<16xi1>
        %broadcast_in_dim3A_212 = arith.constant 5 : i32
        %broadcast_in_dim3A_213 = vector.broadcast %broadcast_in_dim3A_212 : i32 to vector<16xi32>
        %gather3A_214 = arith.constant 0 : i32
        %gather3A_215 = arith.constant 0 : i32
        %gather3A_216 = tpu.memref_slice %arg6[%while3A, %gather3A_214, %gather3A_215] : memref<3x16x1024xf32, #tpu.memory_space<vmem>> -> memref<1x16x1024xf32, #tpu.memory_space<vmem>>
        %gather3A_217 = tpu.memref_squeeze %gather3A_216 : memref<1x16x1024xf32, #tpu.memory_space<vmem>> -> memref<16x1024xf32, #tpu.memory_space<vmem>>
        %gather3A_218 = tpu.vector_load_idx %gather3A_217[%broadcast_in_dim3A_213, %and3A_173] masked %ge3A_165 : memref<16x1024xf32, #tpu.memory_space<vmem>>[vector<16xi32>, vector<16xi32>], vector<16xf32>, vector<16xi1>
        tpu.vector_store_idx %arg5[%broadcast_in_dim3A_213, %and3A_176], %gather3A_218 masked %ge3A_165 : memref<16x4096xf32, #tpu.memory_space<vmem>>[vector<16xi32>, vector<16xi32>], vector<16xf32>, vector<16xi1>
        %broadcast_in_dim3A_219 = arith.constant 6 : i32
        %broadcast_in_dim3A_220 = vector.broadcast %broadcast_in_dim3A_219 : i32 to vector<16xi32>
        %gather3A_221 = arith.constant 0 : i32
        %gather3A_222 = arith.constant 0 : i32
        %gather3A_223 = tpu.memref_slice %arg6[%while3A, %gather3A_221, %gather3A_222] : memref<3x16x1024xf32, #tpu.memory_space<vmem>> -> memref<1x16x1024xf32, #tpu.memory_space<vmem>>
        %gather3A_224 = tpu.memref_squeeze %gather3A_223 : memref<1x16x1024xf32, #tpu.memory_space<vmem>> -> memref<16x1024xf32, #tpu.memory_space<vmem>>
        %gather3A_225 = tpu.vector_load_idx %gather3A_224[%broadcast_in_dim3A_220, %and3A_173] masked %ge3A_165 : memref<16x1024xf32, #tpu.memory_space<vmem>>[vector<16xi32>, vector<16xi32>], vector<16xf32>, vector<16xi1>
        tpu.vector_store_idx %arg5[%broadcast_in_dim3A_220, %and3A_176], %gather3A_225 masked %ge3A_165 : memref<16x4096xf32, #tpu.memory_space<vmem>>[vector<16xi32>, vector<16xi32>], vector<16xf32>, vector<16xi1>
        %broadcast_in_dim3A_226 = arith.constant 7 : i32
        %broadcast_in_dim3A_227 = vector.broadcast %broadcast_in_dim3A_226 : i32 to vector<16xi32>
        %gather3A_228 = arith.constant 0 : i32
        %gather3A_229 = arith.constant 0 : i32
        %gather3A_230 = tpu.memref_slice %arg6[%while3A, %gather3A_228, %gather3A_229] : memref<3x16x1024xf32, #tpu.memory_space<vmem>> -> memref<1x16x1024xf32, #tpu.memory_space<vmem>>
        %gather3A_231 = tpu.memref_squeeze %gather3A_230 : memref<1x16x1024xf32, #tpu.memory_space<vmem>> -> memref<16x1024xf32, #tpu.memory_space<vmem>>
        %gather3A_232 = tpu.vector_load_idx %gather3A_231[%broadcast_in_dim3A_227, %and3A_173] masked %ge3A_165 : memref<16x1024xf32, #tpu.memory_space<vmem>>[vector<16xi32>, vector<16xi32>], vector<16xf32>, vector<16xi1>
        tpu.vector_store_idx %arg5[%broadcast_in_dim3A_227, %and3A_176], %gather3A_232 masked %ge3A_165 : memref<16x4096xf32, #tpu.memory_space<vmem>>[vector<16xi32>, vector<16xi32>], vector<16xf32>, vector<16xi1>
        %broadcast_in_dim3A_233 = arith.constant 8 : i32
        %broadcast_in_dim3A_234 = vector.broadcast %broadcast_in_dim3A_233 : i32 to vector<16xi32>
        %gather3A_235 = arith.constant 0 : i32
        %gather3A_236 = arith.constant 0 : i32
        %gather3A_237 = tpu.memref_slice %arg6[%while3A, %gather3A_235, %gather3A_236] : memref<3x16x1024xf32, #tpu.memory_space<vmem>> -> memref<1x16x1024xf32, #tpu.memory_space<vmem>>
        %gather3A_238 = tpu.memref_squeeze %gather3A_237 : memref<1x16x1024xf32, #tpu.memory_space<vmem>> -> memref<16x1024xf32, #tpu.memory_space<vmem>>
        %gather3A_239 = tpu.vector_load_idx %gather3A_238[%broadcast_in_dim3A_234, %and3A_173] masked %ge3A_165 : memref<16x1024xf32, #tpu.memory_space<vmem>>[vector<16xi32>, vector<16xi32>], vector<16xf32>, vector<16xi1>
        tpu.vector_store_idx %arg5[%broadcast_in_dim3A_234, %and3A_176], %gather3A_239 masked %ge3A_165 : memref<16x4096xf32, #tpu.memory_space<vmem>>[vector<16xi32>, vector<16xi32>], vector<16xf32>, vector<16xi1>
        %broadcast_in_dim3A_240 = arith.constant 9 : i32
        %broadcast_in_dim3A_241 = vector.broadcast %broadcast_in_dim3A_240 : i32 to vector<16xi32>
        %gather3A_242 = arith.constant 0 : i32
        %gather3A_243 = arith.constant 0 : i32
        %gather3A_244 = tpu.memref_slice %arg6[%while3A, %gather3A_242, %gather3A_243] : memref<3x16x1024xf32, #tpu.memory_space<vmem>> -> memref<1x16x1024xf32, #tpu.memory_space<vmem>>
        %gather3A_245 = tpu.memref_squeeze %gather3A_244 : memref<1x16x1024xf32, #tpu.memory_space<vmem>> -> memref<16x1024xf32, #tpu.memory_space<vmem>>
        %gather3A_246 = tpu.vector_load_idx %gather3A_245[%broadcast_in_dim3A_241, %and3A_173] masked %ge3A_165 : memref<16x1024xf32, #tpu.memory_space<vmem>>[vector<16xi32>, vector<16xi32>], vector<16xf32>, vector<16xi1>
        tpu.vector_store_idx %arg5[%broadcast_in_dim3A_241, %and3A_176], %gather3A_246 masked %ge3A_165 : memref<16x4096xf32, #tpu.memory_space<vmem>>[vector<16xi32>, vector<16xi32>], vector<16xf32>, vector<16xi1>
        %broadcast_in_dim3A_247 = arith.constant 10 : i32
        %broadcast_in_dim3A_248 = vector.broadcast %broadcast_in_dim3A_247 : i32 to vector<16xi32>
        %gather3A_249 = arith.constant 0 : i32
        %gather3A_250 = arith.constant 0 : i32
        %gather3A_251 = tpu.memref_slice %arg6[%while3A, %gather3A_249, %gather3A_250] : memref<3x16x1024xf32, #tpu.memory_space<vmem>> -> memref<1x16x1024xf32, #tpu.memory_space<vmem>>
        %gather3A_252 = tpu.memref_squeeze %gather3A_251 : memref<1x16x1024xf32, #tpu.memory_space<vmem>> -> memref<16x1024xf32, #tpu.memory_space<vmem>>
        %gather3A_253 = tpu.vector_load_idx %gather3A_252[%broadcast_in_dim3A_248, %and3A_173] masked %ge3A_165 : memref<16x1024xf32, #tpu.memory_space<vmem>>[vector<16xi32>, vector<16xi32>], vector<16xf32>, vector<16xi1>
        tpu.vector_store_idx %arg5[%broadcast_in_dim3A_248, %and3A_176], %gather3A_253 masked %ge3A_165 : memref<16x4096xf32, #tpu.memory_space<vmem>>[vector<16xi32>, vector<16xi32>], vector<16xf32>, vector<16xi1>
        %broadcast_in_dim3A_254 = arith.constant 11 : i32
        %broadcast_in_dim3A_255 = vector.broadcast %broadcast_in_dim3A_254 : i32 to vector<16xi32>
        %gather3A_256 = arith.constant 0 : i32
        %gather3A_257 = arith.constant 0 : i32
        %gather3A_258 = tpu.memref_slice %arg6[%while3A, %gather3A_256, %gather3A_257] : memref<3x16x1024xf32, #tpu.memory_space<vmem>> -> memref<1x16x1024xf32, #tpu.memory_space<vmem>>
        %gather3A_259 = tpu.memref_squeeze %gather3A_258 : memref<1x16x1024xf32, #tpu.memory_space<vmem>> -> memref<16x1024xf32, #tpu.memory_space<vmem>>
        %gather3A_260 = tpu.vector_load_idx %gather3A_259[%broadcast_in_dim3A_255, %and3A_173] masked %ge3A_165 : memref<16x1024xf32, #tpu.memory_space<vmem>>[vector<16xi32>, vector<16xi32>], vector<16xf32>, vector<16xi1>
        tpu.vector_store_idx %arg5[%broadcast_in_dim3A_255, %and3A_176], %gather3A_260 masked %ge3A_165 : memref<16x4096xf32, #tpu.memory_space<vmem>>[vector<16xi32>, vector<16xi32>], vector<16xf32>, vector<16xi1>
        %broadcast_in_dim3A_261 = arith.constant 12 : i32
        %broadcast_in_dim3A_262 = vector.broadcast %broadcast_in_dim3A_261 : i32 to vector<16xi32>
        %gather3A_263 = arith.constant 0 : i32
        %gather3A_264 = arith.constant 0 : i32
        %gather3A_265 = tpu.memref_slice %arg6[%while3A, %gather3A_263, %gather3A_264] : memref<3x16x1024xf32, #tpu.memory_space<vmem>> -> memref<1x16x1024xf32, #tpu.memory_space<vmem>>
        %gather3A_266 = tpu.memref_squeeze %gather3A_265 : memref<1x16x1024xf32, #tpu.memory_space<vmem>> -> memref<16x1024xf32, #tpu.memory_space<vmem>>
        %gather3A_267 = tpu.vector_load_idx %gather3A_266[%broadcast_in_dim3A_262, %and3A_173] masked %ge3A_165 : memref<16x1024xf32, #tpu.memory_space<vmem>>[vector<16xi32>, vector<16xi32>], vector<16xf32>, vector<16xi1>
        tpu.vector_store_idx %arg5[%broadcast_in_dim3A_262, %and3A_176], %gather3A_267 masked %ge3A_165 : memref<16x4096xf32, #tpu.memory_space<vmem>>[vector<16xi32>, vector<16xi32>], vector<16xf32>, vector<16xi1>
        %broadcast_in_dim3A_268 = arith.constant 13 : i32
        %broadcast_in_dim3A_269 = vector.broadcast %broadcast_in_dim3A_268 : i32 to vector<16xi32>
        %gather3A_270 = arith.constant 0 : i32
        %gather3A_271 = arith.constant 0 : i32
        %gather3A_272 = tpu.memref_slice %arg6[%while3A, %gather3A_270, %gather3A_271] : memref<3x16x1024xf32, #tpu.memory_space<vmem>> -> memref<1x16x1024xf32, #tpu.memory_space<vmem>>
        %gather3A_273 = tpu.memref_squeeze %gather3A_272 : memref<1x16x1024xf32, #tpu.memory_space<vmem>> -> memref<16x1024xf32, #tpu.memory_space<vmem>>
        %gather3A_274 = tpu.vector_load_idx %gather3A_273[%broadcast_in_dim3A_269, %and3A_173] masked %ge3A_165 : memref<16x1024xf32, #tpu.memory_space<vmem>>[vector<16xi32>, vector<16xi32>], vector<16xf32>, vector<16xi1>
        tpu.vector_store_idx %arg5[%broadcast_in_dim3A_269, %and3A_176], %gather3A_274 masked %ge3A_165 : memref<16x4096xf32, #tpu.memory_space<vmem>>[vector<16xi32>, vector<16xi32>], vector<16xf32>, vector<16xi1>
        %broadcast_in_dim3A_275 = arith.constant 14 : i32
        %broadcast_in_dim3A_276 = vector.broadcast %broadcast_in_dim3A_275 : i32 to vector<16xi32>
        %gather3A_277 = arith.constant 0 : i32
        %gather3A_278 = arith.constant 0 : i32
        %gather3A_279 = tpu.memref_slice %arg6[%while3A, %gather3A_277, %gather3A_278] : memref<3x16x1024xf32, #tpu.memory_space<vmem>> -> memref<1x16x1024xf32, #tpu.memory_space<vmem>>
        %gather3A_280 = tpu.memref_squeeze %gather3A_279 : memref<1x16x1024xf32, #tpu.memory_space<vmem>> -> memref<16x1024xf32, #tpu.memory_space<vmem>>
        %gather3A_281 = tpu.vector_load_idx %gather3A_280[%broadcast_in_dim3A_276, %and3A_173] masked %ge3A_165 : memref<16x1024xf32, #tpu.memory_space<vmem>>[vector<16xi32>, vector<16xi32>], vector<16xf32>, vector<16xi1>
        tpu.vector_store_idx %arg5[%broadcast_in_dim3A_276, %and3A_176], %gather3A_281 masked %ge3A_165 : memref<16x4096xf32, #tpu.memory_space<vmem>>[vector<16xi32>, vector<16xi32>], vector<16xf32>, vector<16xi1>
        %broadcast_in_dim3A_282 = arith.constant 15 : i32
        %broadcast_in_dim3A_283 = vector.broadcast %broadcast_in_dim3A_282 : i32 to vector<16xi32>
        %gather3A_284 = arith.constant 0 : i32
        %gather3A_285 = arith.constant 0 : i32
        %gather3A_286 = tpu.memref_slice %arg6[%while3A, %gather3A_284, %gather3A_285] : memref<3x16x1024xf32, #tpu.memory_space<vmem>> -> memref<1x16x1024xf32, #tpu.memory_space<vmem>>
        %gather3A_287 = tpu.memref_squeeze %gather3A_286 : memref<1x16x1024xf32, #tpu.memory_space<vmem>> -> memref<16x1024xf32, #tpu.memory_space<vmem>>
        %gather3A_288 = tpu.vector_load_idx %gather3A_287[%broadcast_in_dim3A_283, %and3A_173] masked %ge3A_165 : memref<16x1024xf32, #tpu.memory_space<vmem>>[vector<16xi32>, vector<16xi32>], vector<16xf32>, vector<16xi1>
        tpu.vector_store_idx %arg5[%broadcast_in_dim3A_283, %and3A_176], %gather3A_288 masked %ge3A_165 : memref<16x4096xf32, #tpu.memory_space<vmem>>[vector<16xi32>, vector<16xi32>], vector<16xf32>, vector<16xi1>
      }
      %while3A_118 = arith.constant 1 : i32
      scf.for %while3A_159 = %while3A_116 to %while3A_112 step %while3A_118  : i32 {
        %mul3A_160 = arith.constant 16 : i32
        %mul3A_161 = arith.muli %while3A_159, %mul3A_160 : i32
        %add3A_162 = arith.addi %squeeze3A, %mul3A_161 : i32
        %get3A = arith.index_cast %add3A_162 : i32 to index
        %get3A_163 = tpu.vector_load %arg8[%get3A] {strides = array<i32>} : memref<5664xi32, #tpu.memory_space<vmem>>, vector<16xi32>,
        %ge3A = arith.constant 0 : i32
        %ge3A_164 = vector.broadcast %ge3A : i32 to vector<16xi32>
        %ge3A_165 = arith.cmpi sge, %get3A_163, %ge3A_164 : vector<16xi32>
        %shift_right_arithmetic3A_166 = arith.constant 12 : i32
        %shift_right_arithmetic3A_167 = vector.broadcast %shift_right_arithmetic3A_166 : i32 to vector<16xi32>
        %shift_right_arithmetic3A_168 = arith.shrsi %get3A_163, %shift_right_arithmetic3A_167 : vector<16xi32>
        %sub3A_169 = arith.constant 98304 : i32
        %sub3A_170 = vector.broadcast %sub3A_169 : i32 to vector<16xi32>
        %sub3A_171 = arith.subi %shift_right_arithmetic3A_168, %sub3A_170 : vector<16xi32>
        %and3A = arith.constant 1023 : i32
        %and3A_172 = vector.broadcast %and3A : i32 to vector<16xi32>
        %and3A_173 = arith.andi %sub3A_171, %and3A_172 : vector<16xi32>
        %and3A_174 = arith.constant 4095 : i32
        %and3A_175 = vector.broadcast %and3A_174 : i32 to vector<16xi32>
        %and3A_176 = arith.andi %get3A_163, %and3A_175 : vector<16xi32>
        %broadcast_in_dim3A_177 = arith.constant 0 : i32
        %broadcast_in_dim3A_178 = vector.broadcast %broadcast_in_dim3A_177 : i32 to vector<16xi32>
        %gather3A_179 = arith.constant 0 : i32
        %gather3A_180 = arith.constant 0 : i32
        %gather3A_181 = tpu.memref_slice %arg6[%while3A, %gather3A_179, %gather3A_180] : memref<3x16x1024xf32, #tpu.memory_space<vmem>> -> memref<1x16x1024xf32, #tpu.memory_space<vmem>>
        %gather3A_182 = tpu.memref_squeeze %gather3A_181 : memref<1x16x1024xf32, #tpu.memory_space<vmem>> -> memref<16x1024xf32, #tpu.memory_space<vmem>>
        %gather3A_183 = tpu.vector_load_idx %gather3A_182[%broadcast_in_dim3A_178, %and3A_173] masked %ge3A_165 : memref<16x1024xf32, #tpu.memory_space<vmem>>[vector<16xi32>, vector<16xi32>], vector<16xf32>, vector<16xi1>
        tpu.vector_store_idx %arg5[%broadcast_in_dim3A_178, %and3A_176], %gather3A_183 masked %ge3A_165 : memref<16x4096xf32, #tpu.memory_space<vmem>>[vector<16xi32>, vector<16xi32>], vector<16xf32>, vector<16xi1>
        %broadcast_in_dim3A_184 = arith.constant 1 : i32
        %broadcast_in_dim3A_185 = vector.broadcast %broadcast_in_dim3A_184 : i32 to vector<16xi32>
        %gather3A_186 = arith.constant 0 : i32
        %gather3A_187 = arith.constant 0 : i32
        %gather3A_188 = tpu.memref_slice %arg6[%while3A, %gather3A_186, %gather3A_187] : memref<3x16x1024xf32, #tpu.memory_space<vmem>> -> memref<1x16x1024xf32, #tpu.memory_space<vmem>>
        %gather3A_189 = tpu.memref_squeeze %gather3A_188 : memref<1x16x1024xf32, #tpu.memory_space<vmem>> -> memref<16x1024xf32, #tpu.memory_space<vmem>>
        %gather3A_190 = tpu.vector_load_idx %gather3A_189[%broadcast_in_dim3A_185, %and3A_173] masked %ge3A_165 : memref<16x1024xf32, #tpu.memory_space<vmem>>[vector<16xi32>, vector<16xi32>], vector<16xf32>, vector<16xi1>
        tpu.vector_store_idx %arg5[%broadcast_in_dim3A_185, %and3A_176], %gather3A_190 masked %ge3A_165 : memref<16x4096xf32, #tpu.memory_space<vmem>>[vector<16xi32>, vector<16xi32>], vector<16xf32>, vector<16xi1>
        %broadcast_in_dim3A_191 = arith.constant 2 : i32
        %broadcast_in_dim3A_192 = vector.broadcast %broadcast_in_dim3A_191 : i32 to vector<16xi32>
        %gather3A_193 = arith.constant 0 : i32
        %gather3A_194 = arith.constant 0 : i32
        %gather3A_195 = tpu.memref_slice %arg6[%while3A, %gather3A_193, %gather3A_194] : memref<3x16x1024xf32, #tpu.memory_space<vmem>> -> memref<1x16x1024xf32, #tpu.memory_space<vmem>>
        %gather3A_196 = tpu.memref_squeeze %gather3A_195 : memref<1x16x1024xf32, #tpu.memory_space<vmem>> -> memref<16x1024xf32, #tpu.memory_space<vmem>>
        %gather3A_197 = tpu.vector_load_idx %gather3A_196[%broadcast_in_dim3A_192, %and3A_173] masked %ge3A_165 : memref<16x1024xf32, #tpu.memory_space<vmem>>[vector<16xi32>, vector<16xi32>], vector<16xf32>, vector<16xi1>
        tpu.vector_store_idx %arg5[%broadcast_in_dim3A_192, %and3A_176], %gather3A_197 masked %ge3A_165 : memref<16x4096xf32, #tpu.memory_space<vmem>>[vector<16xi32>, vector<16xi32>], vector<16xf32>, vector<16xi1>
        %broadcast_in_dim3A_198 = arith.constant 3 : i32
        %broadcast_in_dim3A_199 = vector.broadcast %broadcast_in_dim3A_198 : i32 to vector<16xi32>
        %gather3A_200 = arith.constant 0 : i32
        %gather3A_201 = arith.constant 0 : i32
        %gather3A_202 = tpu.memref_slice %arg6[%while3A, %gather3A_200, %gather3A_201] : memref<3x16x1024xf32, #tpu.memory_space<vmem>> -> memref<1x16x1024xf32, #tpu.memory_space<vmem>>
        %gather3A_203 = tpu.memref_squeeze %gather3A_202 : memref<1x16x1024xf32, #tpu.memory_space<vmem>> -> memref<16x1024xf32, #tpu.memory_space<vmem>>
        %gather3A_204 = tpu.vector_load_idx %gather3A_203[%broadcast_in_dim3A_199, %and3A_173] masked %ge3A_165 : memref<16x1024xf32, #tpu.memory_space<vmem>>[vector<16xi32>, vector<16xi32>], vector<16xf32>, vector<16xi1>
        tpu.vector_store_idx %arg5[%broadcast_in_dim3A_199, %and3A_176], %gather3A_204 masked %ge3A_165 : memref<16x4096xf32, #tpu.memory_space<vmem>>[vector<16xi32>, vector<16xi32>], vector<16xf32>, vector<16xi1>
        %broadcast_in_dim3A_205 = arith.constant 4 : i32
        %broadcast_in_dim3A_206 = vector.broadcast %broadcast_in_dim3A_205 : i32 to vector<16xi32>
        %gather3A_207 = arith.constant 0 : i32
        %gather3A_208 = arith.constant 0 : i32
        %gather3A_209 = tpu.memref_slice %arg6[%while3A, %gather3A_207, %gather3A_208] : memref<3x16x1024xf32, #tpu.memory_space<vmem>> -> memref<1x16x1024xf32, #tpu.memory_space<vmem>>
        %gather3A_210 = tpu.memref_squeeze %gather3A_209 : memref<1x16x1024xf32, #tpu.memory_space<vmem>> -> memref<16x1024xf32, #tpu.memory_space<vmem>>
        %gather3A_211 = tpu.vector_load_idx %gather3A_210[%broadcast_in_dim3A_206, %and3A_173] masked %ge3A_165 : memref<16x1024xf32, #tpu.memory_space<vmem>>[vector<16xi32>, vector<16xi32>], vector<16xf32>, vector<16xi1>
        tpu.vector_store_idx %arg5[%broadcast_in_dim3A_206, %and3A_176], %gather3A_211 masked %ge3A_165 : memref<16x4096xf32, #tpu.memory_space<vmem>>[vector<16xi32>, vector<16xi32>], vector<16xf32>, vector<16xi1>
        %broadcast_in_dim3A_212 = arith.constant 5 : i32
        %broadcast_in_dim3A_213 = vector.broadcast %broadcast_in_dim3A_212 : i32 to vector<16xi32>
        %gather3A_214 = arith.constant 0 : i32
        %gather3A_215 = arith.constant 0 : i32
        %gather3A_216 = tpu.memref_slice %arg6[%while3A, %gather3A_214, %gather3A_215] : memref<3x16x1024xf32, #tpu.memory_space<vmem>> -> memref<1x16x1024xf32, #tpu.memory_space<vmem>>
        %gather3A_217 = tpu.memref_squeeze %gather3A_216 : memref<1x16x1024xf32, #tpu.memory_space<vmem>> -> memref<16x1024xf32, #tpu.memory_space<vmem>>
        %gather3A_218 = tpu.vector_load_idx %gather3A_217[%broadcast_in_dim3A_213, %and3A_173] masked %ge3A_165 : memref<16x1024xf32, #tpu.memory_space<vmem>>[vector<16xi32>, vector<16xi32>], vector<16xf32>, vector<16xi1>
        tpu.vector_store_idx %arg5[%broadcast_in_dim3A_213, %and3A_176], %gather3A_218 masked %ge3A_165 : memref<16x4096xf32, #tpu.memory_space<vmem>>[vector<16xi32>, vector<16xi32>], vector<16xf32>, vector<16xi1>
        %broadcast_in_dim3A_219 = arith.constant 6 : i32
        %broadcast_in_dim3A_220 = vector.broadcast %broadcast_in_dim3A_219 : i32 to vector<16xi32>
        %gather3A_221 = arith.constant 0 : i32
        %gather3A_222 = arith.constant 0 : i32
        %gather3A_223 = tpu.memref_slice %arg6[%while3A, %gather3A_221, %gather3A_222] : memref<3x16x1024xf32, #tpu.memory_space<vmem>> -> memref<1x16x1024xf32, #tpu.memory_space<vmem>>
        %gather3A_224 = tpu.memref_squeeze %gather3A_223 : memref<1x16x1024xf32, #tpu.memory_space<vmem>> -> memref<16x1024xf32, #tpu.memory_space<vmem>>
        %gather3A_225 = tpu.vector_load_idx %gather3A_224[%broadcast_in_dim3A_220, %and3A_173] masked %ge3A_165 : memref<16x1024xf32, #tpu.memory_space<vmem>>[vector<16xi32>, vector<16xi32>], vector<16xf32>, vector<16xi1>
        tpu.vector_store_idx %arg5[%broadcast_in_dim3A_220, %and3A_176], %gather3A_225 masked %ge3A_165 : memref<16x4096xf32, #tpu.memory_space<vmem>>[vector<16xi32>, vector<16xi32>], vector<16xf32>, vector<16xi1>
        %broadcast_in_dim3A_226 = arith.constant 7 : i32
        %broadcast_in_dim3A_227 = vector.broadcast %broadcast_in_dim3A_226 : i32 to vector<16xi32>
        %gather3A_228 = arith.constant 0 : i32
        %gather3A_229 = arith.constant 0 : i32
        %gather3A_230 = tpu.memref_slice %arg6[%while3A, %gather3A_228, %gather3A_229] : memref<3x16x1024xf32, #tpu.memory_space<vmem>> -> memref<1x16x1024xf32, #tpu.memory_space<vmem>>
        %gather3A_231 = tpu.memref_squeeze %gather3A_230 : memref<1x16x1024xf32, #tpu.memory_space<vmem>> -> memref<16x1024xf32, #tpu.memory_space<vmem>>
        %gather3A_232 = tpu.vector_load_idx %gather3A_231[%broadcast_in_dim3A_227, %and3A_173] masked %ge3A_165 : memref<16x1024xf32, #tpu.memory_space<vmem>>[vector<16xi32>, vector<16xi32>], vector<16xf32>, vector<16xi1>
        tpu.vector_store_idx %arg5[%broadcast_in_dim3A_227, %and3A_176], %gather3A_232 masked %ge3A_165 : memref<16x4096xf32, #tpu.memory_space<vmem>>[vector<16xi32>, vector<16xi32>], vector<16xf32>, vector<16xi1>
        %broadcast_in_dim3A_233 = arith.constant 8 : i32
        %broadcast_in_dim3A_234 = vector.broadcast %broadcast_in_dim3A_233 : i32 to vector<16xi32>
        %gather3A_235 = arith.constant 0 : i32
        %gather3A_236 = arith.constant 0 : i32
        %gather3A_237 = tpu.memref_slice %arg6[%while3A, %gather3A_235, %gather3A_236] : memref<3x16x1024xf32, #tpu.memory_space<vmem>> -> memref<1x16x1024xf32, #tpu.memory_space<vmem>>
        %gather3A_238 = tpu.memref_squeeze %gather3A_237 : memref<1x16x1024xf32, #tpu.memory_space<vmem>> -> memref<16x1024xf32, #tpu.memory_space<vmem>>
        %gather3A_239 = tpu.vector_load_idx %gather3A_238[%broadcast_in_dim3A_234, %and3A_173] masked %ge3A_165 : memref<16x1024xf32, #tpu.memory_space<vmem>>[vector<16xi32>, vector<16xi32>], vector<16xf32>, vector<16xi1>
        tpu.vector_store_idx %arg5[%broadcast_in_dim3A_234, %and3A_176], %gather3A_239 masked %ge3A_165 : memref<16x4096xf32, #tpu.memory_space<vmem>>[vector<16xi32>, vector<16xi32>], vector<16xf32>, vector<16xi1>
        %broadcast_in_dim3A_240 = arith.constant 9 : i32
        %broadcast_in_dim3A_241 = vector.broadcast %broadcast_in_dim3A_240 : i32 to vector<16xi32>
        %gather3A_242 = arith.constant 0 : i32
        %gather3A_243 = arith.constant 0 : i32
        %gather3A_244 = tpu.memref_slice %arg6[%while3A, %gather3A_242, %gather3A_243] : memref<3x16x1024xf32, #tpu.memory_space<vmem>> -> memref<1x16x1024xf32, #tpu.memory_space<vmem>>
        %gather3A_245 = tpu.memref_squeeze %gather3A_244 : memref<1x16x1024xf32, #tpu.memory_space<vmem>> -> memref<16x1024xf32, #tpu.memory_space<vmem>>
        %gather3A_246 = tpu.vector_load_idx %gather3A_245[%broadcast_in_dim3A_241, %and3A_173] masked %ge3A_165 : memref<16x1024xf32, #tpu.memory_space<vmem>>[vector<16xi32>, vector<16xi32>], vector<16xf32>, vector<16xi1>
        tpu.vector_store_idx %arg5[%broadcast_in_dim3A_241, %and3A_176], %gather3A_246 masked %ge3A_165 : memref<16x4096xf32, #tpu.memory_space<vmem>>[vector<16xi32>, vector<16xi32>], vector<16xf32>, vector<16xi1>
        %broadcast_in_dim3A_247 = arith.constant 10 : i32
        %broadcast_in_dim3A_248 = vector.broadcast %broadcast_in_dim3A_247 : i32 to vector<16xi32>
        %gather3A_249 = arith.constant 0 : i32
        %gather3A_250 = arith.constant 0 : i32
        %gather3A_251 = tpu.memref_slice %arg6[%while3A, %gather3A_249, %gather3A_250] : memref<3x16x1024xf32, #tpu.memory_space<vmem>> -> memref<1x16x1024xf32, #tpu.memory_space<vmem>>
        %gather3A_252 = tpu.memref_squeeze %gather3A_251 : memref<1x16x1024xf32, #tpu.memory_space<vmem>> -> memref<16x1024xf32, #tpu.memory_space<vmem>>
        %gather3A_253 = tpu.vector_load_idx %gather3A_252[%broadcast_in_dim3A_248, %and3A_173] masked %ge3A_165 : memref<16x1024xf32, #tpu.memory_space<vmem>>[vector<16xi32>, vector<16xi32>], vector<16xf32>, vector<16xi1>
        tpu.vector_store_idx %arg5[%broadcast_in_dim3A_248, %and3A_176], %gather3A_253 masked %ge3A_165 : memref<16x4096xf32, #tpu.memory_space<vmem>>[vector<16xi32>, vector<16xi32>], vector<16xf32>, vector<16xi1>
        %broadcast_in_dim3A_254 = arith.constant 11 : i32
        %broadcast_in_dim3A_255 = vector.broadcast %broadcast_in_dim3A_254 : i32 to vector<16xi32>
        %gather3A_256 = arith.constant 0 : i32
        %gather3A_257 = arith.constant 0 : i32
        %gather3A_258 = tpu.memref_slice %arg6[%while3A, %gather3A_256, %gather3A_257] : memref<3x16x1024xf32, #tpu.memory_space<vmem>> -> memref<1x16x1024xf32, #tpu.memory_space<vmem>>
        %gather3A_259 = tpu.memref_squeeze %gather3A_258 : memref<1x16x1024xf32, #tpu.memory_space<vmem>> -> memref<16x1024xf32, #tpu.memory_space<vmem>>
        %gather3A_260 = tpu.vector_load_idx %gather3A_259[%broadcast_in_dim3A_255, %and3A_173] masked %ge3A_165 : memref<16x1024xf32, #tpu.memory_space<vmem>>[vector<16xi32>, vector<16xi32>], vector<16xf32>, vector<16xi1>
        tpu.vector_store_idx %arg5[%broadcast_in_dim3A_255, %and3A_176], %gather3A_260 masked %ge3A_165 : memref<16x4096xf32, #tpu.memory_space<vmem>>[vector<16xi32>, vector<16xi32>], vector<16xf32>, vector<16xi1>
        %broadcast_in_dim3A_261 = arith.constant 12 : i32
        %broadcast_in_dim3A_262 = vector.broadcast %broadcast_in_dim3A_261 : i32 to vector<16xi32>
        %gather3A_263 = arith.constant 0 : i32
        %gather3A_264 = arith.constant 0 : i32
        %gather3A_265 = tpu.memref_slice %arg6[%while3A, %gather3A_263, %gather3A_264] : memref<3x16x1024xf32, #tpu.memory_space<vmem>> -> memref<1x16x1024xf32, #tpu.memory_space<vmem>>
        %gather3A_266 = tpu.memref_squeeze %gather3A_265 : memref<1x16x1024xf32, #tpu.memory_space<vmem>> -> memref<16x1024xf32, #tpu.memory_space<vmem>>
        %gather3A_267 = tpu.vector_load_idx %gather3A_266[%broadcast_in_dim3A_262, %and3A_173] masked %ge3A_165 : memref<16x1024xf32, #tpu.memory_space<vmem>>[vector<16xi32>, vector<16xi32>], vector<16xf32>, vector<16xi1>
        tpu.vector_store_idx %arg5[%broadcast_in_dim3A_262, %and3A_176], %gather3A_267 masked %ge3A_165 : memref<16x4096xf32, #tpu.memory_space<vmem>>[vector<16xi32>, vector<16xi32>], vector<16xf32>, vector<16xi1>
        %broadcast_in_dim3A_268 = arith.constant 13 : i32
        %broadcast_in_dim3A_269 = vector.broadcast %broadcast_in_dim3A_268 : i32 to vector<16xi32>
        %gather3A_270 = arith.constant 0 : i32
        %gather3A_271 = arith.constant 0 : i32
        %gather3A_272 = tpu.memref_slice %arg6[%while3A, %gather3A_270, %gather3A_271] : memref<3x16x1024xf32, #tpu.memory_space<vmem>> -> memref<1x16x1024xf32, #tpu.memory_space<vmem>>
        %gather3A_273 = tpu.memref_squeeze %gather3A_272 : memref<1x16x1024xf32, #tpu.memory_space<vmem>> -> memref<16x1024xf32, #tpu.memory_space<vmem>>
        %gather3A_274 = tpu.vector_load_idx %gather3A_273[%broadcast_in_dim3A_269, %and3A_173] masked %ge3A_165 : memref<16x1024xf32, #tpu.memory_space<vmem>>[vector<16xi32>, vector<16xi32>], vector<16xf32>, vector<16xi1>
        tpu.vector_store_idx %arg5[%broadcast_in_dim3A_269, %and3A_176], %gather3A_274 masked %ge3A_165 : memref<16x4096xf32, #tpu.memory_space<vmem>>[vector<16xi32>, vector<16xi32>], vector<16xf32>, vector<16xi1>
        %broadcast_in_dim3A_275 = arith.constant 14 : i32
        %broadcast_in_dim3A_276 = vector.broadcast %broadcast_in_dim3A_275 : i32 to vector<16xi32>
        %gather3A_277 = arith.constant 0 : i32
        %gather3A_278 = arith.constant 0 : i32
        %gather3A_279 = tpu.memref_slice %arg6[%while3A, %gather3A_277, %gather3A_278] : memref<3x16x1024xf32, #tpu.memory_space<vmem>> -> memref<1x16x1024xf32, #tpu.memory_space<vmem>>
        %gather3A_280 = tpu.memref_squeeze %gather3A_279 : memref<1x16x1024xf32, #tpu.memory_space<vmem>> -> memref<16x1024xf32, #tpu.memory_space<vmem>>
        %gather3A_281 = tpu.vector_load_idx %gather3A_280[%broadcast_in_dim3A_276, %and3A_173] masked %ge3A_165 : memref<16x1024xf32, #tpu.memory_space<vmem>>[vector<16xi32>, vector<16xi32>], vector<16xf32>, vector<16xi1>
        tpu.vector_store_idx %arg5[%broadcast_in_dim3A_276, %and3A_176], %gather3A_281 masked %ge3A_165 : memref<16x4096xf32, #tpu.memory_space<vmem>>[vector<16xi32>, vector<16xi32>], vector<16xf32>, vector<16xi1>
        %broadcast_in_dim3A_282 = arith.constant 15 : i32
        %broadcast_in_dim3A_283 = vector.broadcast %broadcast_in_dim3A_282 : i32 to vector<16xi32>
        %gather3A_284 = arith.constant 0 : i32
        %gather3A_285 = arith.constant 0 : i32
        %gather3A_286 = tpu.memref_slice %arg6[%while3A, %gather3A_284, %gather3A_285] : memref<3x16x1024xf32, #tpu.memory_space<vmem>> -> memref<1x16x1024xf32, #tpu.memory_space<vmem>>
        %gather3A_287 = tpu.memref_squeeze %gather3A_286 : memref<1x16x1024xf32, #tpu.memory_space<vmem>> -> memref<16x1024xf32, #tpu.memory_space<vmem>>
        %gather3A_288 = tpu.vector_load_idx %gather3A_287[%broadcast_in_dim3A_283, %and3A_173] masked %ge3A_165 : memref<16x1024xf32, #tpu.memory_space<vmem>>[vector<16xi32>, vector<16xi32>], vector<16xf32>, vector<16xi1>
        tpu.vector_store_idx %arg5[%broadcast_in_dim3A_283, %and3A_176], %gather3A_288 masked %ge3A_165 : memref<16x4096xf32, #tpu.memory_space<vmem>>[vector<16xi32>, vector<16xi32>], vector<16xf32>, vector<16xi1>
      }
      %multiple_of3A_119 = arith.constant 99328 : i32
      %multiple_of3A_120 = tpu.assume_multiple %multiple_of3A_119, 1024 : i32
      %dma_wait3A_121 = arith.constant 1 : i32
      %dma_wait3A_122 = arith.constant 0 : i32
      %dma_wait3A_123 = arith.constant 0 : i32
      %dma_wait3A_124 = tpu.memref_slice %arg6[%dma_wait3A_121, %dma_wait3A_122, %dma_wait3A_123] : memref<3x16x1024xf32, #tpu.memory_space<vmem>> -> memref<1x16x640xf32, #tpu.memory_space<vmem>>
      %dma_wait3A_125 = tpu.memref_squeeze %dma_wait3A_124 : memref<1x16x640xf32, #tpu.memory_space<vmem>> -> memref<16x640xf32, #tpu.memory_space<vmem>>
      %dma_wait3A_126 = tpu.memref_slice %arg3[%mul3A_4, %multiple_of3A_120] : memref<416x100000xf32, #tpu.memory_space<hbm>> -> memref<16x640xf32, #tpu.memory_space<hbm>>
      %dma_wait3A_127 = arith.constant 0 : i32
      %dma_wait3A_128 = arith.constant 0 : i32
      %dma_wait3A_129 = tpu.memref_slice %arg6[%dma_wait3A_121, %dma_wait3A_127, %dma_wait3A_128] : memref<3x16x1024xf32, #tpu.memory_space<vmem>> -> memref<1x16x640xf32, #tpu.memory_space<vmem>>
      %dma_wait3A_130 = tpu.memref_squeeze %dma_wait3A_129 : memref<1x16x640xf32, #tpu.memory_space<vmem>> -> memref<16x640xf32, #tpu.memory_space<vmem>>
      %dma_wait3A_131 = tpu.memref_slice %arg3[%mul3A_4, %multiple_of3A_120] : memref<416x100000xf32, #tpu.memory_space<hbm>> -> memref<16x640xf32, #tpu.memory_space<hbm>>
      tpu.wait_dma2 semaphore(%arg16 : memref<!tpu.dma_semaphore, #tpu.memory_space<semaphore_mem>>) src(%dma_wait3A_131 : memref<16x640xf32, #tpu.memory_space<hbm>>) dst(%dma_wait3A_130 : memref<16x640xf32, #tpu.memory_space<vmem>>)
      %dma_wait3A_132 = arith.constant 99968 : i32
      %dma_wait3A_133 = tpu.memref_slice %arg3[%mul3A_4, %dma_wait3A_132] : memref<416x100000xf32, #tpu.memory_space<hbm>> -> memref<16x32xf32, #tpu.memory_space<hbm>>
      %dma_wait3A_134 = arith.constant 99968 : i32
      %dma_wait3A_135 = tpu.memref_slice %arg3[%mul3A_4, %dma_wait3A_134] : memref<416x100000xf32, #tpu.memory_space<hbm>> -> memref<16x32xf32, #tpu.memory_space<hbm>>
      tpu.wait_dma2 semaphore(%arg16 : memref<!tpu.dma_semaphore, #tpu.memory_space<semaphore_mem>>) src(%dma_wait3A_135 : memref<16x32xf32, #tpu.memory_space<hbm>>) dst(%arg12 : memref<16x32xf32, #tpu.memory_space<vmem>>)
      %broadcast_in_dim3A_136 = arith.constant 97 : i32
      %broadcast_in_dim3A_137 = vector.broadcast %broadcast_in_dim3A_136 : i32 to vector<16xi32>
      %gather3A_138 = tpu.vector_load_idx %arg11[%broadcast_in_dim3A_137] : memref<128xi32, #tpu.memory_space<vmem>>[vector<16xi32>], vector<16xi32>,
      %slice3A_139 = vector.extract_strided_slice %gather3A_138 {offsets = [0], sizes = [1], strides = [1]} : vector<16xi32> to vector<1xi32>
      %squeeze3A_140 = vector.extract %slice3A_139[0] : i32 from vector<1xi32>
      %broadcast_in_dim3A_141 = arith.constant 98 : i32
      %broadcast_in_dim3A_142 = vector.broadcast %broadcast_in_dim3A_141 : i32 to vector<16xi32>
      %gather3A_143 = tpu.vector_load_idx %arg11[%broadcast_in_dim3A_142] : memref<128xi32, #tpu.memory_space<vmem>>[vector<16xi32>], vector<16xi32>,
      %slice3A_144 = vector.extract_strided_slice %gather3A_143 {offsets = [0], sizes = [1], strides = [1]} : vector<16xi32> to vector<1xi32>
      %squeeze3A_145 = vector.extract %slice3A_144[0] : i32 from vector<1xi32>
      %sub3A_146 = arith.subi %squeeze3A_145, %squeeze3A_140 : i32
      %shift_right_arithmetic3A_147 = arith.constant 4 : i32
      %shift_right_arithmetic3A_148 = arith.shrsi %sub3A_146, %shift_right_arithmetic3A_147 : i32
      %while3A_149 = arith.constant 1 : i32
      %while3A_150 = arith.constant 0 : i32
      %while3A_151 = arith.subi %shift_right_arithmetic3A_148, %while3A_150 : i32
      %while3A_152 = arith.addi %while3A_150, %while3A_151 : i32
      %while3A_153 = arith.constant 1 : i32
      %while3A_154 = arith.divsi %while3A_151, %while3A_153 : i32
      %while3A_155 = arith.muli %while3A_154, %while3A_153 : i32
      %while3A_156 = arith.addi %while3A_150, %while3A_155 : i32
      %while3A_157 = arith.constant 1 : i32
      scf.for %while3A_159 = %while3A_150 to %while3A_156 step %while3A_157  : i32 {
        %mul3A_160 = arith.constant 16 : i32
        %mul3A_161 = arith.muli %while3A_159, %mul3A_160 : i32
        %add3A_162 = arith.addi %squeeze3A_140, %mul3A_161 : i32
        %get3A = arith.index_cast %add3A_162 : i32 to index
        %get3A_163 = tpu.vector_load %arg8[%get3A] {strides = array<i32>} : memref<5664xi32, #tpu.memory_space<vmem>>, vector<16xi32>,
        %ge3A = arith.constant 0 : i32
        %ge3A_164 = vector.broadcast %ge3A : i32 to vector<16xi32>
        %ge3A_165 = arith.cmpi sge, %get3A_163, %ge3A_164 : vector<16xi32>
        %shift_right_arithmetic3A_166 = arith.constant 12 : i32
        %shift_right_arithmetic3A_167 = vector.broadcast %shift_right_arithmetic3A_166 : i32 to vector<16xi32>
        %shift_right_arithmetic3A_168 = arith.shrsi %get3A_163, %shift_right_arithmetic3A_167 : vector<16xi32>
        %sub3A_169 = arith.constant 99328 : i32
        %sub3A_170 = vector.broadcast %sub3A_169 : i32 to vector<16xi32>
        %sub3A_171 = arith.subi %shift_right_arithmetic3A_168, %sub3A_170 : vector<16xi32>
        %and3A = arith.constant 1023 : i32
        %and3A_172 = vector.broadcast %and3A : i32 to vector<16xi32>
        %and3A_173 = arith.andi %sub3A_171, %and3A_172 : vector<16xi32>
        %and3A_174 = arith.constant 4095 : i32
        %and3A_175 = vector.broadcast %and3A_174 : i32 to vector<16xi32>
        %and3A_176 = arith.andi %get3A_163, %and3A_175 : vector<16xi32>
        %lt3A_177 = arith.constant 640 : i32
        %lt3A_178 = vector.broadcast %lt3A_177 : i32 to vector<16xi32>
        %lt3A_179 = arith.cmpi slt, %and3A_173, %lt3A_178 : vector<16xi32>
        %sub3A_180 = arith.constant 640 : i32
        %sub3A_181 = vector.broadcast %sub3A_180 : i32 to vector<16xi32>
        %sub3A_182 = arith.subi %and3A_173, %sub3A_181 : vector<16xi32>
        %and3A_183 = arith.constant 31 : i32
        %and3A_184 = vector.broadcast %and3A_183 : i32 to vector<16xi32>
        %and3A_185 = arith.andi %sub3A_182, %and3A_184 : vector<16xi32>
        %broadcast_in_dim3A_186 = arith.constant 0 : i32
        %broadcast_in_dim3A_187 = vector.broadcast %broadcast_in_dim3A_186 : i32 to vector<16xi32>
        %and3A_188 = arith.andi %ge3A_165, %lt3A_179 : vector<16xi1>
        %not3A = arith.constant dense<true> : vector<16xi1>
        %not3A_189 = arith.xori %lt3A_179, %not3A : vector<16xi1>
        %and3A_190 = arith.andi %ge3A_165, %not3A_189 : vector<16xi1>
        %gather3A_191 = arith.constant 0 : i32
        %gather3A_192 = arith.constant 0 : i32
        %gather3A_193 = tpu.memref_slice %arg6[%while3A_149, %gather3A_191, %gather3A_192] : memref<3x16x1024xf32, #tpu.memory_space<vmem>> -> memref<1x16x1024xf32, #tpu.memory_space<vmem>>
        %gather3A_194 = tpu.memref_squeeze %gather3A_193 : memref<1x16x1024xf32, #tpu.memory_space<vmem>> -> memref<16x1024xf32, #tpu.memory_space<vmem>>
        %gather3A_195 = tpu.vector_load_idx %gather3A_194[%broadcast_in_dim3A_187, %and3A_173] masked %and3A_188 : memref<16x1024xf32, #tpu.memory_space<vmem>>[vector<16xi32>, vector<16xi32>], vector<16xf32>, vector<16xi1>
        tpu.vector_store_idx %arg5[%broadcast_in_dim3A_187, %and3A_176], %gather3A_195 masked %and3A_188 : memref<16x4096xf32, #tpu.memory_space<vmem>>[vector<16xi32>, vector<16xi32>], vector<16xf32>, vector<16xi1>
        %gather3A_196 = tpu.vector_load_idx %arg12[%broadcast_in_dim3A_187, %and3A_185] masked %and3A_190 : memref<16x32xf32, #tpu.memory_space<vmem>>[vector<16xi32>, vector<16xi32>], vector<16xf32>, vector<16xi1>
        tpu.vector_store_idx %arg5[%broadcast_in_dim3A_187, %and3A_176], %gather3A_196 masked %and3A_190 : memref<16x4096xf32, #tpu.memory_space<vmem>>[vector<16xi32>, vector<16xi32>], vector<16xf32>, vector<16xi1>
        %broadcast_in_dim3A_197 = arith.constant 1 : i32
        %broadcast_in_dim3A_198 = vector.broadcast %broadcast_in_dim3A_197 : i32 to vector<16xi32>
        %and3A_199 = arith.andi %ge3A_165, %lt3A_179 : vector<16xi1>
        %not3A_200 = arith.constant dense<true> : vector<16xi1>
        %not3A_201 = arith.xori %lt3A_179, %not3A_200 : vector<16xi1>
        %and3A_202 = arith.andi %ge3A_165, %not3A_201 : vector<16xi1>
        %gather3A_203 = arith.constant 0 : i32
        %gather3A_204 = arith.constant 0 : i32
        %gather3A_205 = tpu.memref_slice %arg6[%while3A_149, %gather3A_203, %gather3A_204] : memref<3x16x1024xf32, #tpu.memory_space<vmem>> -> memref<1x16x1024xf32, #tpu.memory_space<vmem>>
        %gather3A_206 = tpu.memref_squeeze %gather3A_205 : memref<1x16x1024xf32, #tpu.memory_space<vmem>> -> memref<16x1024xf32, #tpu.memory_space<vmem>>
        %gather3A_207 = tpu.vector_load_idx %gather3A_206[%broadcast_in_dim3A_198, %and3A_173] masked %and3A_199 : memref<16x1024xf32, #tpu.memory_space<vmem>>[vector<16xi32>, vector<16xi32>], vector<16xf32>, vector<16xi1>
        tpu.vector_store_idx %arg5[%broadcast_in_dim3A_198, %and3A_176], %gather3A_207 masked %and3A_199 : memref<16x4096xf32, #tpu.memory_space<vmem>>[vector<16xi32>, vector<16xi32>], vector<16xf32>, vector<16xi1>
        %gather3A_208 = tpu.vector_load_idx %arg12[%broadcast_in_dim3A_198, %and3A_185] masked %and3A_202 : memref<16x32xf32, #tpu.memory_space<vmem>>[vector<16xi32>, vector<16xi32>], vector<16xf32>, vector<16xi1>
        tpu.vector_store_idx %arg5[%broadcast_in_dim3A_198, %and3A_176], %gather3A_208 masked %and3A_202 : memref<16x4096xf32, #tpu.memory_space<vmem>>[vector<16xi32>, vector<16xi32>], vector<16xf32>, vector<16xi1>
        %broadcast_in_dim3A_209 = arith.constant 2 : i32
        %broadcast_in_dim3A_210 = vector.broadcast %broadcast_in_dim3A_209 : i32 to vector<16xi32>
        %and3A_211 = arith.andi %ge3A_165, %lt3A_179 : vector<16xi1>
        %not3A_212 = arith.constant dense<true> : vector<16xi1>
        %not3A_213 = arith.xori %lt3A_179, %not3A_212 : vector<16xi1>
        %and3A_214 = arith.andi %ge3A_165, %not3A_213 : vector<16xi1>
        %gather3A_215 = arith.constant 0 : i32
        %gather3A_216 = arith.constant 0 : i32
        %gather3A_217 = tpu.memref_slice %arg6[%while3A_149, %gather3A_215, %gather3A_216] : memref<3x16x1024xf32, #tpu.memory_space<vmem>> -> memref<1x16x1024xf32, #tpu.memory_space<vmem>>
        %gather3A_218 = tpu.memref_squeeze %gather3A_217 : memref<1x16x1024xf32, #tpu.memory_space<vmem>> -> memref<16x1024xf32, #tpu.memory_space<vmem>>
        %gather3A_219 = tpu.vector_load_idx %gather3A_218[%broadcast_in_dim3A_210, %and3A_173] masked %and3A_211 : memref<16x1024xf32, #tpu.memory_space<vmem>>[vector<16xi32>, vector<16xi32>], vector<16xf32>, vector<16xi1>
        tpu.vector_store_idx %arg5[%broadcast_in_dim3A_210, %and3A_176], %gather3A_219 masked %and3A_211 : memref<16x4096xf32, #tpu.memory_space<vmem>>[vector<16xi32>, vector<16xi32>], vector<16xf32>, vector<16xi1>
        %gather3A_220 = tpu.vector_load_idx %arg12[%broadcast_in_dim3A_210, %and3A_185] masked %and3A_214 : memref<16x32xf32, #tpu.memory_space<vmem>>[vector<16xi32>, vector<16xi32>], vector<16xf32>, vector<16xi1>
        tpu.vector_store_idx %arg5[%broadcast_in_dim3A_210, %and3A_176], %gather3A_220 masked %and3A_214 : memref<16x4096xf32, #tpu.memory_space<vmem>>[vector<16xi32>, vector<16xi32>], vector<16xf32>, vector<16xi1>
        %broadcast_in_dim3A_221 = arith.constant 3 : i32
        %broadcast_in_dim3A_222 = vector.broadcast %broadcast_in_dim3A_221 : i32 to vector<16xi32>
        %and3A_223 = arith.andi %ge3A_165, %lt3A_179 : vector<16xi1>
        %not3A_224 = arith.constant dense<true> : vector<16xi1>
        %not3A_225 = arith.xori %lt3A_179, %not3A_224 : vector<16xi1>
        %and3A_226 = arith.andi %ge3A_165, %not3A_225 : vector<16xi1>
        %gather3A_227 = arith.constant 0 : i32
        %gather3A_228 = arith.constant 0 : i32
        %gather3A_229 = tpu.memref_slice %arg6[%while3A_149, %gather3A_227, %gather3A_228] : memref<3x16x1024xf32, #tpu.memory_space<vmem>> -> memref<1x16x1024xf32, #tpu.memory_space<vmem>>
        %gather3A_230 = tpu.memref_squeeze %gather3A_229 : memref<1x16x1024xf32, #tpu.memory_space<vmem>> -> memref<16x1024xf32, #tpu.memory_space<vmem>>
        %gather3A_231 = tpu.vector_load_idx %gather3A_230[%broadcast_in_dim3A_222, %and3A_173] masked %and3A_223 : memref<16x1024xf32, #tpu.memory_space<vmem>>[vector<16xi32>, vector<16xi32>], vector<16xf32>, vector<16xi1>
        tpu.vector_store_idx %arg5[%broadcast_in_dim3A_222, %and3A_176], %gather3A_231 masked %and3A_223 : memref<16x4096xf32, #tpu.memory_space<vmem>>[vector<16xi32>, vector<16xi32>], vector<16xf32>, vector<16xi1>
        %gather3A_232 = tpu.vector_load_idx %arg12[%broadcast_in_dim3A_222, %and3A_185] masked %and3A_226 : memref<16x32xf32, #tpu.memory_space<vmem>>[vector<16xi32>, vector<16xi32>], vector<16xf32>, vector<16xi1>
        tpu.vector_store_idx %arg5[%broadcast_in_dim3A_222, %and3A_176], %gather3A_232 masked %and3A_226 : memref<16x4096xf32, #tpu.memory_space<vmem>>[vector<16xi32>, vector<16xi32>], vector<16xf32>, vector<16xi1>
        %broadcast_in_dim3A_233 = arith.constant 4 : i32
        %broadcast_in_dim3A_234 = vector.broadcast %broadcast_in_dim3A_233 : i32 to vector<16xi32>
        %and3A_235 = arith.andi %ge3A_165, %lt3A_179 : vector<16xi1>
        %not3A_236 = arith.constant dense<true> : vector<16xi1>
        %not3A_237 = arith.xori %lt3A_179, %not3A_236 : vector<16xi1>
        %and3A_238 = arith.andi %ge3A_165, %not3A_237 : vector<16xi1>
        %gather3A_239 = arith.constant 0 : i32
        %gather3A_240 = arith.constant 0 : i32
        %gather3A_241 = tpu.memref_slice %arg6[%while3A_149, %gather3A_239, %gather3A_240] : memref<3x16x1024xf32, #tpu.memory_space<vmem>> -> memref<1x16x1024xf32, #tpu.memory_space<vmem>>
        %gather3A_242 = tpu.memref_squeeze %gather3A_241 : memref<1x16x1024xf32, #tpu.memory_space<vmem>> -> memref<16x1024xf32, #tpu.memory_space<vmem>>
        %gather3A_243 = tpu.vector_load_idx %gather3A_242[%broadcast_in_dim3A_234, %and3A_173] masked %and3A_235 : memref<16x1024xf32, #tpu.memory_space<vmem>>[vector<16xi32>, vector<16xi32>], vector<16xf32>, vector<16xi1>
        tpu.vector_store_idx %arg5[%broadcast_in_dim3A_234, %and3A_176], %gather3A_243 masked %and3A_235 : memref<16x4096xf32, #tpu.memory_space<vmem>>[vector<16xi32>, vector<16xi32>], vector<16xf32>, vector<16xi1>
        %gather3A_244 = tpu.vector_load_idx %arg12[%broadcast_in_dim3A_234, %and3A_185] masked %and3A_238 : memref<16x32xf32, #tpu.memory_space<vmem>>[vector<16xi32>, vector<16xi32>], vector<16xf32>, vector<16xi1>
        tpu.vector_store_idx %arg5[%broadcast_in_dim3A_234, %and3A_176], %gather3A_244 masked %and3A_238 : memref<16x4096xf32, #tpu.memory_space<vmem>>[vector<16xi32>, vector<16xi32>], vector<16xf32>, vector<16xi1>
        %broadcast_in_dim3A_245 = arith.constant 5 : i32
        %broadcast_in_dim3A_246 = vector.broadcast %broadcast_in_dim3A_245 : i32 to vector<16xi32>
        %and3A_247 = arith.andi %ge3A_165, %lt3A_179 : vector<16xi1>
        %not3A_248 = arith.constant dense<true> : vector<16xi1>
        %not3A_249 = arith.xori %lt3A_179, %not3A_248 : vector<16xi1>
        %and3A_250 = arith.andi %ge3A_165, %not3A_249 : vector<16xi1>
        %gather3A_251 = arith.constant 0 : i32
        %gather3A_252 = arith.constant 0 : i32
        %gather3A_253 = tpu.memref_slice %arg6[%while3A_149, %gather3A_251, %gather3A_252] : memref<3x16x1024xf32, #tpu.memory_space<vmem>> -> memref<1x16x1024xf32, #tpu.memory_space<vmem>>
        %gather3A_254 = tpu.memref_squeeze %gather3A_253 : memref<1x16x1024xf32, #tpu.memory_space<vmem>> -> memref<16x1024xf32, #tpu.memory_space<vmem>>
        %gather3A_255 = tpu.vector_load_idx %gather3A_254[%broadcast_in_dim3A_246, %and3A_173] masked %and3A_247 : memref<16x1024xf32, #tpu.memory_space<vmem>>[vector<16xi32>, vector<16xi32>], vector<16xf32>, vector<16xi1>
        tpu.vector_store_idx %arg5[%broadcast_in_dim3A_246, %and3A_176], %gather3A_255 masked %and3A_247 : memref<16x4096xf32, #tpu.memory_space<vmem>>[vector<16xi32>, vector<16xi32>], vector<16xf32>, vector<16xi1>
        %gather3A_256 = tpu.vector_load_idx %arg12[%broadcast_in_dim3A_246, %and3A_185] masked %and3A_250 : memref<16x32xf32, #tpu.memory_space<vmem>>[vector<16xi32>, vector<16xi32>], vector<16xf32>, vector<16xi1>
        tpu.vector_store_idx %arg5[%broadcast_in_dim3A_246, %and3A_176], %gather3A_256 masked %and3A_250 : memref<16x4096xf32, #tpu.memory_space<vmem>>[vector<16xi32>, vector<16xi32>], vector<16xf32>, vector<16xi1>
        %broadcast_in_dim3A_257 = arith.constant 6 : i32
        %broadcast_in_dim3A_258 = vector.broadcast %broadcast_in_dim3A_257 : i32 to vector<16xi32>
        %and3A_259 = arith.andi %ge3A_165, %lt3A_179 : vector<16xi1>
        %not3A_260 = arith.constant dense<true> : vector<16xi1>
        %not3A_261 = arith.xori %lt3A_179, %not3A_260 : vector<16xi1>
        %and3A_262 = arith.andi %ge3A_165, %not3A_261 : vector<16xi1>
        %gather3A_263 = arith.constant 0 : i32
        %gather3A_264 = arith.constant 0 : i32
        %gather3A_265 = tpu.memref_slice %arg6[%while3A_149, %gather3A_263, %gather3A_264] : memref<3x16x1024xf32, #tpu.memory_space<vmem>> -> memref<1x16x1024xf32, #tpu.memory_space<vmem>>
        %gather3A_266 = tpu.memref_squeeze %gather3A_265 : memref<1x16x1024xf32, #tpu.memory_space<vmem>> -> memref<16x1024xf32, #tpu.memory_space<vmem>>
        %gather3A_267 = tpu.vector_load_idx %gather3A_266[%broadcast_in_dim3A_258, %and3A_173] masked %and3A_259 : memref<16x1024xf32, #tpu.memory_space<vmem>>[vector<16xi32>, vector<16xi32>], vector<16xf32>, vector<16xi1>
        tpu.vector_store_idx %arg5[%broadcast_in_dim3A_258, %and3A_176], %gather3A_267 masked %and3A_259 : memref<16x4096xf32, #tpu.memory_space<vmem>>[vector<16xi32>, vector<16xi32>], vector<16xf32>, vector<16xi1>
        %gather3A_268 = tpu.vector_load_idx %arg12[%broadcast_in_dim3A_258, %and3A_185] masked %and3A_262 : memref<16x32xf32, #tpu.memory_space<vmem>>[vector<16xi32>, vector<16xi32>], vector<16xf32>, vector<16xi1>
        tpu.vector_store_idx %arg5[%broadcast_in_dim3A_258, %and3A_176], %gather3A_268 masked %and3A_262 : memref<16x4096xf32, #tpu.memory_space<vmem>>[vector<16xi32>, vector<16xi32>], vector<16xf32>, vector<16xi1>
        %broadcast_in_dim3A_269 = arith.constant 7 : i32
        %broadcast_in_dim3A_270 = vector.broadcast %broadcast_in_dim3A_269 : i32 to vector<16xi32>
        %and3A_271 = arith.andi %ge3A_165, %lt3A_179 : vector<16xi1>
        %not3A_272 = arith.constant dense<true> : vector<16xi1>
        %not3A_273 = arith.xori %lt3A_179, %not3A_272 : vector<16xi1>
        %and3A_274 = arith.andi %ge3A_165, %not3A_273 : vector<16xi1>
        %gather3A_275 = arith.constant 0 : i32
        %gather3A_276 = arith.constant 0 : i32
        %gather3A_277 = tpu.memref_slice %arg6[%while3A_149, %gather3A_275, %gather3A_276] : memref<3x16x1024xf32, #tpu.memory_space<vmem>> -> memref<1x16x1024xf32, #tpu.memory_space<vmem>>
        %gather3A_278 = tpu.memref_squeeze %gather3A_277 : memref<1x16x1024xf32, #tpu.memory_space<vmem>> -> memref<16x1024xf32, #tpu.memory_space<vmem>>
        %gather3A_279 = tpu.vector_load_idx %gather3A_278[%broadcast_in_dim3A_270, %and3A_173] masked %and3A_271 : memref<16x1024xf32, #tpu.memory_space<vmem>>[vector<16xi32>, vector<16xi32>], vector<16xf32>, vector<16xi1>
        tpu.vector_store_idx %arg5[%broadcast_in_dim3A_270, %and3A_176], %gather3A_279 masked %and3A_271 : memref<16x4096xf32, #tpu.memory_space<vmem>>[vector<16xi32>, vector<16xi32>], vector<16xf32>, vector<16xi1>
        %gather3A_280 = tpu.vector_load_idx %arg12[%broadcast_in_dim3A_270, %and3A_185] masked %and3A_274 : memref<16x32xf32, #tpu.memory_space<vmem>>[vector<16xi32>, vector<16xi32>], vector<16xf32>, vector<16xi1>
        tpu.vector_store_idx %arg5[%broadcast_in_dim3A_270, %and3A_176], %gather3A_280 masked %and3A_274 : memref<16x4096xf32, #tpu.memory_space<vmem>>[vector<16xi32>, vector<16xi32>], vector<16xf32>, vector<16xi1>
        %broadcast_in_dim3A_281 = arith.constant 8 : i32
        %broadcast_in_dim3A_282 = vector.broadcast %broadcast_in_dim3A_281 : i32 to vector<16xi32>
        %and3A_283 = arith.andi %ge3A_165, %lt3A_179 : vector<16xi1>
        %not3A_284 = arith.constant dense<true> : vector<16xi1>
        %not3A_285 = arith.xori %lt3A_179, %not3A_284 : vector<16xi1>
        %and3A_286 = arith.andi %ge3A_165, %not3A_285 : vector<16xi1>
        %gather3A_287 = arith.constant 0 : i32
        %gather3A_288 = arith.constant 0 : i32
        %gather3A_289 = tpu.memref_slice %arg6[%while3A_149, %gather3A_287, %gather3A_288] : memref<3x16x1024xf32, #tpu.memory_space<vmem>> -> memref<1x16x1024xf32, #tpu.memory_space<vmem>>
        %gather3A_290 = tpu.memref_squeeze %gather3A_289 : memref<1x16x1024xf32, #tpu.memory_space<vmem>> -> memref<16x1024xf32, #tpu.memory_space<vmem>>
        %gather3A_291 = tpu.vector_load_idx %gather3A_290[%broadcast_in_dim3A_282, %and3A_173] masked %and3A_283 : memref<16x1024xf32, #tpu.memory_space<vmem>>[vector<16xi32>, vector<16xi32>], vector<16xf32>, vector<16xi1>
        tpu.vector_store_idx %arg5[%broadcast_in_dim3A_282, %and3A_176], %gather3A_291 masked %and3A_283 : memref<16x4096xf32, #tpu.memory_space<vmem>>[vector<16xi32>, vector<16xi32>], vector<16xf32>, vector<16xi1>
        %gather3A_292 = tpu.vector_load_idx %arg12[%broadcast_in_dim3A_282, %and3A_185] masked %and3A_286 : memref<16x32xf32, #tpu.memory_space<vmem>>[vector<16xi32>, vector<16xi32>], vector<16xf32>, vector<16xi1>
        tpu.vector_store_idx %arg5[%broadcast_in_dim3A_282, %and3A_176], %gather3A_292 masked %and3A_286 : memref<16x4096xf32, #tpu.memory_space<vmem>>[vector<16xi32>, vector<16xi32>], vector<16xf32>, vector<16xi1>
        %broadcast_in_dim3A_293 = arith.constant 9 : i32
        %broadcast_in_dim3A_294 = vector.broadcast %broadcast_in_dim3A_293 : i32 to vector<16xi32>
        %and3A_295 = arith.andi %ge3A_165, %lt3A_179 : vector<16xi1>
        %not3A_296 = arith.constant dense<true> : vector<16xi1>
        %not3A_297 = arith.xori %lt3A_179, %not3A_296 : vector<16xi1>
        %and3A_298 = arith.andi %ge3A_165, %not3A_297 : vector<16xi1>
        %gather3A_299 = arith.constant 0 : i32
        %gather3A_300 = arith.constant 0 : i32
        %gather3A_301 = tpu.memref_slice %arg6[%while3A_149, %gather3A_299, %gather3A_300] : memref<3x16x1024xf32, #tpu.memory_space<vmem>> -> memref<1x16x1024xf32, #tpu.memory_space<vmem>>
        %gather3A_302 = tpu.memref_squeeze %gather3A_301 : memref<1x16x1024xf32, #tpu.memory_space<vmem>> -> memref<16x1024xf32, #tpu.memory_space<vmem>>
        %gather3A_303 = tpu.vector_load_idx %gather3A_302[%broadcast_in_dim3A_294, %and3A_173] masked %and3A_295 : memref<16x1024xf32, #tpu.memory_space<vmem>>[vector<16xi32>, vector<16xi32>], vector<16xf32>, vector<16xi1>
        tpu.vector_store_idx %arg5[%broadcast_in_dim3A_294, %and3A_176], %gather3A_303 masked %and3A_295 : memref<16x4096xf32, #tpu.memory_space<vmem>>[vector<16xi32>, vector<16xi32>], vector<16xf32>, vector<16xi1>
        %gather3A_304 = tpu.vector_load_idx %arg12[%broadcast_in_dim3A_294, %and3A_185] masked %and3A_298 : memref<16x32xf32, #tpu.memory_space<vmem>>[vector<16xi32>, vector<16xi32>], vector<16xf32>, vector<16xi1>
        tpu.vector_store_idx %arg5[%broadcast_in_dim3A_294, %and3A_176], %gather3A_304 masked %and3A_298 : memref<16x4096xf32, #tpu.memory_space<vmem>>[vector<16xi32>, vector<16xi32>], vector<16xf32>, vector<16xi1>
        %broadcast_in_dim3A_305 = arith.constant 10 : i32
        %broadcast_in_dim3A_306 = vector.broadcast %broadcast_in_dim3A_305 : i32 to vector<16xi32>
        %and3A_307 = arith.andi %ge3A_165, %lt3A_179 : vector<16xi1>
        %not3A_308 = arith.constant dense<true> : vector<16xi1>
        %not3A_309 = arith.xori %lt3A_179, %not3A_308 : vector<16xi1>
        %and3A_310 = arith.andi %ge3A_165, %not3A_309 : vector<16xi1>
        %gather3A_311 = arith.constant 0 : i32
        %gather3A_312 = arith.constant 0 : i32
        %gather3A_313 = tpu.memref_slice %arg6[%while3A_149, %gather3A_311, %gather3A_312] : memref<3x16x1024xf32, #tpu.memory_space<vmem>> -> memref<1x16x1024xf32, #tpu.memory_space<vmem>>
        %gather3A_314 = tpu.memref_squeeze %gather3A_313 : memref<1x16x1024xf32, #tpu.memory_space<vmem>> -> memref<16x1024xf32, #tpu.memory_space<vmem>>
        %gather3A_315 = tpu.vector_load_idx %gather3A_314[%broadcast_in_dim3A_306, %and3A_173] masked %and3A_307 : memref<16x1024xf32, #tpu.memory_space<vmem>>[vector<16xi32>, vector<16xi32>], vector<16xf32>, vector<16xi1>
        tpu.vector_store_idx %arg5[%broadcast_in_dim3A_306, %and3A_176], %gather3A_315 masked %and3A_307 : memref<16x4096xf32, #tpu.memory_space<vmem>>[vector<16xi32>, vector<16xi32>], vector<16xf32>, vector<16xi1>
        %gather3A_316 = tpu.vector_load_idx %arg12[%broadcast_in_dim3A_306, %and3A_185] masked %and3A_310 : memref<16x32xf32, #tpu.memory_space<vmem>>[vector<16xi32>, vector<16xi32>], vector<16xf32>, vector<16xi1>
        tpu.vector_store_idx %arg5[%broadcast_in_dim3A_306, %and3A_176], %gather3A_316 masked %and3A_310 : memref<16x4096xf32, #tpu.memory_space<vmem>>[vector<16xi32>, vector<16xi32>], vector<16xf32>, vector<16xi1>
        %broadcast_in_dim3A_317 = arith.constant 11 : i32
        %broadcast_in_dim3A_318 = vector.broadcast %broadcast_in_dim3A_317 : i32 to vector<16xi32>
        %and3A_319 = arith.andi %ge3A_165, %lt3A_179 : vector<16xi1>
        %not3A_320 = arith.constant dense<true> : vector<16xi1>
        %not3A_321 = arith.xori %lt3A_179, %not3A_320 : vector<16xi1>
        %and3A_322 = arith.andi %ge3A_165, %not3A_321 : vector<16xi1>
        %gather3A_323 = arith.constant 0 : i32
        %gather3A_324 = arith.constant 0 : i32
        %gather3A_325 = tpu.memref_slice %arg6[%while3A_149, %gather3A_323, %gather3A_324] : memref<3x16x1024xf32, #tpu.memory_space<vmem>> -> memref<1x16x1024xf32, #tpu.memory_space<vmem>>
        %gather3A_326 = tpu.memref_squeeze %gather3A_325 : memref<1x16x1024xf32, #tpu.memory_space<vmem>> -> memref<16x1024xf32, #tpu.memory_space<vmem>>
        %gather3A_327 = tpu.vector_load_idx %gather3A_326[%broadcast_in_dim3A_318, %and3A_173] masked %and3A_319 : memref<16x1024xf32, #tpu.memory_space<vmem>>[vector<16xi32>, vector<16xi32>], vector<16xf32>, vector<16xi1>
        tpu.vector_store_idx %arg5[%broadcast_in_dim3A_318, %and3A_176], %gather3A_327 masked %and3A_319 : memref<16x4096xf32, #tpu.memory_space<vmem>>[vector<16xi32>, vector<16xi32>], vector<16xf32>, vector<16xi1>
        %gather3A_328 = tpu.vector_load_idx %arg12[%broadcast_in_dim3A_318, %and3A_185] masked %and3A_322 : memref<16x32xf32, #tpu.memory_space<vmem>>[vector<16xi32>, vector<16xi32>], vector<16xf32>, vector<16xi1>
        tpu.vector_store_idx %arg5[%broadcast_in_dim3A_318, %and3A_176], %gather3A_328 masked %and3A_322 : memref<16x4096xf32, #tpu.memory_space<vmem>>[vector<16xi32>, vector<16xi32>], vector<16xf32>, vector<16xi1>
        %broadcast_in_dim3A_329 = arith.constant 12 : i32
        %broadcast_in_dim3A_330 = vector.broadcast %broadcast_in_dim3A_329 : i32 to vector<16xi32>
        %and3A_331 = arith.andi %ge3A_165, %lt3A_179 : vector<16xi1>
        %not3A_332 = arith.constant dense<true> : vector<16xi1>
        %not3A_333 = arith.xori %lt3A_179, %not3A_332 : vector<16xi1>
        %and3A_334 = arith.andi %ge3A_165, %not3A_333 : vector<16xi1>
        %gather3A_335 = arith.constant 0 : i32
        %gather3A_336 = arith.constant 0 : i32
        %gather3A_337 = tpu.memref_slice %arg6[%while3A_149, %gather3A_335, %gather3A_336] : memref<3x16x1024xf32, #tpu.memory_space<vmem>> -> memref<1x16x1024xf32, #tpu.memory_space<vmem>>
        %gather3A_338 = tpu.memref_squeeze %gather3A_337 : memref<1x16x1024xf32, #tpu.memory_space<vmem>> -> memref<16x1024xf32, #tpu.memory_space<vmem>>
        %gather3A_339 = tpu.vector_load_idx %gather3A_338[%broadcast_in_dim3A_330, %and3A_173] masked %and3A_331 : memref<16x1024xf32, #tpu.memory_space<vmem>>[vector<16xi32>, vector<16xi32>], vector<16xf32>, vector<16xi1>
        tpu.vector_store_idx %arg5[%broadcast_in_dim3A_330, %and3A_176], %gather3A_339 masked %and3A_331 : memref<16x4096xf32, #tpu.memory_space<vmem>>[vector<16xi32>, vector<16xi32>], vector<16xf32>, vector<16xi1>
        %gather3A_340 = tpu.vector_load_idx %arg12[%broadcast_in_dim3A_330, %and3A_185] masked %and3A_334 : memref<16x32xf32, #tpu.memory_space<vmem>>[vector<16xi32>, vector<16xi32>], vector<16xf32>, vector<16xi1>
        tpu.vector_store_idx %arg5[%broadcast_in_dim3A_330, %and3A_176], %gather3A_340 masked %and3A_334 : memref<16x4096xf32, #tpu.memory_space<vmem>>[vector<16xi32>, vector<16xi32>], vector<16xf32>, vector<16xi1>
        %broadcast_in_dim3A_341 = arith.constant 13 : i32
        %broadcast_in_dim3A_342 = vector.broadcast %broadcast_in_dim3A_341 : i32 to vector<16xi32>
        %and3A_343 = arith.andi %ge3A_165, %lt3A_179 : vector<16xi1>
        %not3A_344 = arith.constant dense<true> : vector<16xi1>
        %not3A_345 = arith.xori %lt3A_179, %not3A_344 : vector<16xi1>
        %and3A_346 = arith.andi %ge3A_165, %not3A_345 : vector<16xi1>
        %gather3A_347 = arith.constant 0 : i32
        %gather3A_348 = arith.constant 0 : i32
        %gather3A_349 = tpu.memref_slice %arg6[%while3A_149, %gather3A_347, %gather3A_348] : memref<3x16x1024xf32, #tpu.memory_space<vmem>> -> memref<1x16x1024xf32, #tpu.memory_space<vmem>>
        %gather3A_350 = tpu.memref_squeeze %gather3A_349 : memref<1x16x1024xf32, #tpu.memory_space<vmem>> -> memref<16x1024xf32, #tpu.memory_space<vmem>>
        %gather3A_351 = tpu.vector_load_idx %gather3A_350[%broadcast_in_dim3A_342, %and3A_173] masked %and3A_343 : memref<16x1024xf32, #tpu.memory_space<vmem>>[vector<16xi32>, vector<16xi32>], vector<16xf32>, vector<16xi1>
        tpu.vector_store_idx %arg5[%broadcast_in_dim3A_342, %and3A_176], %gather3A_351 masked %and3A_343 : memref<16x4096xf32, #tpu.memory_space<vmem>>[vector<16xi32>, vector<16xi32>], vector<16xf32>, vector<16xi1>
        %gather3A_352 = tpu.vector_load_idx %arg12[%broadcast_in_dim3A_342, %and3A_185] masked %and3A_346 : memref<16x32xf32, #tpu.memory_space<vmem>>[vector<16xi32>, vector<16xi32>], vector<16xf32>, vector<16xi1>
        tpu.vector_store_idx %arg5[%broadcast_in_dim3A_342, %and3A_176], %gather3A_352 masked %and3A_346 : memref<16x4096xf32, #tpu.memory_space<vmem>>[vector<16xi32>, vector<16xi32>], vector<16xf32>, vector<16xi1>
        %broadcast_in_dim3A_353 = arith.constant 14 : i32
        %broadcast_in_dim3A_354 = vector.broadcast %broadcast_in_dim3A_353 : i32 to vector<16xi32>
        %and3A_355 = arith.andi %ge3A_165, %lt3A_179 : vector<16xi1>
        %not3A_356 = arith.constant dense<true> : vector<16xi1>
        %not3A_357 = arith.xori %lt3A_179, %not3A_356 : vector<16xi1>
        %and3A_358 = arith.andi %ge3A_165, %not3A_357 : vector<16xi1>
        %gather3A_359 = arith.constant 0 : i32
        %gather3A_360 = arith.constant 0 : i32
        %gather3A_361 = tpu.memref_slice %arg6[%while3A_149, %gather3A_359, %gather3A_360] : memref<3x16x1024xf32, #tpu.memory_space<vmem>> -> memref<1x16x1024xf32, #tpu.memory_space<vmem>>
        %gather3A_362 = tpu.memref_squeeze %gather3A_361 : memref<1x16x1024xf32, #tpu.memory_space<vmem>> -> memref<16x1024xf32, #tpu.memory_space<vmem>>
        %gather3A_363 = tpu.vector_load_idx %gather3A_362[%broadcast_in_dim3A_354, %and3A_173] masked %and3A_355 : memref<16x1024xf32, #tpu.memory_space<vmem>>[vector<16xi32>, vector<16xi32>], vector<16xf32>, vector<16xi1>
        tpu.vector_store_idx %arg5[%broadcast_in_dim3A_354, %and3A_176], %gather3A_363 masked %and3A_355 : memref<16x4096xf32, #tpu.memory_space<vmem>>[vector<16xi32>, vector<16xi32>], vector<16xf32>, vector<16xi1>
        %gather3A_364 = tpu.vector_load_idx %arg12[%broadcast_in_dim3A_354, %and3A_185] masked %and3A_358 : memref<16x32xf32, #tpu.memory_space<vmem>>[vector<16xi32>, vector<16xi32>], vector<16xf32>, vector<16xi1>
        tpu.vector_store_idx %arg5[%broadcast_in_dim3A_354, %and3A_176], %gather3A_364 masked %and3A_358 : memref<16x4096xf32, #tpu.memory_space<vmem>>[vector<16xi32>, vector<16xi32>], vector<16xf32>, vector<16xi1>
        %broadcast_in_dim3A_365 = arith.constant 15 : i32
        %broadcast_in_dim3A_366 = vector.broadcast %broadcast_in_dim3A_365 : i32 to vector<16xi32>
        %and3A_367 = arith.andi %ge3A_165, %lt3A_179 : vector<16xi1>
        %not3A_368 = arith.constant dense<true> : vector<16xi1>
        %not3A_369 = arith.xori %lt3A_179, %not3A_368 : vector<16xi1>
        %and3A_370 = arith.andi %ge3A_165, %not3A_369 : vector<16xi1>
        %gather3A_371 = arith.constant 0 : i32
        %gather3A_372 = arith.constant 0 : i32
        %gather3A_373 = tpu.memref_slice %arg6[%while3A_149, %gather3A_371, %gather3A_372] : memref<3x16x1024xf32, #tpu.memory_space<vmem>> -> memref<1x16x1024xf32, #tpu.memory_space<vmem>>
        %gather3A_374 = tpu.memref_squeeze %gather3A_373 : memref<1x16x1024xf32, #tpu.memory_space<vmem>> -> memref<16x1024xf32, #tpu.memory_space<vmem>>
        %gather3A_375 = tpu.vector_load_idx %gather3A_374[%broadcast_in_dim3A_366, %and3A_173] masked %and3A_367 : memref<16x1024xf32, #tpu.memory_space<vmem>>[vector<16xi32>, vector<16xi32>], vector<16xf32>, vector<16xi1>
        tpu.vector_store_idx %arg5[%broadcast_in_dim3A_366, %and3A_176], %gather3A_375 masked %and3A_367 : memref<16x4096xf32, #tpu.memory_space<vmem>>[vector<16xi32>, vector<16xi32>], vector<16xf32>, vector<16xi1>
        %gather3A_376 = tpu.vector_load_idx %arg12[%broadcast_in_dim3A_366, %and3A_185] masked %and3A_370 : memref<16x32xf32, #tpu.memory_space<vmem>>[vector<16xi32>, vector<16xi32>], vector<16xf32>, vector<16xi1>
        tpu.vector_store_idx %arg5[%broadcast_in_dim3A_366, %and3A_176], %gather3A_376 masked %and3A_370 : memref<16x4096xf32, #tpu.memory_space<vmem>>[vector<16xi32>, vector<16xi32>], vector<16xf32>, vector<16xi1>
      }
      %while3A_158 = arith.constant 1 : i32
      scf.for %while3A_159 = %while3A_156 to %while3A_152 step %while3A_158  : i32 {
        %mul3A_160 = arith.constant 16 : i32
        %mul3A_161 = arith.muli %while3A_159, %mul3A_160 : i32
        %add3A_162 = arith.addi %squeeze3A_140, %mul3A_161 : i32
        %get3A = arith.index_cast %add3A_162 : i32 to index
        %get3A_163 = tpu.vector_load %arg8[%get3A] {strides = array<i32>} : memref<5664xi32, #tpu.memory_space<vmem>>, vector<16xi32>,
        %ge3A = arith.constant 0 : i32
        %ge3A_164 = vector.broadcast %ge3A : i32 to vector<16xi32>
        %ge3A_165 = arith.cmpi sge, %get3A_163, %ge3A_164 : vector<16xi32>
        %shift_right_arithmetic3A_166 = arith.constant 12 : i32
        %shift_right_arithmetic3A_167 = vector.broadcast %shift_right_arithmetic3A_166 : i32 to vector<16xi32>
        %shift_right_arithmetic3A_168 = arith.shrsi %get3A_163, %shift_right_arithmetic3A_167 : vector<16xi32>
        %sub3A_169 = arith.constant 99328 : i32
        %sub3A_170 = vector.broadcast %sub3A_169 : i32 to vector<16xi32>
        %sub3A_171 = arith.subi %shift_right_arithmetic3A_168, %sub3A_170 : vector<16xi32>
        %and3A = arith.constant 1023 : i32
        %and3A_172 = vector.broadcast %and3A : i32 to vector<16xi32>
        %and3A_173 = arith.andi %sub3A_171, %and3A_172 : vector<16xi32>
        %and3A_174 = arith.constant 4095 : i32
        %and3A_175 = vector.broadcast %and3A_174 : i32 to vector<16xi32>
        %and3A_176 = arith.andi %get3A_163, %and3A_175 : vector<16xi32>
        %lt3A_177 = arith.constant 640 : i32
        %lt3A_178 = vector.broadcast %lt3A_177 : i32 to vector<16xi32>
        %lt3A_179 = arith.cmpi slt, %and3A_173, %lt3A_178 : vector<16xi32>
        %sub3A_180 = arith.constant 640 : i32
        %sub3A_181 = vector.broadcast %sub3A_180 : i32 to vector<16xi32>
        %sub3A_182 = arith.subi %and3A_173, %sub3A_181 : vector<16xi32>
        %and3A_183 = arith.constant 31 : i32
        %and3A_184 = vector.broadcast %and3A_183 : i32 to vector<16xi32>
        %and3A_185 = arith.andi %sub3A_182, %and3A_184 : vector<16xi32>
        %broadcast_in_dim3A_186 = arith.constant 0 : i32
        %broadcast_in_dim3A_187 = vector.broadcast %broadcast_in_dim3A_186 : i32 to vector<16xi32>
        %and3A_188 = arith.andi %ge3A_165, %lt3A_179 : vector<16xi1>
        %not3A = arith.constant dense<true> : vector<16xi1>
        %not3A_189 = arith.xori %lt3A_179, %not3A : vector<16xi1>
        %and3A_190 = arith.andi %ge3A_165, %not3A_189 : vector<16xi1>
        %gather3A_191 = arith.constant 0 : i32
        %gather3A_192 = arith.constant 0 : i32
        %gather3A_193 = tpu.memref_slice %arg6[%while3A_149, %gather3A_191, %gather3A_192] : memref<3x16x1024xf32, #tpu.memory_space<vmem>> -> memref<1x16x1024xf32, #tpu.memory_space<vmem>>
        %gather3A_194 = tpu.memref_squeeze %gather3A_193 : memref<1x16x1024xf32, #tpu.memory_space<vmem>> -> memref<16x1024xf32, #tpu.memory_space<vmem>>
        %gather3A_195 = tpu.vector_load_idx %gather3A_194[%broadcast_in_dim3A_187, %and3A_173] masked %and3A_188 : memref<16x1024xf32, #tpu.memory_space<vmem>>[vector<16xi32>, vector<16xi32>], vector<16xf32>, vector<16xi1>
        tpu.vector_store_idx %arg5[%broadcast_in_dim3A_187, %and3A_176], %gather3A_195 masked %and3A_188 : memref<16x4096xf32, #tpu.memory_space<vmem>>[vector<16xi32>, vector<16xi32>], vector<16xf32>, vector<16xi1>
        %gather3A_196 = tpu.vector_load_idx %arg12[%broadcast_in_dim3A_187, %and3A_185] masked %and3A_190 : memref<16x32xf32, #tpu.memory_space<vmem>>[vector<16xi32>, vector<16xi32>], vector<16xf32>, vector<16xi1>
        tpu.vector_store_idx %arg5[%broadcast_in_dim3A_187, %and3A_176], %gather3A_196 masked %and3A_190 : memref<16x4096xf32, #tpu.memory_space<vmem>>[vector<16xi32>, vector<16xi32>], vector<16xf32>, vector<16xi1>
        %broadcast_in_dim3A_197 = arith.constant 1 : i32
        %broadcast_in_dim3A_198 = vector.broadcast %broadcast_in_dim3A_197 : i32 to vector<16xi32>
        %and3A_199 = arith.andi %ge3A_165, %lt3A_179 : vector<16xi1>
        %not3A_200 = arith.constant dense<true> : vector<16xi1>
        %not3A_201 = arith.xori %lt3A_179, %not3A_200 : vector<16xi1>
        %and3A_202 = arith.andi %ge3A_165, %not3A_201 : vector<16xi1>
        %gather3A_203 = arith.constant 0 : i32
        %gather3A_204 = arith.constant 0 : i32
        %gather3A_205 = tpu.memref_slice %arg6[%while3A_149, %gather3A_203, %gather3A_204] : memref<3x16x1024xf32, #tpu.memory_space<vmem>> -> memref<1x16x1024xf32, #tpu.memory_space<vmem>>
        %gather3A_206 = tpu.memref_squeeze %gather3A_205 : memref<1x16x1024xf32, #tpu.memory_space<vmem>> -> memref<16x1024xf32, #tpu.memory_space<vmem>>
        %gather3A_207 = tpu.vector_load_idx %gather3A_206[%broadcast_in_dim3A_198, %and3A_173] masked %and3A_199 : memref<16x1024xf32, #tpu.memory_space<vmem>>[vector<16xi32>, vector<16xi32>], vector<16xf32>, vector<16xi1>
        tpu.vector_store_idx %arg5[%broadcast_in_dim3A_198, %and3A_176], %gather3A_207 masked %and3A_199 : memref<16x4096xf32, #tpu.memory_space<vmem>>[vector<16xi32>, vector<16xi32>], vector<16xf32>, vector<16xi1>
        %gather3A_208 = tpu.vector_load_idx %arg12[%broadcast_in_dim3A_198, %and3A_185] masked %and3A_202 : memref<16x32xf32, #tpu.memory_space<vmem>>[vector<16xi32>, vector<16xi32>], vector<16xf32>, vector<16xi1>
        tpu.vector_store_idx %arg5[%broadcast_in_dim3A_198, %and3A_176], %gather3A_208 masked %and3A_202 : memref<16x4096xf32, #tpu.memory_space<vmem>>[vector<16xi32>, vector<16xi32>], vector<16xf32>, vector<16xi1>
        %broadcast_in_dim3A_209 = arith.constant 2 : i32
        %broadcast_in_dim3A_210 = vector.broadcast %broadcast_in_dim3A_209 : i32 to vector<16xi32>
        %and3A_211 = arith.andi %ge3A_165, %lt3A_179 : vector<16xi1>
        %not3A_212 = arith.constant dense<true> : vector<16xi1>
        %not3A_213 = arith.xori %lt3A_179, %not3A_212 : vector<16xi1>
        %and3A_214 = arith.andi %ge3A_165, %not3A_213 : vector<16xi1>
        %gather3A_215 = arith.constant 0 : i32
        %gather3A_216 = arith.constant 0 : i32
        %gather3A_217 = tpu.memref_slice %arg6[%while3A_149, %gather3A_215, %gather3A_216] : memref<3x16x1024xf32, #tpu.memory_space<vmem>> -> memref<1x16x1024xf32, #tpu.memory_space<vmem>>
        %gather3A_218 = tpu.memref_squeeze %gather3A_217 : memref<1x16x1024xf32, #tpu.memory_space<vmem>> -> memref<16x1024xf32, #tpu.memory_space<vmem>>
        %gather3A_219 = tpu.vector_load_idx %gather3A_218[%broadcast_in_dim3A_210, %and3A_173] masked %and3A_211 : memref<16x1024xf32, #tpu.memory_space<vmem>>[vector<16xi32>, vector<16xi32>], vector<16xf32>, vector<16xi1>
        tpu.vector_store_idx %arg5[%broadcast_in_dim3A_210, %and3A_176], %gather3A_219 masked %and3A_211 : memref<16x4096xf32, #tpu.memory_space<vmem>>[vector<16xi32>, vector<16xi32>], vector<16xf32>, vector<16xi1>
        %gather3A_220 = tpu.vector_load_idx %arg12[%broadcast_in_dim3A_210, %and3A_185] masked %and3A_214 : memref<16x32xf32, #tpu.memory_space<vmem>>[vector<16xi32>, vector<16xi32>], vector<16xf32>, vector<16xi1>
        tpu.vector_store_idx %arg5[%broadcast_in_dim3A_210, %and3A_176], %gather3A_220 masked %and3A_214 : memref<16x4096xf32, #tpu.memory_space<vmem>>[vector<16xi32>, vector<16xi32>], vector<16xf32>, vector<16xi1>
        %broadcast_in_dim3A_221 = arith.constant 3 : i32
        %broadcast_in_dim3A_222 = vector.broadcast %broadcast_in_dim3A_221 : i32 to vector<16xi32>
        %and3A_223 = arith.andi %ge3A_165, %lt3A_179 : vector<16xi1>
        %not3A_224 = arith.constant dense<true> : vector<16xi1>
        %not3A_225 = arith.xori %lt3A_179, %not3A_224 : vector<16xi1>
        %and3A_226 = arith.andi %ge3A_165, %not3A_225 : vector<16xi1>
        %gather3A_227 = arith.constant 0 : i32
        %gather3A_228 = arith.constant 0 : i32
        %gather3A_229 = tpu.memref_slice %arg6[%while3A_149, %gather3A_227, %gather3A_228] : memref<3x16x1024xf32, #tpu.memory_space<vmem>> -> memref<1x16x1024xf32, #tpu.memory_space<vmem>>
        %gather3A_230 = tpu.memref_squeeze %gather3A_229 : memref<1x16x1024xf32, #tpu.memory_space<vmem>> -> memref<16x1024xf32, #tpu.memory_space<vmem>>
        %gather3A_231 = tpu.vector_load_idx %gather3A_230[%broadcast_in_dim3A_222, %and3A_173] masked %and3A_223 : memref<16x1024xf32, #tpu.memory_space<vmem>>[vector<16xi32>, vector<16xi32>], vector<16xf32>, vector<16xi1>
        tpu.vector_store_idx %arg5[%broadcast_in_dim3A_222, %and3A_176], %gather3A_231 masked %and3A_223 : memref<16x4096xf32, #tpu.memory_space<vmem>>[vector<16xi32>, vector<16xi32>], vector<16xf32>, vector<16xi1>
        %gather3A_232 = tpu.vector_load_idx %arg12[%broadcast_in_dim3A_222, %and3A_185] masked %and3A_226 : memref<16x32xf32, #tpu.memory_space<vmem>>[vector<16xi32>, vector<16xi32>], vector<16xf32>, vector<16xi1>
        tpu.vector_store_idx %arg5[%broadcast_in_dim3A_222, %and3A_176], %gather3A_232 masked %and3A_226 : memref<16x4096xf32, #tpu.memory_space<vmem>>[vector<16xi32>, vector<16xi32>], vector<16xf32>, vector<16xi1>
        %broadcast_in_dim3A_233 = arith.constant 4 : i32
        %broadcast_in_dim3A_234 = vector.broadcast %broadcast_in_dim3A_233 : i32 to vector<16xi32>
        %and3A_235 = arith.andi %ge3A_165, %lt3A_179 : vector<16xi1>
        %not3A_236 = arith.constant dense<true> : vector<16xi1>
        %not3A_237 = arith.xori %lt3A_179, %not3A_236 : vector<16xi1>
        %and3A_238 = arith.andi %ge3A_165, %not3A_237 : vector<16xi1>
        %gather3A_239 = arith.constant 0 : i32
        %gather3A_240 = arith.constant 0 : i32
        %gather3A_241 = tpu.memref_slice %arg6[%while3A_149, %gather3A_239, %gather3A_240] : memref<3x16x1024xf32, #tpu.memory_space<vmem>> -> memref<1x16x1024xf32, #tpu.memory_space<vmem>>
        %gather3A_242 = tpu.memref_squeeze %gather3A_241 : memref<1x16x1024xf32, #tpu.memory_space<vmem>> -> memref<16x1024xf32, #tpu.memory_space<vmem>>
        %gather3A_243 = tpu.vector_load_idx %gather3A_242[%broadcast_in_dim3A_234, %and3A_173] masked %and3A_235 : memref<16x1024xf32, #tpu.memory_space<vmem>>[vector<16xi32>, vector<16xi32>], vector<16xf32>, vector<16xi1>
        tpu.vector_store_idx %arg5[%broadcast_in_dim3A_234, %and3A_176], %gather3A_243 masked %and3A_235 : memref<16x4096xf32, #tpu.memory_space<vmem>>[vector<16xi32>, vector<16xi32>], vector<16xf32>, vector<16xi1>
        %gather3A_244 = tpu.vector_load_idx %arg12[%broadcast_in_dim3A_234, %and3A_185] masked %and3A_238 : memref<16x32xf32, #tpu.memory_space<vmem>>[vector<16xi32>, vector<16xi32>], vector<16xf32>, vector<16xi1>
        tpu.vector_store_idx %arg5[%broadcast_in_dim3A_234, %and3A_176], %gather3A_244 masked %and3A_238 : memref<16x4096xf32, #tpu.memory_space<vmem>>[vector<16xi32>, vector<16xi32>], vector<16xf32>, vector<16xi1>
        %broadcast_in_dim3A_245 = arith.constant 5 : i32
        %broadcast_in_dim3A_246 = vector.broadcast %broadcast_in_dim3A_245 : i32 to vector<16xi32>
        %and3A_247 = arith.andi %ge3A_165, %lt3A_179 : vector<16xi1>
        %not3A_248 = arith.constant dense<true> : vector<16xi1>
        %not3A_249 = arith.xori %lt3A_179, %not3A_248 : vector<16xi1>
        %and3A_250 = arith.andi %ge3A_165, %not3A_249 : vector<16xi1>
        %gather3A_251 = arith.constant 0 : i32
        %gather3A_252 = arith.constant 0 : i32
        %gather3A_253 = tpu.memref_slice %arg6[%while3A_149, %gather3A_251, %gather3A_252] : memref<3x16x1024xf32, #tpu.memory_space<vmem>> -> memref<1x16x1024xf32, #tpu.memory_space<vmem>>
        %gather3A_254 = tpu.memref_squeeze %gather3A_253 : memref<1x16x1024xf32, #tpu.memory_space<vmem>> -> memref<16x1024xf32, #tpu.memory_space<vmem>>
        %gather3A_255 = tpu.vector_load_idx %gather3A_254[%broadcast_in_dim3A_246, %and3A_173] masked %and3A_247 : memref<16x1024xf32, #tpu.memory_space<vmem>>[vector<16xi32>, vector<16xi32>], vector<16xf32>, vector<16xi1>
        tpu.vector_store_idx %arg5[%broadcast_in_dim3A_246, %and3A_176], %gather3A_255 masked %and3A_247 : memref<16x4096xf32, #tpu.memory_space<vmem>>[vector<16xi32>, vector<16xi32>], vector<16xf32>, vector<16xi1>
        %gather3A_256 = tpu.vector_load_idx %arg12[%broadcast_in_dim3A_246, %and3A_185] masked %and3A_250 : memref<16x32xf32, #tpu.memory_space<vmem>>[vector<16xi32>, vector<16xi32>], vector<16xf32>, vector<16xi1>
        tpu.vector_store_idx %arg5[%broadcast_in_dim3A_246, %and3A_176], %gather3A_256 masked %and3A_250 : memref<16x4096xf32, #tpu.memory_space<vmem>>[vector<16xi32>, vector<16xi32>], vector<16xf32>, vector<16xi1>
        %broadcast_in_dim3A_257 = arith.constant 6 : i32
        %broadcast_in_dim3A_258 = vector.broadcast %broadcast_in_dim3A_257 : i32 to vector<16xi32>
        %and3A_259 = arith.andi %ge3A_165, %lt3A_179 : vector<16xi1>
        %not3A_260 = arith.constant dense<true> : vector<16xi1>
        %not3A_261 = arith.xori %lt3A_179, %not3A_260 : vector<16xi1>
        %and3A_262 = arith.andi %ge3A_165, %not3A_261 : vector<16xi1>
        %gather3A_263 = arith.constant 0 : i32
        %gather3A_264 = arith.constant 0 : i32
        %gather3A_265 = tpu.memref_slice %arg6[%while3A_149, %gather3A_263, %gather3A_264] : memref<3x16x1024xf32, #tpu.memory_space<vmem>> -> memref<1x16x1024xf32, #tpu.memory_space<vmem>>
        %gather3A_266 = tpu.memref_squeeze %gather3A_265 : memref<1x16x1024xf32, #tpu.memory_space<vmem>> -> memref<16x1024xf32, #tpu.memory_space<vmem>>
        %gather3A_267 = tpu.vector_load_idx %gather3A_266[%broadcast_in_dim3A_258, %and3A_173] masked %and3A_259 : memref<16x1024xf32, #tpu.memory_space<vmem>>[vector<16xi32>, vector<16xi32>], vector<16xf32>, vector<16xi1>
        tpu.vector_store_idx %arg5[%broadcast_in_dim3A_258, %and3A_176], %gather3A_267 masked %and3A_259 : memref<16x4096xf32, #tpu.memory_space<vmem>>[vector<16xi32>, vector<16xi32>], vector<16xf32>, vector<16xi1>
        %gather3A_268 = tpu.vector_load_idx %arg12[%broadcast_in_dim3A_258, %and3A_185] masked %and3A_262 : memref<16x32xf32, #tpu.memory_space<vmem>>[vector<16xi32>, vector<16xi32>], vector<16xf32>, vector<16xi1>
        tpu.vector_store_idx %arg5[%broadcast_in_dim3A_258, %and3A_176], %gather3A_268 masked %and3A_262 : memref<16x4096xf32, #tpu.memory_space<vmem>>[vector<16xi32>, vector<16xi32>], vector<16xf32>, vector<16xi1>
        %broadcast_in_dim3A_269 = arith.constant 7 : i32
        %broadcast_in_dim3A_270 = vector.broadcast %broadcast_in_dim3A_269 : i32 to vector<16xi32>
        %and3A_271 = arith.andi %ge3A_165, %lt3A_179 : vector<16xi1>
        %not3A_272 = arith.constant dense<true> : vector<16xi1>
        %not3A_273 = arith.xori %lt3A_179, %not3A_272 : vector<16xi1>
        %and3A_274 = arith.andi %ge3A_165, %not3A_273 : vector<16xi1>
        %gather3A_275 = arith.constant 0 : i32
        %gather3A_276 = arith.constant 0 : i32
        %gather3A_277 = tpu.memref_slice %arg6[%while3A_149, %gather3A_275, %gather3A_276] : memref<3x16x1024xf32, #tpu.memory_space<vmem>> -> memref<1x16x1024xf32, #tpu.memory_space<vmem>>
        %gather3A_278 = tpu.memref_squeeze %gather3A_277 : memref<1x16x1024xf32, #tpu.memory_space<vmem>> -> memref<16x1024xf32, #tpu.memory_space<vmem>>
        %gather3A_279 = tpu.vector_load_idx %gather3A_278[%broadcast_in_dim3A_270, %and3A_173] masked %and3A_271 : memref<16x1024xf32, #tpu.memory_space<vmem>>[vector<16xi32>, vector<16xi32>], vector<16xf32>, vector<16xi1>
        tpu.vector_store_idx %arg5[%broadcast_in_dim3A_270, %and3A_176], %gather3A_279 masked %and3A_271 : memref<16x4096xf32, #tpu.memory_space<vmem>>[vector<16xi32>, vector<16xi32>], vector<16xf32>, vector<16xi1>
        %gather3A_280 = tpu.vector_load_idx %arg12[%broadcast_in_dim3A_270, %and3A_185] masked %and3A_274 : memref<16x32xf32, #tpu.memory_space<vmem>>[vector<16xi32>, vector<16xi32>], vector<16xf32>, vector<16xi1>
        tpu.vector_store_idx %arg5[%broadcast_in_dim3A_270, %and3A_176], %gather3A_280 masked %and3A_274 : memref<16x4096xf32, #tpu.memory_space<vmem>>[vector<16xi32>, vector<16xi32>], vector<16xf32>, vector<16xi1>
        %broadcast_in_dim3A_281 = arith.constant 8 : i32
        %broadcast_in_dim3A_282 = vector.broadcast %broadcast_in_dim3A_281 : i32 to vector<16xi32>
        %and3A_283 = arith.andi %ge3A_165, %lt3A_179 : vector<16xi1>
        %not3A_284 = arith.constant dense<true> : vector<16xi1>
        %not3A_285 = arith.xori %lt3A_179, %not3A_284 : vector<16xi1>
        %and3A_286 = arith.andi %ge3A_165, %not3A_285 : vector<16xi1>
        %gather3A_287 = arith.constant 0 : i32
        %gather3A_288 = arith.constant 0 : i32
        %gather3A_289 = tpu.memref_slice %arg6[%while3A_149, %gather3A_287, %gather3A_288] : memref<3x16x1024xf32, #tpu.memory_space<vmem>> -> memref<1x16x1024xf32, #tpu.memory_space<vmem>>
        %gather3A_290 = tpu.memref_squeeze %gather3A_289 : memref<1x16x1024xf32, #tpu.memory_space<vmem>> -> memref<16x1024xf32, #tpu.memory_space<vmem>>
        %gather3A_291 = tpu.vector_load_idx %gather3A_290[%broadcast_in_dim3A_282, %and3A_173] masked %and3A_283 : memref<16x1024xf32, #tpu.memory_space<vmem>>[vector<16xi32>, vector<16xi32>], vector<16xf32>, vector<16xi1>
        tpu.vector_store_idx %arg5[%broadcast_in_dim3A_282, %and3A_176], %gather3A_291 masked %and3A_283 : memref<16x4096xf32, #tpu.memory_space<vmem>>[vector<16xi32>, vector<16xi32>], vector<16xf32>, vector<16xi1>
        %gather3A_292 = tpu.vector_load_idx %arg12[%broadcast_in_dim3A_282, %and3A_185] masked %and3A_286 : memref<16x32xf32, #tpu.memory_space<vmem>>[vector<16xi32>, vector<16xi32>], vector<16xf32>, vector<16xi1>
        tpu.vector_store_idx %arg5[%broadcast_in_dim3A_282, %and3A_176], %gather3A_292 masked %and3A_286 : memref<16x4096xf32, #tpu.memory_space<vmem>>[vector<16xi32>, vector<16xi32>], vector<16xf32>, vector<16xi1>
        %broadcast_in_dim3A_293 = arith.constant 9 : i32
        %broadcast_in_dim3A_294 = vector.broadcast %broadcast_in_dim3A_293 : i32 to vector<16xi32>
        %and3A_295 = arith.andi %ge3A_165, %lt3A_179 : vector<16xi1>
        %not3A_296 = arith.constant dense<true> : vector<16xi1>
        %not3A_297 = arith.xori %lt3A_179, %not3A_296 : vector<16xi1>
        %and3A_298 = arith.andi %ge3A_165, %not3A_297 : vector<16xi1>
        %gather3A_299 = arith.constant 0 : i32
        %gather3A_300 = arith.constant 0 : i32
        %gather3A_301 = tpu.memref_slice %arg6[%while3A_149, %gather3A_299, %gather3A_300] : memref<3x16x1024xf32, #tpu.memory_space<vmem>> -> memref<1x16x1024xf32, #tpu.memory_space<vmem>>
        %gather3A_302 = tpu.memref_squeeze %gather3A_301 : memref<1x16x1024xf32, #tpu.memory_space<vmem>> -> memref<16x1024xf32, #tpu.memory_space<vmem>>
        %gather3A_303 = tpu.vector_load_idx %gather3A_302[%broadcast_in_dim3A_294, %and3A_173] masked %and3A_295 : memref<16x1024xf32, #tpu.memory_space<vmem>>[vector<16xi32>, vector<16xi32>], vector<16xf32>, vector<16xi1>
        tpu.vector_store_idx %arg5[%broadcast_in_dim3A_294, %and3A_176], %gather3A_303 masked %and3A_295 : memref<16x4096xf32, #tpu.memory_space<vmem>>[vector<16xi32>, vector<16xi32>], vector<16xf32>, vector<16xi1>
        %gather3A_304 = tpu.vector_load_idx %arg12[%broadcast_in_dim3A_294, %and3A_185] masked %and3A_298 : memref<16x32xf32, #tpu.memory_space<vmem>>[vector<16xi32>, vector<16xi32>], vector<16xf32>, vector<16xi1>
        tpu.vector_store_idx %arg5[%broadcast_in_dim3A_294, %and3A_176], %gather3A_304 masked %and3A_298 : memref<16x4096xf32, #tpu.memory_space<vmem>>[vector<16xi32>, vector<16xi32>], vector<16xf32>, vector<16xi1>
        %broadcast_in_dim3A_305 = arith.constant 10 : i32
        %broadcast_in_dim3A_306 = vector.broadcast %broadcast_in_dim3A_305 : i32 to vector<16xi32>
        %and3A_307 = arith.andi %ge3A_165, %lt3A_179 : vector<16xi1>
        %not3A_308 = arith.constant dense<true> : vector<16xi1>
        %not3A_309 = arith.xori %lt3A_179, %not3A_308 : vector<16xi1>
        %and3A_310 = arith.andi %ge3A_165, %not3A_309 : vector<16xi1>
        %gather3A_311 = arith.constant 0 : i32
        %gather3A_312 = arith.constant 0 : i32
        %gather3A_313 = tpu.memref_slice %arg6[%while3A_149, %gather3A_311, %gather3A_312] : memref<3x16x1024xf32, #tpu.memory_space<vmem>> -> memref<1x16x1024xf32, #tpu.memory_space<vmem>>
        %gather3A_314 = tpu.memref_squeeze %gather3A_313 : memref<1x16x1024xf32, #tpu.memory_space<vmem>> -> memref<16x1024xf32, #tpu.memory_space<vmem>>
        %gather3A_315 = tpu.vector_load_idx %gather3A_314[%broadcast_in_dim3A_306, %and3A_173] masked %and3A_307 : memref<16x1024xf32, #tpu.memory_space<vmem>>[vector<16xi32>, vector<16xi32>], vector<16xf32>, vector<16xi1>
        tpu.vector_store_idx %arg5[%broadcast_in_dim3A_306, %and3A_176], %gather3A_315 masked %and3A_307 : memref<16x4096xf32, #tpu.memory_space<vmem>>[vector<16xi32>, vector<16xi32>], vector<16xf32>, vector<16xi1>
        %gather3A_316 = tpu.vector_load_idx %arg12[%broadcast_in_dim3A_306, %and3A_185] masked %and3A_310 : memref<16x32xf32, #tpu.memory_space<vmem>>[vector<16xi32>, vector<16xi32>], vector<16xf32>, vector<16xi1>
        tpu.vector_store_idx %arg5[%broadcast_in_dim3A_306, %and3A_176], %gather3A_316 masked %and3A_310 : memref<16x4096xf32, #tpu.memory_space<vmem>>[vector<16xi32>, vector<16xi32>], vector<16xf32>, vector<16xi1>
        %broadcast_in_dim3A_317 = arith.constant 11 : i32
        %broadcast_in_dim3A_318 = vector.broadcast %broadcast_in_dim3A_317 : i32 to vector<16xi32>
        %and3A_319 = arith.andi %ge3A_165, %lt3A_179 : vector<16xi1>
        %not3A_320 = arith.constant dense<true> : vector<16xi1>
        %not3A_321 = arith.xori %lt3A_179, %not3A_320 : vector<16xi1>
        %and3A_322 = arith.andi %ge3A_165, %not3A_321 : vector<16xi1>
        %gather3A_323 = arith.constant 0 : i32
        %gather3A_324 = arith.constant 0 : i32
        %gather3A_325 = tpu.memref_slice %arg6[%while3A_149, %gather3A_323, %gather3A_324] : memref<3x16x1024xf32, #tpu.memory_space<vmem>> -> memref<1x16x1024xf32, #tpu.memory_space<vmem>>
        %gather3A_326 = tpu.memref_squeeze %gather3A_325 : memref<1x16x1024xf32, #tpu.memory_space<vmem>> -> memref<16x1024xf32, #tpu.memory_space<vmem>>
        %gather3A_327 = tpu.vector_load_idx %gather3A_326[%broadcast_in_dim3A_318, %and3A_173] masked %and3A_319 : memref<16x1024xf32, #tpu.memory_space<vmem>>[vector<16xi32>, vector<16xi32>], vector<16xf32>, vector<16xi1>
        tpu.vector_store_idx %arg5[%broadcast_in_dim3A_318, %and3A_176], %gather3A_327 masked %and3A_319 : memref<16x4096xf32, #tpu.memory_space<vmem>>[vector<16xi32>, vector<16xi32>], vector<16xf32>, vector<16xi1>
        %gather3A_328 = tpu.vector_load_idx %arg12[%broadcast_in_dim3A_318, %and3A_185] masked %and3A_322 : memref<16x32xf32, #tpu.memory_space<vmem>>[vector<16xi32>, vector<16xi32>], vector<16xf32>, vector<16xi1>
        tpu.vector_store_idx %arg5[%broadcast_in_dim3A_318, %and3A_176], %gather3A_328 masked %and3A_322 : memref<16x4096xf32, #tpu.memory_space<vmem>>[vector<16xi32>, vector<16xi32>], vector<16xf32>, vector<16xi1>
        %broadcast_in_dim3A_329 = arith.constant 12 : i32
        %broadcast_in_dim3A_330 = vector.broadcast %broadcast_in_dim3A_329 : i32 to vector<16xi32>
        %and3A_331 = arith.andi %ge3A_165, %lt3A_179 : vector<16xi1>
        %not3A_332 = arith.constant dense<true> : vector<16xi1>
        %not3A_333 = arith.xori %lt3A_179, %not3A_332 : vector<16xi1>
        %and3A_334 = arith.andi %ge3A_165, %not3A_333 : vector<16xi1>
        %gather3A_335 = arith.constant 0 : i32
        %gather3A_336 = arith.constant 0 : i32
        %gather3A_337 = tpu.memref_slice %arg6[%while3A_149, %gather3A_335, %gather3A_336] : memref<3x16x1024xf32, #tpu.memory_space<vmem>> -> memref<1x16x1024xf32, #tpu.memory_space<vmem>>
        %gather3A_338 = tpu.memref_squeeze %gather3A_337 : memref<1x16x1024xf32, #tpu.memory_space<vmem>> -> memref<16x1024xf32, #tpu.memory_space<vmem>>
        %gather3A_339 = tpu.vector_load_idx %gather3A_338[%broadcast_in_dim3A_330, %and3A_173] masked %and3A_331 : memref<16x1024xf32, #tpu.memory_space<vmem>>[vector<16xi32>, vector<16xi32>], vector<16xf32>, vector<16xi1>
        tpu.vector_store_idx %arg5[%broadcast_in_dim3A_330, %and3A_176], %gather3A_339 masked %and3A_331 : memref<16x4096xf32, #tpu.memory_space<vmem>>[vector<16xi32>, vector<16xi32>], vector<16xf32>, vector<16xi1>
        %gather3A_340 = tpu.vector_load_idx %arg12[%broadcast_in_dim3A_330, %and3A_185] masked %and3A_334 : memref<16x32xf32, #tpu.memory_space<vmem>>[vector<16xi32>, vector<16xi32>], vector<16xf32>, vector<16xi1>
        tpu.vector_store_idx %arg5[%broadcast_in_dim3A_330, %and3A_176], %gather3A_340 masked %and3A_334 : memref<16x4096xf32, #tpu.memory_space<vmem>>[vector<16xi32>, vector<16xi32>], vector<16xf32>, vector<16xi1>
        %broadcast_in_dim3A_341 = arith.constant 13 : i32
        %broadcast_in_dim3A_342 = vector.broadcast %broadcast_in_dim3A_341 : i32 to vector<16xi32>
        %and3A_343 = arith.andi %ge3A_165, %lt3A_179 : vector<16xi1>
        %not3A_344 = arith.constant dense<true> : vector<16xi1>
        %not3A_345 = arith.xori %lt3A_179, %not3A_344 : vector<16xi1>
        %and3A_346 = arith.andi %ge3A_165, %not3A_345 : vector<16xi1>
        %gather3A_347 = arith.constant 0 : i32
        %gather3A_348 = arith.constant 0 : i32
        %gather3A_349 = tpu.memref_slice %arg6[%while3A_149, %gather3A_347, %gather3A_348] : memref<3x16x1024xf32, #tpu.memory_space<vmem>> -> memref<1x16x1024xf32, #tpu.memory_space<vmem>>
        %gather3A_350 = tpu.memref_squeeze %gather3A_349 : memref<1x16x1024xf32, #tpu.memory_space<vmem>> -> memref<16x1024xf32, #tpu.memory_space<vmem>>
        %gather3A_351 = tpu.vector_load_idx %gather3A_350[%broadcast_in_dim3A_342, %and3A_173] masked %and3A_343 : memref<16x1024xf32, #tpu.memory_space<vmem>>[vector<16xi32>, vector<16xi32>], vector<16xf32>, vector<16xi1>
        tpu.vector_store_idx %arg5[%broadcast_in_dim3A_342, %and3A_176], %gather3A_351 masked %and3A_343 : memref<16x4096xf32, #tpu.memory_space<vmem>>[vector<16xi32>, vector<16xi32>], vector<16xf32>, vector<16xi1>
        %gather3A_352 = tpu.vector_load_idx %arg12[%broadcast_in_dim3A_342, %and3A_185] masked %and3A_346 : memref<16x32xf32, #tpu.memory_space<vmem>>[vector<16xi32>, vector<16xi32>], vector<16xf32>, vector<16xi1>
        tpu.vector_store_idx %arg5[%broadcast_in_dim3A_342, %and3A_176], %gather3A_352 masked %and3A_346 : memref<16x4096xf32, #tpu.memory_space<vmem>>[vector<16xi32>, vector<16xi32>], vector<16xf32>, vector<16xi1>
        %broadcast_in_dim3A_353 = arith.constant 14 : i32
        %broadcast_in_dim3A_354 = vector.broadcast %broadcast_in_dim3A_353 : i32 to vector<16xi32>
        %and3A_355 = arith.andi %ge3A_165, %lt3A_179 : vector<16xi1>
        %not3A_356 = arith.constant dense<true> : vector<16xi1>
        %not3A_357 = arith.xori %lt3A_179, %not3A_356 : vector<16xi1>
        %and3A_358 = arith.andi %ge3A_165, %not3A_357 : vector<16xi1>
        %gather3A_359 = arith.constant 0 : i32
        %gather3A_360 = arith.constant 0 : i32
        %gather3A_361 = tpu.memref_slice %arg6[%while3A_149, %gather3A_359, %gather3A_360] : memref<3x16x1024xf32, #tpu.memory_space<vmem>> -> memref<1x16x1024xf32, #tpu.memory_space<vmem>>
        %gather3A_362 = tpu.memref_squeeze %gather3A_361 : memref<1x16x1024xf32, #tpu.memory_space<vmem>> -> memref<16x1024xf32, #tpu.memory_space<vmem>>
        %gather3A_363 = tpu.vector_load_idx %gather3A_362[%broadcast_in_dim3A_354, %and3A_173] masked %and3A_355 : memref<16x1024xf32, #tpu.memory_space<vmem>>[vector<16xi32>, vector<16xi32>], vector<16xf32>, vector<16xi1>
        tpu.vector_store_idx %arg5[%broadcast_in_dim3A_354, %and3A_176], %gather3A_363 masked %and3A_355 : memref<16x4096xf32, #tpu.memory_space<vmem>>[vector<16xi32>, vector<16xi32>], vector<16xf32>, vector<16xi1>
        %gather3A_364 = tpu.vector_load_idx %arg12[%broadcast_in_dim3A_354, %and3A_185] masked %and3A_358 : memref<16x32xf32, #tpu.memory_space<vmem>>[vector<16xi32>, vector<16xi32>], vector<16xf32>, vector<16xi1>
        tpu.vector_store_idx %arg5[%broadcast_in_dim3A_354, %and3A_176], %gather3A_364 masked %and3A_358 : memref<16x4096xf32, #tpu.memory_space<vmem>>[vector<16xi32>, vector<16xi32>], vector<16xf32>, vector<16xi1>
        %broadcast_in_dim3A_365 = arith.constant 15 : i32
        %broadcast_in_dim3A_366 = vector.broadcast %broadcast_in_dim3A_365 : i32 to vector<16xi32>
        %and3A_367 = arith.andi %ge3A_165, %lt3A_179 : vector<16xi1>
        %not3A_368 = arith.constant dense<true> : vector<16xi1>
        %not3A_369 = arith.xori %lt3A_179, %not3A_368 : vector<16xi1>
        %and3A_370 = arith.andi %ge3A_165, %not3A_369 : vector<16xi1>
        %gather3A_371 = arith.constant 0 : i32
        %gather3A_372 = arith.constant 0 : i32
        %gather3A_373 = tpu.memref_slice %arg6[%while3A_149, %gather3A_371, %gather3A_372] : memref<3x16x1024xf32, #tpu.memory_space<vmem>> -> memref<1x16x1024xf32, #tpu.memory_space<vmem>>
        %gather3A_374 = tpu.memref_squeeze %gather3A_373 : memref<1x16x1024xf32, #tpu.memory_space<vmem>> -> memref<16x1024xf32, #tpu.memory_space<vmem>>
        %gather3A_375 = tpu.vector_load_idx %gather3A_374[%broadcast_in_dim3A_366, %and3A_173] masked %and3A_367 : memref<16x1024xf32, #tpu.memory_space<vmem>>[vector<16xi32>, vector<16xi32>], vector<16xf32>, vector<16xi1>
        tpu.vector_store_idx %arg5[%broadcast_in_dim3A_366, %and3A_176], %gather3A_375 masked %and3A_367 : memref<16x4096xf32, #tpu.memory_space<vmem>>[vector<16xi32>, vector<16xi32>], vector<16xf32>, vector<16xi1>
        %gather3A_376 = tpu.vector_load_idx %arg12[%broadcast_in_dim3A_366, %and3A_185] masked %and3A_370 : memref<16x32xf32, #tpu.memory_space<vmem>>[vector<16xi32>, vector<16xi32>], vector<16xf32>, vector<16xi1>
        tpu.vector_store_idx %arg5[%broadcast_in_dim3A_366, %and3A_176], %gather3A_376 masked %and3A_370 : memref<16x4096xf32, #tpu.memory_space<vmem>>[vector<16xi32>, vector<16xi32>], vector<16xf32>, vector<16xi1>
      }
      "tpu.region"() ({
        %run_scoped3A = tpu.sem_alloc : memref<!tpu.dma_semaphore, #tpu.memory_space<semaphore_mem>>
        %dma_start3A_159 = arith.constant 0 : i32
        %dma_start3A_160 = tpu.memref_slice %arg4[%mul3A_4, %dma_start3A_159] : memref<416x4096xf32, #tpu.memory_space<hbm>> -> memref<16x4096xf32, #tpu.memory_space<hbm>>
        %dma_start3A_161 = arith.constant 0 : i32
        %dma_start3A_162 = tpu.memref_slice %arg4[%mul3A_4, %dma_start3A_161] : memref<416x4096xf32, #tpu.memory_space<hbm>> -> memref<16x4096xf32, #tpu.memory_space<hbm>>
        tpu.enqueue_dma source(%arg5 : memref<16x4096xf32, #tpu.memory_space<vmem>>) target(%dma_start3A_162 : memref<16x4096xf32, #tpu.memory_space<hbm>>) target_semaphore(%run_scoped3A : memref<!tpu.dma_semaphore, #tpu.memory_space<semaphore_mem>>)
        %dma_wait3A_163 = arith.constant 0 : i32
        %dma_wait3A_164 = tpu.memref_slice %arg4[%mul3A_4, %dma_wait3A_163] : memref<416x4096xf32, #tpu.memory_space<hbm>> -> memref<16x4096xf32, #tpu.memory_space<hbm>>
        %dma_wait3A_165 = arith.constant 0 : i32
        %dma_wait3A_166 = tpu.memref_slice %arg4[%mul3A_4, %dma_wait3A_165] : memref<416x4096xf32, #tpu.memory_space<hbm>> -> memref<16x4096xf32, #tpu.memory_space<hbm>>
        tpu.wait_dma2 semaphore(%run_scoped3A : memref<!tpu.dma_semaphore, #tpu.memory_space<semaphore_mem>>) src(%arg5 : memref<16x4096xf32, #tpu.memory_space<vmem>>) dst(%dma_wait3A_166 : memref<16x4096xf32, #tpu.memory_space<hbm>>)
        tpu.yield
      }) : () -> ()
    } else {
    }
    return
  }
}

</mosaic_0001>

<sc_bundles>
// kernel: kernel.3.cloned.1.call-start
scs
__scs_entry_jumppad:
0x0: {  	(pc) =	sbr.rel $0x88, $3  }
0x1: {  	(tag) =	ssettag $0x0;
	lr =	simm.s32 $0x1  }
0x2: {  	[smem:$0x3F9F] =	sst lr;
	_ =	strace $0xD0000000  }
0x3: {  	_ = 	snop  }
0x4: {  	_ = 	snop  }
0x5: {  	_ = 	snop  }
0x6: {  	_ = 	snop  }
0x7: {  	_ = 	snop  }
__scs_overlays_trampoline_lowered:
0x8: {  	[smem:$0x3FAE] =	sst s0  }
0x9: {  	[smem:$0x3FAF] =	sst s1  }
0xa: {  	[smem:$0x3FB0] =	sst s2  }
0xb: {  	[smem:$0x3FB1] =	sst s3  }
0xc: {  	[smem:$0x3FB2] =	sst s4  }
0xd: {  	[smem:$0x3FB3] =	sst s5  }
0xe: {  	[smem:$0x3FB4] =	sst s6  }
0xf: {  	[smem:$0x3FB5] =	sst s7  }
0x10: {  	[smem:$0x3FB6] =	sst s8  }
0x11: {  	[smem:$0x3FB7] =	sst s9;
	s0 =	simm.s32 @!p0 $0x0  }
0x12: {  	s1 =	sld [smem:$0x3F9D];
	s0 =	simm.s32 @p0 $0x1  }
0x13: {  	[smem:$0x3FB8] =	sst s0;
	s0 =	simm.s32 @!p1 $0x0  }
0x14: {  	s2 =	sld [smem:$0x3F9C];
	s0 =	simm.s32 @p1 $0x1  }
0x15: {  	[smem:$0x3FB9] =	sst s0;
	s0 =	simm.s32 @!p2 $0x0  }
0x16: {  	s3 =	sld [smem:$0x3FDB];
	s0 =	simm.s32 @p2 $0x1  }
0x17: {  	s4 =	simm.s32 $0x1BF5;
	[smem:$0x3FBB] =	sst s0  }
0x18: {  	s0 =	sld [smem:$0x3F9E];
	_ =	swait.ge [sflag:s4], $0x0  }
0x19: {  	s7 =	sld [smem:$0x3F9F]  }
0x1a: {  	s8 =	sadd.s32 $0xFFFFE003, lr  }
0x1b: {  	s9 =	sadd.s32 $0xFFFFFEF7, lr;
	s5 =	simm.s32 $0xFFFFFFFF;
	p2 =	slt.u32 s8, $0xFFFFF086  }
0x1c: {  	p1 =	slt.u32 s9, $0xF7A;
	s5 =	simm.s32 @!p2 $0x0  }
0x1d: {  	s5 =	simm.s32 @p1 $0x1;
	p0 =	seq.s32 s7, s2  }
0x1e: {  	s7 =	smul.u32 @!p0 $0xF7A, s2;
	p2 =	seq.s32 @!p0 s5, $0x0  }
0x1f: {  	s9 =	smul.u32 $0xF7A, s1;
	s8 =	simm.s32 @!p0 $0x1BF5;
	p2 =	por !p2, p0  }
0x20: {  	[sflag:s8] =	ssyncset.s32 @!p0 $0xFFFFF086;
	s6 =	sadd.s32 @!p0 s3, s7;
	s7 =	simm.s32 @!p0 $0x108  }
0x21: {  	s3 =	sadd.s32 s3, s9;
	s6 =	sadd.s32 @!p0 $0x88, s6;
	s7 =	simm.s32 @p2 $0x1082  }
0x22: {  	[simem:s7], [sflag:s8] =	dma.local @!p0 [hbm:s6], $0xF7A  }
0x23: {  	s9 =	sor.u32 $0xD0000000, s2;
	s6 =	simm.s32 $0x108;
	_ =	swait.ge @!p0 [sflag:s8], $0x0  }
0x24: {  	s3 =	sadd.s32 $0x88, s3;
	s6 =	simm.s32 @!p1 $0x1082;
	[sflag:s4] =	ssyncset.s32 $0xFFFFF086  }
0x25: {  	[simem:s6], [sflag:s4] =	dma.local [hbm:s3], $0xF7A  }
0x26: {  	[smem:$0x3F9F] =	sst s1;
	(tag) =	ssettag s2;
	_ =	strace s9  }
0x27: {  	s1 =	sld [smem:$0x3FAF]  }
0x28: {  	s2 =	sld [smem:$0x3FB0]  }
0x29: {  	s4 =	sld [smem:$0x3FB2]  }
0x2a: {  	p0 =	seq.s32 s5, $0x0;
	s5 =	sld [smem:$0x3FB3]  }
0x2b: {  	s6 =	sld [smem:$0x3FB4]  }
0x2c: {  	s7 =	sld [smem:$0x3FB5]  }
0x2d: {  	s3 =	simm.s32 $0x108;
	s8 =	sld [smem:$0x3FB6]  }
0x2e: {  	s3 =	simm.s32 @!p0 $0x1082;
	s9 =	sld [smem:$0x3FB7]  }
0x2f: {  	lr =	sadd.s32 s0, s3;
	s0 =	sld [smem:$0x3FAE]  }
0x30: {  	s3 =	sld [smem:$0x3FB1]  }
0x31: {  	[smem:$0x3FBA] =	sst s10  }
0x32: {  	s10 =	sld [smem:$0x3FB8];
	_ =	sdelay $0x3  }
0x33: {  	p0 =	seq.s32 s10, $0x1;
	s10 =	sld [smem:$0x3FBA];
	_ =	sdelay $0x3  }
0x34: {  	[smem:$0x3FBA] =	sst s10  }
0x35: {  	s10 =	sld [smem:$0x3FB9];
	_ =	sdelay $0x3  }
0x36: {  	p1 =	seq.s32 s10, $0x1;
	s10 =	sld [smem:$0x3FBA];
	_ =	sdelay $0x3  }
0x37: {  	[smem:$0x3FBA] =	sst s10  }
0x38: {  	s10 =	sld [smem:$0x3FBB]  }
0x39: {  	_ = 	snop;
	(pc) =	sbr.ind lr, $3  }
0x3a: {  	_ = 	snop  }
0x3b: {  	_ = 	snop  }
0x3c: {  	p2 =	seq.s32 s10, $0x1;
	s10 =	sld [smem:$0x3FBA]  }
0x3d: {  	_ =	shalt  }
0x3e: {  	_ =	shalt  }
0x3f: {  	_ =	shalt  }
0x40: {  	_ =	shalt  }
0x41: {  	_ =	shalt  }
0x42: {  	_ =	shalt  }
0x43: {  	_ =	shalt  }
0x44: {  	_ =	shalt  }
0x45: {  	_ =	shalt  }
0x46: {  	_ =	shalt  }
0x47: {  	_ =	shalt  }
0x48: {  	_ =	shalt  }
0x49: {  	_ =	shalt  }
0x4a: {  	_ =	shalt  }
0x4b: {  	_ =	shalt  }
0x4c: {  	_ =	shalt  }
0x4d: {  	_ =	shalt  }
0x4e: {  	_ =	shalt  }
0x4f: {  	_ =	shalt  }
0x50: {  	_ =	shalt  }
0x51: {  	_ =	shalt  }
0x52: {  	_ =	shalt  }
0x53: {  	_ =	shalt  }
0x54: {  	_ =	shalt  }
0x55: {  	_ =	shalt  }
0x56: {  	_ =	shalt  }
0x57: {  	_ =	shalt  }
0x58: {  	_ =	shalt  }
0x59: {  	_ =	shalt  }
0x5a: {  	_ =	shalt  }
0x5b: {  	_ =	shalt  }
0x5c: {  	_ =	shalt  }
0x5d: {  	_ =	shalt  }
0x5e: {  	_ =	shalt  }
0x5f: {  	_ =	shalt  }
0x60: {  	_ =	shalt  }
0x61: {  	_ =	shalt  }
0x62: {  	_ =	shalt  }
0x63: {  	_ =	shalt  }
0x64: {  	_ =	shalt  }
0x65: {  	_ =	shalt  }
0x66: {  	_ =	shalt  }
0x67: {  	_ =	shalt  }
0x68: {  	_ =	shalt  }
0x69: {  	_ =	shalt  }
0x6a: {  	_ =	shalt  }
0x6b: {  	_ =	shalt  }
0x6c: {  	_ =	shalt  }
0x6d: {  	_ =	shalt  }
0x6e: {  	_ =	shalt  }
0x6f: {  	_ =	shalt  }
0x70: {  	_ =	shalt  }
0x71: {  	_ =	shalt  }
0x72: {  	_ =	shalt  }
0x73: {  	_ =	shalt  }
0x74: {  	_ =	shalt  }
0x75: {  	_ =	shalt  }
0x76: {  	_ =	shalt  }
0x77: {  	_ =	shalt  }
0x78: {  	_ =	shalt  }
0x79: {  	_ =	shalt  }
0x7a: {  	_ =	shalt  }
0x7b: {  	_ =	shalt  }
0x7c: {  	_ =	shalt  }
0x7d: {  	_ =	shalt  }
0x7e: {  	_ =	shalt  }
0x7f: {  	_ =	shalt  }
0x80: {  	_ =	shalt  }
0x81: {  	_ =	shalt  }
0x82: {  	_ =	shalt  }
0x83: {  	_ =	shalt  }
0x84: {  	_ =	shalt  }
0x85: {  	_ =	shalt  }
0x86: {  	_ =	shalt  }
0x87: {  	_ =	shalt  }
.Lfunc_end0:
.L_simem_size_0:
called_computation_lowered:
.L_overlay_start_0:
0x88: {  	s2 =	sld [smem:$0x3FD9]  }
0x89: {  	s3 =	sld [smem:$0x3FFE];
	_ =	sdelay $0x1  }
0x8a: {  	s1 =	srdreg.scid  }
0x8b: {  	s0 =	sand.u32 $0x1, s1  }
0x8c: {  	s17 =	sshll.u32 s0, $0xA;
	s2 =	sadd.s32 s3, s2  }
0x8d: {  	s2 =	sadd.s32 s2, s17  }
0x8e: {  	[smem:$0x3FC6] =	sst s2  }
0x8f: {  	_ = 	snop  }
0x90: {  	s2 =	sld [smem:$0x3FC8]  }
0x91: {  	s18 =	sld [smem:$0x3FD0];
	(tm) =	ssettm $0x1  }
0x92: {  	s4 =	sld [smem:$0x3FFB];
	_ =	sdelay $0x3  }
0x93: {  	_ =	strace s4  }
0x94: {  	s4 =	sld [smem:$0x3FFC];
	_ =	sdelay $0x3  }
0x95: {  	_ =	strace s4  }
0x96: {  	s4 =	sld [smem:$0x3FFD];
	_ =	sdelay $0x3  }
0x97: {  	_ =	strace s4  }
0x98: {  	_ =	strace $0x8FFFFFFF  }
0x99: {  	s19 =	sld [smem:$0x3FDB];
	_ =	sdelay $0x1  }
0x9a: {  	s5 =	simm.s32 $_scs_section_size  }
0x9b: {  	s6 =	simm.s32 $_size__tile_overlayer_lowered;
	s7 =	simm.s32 $_tile_overlayer_lowered  }
0x9c: {  	s22 =	simm.s32 $0x1BFF;
	s21 =	sshll.u32 s7, $0x1;
	s4 =	sadd.s32 s5, s19  }
0x9d: {  	s8 =	simm.s32 $0x0;
	s20 =	sshll.u32 s6, $0x1;
	s6 =	sadd.s32 s21, s4  }
0x9e: {  	[timem:s8], [sflag:s22] =	dma.local [hbm:s6], s20  }
0x9f: {  	_ =	swait.ge [sflag:s22], s20  }
0xa0: {  	s5 =	ssub.s32 $0x0, s20;
	[sflag:s22] =	ssyncset.done $0x0  }
0xa1: {  	[sflag:s22] =	ssyncadd.s32 s5;
	_ =	sdelay $0x1  }
0xa2: {  	s23 =	simm.s32 $0x1B8B  }
0xa3: {  	_ =	swait.ge [sflag:s23], $0x1  }
0xa4: {  	[sflag:s23] =	ssyncset.done $0x0  }
0xa5: {  	s25 =	simm.s32 $0x1B8E;
	s24 =	sld [smem:$0x3FFE];
	[sflag:s23] =	ssyncadd.s32 $0xFFFFFFFF  }
0xa6: {  	s26 =	simm.s32 $execute0_lowered;
	[smem:$0x3FD2] =	sst s25  }
0xa7: {  	s6 =	sshll.u32 s26, $0x1;
	_ =	strace $0x80000046;
	[dreg:$0x1] =	wrdreg $0xFFFFFFFF  }
0xa8: {  	s28 =	simm.s32 $_size_execute0_lowered;
	s4 =	sadd.s32 s4, s6;
	[dreg:$0x0] =	wrdreg $0x0  }
0xa9: {  	s6 =	sshll.u32 s28, $0x1;
	[dreg:$0x2] =	wrdreg s4  }
0xaa: {  	[dreg:$0x3] =	wrdreg s6  }
0xab: {  	[dreg:$0x4] =	wrdreg $0xC0  }
0xac: {  	_ =	task [dreg:s8], $0x5FFFF  }
0xad: {  	[dreg:$0x1] =	wrdreg $0xFFFFFFFF  }
0xae: {  	[dreg:$0x0] =	wrdreg $0x60  }
0xaf: {  	[dreg:$0x2] =	wrdreg s24  }
0xb0: {  	[dreg:$0x3] =	wrdreg s2  }
0xb1: {  	[dreg:$0x4] =	wrdreg s18  }
0xb2: {  	[dreg:$0x5] =	wrdreg $0x9  }
0xb3: {  	_ =	task.clear_ibuf [dreg:s8], $0x6FFFF;
	_ =	strace $0x90000046  }
0xb4: {  	s29 =	simm.s32 $0x9;
	_ =	strace $0x80000048  }
0xb5: {  	_ =	swait.ge [sflag:s29], $0x1  }
0xb6: {  	[sflag:s29] =	ssyncadd.s32 $0xFFFFFFFF  }
0xb7: {  	_ =	strace $0x90000048  }
0xb8: {  	_ =	sfence  }
0xb9: {  	s30 =	sld [smem:$0x0];
	_ =	sdelay $0x2  }
0xba: {  	s31 =	sshll.u32 s1, $0xD;
	s1 =	sshrl.u32 s1, $0x2  }
0xbb: {  	s3 =	sand.u32 $0x4000, s31;
	s1 =	sadd.s32 s1, s30  }
0xbc: {  	s0 =	sor.u32 s3, s0;
	s1 =	sshll.u32 s1, $0x11  }
0xbd: {  	s0 =	sor.u32 s1, s0  }
0xbe: {  	s0 =	sadd.s32 $0x8F2B, s0  }
0xbf: {  	[sflag:s0] =	ssyncadd.remote.s32 $0x1  }
0xc0: {  	_ =	sfence.sel $0xFFFF  }
0xc1: {  	[dreg:$0x0] =	wrdreg $0xFFFFFFFF;
	(pc) =	sbr.abs _section_cstart, $3  }
0xc2: {  	[dreg:$0x1] =	wrdreg $0xFFFFFFFF  }
0xc3: {  	_ =	task.clear_ibuf [dreg:s8], $0x2FFFF;
	_ =	strace $0x9FFFFFFF  }
0xc4: {  	(tm) =	ssettm $0x7FFFFFFF  }
0xc5: {  	_ =	shalt  }
tec
execute0_lowered:
.L_overlay_start_1:
0x0: {  	(tag) =	ssettag $0x1  }
0x1: {  	s4 =	stileid.u32  }
0x2: {  	p0 =	sgt.u32 s4, $0xC  }
.Ltmp0:
0x3: {  	_ = 	snop;
	(pc) =	sbr.rel @p0 .LBB2_33-.Ltmp0, $4  }
0x4: {  	s1 =	rddreg [dreg:$0x0]  }
0x5: {  	s2 =	rddreg [dreg:$0x1];
	s3 =	simm.s32 $0x0  }
0x6: {  	[smem:$0x7FF] =	sst s3  }
0x7: {  	s0 =	rddreg [dreg:$0x2];
	_ =	strace $0x80000047  }
0x8: {  	s4 =	srdreg.scid;
	s23 =	stileid.u32;
	s1 =	sadd.s32 $0x400, s1  }
0x9: {  	s15 =	simm.s32 $0x2000;
	s16 =	simm.s32 $0xC3800;
	s17 =	simm.s32 $0x10000  }
0xa: {  	s18 =	simm.s32 $0x14000;
	s19 =	simm.s32 $0x18000;
	s21 =	simm.s32 $0x4  }
0xb: {  	s22 =	simm.s32 $0x1F380;
	s28 =	simm.s32 $0x3;
	s29 =	simm.s32 $0x1F400  }
0xc: {  	s30 =	simm.s32 $0x5;
	s10 =	sand.u32 $0x1, s4;
	s4 =	sshll.u32 s23, $0x1  }
0xd: {  	s31 =	simm.s32 $0x0;
	s23 =	simm.s32 $0x1D000;
	s11 =	sor.u32 s10, s4  }
0xe: {  	s10 =	ssub.s32 $0x2, s10;
	s4 =	smul.u32 $0x187000, s11;
	s12 =	sshll.u32 s11, $0xD  }
0xf: {  	s24 =	sshrl.u32 s10, $0x1;
	s11 =	sshll.u32 s11, $0x9;
	s0 =	sadd.s32 s0, s12  }
0x10: {  	s1 =	sadd.s32 s1, s11;
	s5 =	sshrl.u32 s4, $0x3;
	s6 =	sadd.s32 $0x8000, s4  }
0x11: {  	s9 =	sadd.s32 $0xA000, s4;
	[dreg:$0x5] =	wrdreg s0;
	s0 =	ssub.s32 s10, s24  }
.Ltmp1:
0x12: {  	[dreg:$0x6] =	wrdreg s1;
	s5 =	sadd.s32 s2, s5;
	(pc) =	sbr.rel .LBB2_2-.Ltmp1, $4  }
0x13: {  	s24 =	simm.s32 $0x1ED00;
	s0 =	smax.u32 s0, $0x1;
	[dreg:$0x4] =	wrdreg s5  }
0x14: {  	s7 =	sadd.s32 $0x18400, s5;
	s25 =	sadd.s32 $0x800, s5;
	[dreg:$0x9] =	wrdreg s0  }
0x15: {  	v0 =	vimm.s32 $0x0;
	v1 =	vlaneseq.u32;
	v2 =	vimm.s32 $0xFFFFFFFF;
	s8 =	sadd.s32 $0x18680, s5;
	s26 =	sadd.s32 $0x400, s5;
	[dreg:$0x7] =	wrdreg s25  }
0x16: {  	v3 =	vimm.s32 $0x62;
	v4 =	vimm.s32 $0x60;
	v5 =	vimm.s32 $0x61;
	[dreg:$0x8] =	wrdreg s26;
	s25 =	simm.s32 $0x1;
	s26 =	simm.s32 $0x2  }
.LBB2_31:
0x17: {  	_ =	sdelay $0x4  }
0x18: {  	[tilespmem:v6+s3+$0x0] =	vst.idx.msk vm0, v7  }
.LBB2_32:
0x19: {  	s0 =	rddreg [dreg:$0x5]  }
0x1a: {  	[hbm4b:s0+s3] =	stream.linear.scatter [tilespmem:s3], [sflag:$0x5], $0x10000, $0x38;
	[tilespmem:$0x1FC00] =	vst v63  }
0x1b: {  	_ =	swait.ge [sflag:s30], $0x10000  }
0x1c: {  	s31 =	sadd.s32 $0x1, s31;
	s20 =	rddreg [dreg:$0x9]  }
0x1d: {  	p0 =	sne.s32 s31, s20  }
.Ltmp2:
0x1e: {  	_ = 	snop;
	(pc) =	sbr.rel @!p0 .LBB2_33-.Ltmp2, $3  }
0x1f: {  	_ =	sdelay $0x1  }
0x20: {  	[sflag:s30] =	ssyncset.done $0x0  }
0x21: {  	[sflag:s30] =	ssyncadd.s32 $0xFFFF0000  }
.LBB2_2:
0x22: {  	s0 =	rddreg [dreg:$0x4]  }
0x23: {  	[tilespmem:s17], [sflag:$0x1] =	stream.strided.gather [hbm4b:s0+s15], $0x4000, s16, s15, $0x38;
	[tilespmem:$0x1FC00] =	vst v63  }
0x24: {  	s13 =	rddreg [dreg:$0x8]  }
0x25: {  	[tilespmem:s18], [sflag:$0x2] =	stream.strided.gather [hbm4b:s13+s15], $0x4000, s16, s15, $0x38;
	[tilespmem:$0x1FC00] =	vst v63  }
0x26: {  	s14 =	rddreg [dreg:$0x7]  }
0x27: {  	[tilespmem:s19], [sflag:$0x3] =	stream.strided.gather [hbm4b:s14+s15], $0x4000, s16, s15, $0x38;
	[tilespmem:$0x1FC00] =	vst v63  }
0x28: {  	s20 =	simm.s32 $0x0;
	s1 =	rddreg [dreg:$0x6];
	s5 =	simm.s32 $0x1C000  }
0x29: {  	[tilespmem:s5], [sflag:$0x4] =	stream.linear.gather [hbm4b:s1+s20], $0x1000, $0x38;
	[tilespmem:$0x1FC00] =	vst v63  }
0x2a: {  	s0 =	simm.s32 $0x40;
	s1 =	simm.s32 $0x0  }
.LBB2_3:
0x2b: {  	p0 =	sne.s32 s0, $0x1840;
	[tilespmem:s1+$0x1E680] =	vst v0;
	s10 =	smov.u32 s0;
	s0 =	sadd.s32 $0x40, s0  }
.Ltmp3:
0x2c: {  	[tilespmem:s1+$0x1ED00] =	vst v0;
	(pc) =	sbr.rel @p0 .LBB2_3-.Ltmp3, $2  }
0x2d: {  	_ =	sdelay $0x2  }
0x2e: {  	s1 =	sshra.s32 s10, $0x2  }
0x2f: {  	[tilespmem:s1+$0x1E680] =	vst v0  }
0x30: {  	[tilespmem:s1+$0x1ED00] =	vst v0  }
0x31: {  	_ =	swait.ge [sflag:s21], $0x1000  }
0x32: {  	[sflag:s21] =	ssyncset.done $0x0  }
0x33: {  	s12 =	simm.s32 $0x0;
	[sflag:s21] =	ssyncadd.s32 $0xFFFFF000  }
0x34: {  	s0 =	simm.s32 $0x0;
	s11 =	simm.s32 $0x80;
	v6 =	vld [tilespmem:s12+$0x1C000]  }
.LBB2_5:
0x35: {  	p0 =	sne.s32 s11, $0x3F80;
	v7 =	vld [tilespmem:s12+$0x1C010];
	_ =	sdelay $0x3  }
0x36: {  	v6 =	vshra.s32 v6, $0x6  }
0x37: {  	v7 =	vshra.s32 v7, $0x6;
	v6 =	vand.u32 $0xFFFFFFF0, v6  }
0x38: {  	v6 =	vor.u32 v1, v6;
	v7 =	vand.u32 $0xFFFFFFF0, v7  }
0x39: {  	v7 =	vor.u32 v1, v7;
	_ =	sdelay $0x2  }
0x3a: {  	s10 =	simm.s32 $0x1E680  }
0x3b: {  	s1 =	simm.s32 $0x1ED00;
	v8 =	vld.idx.msk [tilespmem:v6+s10+$0x0], $0xffff  }
0x3c: {  	v9 =	vld.idx.msk [tilespmem:v7+s1+$0x0], $0xffff;
	_ =	sdelay $0x3  }
.Ltmp4:
0x3d: {  	(pc) =	sbr.rel @p0 .LBB2_5-.Ltmp4, $4  }
0x3e: {  	v8 =	vadd.s32 $0x1, v8  }
0x3f: {  	[tilespmem:v6+s10+$0x0] =	vst.idx.msk $0xffff, v8;
	v6 =	vadd.s32 $0x1, v9  }
0x40: {  	s12 =	sshra.s32 s11, $0x2;
	[tilespmem:v7+s1+$0x0] =	vst.idx.msk $0xffff, v6  }
0x41: {  	s11 =	sadd.s32 $0x80, s11;
	v6 =	vld [tilespmem:s12+$0x1C000]  }
0x42: {  	v7 =	vld [tilespmem:s12+$0x1C010];
	_ =	sdelay $0x3  }
0x43: {  	v6 =	vshra.s32 v6, $0x6  }
0x44: {  	v7 =	vshra.s32 v7, $0x6;
	v6 =	vand.u32 $0xFFFFFFF0, v6  }
0x45: {  	v6 =	vor.u32 v1, v6;
	v7 =	vand.u32 $0xFFFFFFF0, v7  }
0x46: {  	v7 =	vor.u32 v1, v7;
	_ =	sdelay $0x3  }
0x47: {  	v8 =	vld.idx.msk [tilespmem:v6+s10+$0x0], $0xffff  }
0x48: {  	v9 =	vld.idx.msk [tilespmem:v7+s1+$0x0], $0xffff;
	_ =	sdelay $0x3  }
0x49: {  	v8 =	vadd.s32 $0x1, v8  }
0x4a: {  	[tilespmem:v6+s10+$0x0] =	vst.idx.msk $0xffff, v8;
	v6 =	vadd.s32 $0x1, v9  }
0x4b: {  	[tilespmem:v7+s1+$0x0] =	vst.idx.msk $0xffff, v6  }
0x4c: {  	v6 =	vld [tilespmem:s10+$0x0]  }
0x4d: {  	s13 =	simm.s32 $0x1;
	s12 =	simm.s32 $0x0;
	s11 =	simm.s32 $0x0;
	v7 =	vld [tilespmem:s1+$0x0]  }
.LBB2_7:
0x4e: {  	p0 =	sne.s32 s13, $0x61;
	_ =	sdelay $0x3  }
0x4f: {  	v6 =	vadd.s32 v6, v7  }
0x50: {  	(xrf0) =	vadd.scan.msk.s32 $0xffff, v6;
	_ =	sdelay $0x5  }
0x51: {  	v7, _, _ =	vpop (xrf0)  }
0x52: {  	(v2sf) =	vpush v7, $0xF;
	_ =	sdelay $0xe  }
0x53: {  	s20 =	spop (v2sf)  }
0x54: {  	s14 =	sadd.s32 $0xF, s20  }
0x55: {  	s14 =	sand.u32 $0xFFFFFFF0, s14  }
0x56: {  	s5 =	ssub.s32 s14, s20;
	s0 =	sadd.s32 s0, s14  }
0x57: {  	v8 =	vmov s5  }
0x58: {  	v9 =	vmov s12;
	s12 =	smov.u32 s13;
	s5 =	sadd.s32 s11, s20;
	vm0 =	vgt.s32 v8, v1  }
0x59: {  	v8 =	vadd.s32 s5, v1  }
0x5a: {  	v6 =	vsub.s32 s11, v6  }
0x5b: {  	v6 =	vadd.s32 v7, v6  }
.Ltmp5:
0x5c: {  	v7 =	vmov s11;
	s11 =	smov.u32 s0;
	[tilespmem:s1+$0x0] =	vst v6;
	(pc) =	sbr.rel @p0 .LBB2_7-.Ltmp5, $4  }
0x5d: {  	[tilespmem:v9+s22+$0x0] =	vst.idx.msk $0x1, v7  }
0x5e: {  	s10 =	sadd.s32 $0x10, s10;
	[tilespmem:v8+s23+$0x0] =	vst.idx.msk vm0, v2  }
0x5f: {  	s1 =	sadd.s32 $0x10, s1;
	v6 =	vld [tilespmem:s10+$0x0]  }
0x60: {  	s13 =	sadd.s32 $0x1, s13;
	v7 =	vld [tilespmem:s1+$0x0]  }
0x61: {  	_ =	sdelay $0x3  }
0x62: {  	v6 =	vadd.s32 v6, v7  }
0x63: {  	(xrf0) =	vadd.scan.msk.s32 $0xffff, v6;
	_ =	sdelay $0x5  }
0x64: {  	v7, _, _ =	vpop (xrf0)  }
0x65: {  	(v2sf) =	vpush v7, $0xF;
	_ =	sdelay $0xe  }
0x66: {  	s5 =	spop (v2sf)  }
0x67: {  	s10 =	sadd.s32 $0xF, s5  }
0x68: {  	s10 =	sand.u32 $0xFFFFFFF0, s10  }
0x69: {  	s13 =	ssub.s32 s10, s5  }
0x6a: {  	v8 =	vmov s13  }
0x6b: {  	v9 =	vmov s12;
	s5 =	sadd.s32 s11, s5;
	vm0 =	vgt.s32 v8, v1  }
0x6c: {  	v8 =	vadd.s32 s5, v1  }
0x6d: {  	v6 =	vsub.s32 s11, v6  }
0x6e: {  	v6 =	vadd.s32 v7, v6  }
0x6f: {  	v7 =	vmov s11;
	[tilespmem:s1+$0x0] =	vst v6  }
0x70: {  	[tilespmem:v9+s22+$0x0] =	vst.idx.msk $0x1, v7;
	s0 =	sadd.s32 s0, s10  }
0x71: {  	v6 =	vmov s0;
	[tilespmem:v8+s23+$0x0] =	vst.idx.msk vm0, v2  }
0x72: {  	s10 =	simm.s32 $0x1C000;
	[tilespmem:v3+s22+$0x0] =	vst.idx.msk $0x1, v6  }
0x73: {  	s1 =	simm.s32 $0x0;
	s11 =	simm.s32 $0x10;
	s0 =	simm.s32 $0x0;
	v6 =	vld [tilespmem:s10+$0x0]  }
.LBB2_9:
0x74: {  	p0 =	sne.s32 s11, $0xFF0;
	_ =	sdelay $0x3  }
0x75: {  	v7 =	vshra.s32 v6, $0x6;
	v6 =	vshll.u32 v6, $0xC  }
0x76: {  	v7 =	vand.u32 $0xFFFFFFF0, v7  }
0x77: {  	v7 =	vor.u32 v1, v7;
	_ =	sdelay $0x4  }
0x78: {  	v8 =	vld.idx.msk [tilespmem:v7+s24+$0x0], $0xffff;
	_ =	sdelay $0x4  }
.Ltmp6:
0x79: {  	(pc) =	sbr.rel @p0 .LBB2_9-.Ltmp6, $4  }
0x7a: {  	v6 =	vadd.s32 s1, v6;
	s1 =	smov.u32 s11;
	v9 =	vadd.s32 $0x1, v8  }
0x7b: {  	v6 =	vadd.s32 v1, v6;
	[tilespmem:v7+s24+$0x0] =	vst.idx.msk $0xffff, v9  }
0x7c: {  	s10 =	sadd.s32 $0x10, s10;
	[tilespmem:v8+s23+$0x0] =	vst.idx.msk $0xffff, v6  }
0x7d: {  	s11 =	sadd.s32 $0x10, s11;
	v6 =	vld [tilespmem:s10+$0x0]  }
0x7e: {  	_ =	sdelay $0x3  }
0x7f: {  	v7 =	vshra.s32 v6, $0x6  }
0x80: {  	v7 =	vand.u32 $0xFFFFFFF0, v7  }
0x81: {  	v7 =	vor.u32 v1, v7;
	_ =	sdelay $0x4  }
0x82: {  	v8 =	vld.idx.msk [tilespmem:v7+s24+$0x0], $0xffff;
	_ =	sdelay $0x3  }
.Ltmp7:
0x83: {  	_ = 	snop;
	(pc) =	sbr.rel .LBB2_11-.Ltmp7, $4  }
0x84: {  	v6 =	vshll.u32 v6, $0xC  }
0x85: {  	v6 =	vadd.s32 s1, v6;
	v9 =	vadd.s32 $0x1, v8  }
0x86: {  	v6 =	vadd.s32 v1, v6;
	[tilespmem:v7+s24+$0x0] =	vst.idx.msk $0xffff, v9  }
0x87: {  	[tilespmem:v8+s23+$0x0] =	vst.idx.msk $0xffff, v6  }
.LBB2_22:
0x88: {  	_ =	sdelay $0x4  }
0x89: {  	[tilespmem:v7+s3+$0x0] =	vst.idx.msk vm0, v6  }
.LBB2_23:
0x8a: {  	s5 =	sadd.s32 @!p0 s11, s9  }
0x8b: {  	s5 =	sshrl.u32 @!p0 s5, $0x3  }
0x8c: {  	s10 =	simm.s32 @!p0 $0x18000;
	s5 =	sadd.s32 @!p0 s2, s5  }
0x8d: {  	[tilespmem:s10], [sflag:$0x3] =	stream.strided.gather @!p0 [hbm4b:s5+s12], $0x4000, s13, s12, $0x38;
	[tilespmem:$0x1FC00] =	vst v63  }
0x8e: {  	p0 =	sne.s32 s1, $0x5E  }
0x8f: {  	s1 =	simm.s32 @!p0 $0x0;
	s5 =	simm.s32 @!p0 $0x14000  }
0x90: {  	[tilespmem:s5], [sflag:$0x4] =	stream.linear.gather @!p0 [hbm4b:s7+s1], $0x1400, $0x38;
	[tilespmem:$0x1FC00] =	vst v63  }
0x91: {  	s0 =	sadd.s32 $0x1, s0;
	s10 =	simm.s32 @!p0 $0x16000;
	s5 =	sadd.s32 @!p0 $0x18700, s7  }
0x92: {  	[tilespmem:s10], [sflag:$0x4] =	stream.linear.gather @!p0 [hbm4b:s5+s1], $0x1400, $0x38;
	[tilespmem:$0x1FC00] =	vst v63  }
0x93: {  	s1 =	simm.s32 @!p0 $0x400;
	s5 =	simm.s32 @!p0 $0xC3800;
	s10 =	simm.s32 @!p0 $0x1F400  }
0x94: {  	[tilespmem:s10], [sflag:$0x4] =	stream.strided.gather @!p0 [hbm4b:s8+s1], $0x800, s5, s1, $0x38;
	[tilespmem:$0x1FC00] =	vst v63  }
0x95: {  	p0 =	sne.s32 s0, $0x20  }
.Ltmp8:
0x96: {  	_ = 	snop;
	(pc) =	sbr.rel @!p0 .LBB2_24-.Ltmp8, $1  }
0x97: {  	_ =	sdelay $0x3  }
.LBB2_11:
0x98: {  	s1 =	smul.u32 $0x3, s0;
	_ =	sdelay $0x1  }
0x99: {  	v6 =	vmov s1;
	s20 =	sadd.s32 $0x1, s1  }
0x9a: {  	v7 =	vmov s20  }
0x9b: {  	_ =	swait.ge [sflag:s25], $0x4000  }
0x9c: {  	[sflag:s25] =	ssyncset.done $0x0  }
0x9d: {  	[sflag:s25] =	ssyncadd.s32 $0xFFFFC000  }
0x9e: {  	v6 =	vld.idx.msk [tilespmem:v6+s22+$0x0], $0xffff  }
0x9f: {  	v8 =	vld.idx.msk [tilespmem:v7+s22+$0x0], $0xffff;
	_ =	sdelay $0x3  }
0xa0: {  	(v2sf) =	vpush v6, $0x0  }
0xa1: {  	(v2sf) =	vpush v8, $0x0;
	_ =	sdelay $0xd  }
0xa2: {  	s10 =	spop (v2sf)  }
0xa3: {  	s5 =	spop (v2sf)  }
0xa4: {  	s5 =	ssub.s32 s5, s10  }
0xa5: {  	s11 =	sshra.s32 s5, $0x4  }
0xa6: {  	p0 =	slt.s32 s11, $0x1  }
.Ltmp9:
0xa7: {  	_ = 	snop;
	(pc) =	sbr.rel @p0 .LBB2_15-.Ltmp9, $1  }
0xa8: {  	_ =	sdelay $0x3  }
0xa9: {  	s10 =	sadd.s32 $0x1D000, s10  }
0xaa: {  	v6 =	vld [tilespmem:s10+$0x0];
	_ =	sdelay $0x4  }
0xab: {  	v8 =	vshrl.u32 v6, $0xC;
	v9 =	vshrl.u32 v6, $0x9  }
0xac: {  	vm0 =	vgt.s32 v6, $0xFFFFFFFF;
	v8 =	vand.u32 $0x7F, v8;
	v9 =	vand.u32 $0x1C00, v9  }
0xad: {  	v8 =	vor.u32 v8, v9;
	_ =	sdelay $0x2  }
0xae: {  	v9 =	vshll.u32 v6, $0x3  }
0xaf: {  	v6 =	vand.u32 $0x7F, v6;
	v9 =	vand.u32 $0x7C00, v9  }
0xb0: {  	v9 =	vor.u32 v6, v9;
	v10 =	vld.idx.msk [tilespmem:v8+s17+$0x0], vm0  }
0xb1: {  	v6 =	vor.u32 $0x80, v8;
	_ =	sdelay $0x3  }
0xb2: {  	[tilespmem:v9+s3+$0x0] =	vst.idx.msk vm0, v10  }
0xb3: {  	v10 =	vor.u32 $0x80, v9;
	v6 =	vld.idx.msk [tilespmem:v6+s17+$0x0], vm0  }
0xb4: {  	v11 =	vor.u32 $0x100, v8;
	_ =	sdelay $0x3  }
0xb5: {  	[tilespmem:v10+s3+$0x0] =	vst.idx.msk vm0, v6  }
0xb6: {  	v10 =	vor.u32 $0x100, v9;
	v6 =	vld.idx.msk [tilespmem:v11+s17+$0x0], vm0  }
0xb7: {  	v11 =	vor.u32 $0x180, v8;
	_ =	sdelay $0x3  }
0xb8: {  	[tilespmem:v10+s3+$0x0] =	vst.idx.msk vm0, v6  }
0xb9: {  	v10 =	vor.u32 $0x180, v9;
	v6 =	vld.idx.msk [tilespmem:v11+s17+$0x0], vm0  }
0xba: {  	v11 =	vor.u32 $0x200, v8;
	_ =	sdelay $0x3  }
0xbb: {  	[tilespmem:v10+s3+$0x0] =	vst.idx.msk vm0, v6  }
0xbc: {  	v10 =	vor.u32 $0x200, v9;
	v6 =	vld.idx.msk [tilespmem:v11+s17+$0x0], vm0  }
0xbd: {  	v11 =	vor.u32 $0x280, v8;
	_ =	sdelay $0x3  }
0xbe: {  	[tilespmem:v10+s3+$0x0] =	vst.idx.msk vm0, v6  }
0xbf: {  	v10 =	vor.u32 $0x280, v9;
	v6 =	vld.idx.msk [tilespmem:v11+s17+$0x0], vm0  }
0xc0: {  	v11 =	vor.u32 $0x300, v8;
	_ =	sdelay $0x3  }
0xc1: {  	[tilespmem:v10+s3+$0x0] =	vst.idx.msk vm0, v6  }
0xc2: {  	v10 =	vor.u32 $0x300, v9;
	v6 =	vld.idx.msk [tilespmem:v11+s17+$0x0], vm0  }
0xc3: {  	v11 =	vor.u32 $0x380, v8;
	_ =	sdelay $0x3  }
0xc4: {  	[tilespmem:v10+s3+$0x0] =	vst.idx.msk vm0, v6  }
0xc5: {  	v10 =	vor.u32 $0x380, v9;
	v6 =	vld.idx.msk [tilespmem:v11+s17+$0x0], vm0  }
0xc6: {  	v11 =	vor.u32 $0x2000, v8;
	_ =	sdelay $0x3  }
0xc7: {  	[tilespmem:v10+s3+$0x0] =	vst.idx.msk vm0, v6  }
0xc8: {  	v10 =	vor.u32 $0x8000, v9;
	v6 =	vld.idx.msk [tilespmem:v11+s17+$0x0], vm0  }
0xc9: {  	v11 =	vor.u32 $0x2080, v8;
	_ =	sdelay $0x3  }
0xca: {  	[tilespmem:v10+s3+$0x0] =	vst.idx.msk vm0, v6  }
0xcb: {  	v10 =	vor.u32 $0x8080, v9;
	v6 =	vld.idx.msk [tilespmem:v11+s17+$0x0], vm0  }
0xcc: {  	v11 =	vor.u32 $0x2100, v8;
	_ =	sdelay $0x3  }
0xcd: {  	[tilespmem:v10+s3+$0x0] =	vst.idx.msk vm0, v6  }
0xce: {  	v10 =	vor.u32 $0x8100, v9;
	v6 =	vld.idx.msk [tilespmem:v11+s17+$0x0], vm0  }
0xcf: {  	v11 =	vor.u32 $0x2180, v8;
	_ =	sdelay $0x3  }
0xd0: {  	[tilespmem:v10+s3+$0x0] =	vst.idx.msk vm0, v6  }
0xd1: {  	v10 =	vor.u32 $0x8180, v9;
	v6 =	vld.idx.msk [tilespmem:v11+s17+$0x0], vm0  }
0xd2: {  	v11 =	vor.u32 $0x2200, v8;
	_ =	sdelay $0x3  }
0xd3: {  	[tilespmem:v10+s3+$0x0] =	vst.idx.msk vm0, v6  }
0xd4: {  	v10 =	vor.u32 $0x8200, v9;
	v6 =	vld.idx.msk [tilespmem:v11+s17+$0x0], vm0  }
0xd5: {  	v11 =	vor.u32 $0x2280, v8;
	_ =	sdelay $0x3  }
0xd6: {  	[tilespmem:v10+s3+$0x0] =	vst.idx.msk vm0, v6  }
0xd7: {  	v10 =	vor.u32 $0x8280, v9;
	v6 =	vld.idx.msk [tilespmem:v11+s17+$0x0], vm0  }
0xd8: {  	v11 =	vor.u32 $0x2300, v8;
	_ =	sdelay $0x3  }
0xd9: {  	[tilespmem:v10+s3+$0x0] =	vst.idx.msk vm0, v6  }
0xda: {  	v10 =	vor.u32 $0x8300, v9;
	v6 =	vld.idx.msk [tilespmem:v11+s17+$0x0], vm0  }
0xdb: {  	p0 =	sne.s32 s11, $0x1;
	v8 =	vor.u32 $0x2380, v8  }
.Ltmp10:
0xdc: {  	_ = 	snop;
	(pc) =	sbr.rel @!p0 .LBB2_14-.Ltmp10, $3  }
0xdd: {  	_ =	sdelay $0x1  }
0xde: {  	[tilespmem:v10+s3+$0x0] =	vst.idx.msk vm0, v6  }
0xdf: {  	s11 =	sadd.s32 $0xFFFFFFFF, s11;
	v6 =	vld.idx.msk [tilespmem:v8+s17+$0x0], vm0;
	v8 =	vor.u32 $0x8380, v9  }
.LBB2_13:
0xe0: {  	_ =	sdelay $0x3  }
0xe1: {  	p0 =	sne.s32 s11, $0x1;
	s11 =	sadd.s32 $0xFFFFFFFF, s11;
	s10 =	sadd.s32 $0x10, s10;
	[tilespmem:v8+s3+$0x0] =	vst.idx.msk vm0, v6  }
0xe2: {  	v8 =	vld [tilespmem:s10+$0x0];
	_ =	sdelay $0x4  }
0xe3: {  	v6 =	vshrl.u32 v8, $0xC;
	v9 =	vshrl.u32 v8, $0x9;
	v10 =	vshll.u32 v8, $0x3  }
0xe4: {  	vm0 =	vgt.s32 v8, $0xFFFFFFFF;
	v6 =	vand.u32 $0x7F, v6;
	v9 =	vand.u32 $0x1C00, v9  }
0xe5: {  	v6 =	vor.u32 v6, v9;
	v9 =	vand.u32 $0x7C00, v10;
	_ =	sdelay $0x4  }
0xe6: {  	v8 =	vand.u32 $0x7F, v8;
	v10 =	vld.idx.msk [tilespmem:v6+s17+$0x0], vm0  }
0xe7: {  	v8 =	vor.u32 v8, v9  }
0xe8: {  	v9 =	vor.u32 $0x80, v6;
	_ =	sdelay $0x3  }
0xe9: {  	[tilespmem:v8+s3+$0x0] =	vst.idx.msk vm0, v10  }
0xea: {  	v9 =	vld.idx.msk [tilespmem:v9+s17+$0x0], vm0  }
0xeb: {  	v10 =	vor.u32 $0x80, v8  }
0xec: {  	v11 =	vor.u32 $0x100, v6;
	_ =	sdelay $0x3  }
0xed: {  	[tilespmem:v10+s3+$0x0] =	vst.idx.msk vm0, v9  }
0xee: {  	v9 =	vld.idx.msk [tilespmem:v11+s17+$0x0], vm0  }
0xef: {  	v10 =	vor.u32 $0x100, v8  }
0xf0: {  	v11 =	vor.u32 $0x180, v6;
	_ =	sdelay $0x3  }
0xf1: {  	[tilespmem:v10+s3+$0x0] =	vst.idx.msk vm0, v9  }
0xf2: {  	v9 =	vld.idx.msk [tilespmem:v11+s17+$0x0], vm0  }
0xf3: {  	v10 =	vor.u32 $0x180, v8  }
0xf4: {  	v11 =	vor.u32 $0x200, v6;
	_ =	sdelay $0x3  }
0xf5: {  	[tilespmem:v10+s3+$0x0] =	vst.idx.msk vm0, v9  }
0xf6: {  	v9 =	vld.idx.msk [tilespmem:v11+s17+$0x0], vm0  }
0xf7: {  	v10 =	vor.u32 $0x200, v8  }
0xf8: {  	v11 =	vor.u32 $0x280, v6;
	_ =	sdelay $0x3  }
0xf9: {  	[tilespmem:v10+s3+$0x0] =	vst.idx.msk vm0, v9  }
0xfa: {  	v9 =	vld.idx.msk [tilespmem:v11+s17+$0x0], vm0  }
0xfb: {  	v10 =	vor.u32 $0x280, v8  }
0xfc: {  	v11 =	vor.u32 $0x300, v6;
	_ =	sdelay $0x3  }
0xfd: {  	[tilespmem:v10+s3+$0x0] =	vst.idx.msk vm0, v9  }
0xfe: {  	v9 =	vld.idx.msk [tilespmem:v11+s17+$0x0], vm0  }
0xff: {  	v10 =	vor.u32 $0x300, v8  }
0x100: {  	v11 =	vor.u32 $0x380, v6;
	_ =	sdelay $0x3  }
0x101: {  	[tilespmem:v10+s3+$0x0] =	vst.idx.msk vm0, v9  }
0x102: {  	v9 =	vld.idx.msk [tilespmem:v11+s17+$0x0], vm0  }
0x103: {  	v10 =	vor.u32 $0x380, v8  }
0x104: {  	v11 =	vor.u32 $0x2000, v6;
	_ =	sdelay $0x3  }
0x105: {  	[tilespmem:v10+s3+$0x0] =	vst.idx.msk vm0, v9  }
0x106: {  	v9 =	vld.idx.msk [tilespmem:v11+s17+$0x0], vm0  }
0x107: {  	v10 =	vor.u32 $0x8000, v8  }
0x108: {  	v11 =	vor.u32 $0x2080, v6;
	_ =	sdelay $0x3  }
0x109: {  	[tilespmem:v10+s3+$0x0] =	vst.idx.msk vm0, v9  }
0x10a: {  	v9 =	vld.idx.msk [tilespmem:v11+s17+$0x0], vm0  }
0x10b: {  	v10 =	vor.u32 $0x8080, v8  }
0x10c: {  	v11 =	vor.u32 $0x2100, v6;
	_ =	sdelay $0x3  }
0x10d: {  	[tilespmem:v10+s3+$0x0] =	vst.idx.msk vm0, v9  }
0x10e: {  	v9 =	vld.idx.msk [tilespmem:v11+s17+$0x0], vm0  }
0x10f: {  	v10 =	vor.u32 $0x8100, v8  }
0x110: {  	v11 =	vor.u32 $0x2180, v6;
	_ =	sdelay $0x3  }
0x111: {  	[tilespmem:v10+s3+$0x0] =	vst.idx.msk vm0, v9  }
0x112: {  	v9 =	vld.idx.msk [tilespmem:v11+s17+$0x0], vm0  }
0x113: {  	v10 =	vor.u32 $0x8180, v8  }
0x114: {  	v11 =	vor.u32 $0x2200, v6;
	_ =	sdelay $0x3  }
0x115: {  	[tilespmem:v10+s3+$0x0] =	vst.idx.msk vm0, v9  }
0x116: {  	v9 =	vld.idx.msk [tilespmem:v11+s17+$0x0], vm0  }
0x117: {  	v10 =	vor.u32 $0x8200, v8  }
0x118: {  	v11 =	vor.u32 $0x2280, v6;
	_ =	sdelay $0x3  }
0x119: {  	[tilespmem:v10+s3+$0x0] =	vst.idx.msk vm0, v9  }
0x11a: {  	v9 =	vld.idx.msk [tilespmem:v11+s17+$0x0], vm0  }
0x11b: {  	v10 =	vor.u32 $0x8280, v8  }
0x11c: {  	v11 =	vor.u32 $0x2300, v6;
	_ =	sdelay $0x3  }
0x11d: {  	[tilespmem:v10+s3+$0x0] =	vst.idx.msk vm0, v9  }
0x11e: {  	v9 =	vld.idx.msk [tilespmem:v11+s17+$0x0], vm0  }
0x11f: {  	v10 =	vor.u32 $0x8300, v8  }
0x120: {  	v6 =	vor.u32 $0x2380, v6;
	_ =	sdelay $0x1  }
.Ltmp11:
0x121: {  	(pc) =	sbr.rel @p0 .LBB2_13-.Ltmp11, $4  }
0x122: {  	_ = 	snop  }
0x123: {  	[tilespmem:v10+s3+$0x0] =	vst.idx.msk vm0, v9  }
0x124: {  	v6 =	vld.idx.msk [tilespmem:v6+s17+$0x0], vm0  }
0x125: {  	v8 =	vor.u32 $0x8380, v8  }
.LBB2_14:
0x126: {  	_ =	sdelay $0x4  }
0x127: {  	[tilespmem:v8+s3+$0x0] =	vst.idx.msk vm0, v6  }
.LBB2_15:
0x128: {  	s10 =	sadd.s32 $0x3, s1  }
0x129: {  	s5 =	sshll.u32 s10, $0xD  }
0x12a: {  	s5 =	sadd.s32 s4, s5  }
0x12b: {  	s5 =	sshrl.u32 s5, $0x3  }
0x12c: {  	s1 =	sadd.s32 $0x2, s1;
	s5 =	sadd.s32 s2, s5  }
0x12d: {  	v6 =	vmov s1;
	[tilespmem:s17], [sflag:$0x1] =	stream.strided.gather [hbm4b:s5+s15], $0x4000, s16, s15, $0x38;
	[tilespmem:$0x1FC00] =	vst v63  }
0x12e: {  	_ =	swait.ge [sflag:s26], $0x4000  }
0x12f: {  	[sflag:s26] =	ssyncset.done $0x0  }
0x130: {  	[sflag:s26] =	ssyncadd.s32 $0xFFFFC000  }
0x131: {  	v7 =	vld.idx.msk [tilespmem:v7+s22+$0x0], $0xffff  }
0x132: {  	v8 =	vld.idx.msk [tilespmem:v6+s22+$0x0], $0xffff;
	_ =	sdelay $0x3  }
0x133: {  	(v2sf) =	vpush v7, $0x0  }
0x134: {  	(v2sf) =	vpush v8, $0x0;
	_ =	sdelay $0xd  }
0x135: {  	s11 =	spop (v2sf)  }
0x136: {  	s14 =	spop (v2sf)  }
0x137: {  	s5 =	ssub.s32 s14, s11  }
0x138: {  	s12 =	sshra.s32 s5, $0x4  }
0x139: {  	p0 =	slt.s32 s12, $0x1  }
.Ltmp12:
0x13a: {  	_ = 	snop;
	(pc) =	sbr.rel @p0 .LBB2_19-.Ltmp12, $1  }
0x13b: {  	_ =	sdelay $0x3  }
0x13c: {  	s11 =	sadd.s32 $0x1D000, s11  }
0x13d: {  	v7 =	vld [tilespmem:s11+$0x0];
	_ =	sdelay $0x4  }
0x13e: {  	v8 =	vshrl.u32 v7, $0xC;
	v9 =	vshrl.u32 v7, $0x9  }
0x13f: {  	vm0 =	vgt.s32 v7, $0xFFFFFFFF;
	v8 =	vand.u32 $0x7F, v8;
	v9 =	vand.u32 $0x1C00, v9  }
0x140: {  	v8 =	vor.u32 v8, v9;
	_ =	sdelay $0x2  }
0x141: {  	v9 =	vshll.u32 v7, $0x3  }
0x142: {  	v7 =	vand.u32 $0x7F, v7;
	v9 =	vand.u32 $0x7C00, v9  }
0x143: {  	v9 =	vor.u32 v7, v9;
	v10 =	vld.idx.msk [tilespmem:v8+s18+$0x0], vm0  }
0x144: {  	v7 =	vor.u32 $0x80, v8;
	_ =	sdelay $0x3  }
0x145: {  	[tilespmem:v9+s3+$0x0] =	vst.idx.msk vm0, v10  }
0x146: {  	v10 =	vor.u32 $0x80, v9;
	v7 =	vld.idx.msk [tilespmem:v7+s18+$0x0], vm0  }
0x147: {  	v11 =	vor.u32 $0x100, v8;
	_ =	sdelay $0x3  }
0x148: {  	[tilespmem:v10+s3+$0x0] =	vst.idx.msk vm0, v7  }
0x149: {  	v10 =	vor.u32 $0x100, v9;
	v7 =	vld.idx.msk [tilespmem:v11+s18+$0x0], vm0  }
0x14a: {  	v11 =	vor.u32 $0x180, v8;
	_ =	sdelay $0x3  }
0x14b: {  	[tilespmem:v10+s3+$0x0] =	vst.idx.msk vm0, v7  }
0x14c: {  	v10 =	vor.u32 $0x180, v9;
	v7 =	vld.idx.msk [tilespmem:v11+s18+$0x0], vm0  }
0x14d: {  	v11 =	vor.u32 $0x200, v8;
	_ =	sdelay $0x3  }
0x14e: {  	[tilespmem:v10+s3+$0x0] =	vst.idx.msk vm0, v7  }
0x14f: {  	v10 =	vor.u32 $0x200, v9;
	v7 =	vld.idx.msk [tilespmem:v11+s18+$0x0], vm0  }
0x150: {  	v11 =	vor.u32 $0x280, v8;
	_ =	sdelay $0x3  }
0x151: {  	[tilespmem:v10+s3+$0x0] =	vst.idx.msk vm0, v7  }
0x152: {  	v10 =	vor.u32 $0x280, v9;
	v7 =	vld.idx.msk [tilespmem:v11+s18+$0x0], vm0  }
0x153: {  	v11 =	vor.u32 $0x300, v8;
	_ =	sdelay $0x3  }
0x154: {  	[tilespmem:v10+s3+$0x0] =	vst.idx.msk vm0, v7  }
0x155: {  	v10 =	vor.u32 $0x300, v9;
	v7 =	vld.idx.msk [tilespmem:v11+s18+$0x0], vm0  }
0x156: {  	v11 =	vor.u32 $0x380, v8;
	_ =	sdelay $0x3  }
0x157: {  	[tilespmem:v10+s3+$0x0] =	vst.idx.msk vm0, v7  }
0x158: {  	v10 =	vor.u32 $0x380, v9;
	v7 =	vld.idx.msk [tilespmem:v11+s18+$0x0], vm0  }
0x159: {  	v11 =	vor.u32 $0x2000, v8;
	_ =	sdelay $0x3  }
0x15a: {  	[tilespmem:v10+s3+$0x0] =	vst.idx.msk vm0, v7  }
0x15b: {  	v10 =	vor.u32 $0x8000, v9;
	v7 =	vld.idx.msk [tilespmem:v11+s18+$0x0], vm0  }
0x15c: {  	v11 =	vor.u32 $0x2080, v8;
	_ =	sdelay $0x3  }
0x15d: {  	[tilespmem:v10+s3+$0x0] =	vst.idx.msk vm0, v7  }
0x15e: {  	v10 =	vor.u32 $0x8080, v9;
	v7 =	vld.idx.msk [tilespmem:v11+s18+$0x0], vm0  }
0x15f: {  	v11 =	vor.u32 $0x2100, v8;
	_ =	sdelay $0x3  }
0x160: {  	[tilespmem:v10+s3+$0x0] =	vst.idx.msk vm0, v7  }
0x161: {  	v10 =	vor.u32 $0x8100, v9;
	v7 =	vld.idx.msk [tilespmem:v11+s18+$0x0], vm0  }
0x162: {  	v11 =	vor.u32 $0x2180, v8;
	_ =	sdelay $0x3  }
0x163: {  	[tilespmem:v10+s3+$0x0] =	vst.idx.msk vm0, v7  }
0x164: {  	v10 =	vor.u32 $0x8180, v9;
	v7 =	vld.idx.msk [tilespmem:v11+s18+$0x0], vm0  }
0x165: {  	v11 =	vor.u32 $0x2200, v8;
	_ =	sdelay $0x3  }
0x166: {  	[tilespmem:v10+s3+$0x0] =	vst.idx.msk vm0, v7  }
0x167: {  	v10 =	vor.u32 $0x8200, v9;
	v7 =	vld.idx.msk [tilespmem:v11+s18+$0x0], vm0  }
0x168: {  	v11 =	vor.u32 $0x2280, v8;
	_ =	sdelay $0x3  }
0x169: {  	[tilespmem:v10+s3+$0x0] =	vst.idx.msk vm0, v7  }
0x16a: {  	v10 =	vor.u32 $0x8280, v9;
	v7 =	vld.idx.msk [tilespmem:v11+s18+$0x0], vm0  }
0x16b: {  	v11 =	vor.u32 $0x2300, v8;
	_ =	sdelay $0x3  }
0x16c: {  	[tilespmem:v10+s3+$0x0] =	vst.idx.msk vm0, v7  }
0x16d: {  	v10 =	vor.u32 $0x8300, v9;
	v7 =	vld.idx.msk [tilespmem:v11+s18+$0x0], vm0  }
0x16e: {  	p0 =	sne.s32 s12, $0x1;
	v8 =	vor.u32 $0x2380, v8  }
.Ltmp13:
0x16f: {  	_ = 	snop;
	(pc) =	sbr.rel @!p0 .LBB2_18-.Ltmp13, $3  }
0x170: {  	_ =	sdelay $0x1  }
0x171: {  	[tilespmem:v10+s3+$0x0] =	vst.idx.msk vm0, v7  }
0x172: {  	s12 =	sadd.s32 $0xFFFFFFFF, s12;
	v7 =	vld.idx.msk [tilespmem:v8+s18+$0x0], vm0;
	v8 =	vor.u32 $0x8380, v9  }
.LBB2_17:
0x173: {  	_ =	sdelay $0x3  }
0x174: {  	p0 =	sne.s32 s12, $0x1;
	s12 =	sadd.s32 $0xFFFFFFFF, s12;
	s11 =	sadd.s32 $0x10, s11;
	[tilespmem:v8+s3+$0x0] =	vst.idx.msk vm0, v7  }
0x175: {  	v8 =	vld [tilespmem:s11+$0x0];
	_ =	sdelay $0x4  }
0x176: {  	v7 =	vshrl.u32 v8, $0xC;
	v9 =	vshrl.u32 v8, $0x9;
	v10 =	vshll.u32 v8, $0x3  }
0x177: {  	vm0 =	vgt.s32 v8, $0xFFFFFFFF;
	v7 =	vand.u32 $0x7F, v7;
	v9 =	vand.u32 $0x1C00, v9  }
0x178: {  	v7 =	vor.u32 v7, v9;
	v9 =	vand.u32 $0x7C00, v10;
	_ =	sdelay $0x4  }
0x179: {  	v8 =	vand.u32 $0x7F, v8;
	v10 =	vld.idx.msk [tilespmem:v7+s18+$0x0], vm0  }
0x17a: {  	v8 =	vor.u32 v8, v9  }
0x17b: {  	v9 =	vor.u32 $0x80, v7;
	_ =	sdelay $0x3  }
0x17c: {  	[tilespmem:v8+s3+$0x0] =	vst.idx.msk vm0, v10  }
0x17d: {  	v9 =	vld.idx.msk [tilespmem:v9+s18+$0x0], vm0  }
0x17e: {  	v10 =	vor.u32 $0x80, v8  }
0x17f: {  	v11 =	vor.u32 $0x100, v7;
	_ =	sdelay $0x3  }
0x180: {  	[tilespmem:v10+s3+$0x0] =	vst.idx.msk vm0, v9  }
0x181: {  	v9 =	vld.idx.msk [tilespmem:v11+s18+$0x0], vm0  }
0x182: {  	v10 =	vor.u32 $0x100, v8  }
0x183: {  	v11 =	vor.u32 $0x180, v7;
	_ =	sdelay $0x3  }
0x184: {  	[tilespmem:v10+s3+$0x0] =	vst.idx.msk vm0, v9  }
0x185: {  	v9 =	vld.idx.msk [tilespmem:v11+s18+$0x0], vm0  }
0x186: {  	v10 =	vor.u32 $0x180, v8  }
0x187: {  	v11 =	vor.u32 $0x200, v7;
	_ =	sdelay $0x3  }
0x188: {  	[tilespmem:v10+s3+$0x0] =	vst.idx.msk vm0, v9  }
0x189: {  	v9 =	vld.idx.msk [tilespmem:v11+s18+$0x0], vm0  }
0x18a: {  	v10 =	vor.u32 $0x200, v8  }
0x18b: {  	v11 =	vor.u32 $0x280, v7;
	_ =	sdelay $0x3  }
0x18c: {  	[tilespmem:v10+s3+$0x0] =	vst.idx.msk vm0, v9  }
0x18d: {  	v9 =	vld.idx.msk [tilespmem:v11+s18+$0x0], vm0  }
0x18e: {  	v10 =	vor.u32 $0x280, v8  }
0x18f: {  	v11 =	vor.u32 $0x300, v7;
	_ =	sdelay $0x3  }
0x190: {  	[tilespmem:v10+s3+$0x0] =	vst.idx.msk vm0, v9  }
0x191: {  	v9 =	vld.idx.msk [tilespmem:v11+s18+$0x0], vm0  }
0x192: {  	v10 =	vor.u32 $0x300, v8  }
0x193: {  	v11 =	vor.u32 $0x380, v7;
	_ =	sdelay $0x3  }
0x194: {  	[tilespmem:v10+s3+$0x0] =	vst.idx.msk vm0, v9  }
0x195: {  	v9 =	vld.idx.msk [tilespmem:v11+s18+$0x0], vm0  }
0x196: {  	v10 =	vor.u32 $0x380, v8  }
0x197: {  	v11 =	vor.u32 $0x2000, v7;
	_ =	sdelay $0x3  }
0x198: {  	[tilespmem:v10+s3+$0x0] =	vst.idx.msk vm0, v9  }
0x199: {  	v9 =	vld.idx.msk [tilespmem:v11+s18+$0x0], vm0  }
0x19a: {  	v10 =	vor.u32 $0x8000, v8  }
0x19b: {  	v11 =	vor.u32 $0x2080, v7;
	_ =	sdelay $0x3  }
0x19c: {  	[tilespmem:v10+s3+$0x0] =	vst.idx.msk vm0, v9  }
0x19d: {  	v9 =	vld.idx.msk [tilespmem:v11+s18+$0x0], vm0  }
0x19e: {  	v10 =	vor.u32 $0x8080, v8  }
0x19f: {  	v11 =	vor.u32 $0x2100, v7;
	_ =	sdelay $0x3  }
0x1a0: {  	[tilespmem:v10+s3+$0x0] =	vst.idx.msk vm0, v9  }
0x1a1: {  	v9 =	vld.idx.msk [tilespmem:v11+s18+$0x0], vm0  }
0x1a2: {  	v10 =	vor.u32 $0x8100, v8  }
0x1a3: {  	v11 =	vor.u32 $0x2180, v7;
	_ =	sdelay $0x3  }
0x1a4: {  	[tilespmem:v10+s3+$0x0] =	vst.idx.msk vm0, v9  }
0x1a5: {  	v9 =	vld.idx.msk [tilespmem:v11+s18+$0x0], vm0  }
0x1a6: {  	v10 =	vor.u32 $0x8180, v8  }
0x1a7: {  	v11 =	vor.u32 $0x2200, v7;
	_ =	sdelay $0x3  }
0x1a8: {  	[tilespmem:v10+s3+$0x0] =	vst.idx.msk vm0, v9  }
0x1a9: {  	v9 =	vld.idx.msk [tilespmem:v11+s18+$0x0], vm0  }
0x1aa: {  	v10 =	vor.u32 $0x8200, v8  }
0x1ab: {  	v11 =	vor.u32 $0x2280, v7;
	_ =	sdelay $0x3  }
0x1ac: {  	[tilespmem:v10+s3+$0x0] =	vst.idx.msk vm0, v9  }
0x1ad: {  	v9 =	vld.idx.msk [tilespmem:v11+s18+$0x0], vm0  }
0x1ae: {  	v10 =	vor.u32 $0x8280, v8  }
0x1af: {  	v11 =	vor.u32 $0x2300, v7;
	_ =	sdelay $0x3  }
0x1b0: {  	[tilespmem:v10+s3+$0x0] =	vst.idx.msk vm0, v9  }
0x1b1: {  	v9 =	vld.idx.msk [tilespmem:v11+s18+$0x0], vm0  }
0x1b2: {  	v10 =	vor.u32 $0x8300, v8  }
0x1b3: {  	v7 =	vor.u32 $0x2380, v7;
	_ =	sdelay $0x1  }
.Ltmp14:
0x1b4: {  	(pc) =	sbr.rel @p0 .LBB2_17-.Ltmp14, $4  }
0x1b5: {  	_ = 	snop  }
0x1b6: {  	[tilespmem:v10+s3+$0x0] =	vst.idx.msk vm0, v9  }
0x1b7: {  	v7 =	vld.idx.msk [tilespmem:v7+s18+$0x0], vm0  }
0x1b8: {  	v8 =	vor.u32 $0x8380, v8  }
.LBB2_18:
0x1b9: {  	_ =	sdelay $0x4  }
0x1ba: {  	[tilespmem:v8+s3+$0x0] =	vst.idx.msk vm0, v7  }
.LBB2_19:
0x1bb: {  	p0 =	seq.s32 s0, $0x1F  }
0x1bc: {  	s11 =	smul.u32 @!p0 $0x6000, s0;
	_ =	sdelay $0x1  }
0x1bd: {  	s5 =	sadd.s32 @!p0 s11, s6  }
0x1be: {  	p1 =	sne.s32 s20, $0x5E;
	s12 =	simm.s32 @!p0 $0x2000;
	s5 =	sshrl.u32 @!p0 s5, $0x3  }
0x1bf: {  	s13 =	simm.s32 @!p0 $0xC3800;
	s14 =	simm.s32 @!p0 $0x14000;
	s5 =	sadd.s32 @!p0 s2, s5  }
0x1c0: {  	[tilespmem:s14], [sflag:$0x2] =	stream.strided.gather @!p0 [hbm4b:s5+s12], $0x4000, s13, s12, $0x38;
	[tilespmem:$0x1FC00] =	vst v63  }
0x1c1: {  	s5 =	simm.s32 @!p1 $0x0;
	s14 =	simm.s32 @!p1 $0x14000  }
0x1c2: {  	[tilespmem:s14], [sflag:$0x4] =	stream.linear.gather @!p1 [hbm4b:s7+s5], $0x1400, $0x38;
	[tilespmem:$0x1FC00] =	vst v63  }
0x1c3: {  	s20 =	simm.s32 @!p1 $0x16000;
	s14 =	sadd.s32 @!p1 $0x18700, s7  }
0x1c4: {  	[tilespmem:s20], [sflag:$0x4] =	stream.linear.gather @!p1 [hbm4b:s14+s5], $0x1400, $0x38;
	[tilespmem:$0x1FC00] =	vst v63  }
0x1c5: {  	s5 =	simm.s32 @!p1 $0x400;
	s14 =	simm.s32 @!p1 $0xC3800;
	s20 =	simm.s32 @!p1 $0x1F400  }
0x1c6: {  	v7 =	vmov s10;
	[tilespmem:s20], [sflag:$0x4] =	stream.strided.gather @!p1 [hbm4b:s8+s5], $0x800, s14, s5, $0x38;
	[tilespmem:$0x1FC00] =	vst v63  }
0x1c7: {  	_ =	swait.ge [sflag:s28], $0x4000  }
0x1c8: {  	[sflag:s28] =	ssyncset.done $0x0  }
0x1c9: {  	[sflag:s28] =	ssyncadd.s32 $0xFFFFC000  }
0x1ca: {  	v6 =	vld.idx.msk [tilespmem:v6+s22+$0x0], $0xffff  }
0x1cb: {  	v7 =	vld.idx.msk [tilespmem:v7+s22+$0x0], $0xffff;
	_ =	sdelay $0x3  }
0x1cc: {  	(v2sf) =	vpush v6, $0x0  }
0x1cd: {  	(v2sf) =	vpush v7, $0x0;
	_ =	sdelay $0xd  }
0x1ce: {  	s10 =	spop (v2sf)  }
0x1cf: {  	s20 =	spop (v2sf)  }
0x1d0: {  	s5 =	ssub.s32 s20, s10  }
0x1d1: {  	s20 =	sshra.s32 s5, $0x4  }
0x1d2: {  	p1 =	slt.s32 s20, $0x1  }
.Ltmp15:
0x1d3: {  	_ = 	snop;
	(pc) =	sbr.rel @p1 .LBB2_23-.Ltmp15, $1  }
0x1d4: {  	_ =	sdelay $0x3  }
0x1d5: {  	s10 =	sadd.s32 $0x1D000, s10  }
0x1d6: {  	v6 =	vld [tilespmem:s10+$0x0];
	_ =	sdelay $0x4  }
0x1d7: {  	v7 =	vshrl.u32 v6, $0xC;
	v8 =	vshrl.u32 v6, $0x9  }
0x1d8: {  	vm0 =	vgt.s32 v6, $0xFFFFFFFF;
	v7 =	vand.u32 $0x7F, v7;
	v8 =	vand.u32 $0x1C00, v8  }
0x1d9: {  	v7 =	vor.u32 v7, v8;
	_ =	sdelay $0x2  }
0x1da: {  	v8 =	vshll.u32 v6, $0x3  }
0x1db: {  	v6 =	vand.u32 $0x7F, v6;
	v8 =	vand.u32 $0x7C00, v8  }
0x1dc: {  	v8 =	vor.u32 v6, v8;
	v9 =	vld.idx.msk [tilespmem:v7+s19+$0x0], vm0  }
0x1dd: {  	v6 =	vor.u32 $0x80, v7;
	_ =	sdelay $0x3  }
0x1de: {  	[tilespmem:v8+s3+$0x0] =	vst.idx.msk vm0, v9  }
0x1df: {  	v38 =	vor.u32 $0x80, v8;
	v6 =	vld.idx.msk [tilespmem:v6+s19+$0x0], vm0  }
0x1e0: {  	v10 =	vor.u32 $0x100, v7;
	_ =	sdelay $0x3  }
0x1e1: {  	[tilespmem:v38+s3+$0x0] =	vst.idx.msk vm0, v6  }
0x1e2: {  	v39 =	vor.u32 $0x100, v8;
	v6 =	vld.idx.msk [tilespmem:v10+s19+$0x0], vm0  }
0x1e3: {  	v40 =	vor.u32 $0x180, v7;
	_ =	sdelay $0x3  }
0x1e4: {  	[tilespmem:v39+s3+$0x0] =	vst.idx.msk vm0, v6  }
0x1e5: {  	v41 =	vor.u32 $0x180, v8;
	v6 =	vld.idx.msk [tilespmem:v40+s19+$0x0], vm0  }
0x1e6: {  	v42 =	vor.u32 $0x200, v7;
	_ =	sdelay $0x3  }
0x1e7: {  	[tilespmem:v41+s3+$0x0] =	vst.idx.msk vm0, v6  }
0x1e8: {  	v43 =	vor.u32 $0x200, v8;
	v6 =	vld.idx.msk [tilespmem:v42+s19+$0x0], vm0  }
0x1e9: {  	v44 =	vor.u32 $0x280, v7;
	_ =	sdelay $0x3  }
0x1ea: {  	[tilespmem:v43+s3+$0x0] =	vst.idx.msk vm0, v6  }
0x1eb: {  	v45 =	vor.u32 $0x280, v8;
	v6 =	vld.idx.msk [tilespmem:v44+s19+$0x0], vm0  }
0x1ec: {  	v46 =	vor.u32 $0x300, v7;
	_ =	sdelay $0x3  }
0x1ed: {  	[tilespmem:v45+s3+$0x0] =	vst.idx.msk vm0, v6  }
0x1ee: {  	v47 =	vor.u32 $0x300, v8;
	v6 =	vld.idx.msk [tilespmem:v46+s19+$0x0], vm0  }
0x1ef: {  	v48 =	vor.u32 $0x380, v7;
	_ =	sdelay $0x3  }
0x1f0: {  	[tilespmem:v47+s3+$0x0] =	vst.idx.msk vm0, v6  }
0x1f1: {  	v49 =	vor.u32 $0x380, v8;
	v6 =	vld.idx.msk [tilespmem:v48+s19+$0x0], vm0  }
0x1f2: {  	v50 =	vor.u32 $0x2000, v7;
	_ =	sdelay $0x3  }
0x1f3: {  	[tilespmem:v49+s3+$0x0] =	vst.idx.msk vm0, v6  }
0x1f4: {  	v51 =	vor.u32 $0x8000, v8;
	v6 =	vld.idx.msk [tilespmem:v50+s19+$0x0], vm0  }
0x1f5: {  	v52 =	vor.u32 $0x2080, v7;
	_ =	sdelay $0x3  }
0x1f6: {  	[tilespmem:v51+s3+$0x0] =	vst.idx.msk vm0, v6  }
0x1f7: {  	v53 =	vor.u32 $0x8080, v8;
	v6 =	vld.idx.msk [tilespmem:v52+s19+$0x0], vm0  }
0x1f8: {  	v54 =	vor.u32 $0x2100, v7;
	_ =	sdelay $0x3  }
0x1f9: {  	[tilespmem:v53+s3+$0x0] =	vst.idx.msk vm0, v6  }
0x1fa: {  	v55 =	vor.u32 $0x8100, v8;
	v6 =	vld.idx.msk [tilespmem:v54+s19+$0x0], vm0  }
0x1fb: {  	v56 =	vor.u32 $0x2180, v7;
	_ =	sdelay $0x3  }
0x1fc: {  	[tilespmem:v55+s3+$0x0] =	vst.idx.msk vm0, v6  }
0x1fd: {  	v57 =	vor.u32 $0x8180, v8;
	v6 =	vld.idx.msk [tilespmem:v56+s19+$0x0], vm0  }
0x1fe: {  	v58 =	vor.u32 $0x2200, v7;
	_ =	sdelay $0x3  }
0x1ff: {  	[tilespmem:v57+s3+$0x0] =	vst.idx.msk vm0, v6  }
0x200: {  	v59 =	vor.u32 $0x8200, v8;
	v6 =	vld.idx.msk [tilespmem:v58+s19+$0x0], vm0  }
0x201: {  	v60 =	vor.u32 $0x2280, v7;
	_ =	sdelay $0x3  }
0x202: {  	[tilespmem:v59+s3+$0x0] =	vst.idx.msk vm0, v6  }
0x203: {  	v61 =	vor.u32 $0x8280, v8;
	v6 =	vld.idx.msk [tilespmem:v60+s19+$0x0], vm0  }
0x204: {  	v62 =	vor.u32 $0x2300, v7;
	_ =	sdelay $0x3  }
0x205: {  	[tilespmem:v61+s3+$0x0] =	vst.idx.msk vm0, v6  }
0x206: {  	v63 =	vor.u32 $0x8300, v8;
	v6 =	vld.idx.msk [tilespmem:v62+s19+$0x0], vm0  }
0x207: {  	v7 =	vor.u32 $0x2380, v7;
	_ =	sdelay $0x3  }
0x208: {  	p1 =	sne.s32 s20, $0x1;
	[tilespmem:v63+s3+$0x0] =	vst.idx.msk vm0, v6  }
.Ltmp16:
0x209: {  	v6 =	vld.idx.msk [tilespmem:v7+s19+$0x0], vm0;
	v7 =	vor.u32 $0x8380, v8;
	(pc) =	sbr.rel @!p1 .LBB2_22-.Ltmp16, $2  }
0x20a: {  	_ =	sdelay $0x2  }
0x20b: {  	s20 =	sadd.s32 $0xFFFFFFFF, s20  }
.LBB2_21:
0x20c: {  	p1 =	sne.s32 s20, $0x1;
	s20 =	sadd.s32 $0xFFFFFFFF, s20;
	[tilespmem:v7+s3+$0x0] =	vst.idx.msk vm0, v6;
	s10 =	sadd.s32 $0x10, s10  }
0x20d: {  	v7 =	vld [tilespmem:s10+$0x0];
	_ =	sdelay $0x4  }
0x20e: {  	v6 =	vshrl.u32 v7, $0xC;
	v8 =	vshrl.u32 v7, $0x9;
	v9 =	vshll.u32 v7, $0x3  }
0x20f: {  	vm0 =	vgt.s32 v7, $0xFFFFFFFF;
	v6 =	vand.u32 $0x7F, v6;
	v8 =	vand.u32 $0x1C00, v8  }
0x210: {  	v6 =	vor.u32 v6, v8;
	v8 =	vand.u32 $0x7C00, v9;
	_ =	sdelay $0x4  }
0x211: {  	v7 =	vand.u32 $0x7F, v7;
	v9 =	vld.idx.msk [tilespmem:v6+s19+$0x0], vm0  }
0x212: {  	v7 =	vor.u32 v7, v8  }
0x213: {  	v8 =	vor.u32 $0x80, v6;
	_ =	sdelay $0x3  }
0x214: {  	[tilespmem:v7+s3+$0x0] =	vst.idx.msk vm0, v9  }
0x215: {  	v8 =	vld.idx.msk [tilespmem:v8+s19+$0x0], vm0  }
0x216: {  	v9 =	vor.u32 $0x80, v7  }
0x217: {  	v10 =	vor.u32 $0x100, v6;
	_ =	sdelay $0x3  }
0x218: {  	[tilespmem:v9+s3+$0x0] =	vst.idx.msk vm0, v8  }
0x219: {  	v8 =	vld.idx.msk [tilespmem:v10+s19+$0x0], vm0  }
0x21a: {  	v9 =	vor.u32 $0x100, v7  }
0x21b: {  	v10 =	vor.u32 $0x180, v6;
	_ =	sdelay $0x3  }
0x21c: {  	[tilespmem:v9+s3+$0x0] =	vst.idx.msk vm0, v8  }
0x21d: {  	v8 =	vld.idx.msk [tilespmem:v10+s19+$0x0], vm0  }
0x21e: {  	v9 =	vor.u32 $0x180, v7  }
0x21f: {  	v10 =	vor.u32 $0x200, v6;
	_ =	sdelay $0x3  }
0x220: {  	[tilespmem:v9+s3+$0x0] =	vst.idx.msk vm0, v8  }
0x221: {  	v8 =	vld.idx.msk [tilespmem:v10+s19+$0x0], vm0  }
0x222: {  	v9 =	vor.u32 $0x200, v7  }
0x223: {  	v10 =	vor.u32 $0x280, v6;
	_ =	sdelay $0x3  }
0x224: {  	[tilespmem:v9+s3+$0x0] =	vst.idx.msk vm0, v8  }
0x225: {  	v8 =	vld.idx.msk [tilespmem:v10+s19+$0x0], vm0  }
0x226: {  	v9 =	vor.u32 $0x280, v7  }
0x227: {  	v10 =	vor.u32 $0x300, v6;
	_ =	sdelay $0x3  }
0x228: {  	[tilespmem:v9+s3+$0x0] =	vst.idx.msk vm0, v8  }
0x229: {  	v8 =	vld.idx.msk [tilespmem:v10+s19+$0x0], vm0  }
0x22a: {  	v9 =	vor.u32 $0x300, v7  }
0x22b: {  	v10 =	vor.u32 $0x380, v6;
	_ =	sdelay $0x3  }
0x22c: {  	[tilespmem:v9+s3+$0x0] =	vst.idx.msk vm0, v8  }
0x22d: {  	v8 =	vld.idx.msk [tilespmem:v10+s19+$0x0], vm0  }
0x22e: {  	v9 =	vor.u32 $0x380, v7  }
0x22f: {  	v10 =	vor.u32 $0x2000, v6;
	_ =	sdelay $0x3  }
0x230: {  	[tilespmem:v9+s3+$0x0] =	vst.idx.msk vm0, v8  }
0x231: {  	v8 =	vld.idx.msk [tilespmem:v10+s19+$0x0], vm0  }
0x232: {  	v9 =	vor.u32 $0x8000, v7  }
0x233: {  	v10 =	vor.u32 $0x2080, v6;
	_ =	sdelay $0x3  }
0x234: {  	[tilespmem:v9+s3+$0x0] =	vst.idx.msk vm0, v8  }
0x235: {  	v8 =	vld.idx.msk [tilespmem:v10+s19+$0x0], vm0  }
0x236: {  	v9 =	vor.u32 $0x8080, v7  }
0x237: {  	v10 =	vor.u32 $0x2100, v6;
	_ =	sdelay $0x3  }
0x238: {  	[tilespmem:v9+s3+$0x0] =	vst.idx.msk vm0, v8  }
0x239: {  	v8 =	vld.idx.msk [tilespmem:v10+s19+$0x0], vm0  }
0x23a: {  	v9 =	vor.u32 $0x8100, v7  }
0x23b: {  	v10 =	vor.u32 $0x2180, v6;
	_ =	sdelay $0x3  }
0x23c: {  	[tilespmem:v9+s3+$0x0] =	vst.idx.msk vm0, v8  }
0x23d: {  	v8 =	vld.idx.msk [tilespmem:v10+s19+$0x0], vm0  }
0x23e: {  	v9 =	vor.u32 $0x8180, v7  }
0x23f: {  	v10 =	vor.u32 $0x2200, v6;
	_ =	sdelay $0x3  }
0x240: {  	[tilespmem:v9+s3+$0x0] =	vst.idx.msk vm0, v8  }
0x241: {  	v8 =	vld.idx.msk [tilespmem:v10+s19+$0x0], vm0  }
0x242: {  	v9 =	vor.u32 $0x8200, v7  }
0x243: {  	v10 =	vor.u32 $0x2280, v6;
	_ =	sdelay $0x3  }
0x244: {  	[tilespmem:v9+s3+$0x0] =	vst.idx.msk vm0, v8  }
0x245: {  	v8 =	vld.idx.msk [tilespmem:v10+s19+$0x0], vm0  }
0x246: {  	v9 =	vor.u32 $0x8280, v7  }
0x247: {  	v10 =	vor.u32 $0x2300, v6;
	_ =	sdelay $0x3  }
0x248: {  	[tilespmem:v9+s3+$0x0] =	vst.idx.msk vm0, v8  }
0x249: {  	v8 =	vld.idx.msk [tilespmem:v10+s19+$0x0], vm0  }
0x24a: {  	v9 =	vor.u32 $0x8300, v7  }
0x24b: {  	v6 =	vor.u32 $0x2380, v6;
	_ =	sdelay $0x1  }
.Ltmp17:
0x24c: {  	(pc) =	sbr.rel @p1 .LBB2_21-.Ltmp17, $4  }
0x24d: {  	_ = 	snop  }
0x24e: {  	[tilespmem:v9+s3+$0x0] =	vst.idx.msk vm0, v8  }
0x24f: {  	v6 =	vld.idx.msk [tilespmem:v6+s19+$0x0], vm0  }
0x250: {  	v7 =	vor.u32 $0x8380, v7  }
.Ltmp18:
0x251: {  	_ = 	snop;
	(pc) =	sbr.rel .LBB2_22-.Ltmp18, $1  }
0x252: {  	_ =	sdelay $0x3  }
.LBB2_24:
0x253: {  	_ = 	snop  }
0x254: {  	_ =	swait.ge [sflag:s25], $0x4000  }
0x255: {  	[sflag:s25] =	ssyncset.done $0x0  }
0x256: {  	[sflag:s25] =	ssyncadd.s32 $0xFFFFC000  }
0x257: {  	v6 =	vld.idx.msk [tilespmem:v4+s22+$0x0], $0xffff  }
0x258: {  	v7 =	vld.idx.msk [tilespmem:v5+s22+$0x0], $0xffff;
	_ =	sdelay $0x3  }
0x259: {  	(v2sf) =	vpush v6, $0x0  }
0x25a: {  	(v2sf) =	vpush v7, $0x0;
	_ =	sdelay $0xd  }
0x25b: {  	s0 =	spop (v2sf)  }
0x25c: {  	s1 =	spop (v2sf)  }
0x25d: {  	s1 =	ssub.s32 s1, s0  }
0x25e: {  	s1 =	sshra.s32 s1, $0x4  }
0x25f: {  	p0 =	slt.s32 s1, $0x1  }
.Ltmp19:
0x260: {  	_ = 	snop;
	(pc) =	sbr.rel @p0 .LBB2_28-.Ltmp19, $1  }
0x261: {  	_ =	sdelay $0x3  }
0x262: {  	s0 =	sadd.s32 $0x1D000, s0  }
0x263: {  	v6 =	vld [tilespmem:s0+$0x0];
	_ =	sdelay $0x4  }
0x264: {  	v7 =	vshrl.u32 v6, $0xC;
	v8 =	vshrl.u32 v6, $0x9  }
0x265: {  	vm0 =	vgt.s32 v6, $0xFFFFFFFF;
	v7 =	vand.u32 $0x7F, v7;
	v8 =	vand.u32 $0x1C00, v8  }
0x266: {  	v7 =	vor.u32 v7, v8;
	_ =	sdelay $0x2  }
0x267: {  	v8 =	vshll.u32 v6, $0x3  }
0x268: {  	v6 =	vand.u32 $0x7F, v6;
	v8 =	vand.u32 $0x7C00, v8  }
0x269: {  	v8 =	vor.u32 v6, v8;
	v9 =	vld.idx.msk [tilespmem:v7+s17+$0x0], vm0  }
0x26a: {  	v6 =	vor.u32 $0x80, v7;
	_ =	sdelay $0x3  }
0x26b: {  	[tilespmem:v8+s3+$0x0] =	vst.idx.msk vm0, v9  }
0x26c: {  	v38 =	vor.u32 $0x80, v8;
	v6 =	vld.idx.msk [tilespmem:v6+s17+$0x0], vm0  }
0x26d: {  	v10 =	vor.u32 $0x100, v7;
	_ =	sdelay $0x3  }
0x26e: {  	[tilespmem:v38+s3+$0x0] =	vst.idx.msk vm0, v6  }
0x26f: {  	v39 =	vor.u32 $0x100, v8;
	v6 =	vld.idx.msk [tilespmem:v10+s17+$0x0], vm0  }
0x270: {  	v40 =	vor.u32 $0x180, v7;
	_ =	sdelay $0x3  }
0x271: {  	[tilespmem:v39+s3+$0x0] =	vst.idx.msk vm0, v6  }
0x272: {  	v41 =	vor.u32 $0x180, v8;
	v6 =	vld.idx.msk [tilespmem:v40+s17+$0x0], vm0  }
0x273: {  	v42 =	vor.u32 $0x200, v7;
	_ =	sdelay $0x3  }
0x274: {  	[tilespmem:v41+s3+$0x0] =	vst.idx.msk vm0, v6  }
0x275: {  	v43 =	vor.u32 $0x200, v8;
	v6 =	vld.idx.msk [tilespmem:v42+s17+$0x0], vm0  }
0x276: {  	v44 =	vor.u32 $0x280, v7;
	_ =	sdelay $0x3  }
0x277: {  	[tilespmem:v43+s3+$0x0] =	vst.idx.msk vm0, v6  }
0x278: {  	v45 =	vor.u32 $0x280, v8;
	v6 =	vld.idx.msk [tilespmem:v44+s17+$0x0], vm0  }
0x279: {  	v46 =	vor.u32 $0x300, v7;
	_ =	sdelay $0x3  }
0x27a: {  	[tilespmem:v45+s3+$0x0] =	vst.idx.msk vm0, v6  }
0x27b: {  	v47 =	vor.u32 $0x300, v8;
	v6 =	vld.idx.msk [tilespmem:v46+s17+$0x0], vm0  }
0x27c: {  	v48 =	vor.u32 $0x380, v7;
	_ =	sdelay $0x3  }
0x27d: {  	[tilespmem:v47+s3+$0x0] =	vst.idx.msk vm0, v6  }
0x27e: {  	v49 =	vor.u32 $0x380, v8;
	v6 =	vld.idx.msk [tilespmem:v48+s17+$0x0], vm0  }
0x27f: {  	v50 =	vor.u32 $0x2000, v7;
	_ =	sdelay $0x3  }
0x280: {  	[tilespmem:v49+s3+$0x0] =	vst.idx.msk vm0, v6  }
0x281: {  	v51 =	vor.u32 $0x8000, v8;
	v6 =	vld.idx.msk [tilespmem:v50+s17+$0x0], vm0  }
0x282: {  	v52 =	vor.u32 $0x2080, v7;
	_ =	sdelay $0x3  }
0x283: {  	[tilespmem:v51+s3+$0x0] =	vst.idx.msk vm0, v6  }
0x284: {  	v53 =	vor.u32 $0x8080, v8;
	v6 =	vld.idx.msk [tilespmem:v52+s17+$0x0], vm0  }
0x285: {  	v54 =	vor.u32 $0x2100, v7;
	_ =	sdelay $0x3  }
0x286: {  	[tilespmem:v53+s3+$0x0] =	vst.idx.msk vm0, v6  }
0x287: {  	v55 =	vor.u32 $0x8100, v8;
	v6 =	vld.idx.msk [tilespmem:v54+s17+$0x0], vm0  }
0x288: {  	v56 =	vor.u32 $0x2180, v7;
	_ =	sdelay $0x3  }
0x289: {  	[tilespmem:v55+s3+$0x0] =	vst.idx.msk vm0, v6  }
0x28a: {  	v57 =	vor.u32 $0x8180, v8;
	v6 =	vld.idx.msk [tilespmem:v56+s17+$0x0], vm0  }
0x28b: {  	v58 =	vor.u32 $0x2200, v7;
	_ =	sdelay $0x3  }
0x28c: {  	[tilespmem:v57+s3+$0x0] =	vst.idx.msk vm0, v6  }
0x28d: {  	v59 =	vor.u32 $0x8200, v8;
	v6 =	vld.idx.msk [tilespmem:v58+s17+$0x0], vm0  }
0x28e: {  	v60 =	vor.u32 $0x2280, v7;
	_ =	sdelay $0x3  }
0x28f: {  	[tilespmem:v59+s3+$0x0] =	vst.idx.msk vm0, v6  }
0x290: {  	v61 =	vor.u32 $0x8280, v8;
	v6 =	vld.idx.msk [tilespmem:v60+s17+$0x0], vm0  }
0x291: {  	v62 =	vor.u32 $0x2300, v7;
	_ =	sdelay $0x3  }
0x292: {  	[tilespmem:v61+s3+$0x0] =	vst.idx.msk vm0, v6  }
0x293: {  	v63 =	vor.u32 $0x8300, v8;
	v6 =	vld.idx.msk [tilespmem:v62+s17+$0x0], vm0  }
0x294: {  	p0 =	sne.s32 s1, $0x1;
	v7 =	vor.u32 $0x2380, v7  }
.Ltmp20:
0x295: {  	_ = 	snop;
	(pc) =	sbr.rel @!p0 .LBB2_27-.Ltmp20, $3  }
0x296: {  	_ =	sdelay $0x1  }
0x297: {  	[tilespmem:v63+s3+$0x0] =	vst.idx.msk vm0, v6  }
0x298: {  	s1 =	sadd.s32 $0xFFFFFFFF, s1;
	v6 =	vld.idx.msk [tilespmem:v7+s17+$0x0], vm0;
	v7 =	vor.u32 $0x8380, v8  }
.LBB2_26:
0x299: {  	_ =	sdelay $0x3  }
0x29a: {  	p0 =	sne.s32 s1, $0x1;
	s1 =	sadd.s32 $0xFFFFFFFF, s1;
	s0 =	sadd.s32 $0x10, s0;
	[tilespmem:v7+s3+$0x0] =	vst.idx.msk vm0, v6  }
0x29b: {  	v7 =	vld [tilespmem:s0+$0x0];
	_ =	sdelay $0x4  }
0x29c: {  	v6 =	vshrl.u32 v7, $0xC;
	v8 =	vshrl.u32 v7, $0x9;
	v9 =	vshll.u32 v7, $0x3  }
0x29d: {  	vm0 =	vgt.s32 v7, $0xFFFFFFFF;
	v6 =	vand.u32 $0x7F, v6;
	v8 =	vand.u32 $0x1C00, v8  }
0x29e: {  	v6 =	vor.u32 v6, v8;
	v8 =	vand.u32 $0x7C00, v9;
	_ =	sdelay $0x4  }
0x29f: {  	v7 =	vand.u32 $0x7F, v7;
	v9 =	vld.idx.msk [tilespmem:v6+s17+$0x0], vm0  }
0x2a0: {  	v7 =	vor.u32 v7, v8  }
0x2a1: {  	v8 =	vor.u32 $0x80, v6;
	_ =	sdelay $0x3  }
0x2a2: {  	[tilespmem:v7+s3+$0x0] =	vst.idx.msk vm0, v9  }
0x2a3: {  	v8 =	vld.idx.msk [tilespmem:v8+s17+$0x0], vm0  }
0x2a4: {  	v9 =	vor.u32 $0x80, v7  }
0x2a5: {  	v10 =	vor.u32 $0x100, v6;
	_ =	sdelay $0x3  }
0x2a6: {  	[tilespmem:v9+s3+$0x0] =	vst.idx.msk vm0, v8  }
0x2a7: {  	v8 =	vld.idx.msk [tilespmem:v10+s17+$0x0], vm0  }
0x2a8: {  	v9 =	vor.u32 $0x100, v7  }
0x2a9: {  	v10 =	vor.u32 $0x180, v6;
	_ =	sdelay $0x3  }
0x2aa: {  	[tilespmem:v9+s3+$0x0] =	vst.idx.msk vm0, v8  }
0x2ab: {  	v8 =	vld.idx.msk [tilespmem:v10+s17+$0x0], vm0  }
0x2ac: {  	v9 =	vor.u32 $0x180, v7  }
0x2ad: {  	v10 =	vor.u32 $0x200, v6;
	_ =	sdelay $0x3  }
0x2ae: {  	[tilespmem:v9+s3+$0x0] =	vst.idx.msk vm0, v8  }
0x2af: {  	v8 =	vld.idx.msk [tilespmem:v10+s17+$0x0], vm0  }
0x2b0: {  	v9 =	vor.u32 $0x200, v7  }
0x2b1: {  	v10 =	vor.u32 $0x280, v6;
	_ =	sdelay $0x3  }
0x2b2: {  	[tilespmem:v9+s3+$0x0] =	vst.idx.msk vm0, v8  }
0x2b3: {  	v8 =	vld.idx.msk [tilespmem:v10+s17+$0x0], vm0  }
0x2b4: {  	v9 =	vor.u32 $0x280, v7  }
0x2b5: {  	v10 =	vor.u32 $0x300, v6;
	_ =	sdelay $0x3  }
0x2b6: {  	[tilespmem:v9+s3+$0x0] =	vst.idx.msk vm0, v8  }
0x2b7: {  	v8 =	vld.idx.msk [tilespmem:v10+s17+$0x0], vm0  }
0x2b8: {  	v9 =	vor.u32 $0x300, v7  }
0x2b9: {  	v10 =	vor.u32 $0x380, v6;
	_ =	sdelay $0x3  }
0x2ba: {  	[tilespmem:v9+s3+$0x0] =	vst.idx.msk vm0, v8  }
0x2bb: {  	v8 =	vld.idx.msk [tilespmem:v10+s17+$0x0], vm0  }
0x2bc: {  	v9 =	vor.u32 $0x380, v7  }
0x2bd: {  	v10 =	vor.u32 $0x2000, v6;
	_ =	sdelay $0x3  }
0x2be: {  	[tilespmem:v9+s3+$0x0] =	vst.idx.msk vm0, v8  }
0x2bf: {  	v8 =	vld.idx.msk [tilespmem:v10+s17+$0x0], vm0  }
0x2c0: {  	v9 =	vor.u32 $0x8000, v7  }
0x2c1: {  	v10 =	vor.u32 $0x2080, v6;
	_ =	sdelay $0x3  }
0x2c2: {  	[tilespmem:v9+s3+$0x0] =	vst.idx.msk vm0, v8  }
0x2c3: {  	v8 =	vld.idx.msk [tilespmem:v10+s17+$0x0], vm0  }
0x2c4: {  	v9 =	vor.u32 $0x8080, v7  }
0x2c5: {  	v10 =	vor.u32 $0x2100, v6;
	_ =	sdelay $0x3  }
0x2c6: {  	[tilespmem:v9+s3+$0x0] =	vst.idx.msk vm0, v8  }
0x2c7: {  	v8 =	vld.idx.msk [tilespmem:v10+s17+$0x0], vm0  }
0x2c8: {  	v9 =	vor.u32 $0x8100, v7  }
0x2c9: {  	v10 =	vor.u32 $0x2180, v6;
	_ =	sdelay $0x3  }
0x2ca: {  	[tilespmem:v9+s3+$0x0] =	vst.idx.msk vm0, v8  }
0x2cb: {  	v8 =	vld.idx.msk [tilespmem:v10+s17+$0x0], vm0  }
0x2cc: {  	v9 =	vor.u32 $0x8180, v7  }
0x2cd: {  	v10 =	vor.u32 $0x2200, v6;
	_ =	sdelay $0x3  }
0x2ce: {  	[tilespmem:v9+s3+$0x0] =	vst.idx.msk vm0, v8  }
0x2cf: {  	v8 =	vld.idx.msk [tilespmem:v10+s17+$0x0], vm0  }
0x2d0: {  	v9 =	vor.u32 $0x8200, v7  }
0x2d1: {  	v10 =	vor.u32 $0x2280, v6;
	_ =	sdelay $0x3  }
0x2d2: {  	[tilespmem:v9+s3+$0x0] =	vst.idx.msk vm0, v8  }
0x2d3: {  	v8 =	vld.idx.msk [tilespmem:v10+s17+$0x0], vm0  }
0x2d4: {  	v9 =	vor.u32 $0x8280, v7  }
0x2d5: {  	v10 =	vor.u32 $0x2300, v6;
	_ =	sdelay $0x3  }
0x2d6: {  	[tilespmem:v9+s3+$0x0] =	vst.idx.msk vm0, v8  }
0x2d7: {  	v8 =	vld.idx.msk [tilespmem:v10+s17+$0x0], vm0  }
0x2d8: {  	v9 =	vor.u32 $0x8300, v7  }
0x2d9: {  	v6 =	vor.u32 $0x2380, v6;
	_ =	sdelay $0x1  }
.Ltmp21:
0x2da: {  	(pc) =	sbr.rel @p0 .LBB2_26-.Ltmp21, $4  }
0x2db: {  	_ = 	snop  }
0x2dc: {  	[tilespmem:v9+s3+$0x0] =	vst.idx.msk vm0, v8  }
0x2dd: {  	v6 =	vld.idx.msk [tilespmem:v6+s17+$0x0], vm0  }
0x2de: {  	v7 =	vor.u32 $0x8380, v7  }
.LBB2_27:
0x2df: {  	_ =	sdelay $0x4  }
0x2e0: {  	[tilespmem:v7+s3+$0x0] =	vst.idx.msk vm0, v6  }
.LBB2_28:
0x2e1: {  	_ =	swait.ge [sflag:s21], $0x2800  }
0x2e2: {  	[sflag:s21] =	ssyncset.done $0x0  }
0x2e3: {  	[sflag:s21] =	ssyncadd.s32 $0xFFFFD800  }
0x2e4: {  	_ =	swait.ge [sflag:s21], $0x800  }
0x2e5: {  	[sflag:s21] =	ssyncset.done $0x0  }
0x2e6: {  	[sflag:s21] =	ssyncadd.s32 $0xFFFFF800  }
0x2e7: {  	v6 =	vld.idx.msk [tilespmem:v5+s22+$0x0], $0xffff  }
0x2e8: {  	v7 =	vld.idx.msk [tilespmem:v3+s22+$0x0], $0xffff;
	_ =	sdelay $0x3  }
0x2e9: {  	(v2sf) =	vpush v6, $0x0  }
0x2ea: {  	(v2sf) =	vpush v7, $0x0;
	_ =	sdelay $0xd  }
0x2eb: {  	s0 =	spop (v2sf)  }
0x2ec: {  	s1 =	spop (v2sf)  }
0x2ed: {  	s1 =	ssub.s32 s1, s0  }
0x2ee: {  	s1 =	sshra.s32 s1, $0x4  }
0x2ef: {  	p0 =	slt.s32 s1, $0x1  }
.Ltmp22:
0x2f0: {  	_ = 	snop;
	(pc) =	sbr.rel @p0 .LBB2_32-.Ltmp22, $1  }
0x2f1: {  	_ =	sdelay $0x3  }
0x2f2: {  	s0 =	sadd.s32 $0x1D000, s0  }
0x2f3: {  	v6 =	vld [tilespmem:s0+$0x0];
	_ =	sdelay $0x4  }
0x2f4: {  	v7 =	vshrl.u32 v6, $0xC;
	v8 =	vand.u32 $0x380000, v6  }
0x2f5: {  	v9 =	vshrl.u32 v6, $0x9;
	vm0 =	vgt.s32 v6, $0xFFFFFFFF;
	vm1 =	vlt.u32 v8, $0x280000  }
0x2f6: {  	v10 =	vand.u32 $0x7F, v7;
	v9 =	vand.u32 $0x1C00, v9;
	vm1 =	vmand vm0, vm1  }
0x2f7: {  	v9 =	vor.u32 v10, v9;
	_ =	sdelay $0x2  }
0x2f8: {  	v21 =	vshll.u32 v6, $0x3  }
0x2f9: {  	v6 =	vand.u32 $0x7F, v6;
	vm2 =	vge.u32 v8, $0x280000;
	v8 =	vand.u32 $0x7C00, v21  }
0x2fa: {  	vm0 =	vmand vm0, vm2;
	v6 =	vor.u32 v6, v8;
	v22 =	vld.idx.msk [tilespmem:v9+s18+$0x0], vm1  }
0x2fb: {  	v7 =	vand.u32 $0x1F, v7;
	_ =	sdelay $0x3  }
0x2fc: {  	[tilespmem:v6+s3+$0x0] =	vst.idx.msk vm1, v22  }
0x2fd: {  	v8 =	vld.idx.msk [tilespmem:v7+s29+$0x0], vm0  }
0x2fe: {  	v23 =	vor.u32 $0x80, v9;
	_ =	sdelay $0x3  }
0x2ff: {  	[tilespmem:v6+s3+$0x0] =	vst.idx.msk vm0, v8  }
0x300: {  	v24 =	vor.u32 $0x80, v6;
	v8 =	vld.idx.msk [tilespmem:v23+s18+$0x0], vm1  }
0x301: {  	v11 =	vor.u32 $0x80, v7;
	_ =	sdelay $0x3  }
0x302: {  	[tilespmem:v24+s3+$0x0] =	vst.idx.msk vm1, v8  }
0x303: {  	v8 =	vld.idx.msk [tilespmem:v11+s29+$0x0], vm0  }
0x304: {  	v25 =	vor.u32 $0x100, v9;
	_ =	sdelay $0x3  }
0x305: {  	[tilespmem:v24+s3+$0x0] =	vst.idx.msk vm0, v8  }
0x306: {  	v26 =	vor.u32 $0x100, v6;
	v8 =	vld.idx.msk [tilespmem:v25+s18+$0x0], vm1  }
0x307: {  	v27 =	vor.u32 $0x100, v7;
	_ =	sdelay $0x3  }
0x308: {  	[tilespmem:v26+s3+$0x0] =	vst.idx.msk vm1, v8  }
0x309: {  	v8 =	vld.idx.msk [tilespmem:v27+s29+$0x0], vm0  }
0x30a: {  	v28 =	vor.u32 $0x180, v9;
	_ =	sdelay $0x3  }
0x30b: {  	[tilespmem:v26+s3+$0x0] =	vst.idx.msk vm0, v8  }
0x30c: {  	v29 =	vor.u32 $0x180, v6;
	v8 =	vld.idx.msk [tilespmem:v28+s18+$0x0], vm1  }
0x30d: {  	v30 =	vor.u32 $0x180, v7;
	_ =	sdelay $0x3  }
0x30e: {  	[tilespmem:v29+s3+$0x0] =	vst.idx.msk vm1, v8  }
0x30f: {  	v8 =	vld.idx.msk [tilespmem:v30+s29+$0x0], vm0  }
0x310: {  	v31 =	vor.u32 $0x200, v9;
	_ =	sdelay $0x3  }
0x311: {  	[tilespmem:v29+s3+$0x0] =	vst.idx.msk vm0, v8  }
0x312: {  	v32 =	vor.u32 $0x200, v6;
	v8 =	vld.idx.msk [tilespmem:v31+s18+$0x0], vm1  }
0x313: {  	v33 =	vor.u32 $0x200, v7;
	_ =	sdelay $0x3  }
0x314: {  	[tilespmem:v32+s3+$0x0] =	vst.idx.msk vm1, v8  }
0x315: {  	v8 =	vld.idx.msk [tilespmem:v33+s29+$0x0], vm0  }
0x316: {  	v34 =	vor.u32 $0x280, v9;
	_ =	sdelay $0x3  }
0x317: {  	[tilespmem:v32+s3+$0x0] =	vst.idx.msk vm0, v8  }
0x318: {  	v35 =	vor.u32 $0x280, v6;
	v8 =	vld.idx.msk [tilespmem:v34+s18+$0x0], vm1  }
0x319: {  	v36 =	vor.u32 $0x280, v7;
	_ =	sdelay $0x3  }
0x31a: {  	[tilespmem:v35+s3+$0x0] =	vst.idx.msk vm1, v8  }
0x31b: {  	v8 =	vld.idx.msk [tilespmem:v36+s29+$0x0], vm0  }
0x31c: {  	v37 =	vor.u32 $0x300, v9;
	_ =	sdelay $0x3  }
0x31d: {  	[tilespmem:v35+s3+$0x0] =	vst.idx.msk vm0, v8  }
0x31e: {  	v38 =	vor.u32 $0x300, v6;
	v8 =	vld.idx.msk [tilespmem:v37+s18+$0x0], vm1  }
0x31f: {  	v39 =	vor.u32 $0x300, v7;
	_ =	sdelay $0x3  }
0x320: {  	[tilespmem:v38+s3+$0x0] =	vst.idx.msk vm1, v8  }
0x321: {  	v8 =	vld.idx.msk [tilespmem:v39+s29+$0x0], vm0  }
0x322: {  	v40 =	vor.u32 $0x380, v9;
	_ =	sdelay $0x3  }
0x323: {  	[tilespmem:v38+s3+$0x0] =	vst.idx.msk vm0, v8  }
0x324: {  	v41 =	vor.u32 $0x380, v6;
	v8 =	vld.idx.msk [tilespmem:v40+s18+$0x0], vm1  }
0x325: {  	v42 =	vor.u32 $0x380, v7;
	_ =	sdelay $0x3  }
0x326: {  	[tilespmem:v41+s3+$0x0] =	vst.idx.msk vm1, v8  }
0x327: {  	v8 =	vld.idx.msk [tilespmem:v42+s29+$0x0], vm0  }
0x328: {  	v43 =	vor.u32 $0x2000, v9;
	_ =	sdelay $0x3  }
0x329: {  	[tilespmem:v41+s3+$0x0] =	vst.idx.msk vm0, v8  }
0x32a: {  	v44 =	vor.u32 $0x8000, v6;
	v8 =	vld.idx.msk [tilespmem:v43+s18+$0x0], vm1  }
0x32b: {  	v45 =	vor.u32 $0x400, v7;
	_ =	sdelay $0x3  }
0x32c: {  	[tilespmem:v44+s3+$0x0] =	vst.idx.msk vm1, v8  }
0x32d: {  	v8 =	vld.idx.msk [tilespmem:v45+s29+$0x0], vm0  }
0x32e: {  	v46 =	vor.u32 $0x2080, v9;
	_ =	sdelay $0x3  }
0x32f: {  	[tilespmem:v44+s3+$0x0] =	vst.idx.msk vm0, v8  }
0x330: {  	v47 =	vor.u32 $0x8080, v6;
	v8 =	vld.idx.msk [tilespmem:v46+s18+$0x0], vm1  }
0x331: {  	v48 =	vor.u32 $0x480, v7;
	_ =	sdelay $0x3  }
0x332: {  	[tilespmem:v47+s3+$0x0] =	vst.idx.msk vm1, v8  }
0x333: {  	v8 =	vld.idx.msk [tilespmem:v48+s29+$0x0], vm0  }
0x334: {  	v49 =	vor.u32 $0x2100, v9;
	_ =	sdelay $0x3  }
0x335: {  	[tilespmem:v47+s3+$0x0] =	vst.idx.msk vm0, v8  }
0x336: {  	v50 =	vor.u32 $0x8100, v6;
	v8 =	vld.idx.msk [tilespmem:v49+s18+$0x0], vm1  }
0x337: {  	v51 =	vor.u32 $0x500, v7;
	_ =	sdelay $0x3  }
0x338: {  	[tilespmem:v50+s3+$0x0] =	vst.idx.msk vm1, v8  }
0x339: {  	v8 =	vld.idx.msk [tilespmem:v51+s29+$0x0], vm0  }
0x33a: {  	v52 =	vor.u32 $0x2180, v9;
	_ =	sdelay $0x3  }
0x33b: {  	[tilespmem:v50+s3+$0x0] =	vst.idx.msk vm0, v8  }
0x33c: {  	v53 =	vor.u32 $0x8180, v6;
	v8 =	vld.idx.msk [tilespmem:v52+s18+$0x0], vm1  }
0x33d: {  	v54 =	vor.u32 $0x580, v7;
	_ =	sdelay $0x3  }
0x33e: {  	[tilespmem:v53+s3+$0x0] =	vst.idx.msk vm1, v8  }
0x33f: {  	v8 =	vld.idx.msk [tilespmem:v54+s29+$0x0], vm0  }
0x340: {  	v55 =	vor.u32 $0x2200, v9;
	_ =	sdelay $0x3  }
0x341: {  	[tilespmem:v53+s3+$0x0] =	vst.idx.msk vm0, v8  }
0x342: {  	v56 =	vor.u32 $0x8200, v6;
	v8 =	vld.idx.msk [tilespmem:v55+s18+$0x0], vm1  }
0x343: {  	v57 =	vor.u32 $0x600, v7;
	_ =	sdelay $0x3  }
0x344: {  	[tilespmem:v56+s3+$0x0] =	vst.idx.msk vm1, v8  }
0x345: {  	v8 =	vld.idx.msk [tilespmem:v57+s29+$0x0], vm0  }
0x346: {  	v58 =	vor.u32 $0x2280, v9;
	_ =	sdelay $0x3  }
0x347: {  	[tilespmem:v56+s3+$0x0] =	vst.idx.msk vm0, v8  }
0x348: {  	v59 =	vor.u32 $0x8280, v6;
	v8 =	vld.idx.msk [tilespmem:v58+s18+$0x0], vm1  }
0x349: {  	v60 =	vor.u32 $0x680, v7;
	_ =	sdelay $0x3  }
0x34a: {  	[tilespmem:v59+s3+$0x0] =	vst.idx.msk vm1, v8  }
0x34b: {  	v8 =	vld.idx.msk [tilespmem:v60+s29+$0x0], vm0  }
0x34c: {  	v61 =	vor.u32 $0x2300, v9;
	_ =	sdelay $0x3  }
0x34d: {  	[tilespmem:v59+s3+$0x0] =	vst.idx.msk vm0, v8  }
0x34e: {  	v62 =	vor.u32 $0x8300, v6;
	v8 =	vld.idx.msk [tilespmem:v61+s18+$0x0], vm1  }
0x34f: {  	v63 =	vor.u32 $0x700, v7;
	_ =	sdelay $0x3  }
0x350: {  	[tilespmem:v62+s3+$0x0] =	vst.idx.msk vm1, v8  }
0x351: {  	v8 =	vld.idx.msk [tilespmem:v63+s29+$0x0], vm0  }
0x352: {  	v9 =	vor.u32 $0x2380, v9;
	_ =	sdelay $0x3  }
0x353: {  	[tilespmem:v62+s3+$0x0] =	vst.idx.msk vm0, v8  }
0x354: {  	v6 =	vor.u32 $0x8380, v6;
	v8 =	vld.idx.msk [tilespmem:v9+s18+$0x0], vm1  }
0x355: {  	v7 =	vor.u32 $0x780, v7;
	_ =	sdelay $0x3  }
0x356: {  	p0 =	sne.s32 s1, $0x1;
	[tilespmem:v6+s3+$0x0] =	vst.idx.msk vm1, v8  }
.Ltmp23:
0x357: {  	v7 =	vld.idx.msk [tilespmem:v7+s29+$0x0], vm0;
	(pc) =	sbr.rel @!p0 .LBB2_31-.Ltmp23, $2  }
0x358: {  	_ =	sdelay $0x2  }
0x359: {  	s1 =	sadd.s32 $0xFFFFFFFF, s1  }
.LBB2_30:
0x35a: {  	p0 =	sne.s32 s1, $0x1;
	s1 =	sadd.s32 $0xFFFFFFFF, s1;
	[tilespmem:v6+s3+$0x0] =	vst.idx.msk vm0, v7;
	s0 =	sadd.s32 $0x10, s0  }
0x35b: {  	v7 =	vld [tilespmem:s0+$0x0];
	_ =	sdelay $0x4  }
0x35c: {  	v9 =	vshrl.u32 v7, $0xC;
	v6 =	vand.u32 $0x380000, v7;
	v8 =	vshrl.u32 v7, $0x9  }
0x35d: {  	vm0 =	vgt.s32 v7, $0xFFFFFFFF;
	vm1 =	vlt.u32 v6, $0x280000;
	v10 =	vand.u32 $0x7F, v9  }
0x35e: {  	v11 =	vshll.u32 v7, $0x3;
	v8 =	vand.u32 $0x1C00, v8;
	vm1 =	vmand vm0, vm1  }
0x35f: {  	vm2 =	vge.u32 v6, $0x280000;
	v6 =	vor.u32 v10, v8;
	v8 =	vand.u32 $0x7C00, v11;
	_ =	sdelay $0x4  }
0x360: {  	v7 =	vand.u32 $0x7F, v7;
	v10 =	vld.idx.msk [tilespmem:v6+s18+$0x0], vm1  }
0x361: {  	vm0 =	vmand vm0, vm2;
	v8 =	vor.u32 v7, v8  }
0x362: {  	v7 =	vand.u32 $0x1F, v9;
	_ =	sdelay $0x3  }
0x363: {  	[tilespmem:v8+s3+$0x0] =	vst.idx.msk vm1, v10  }
0x364: {  	v9 =	vld.idx.msk [tilespmem:v7+s29+$0x0], vm0;
	_ =	sdelay $0x1  }
0x365: {  	v10 =	vor.u32 $0x80, v6;
	_ =	sdelay $0x3  }
0x366: {  	[tilespmem:v8+s3+$0x0] =	vst.idx.msk vm0, v9  }
0x367: {  	v9 =	vld.idx.msk [tilespmem:v10+s18+$0x0], vm1  }
0x368: {  	v10 =	vor.u32 $0x80, v8  }
0x369: {  	v11 =	vor.u32 $0x80, v7;
	_ =	sdelay $0x3  }
0x36a: {  	[tilespmem:v10+s3+$0x0] =	vst.idx.msk vm1, v9  }
0x36b: {  	v9 =	vld.idx.msk [tilespmem:v11+s29+$0x0], vm0;
	_ =	sdelay $0x1  }
0x36c: {  	v11 =	vor.u32 $0x100, v6;
	_ =	sdelay $0x3  }
0x36d: {  	[tilespmem:v10+s3+$0x0] =	vst.idx.msk vm0, v9  }
0x36e: {  	v9 =	vld.idx.msk [tilespmem:v11+s18+$0x0], vm1  }
0x36f: {  	v10 =	vor.u32 $0x100, v8  }
0x370: {  	v11 =	vor.u32 $0x100, v7;
	_ =	sdelay $0x3  }
0x371: {  	[tilespmem:v10+s3+$0x0] =	vst.idx.msk vm1, v9  }
0x372: {  	v9 =	vld.idx.msk [tilespmem:v11+s29+$0x0], vm0;
	_ =	sdelay $0x1  }
0x373: {  	v11 =	vor.u32 $0x180, v6;
	_ =	sdelay $0x3  }
0x374: {  	[tilespmem:v10+s3+$0x0] =	vst.idx.msk vm0, v9  }
0x375: {  	v9 =	vld.idx.msk [tilespmem:v11+s18+$0x0], vm1  }
0x376: {  	v10 =	vor.u32 $0x180, v8  }
0x377: {  	v11 =	vor.u32 $0x180, v7;
	_ =	sdelay $0x3  }
0x378: {  	[tilespmem:v10+s3+$0x0] =	vst.idx.msk vm1, v9  }
0x379: {  	v9 =	vld.idx.msk [tilespmem:v11+s29+$0x0], vm0;
	_ =	sdelay $0x1  }
0x37a: {  	v11 =	vor.u32 $0x200, v6;
	_ =	sdelay $0x3  }
0x37b: {  	[tilespmem:v10+s3+$0x0] =	vst.idx.msk vm0, v9  }
0x37c: {  	v9 =	vld.idx.msk [tilespmem:v11+s18+$0x0], vm1  }
0x37d: {  	v10 =	vor.u32 $0x200, v8  }
0x37e: {  	v11 =	vor.u32 $0x200, v7;
	_ =	sdelay $0x3  }
0x37f: {  	[tilespmem:v10+s3+$0x0] =	vst.idx.msk vm1, v9  }
0x380: {  	v9 =	vld.idx.msk [tilespmem:v11+s29+$0x0], vm0;
	_ =	sdelay $0x1  }
0x381: {  	v11 =	vor.u32 $0x280, v6;
	_ =	sdelay $0x3  }
0x382: {  	[tilespmem:v10+s3+$0x0] =	vst.idx.msk vm0, v9  }
0x383: {  	v9 =	vld.idx.msk [tilespmem:v11+s18+$0x0], vm1  }
0x384: {  	v10 =	vor.u32 $0x280, v8  }
0x385: {  	v11 =	vor.u32 $0x280, v7;
	_ =	sdelay $0x3  }
0x386: {  	[tilespmem:v10+s3+$0x0] =	vst.idx.msk vm1, v9  }
0x387: {  	v9 =	vld.idx.msk [tilespmem:v11+s29+$0x0], vm0;
	_ =	sdelay $0x1  }
0x388: {  	v11 =	vor.u32 $0x300, v6;
	_ =	sdelay $0x3  }
0x389: {  	[tilespmem:v10+s3+$0x0] =	vst.idx.msk vm0, v9  }
0x38a: {  	v9 =	vld.idx.msk [tilespmem:v11+s18+$0x0], vm1  }
0x38b: {  	v10 =	vor.u32 $0x300, v8  }
0x38c: {  	v11 =	vor.u32 $0x300, v7;
	_ =	sdelay $0x3  }
0x38d: {  	[tilespmem:v10+s3+$0x0] =	vst.idx.msk vm1, v9  }
0x38e: {  	v9 =	vld.idx.msk [tilespmem:v11+s29+$0x0], vm0;
	_ =	sdelay $0x1  }
0x38f: {  	v11 =	vor.u32 $0x380, v6;
	_ =	sdelay $0x3  }
0x390: {  	[tilespmem:v10+s3+$0x0] =	vst.idx.msk vm0, v9  }
0x391: {  	v9 =	vld.idx.msk [tilespmem:v11+s18+$0x0], vm1  }
0x392: {  	v10 =	vor.u32 $0x380, v8  }
0x393: {  	v11 =	vor.u32 $0x380, v7;
	_ =	sdelay $0x3  }
0x394: {  	[tilespmem:v10+s3+$0x0] =	vst.idx.msk vm1, v9  }
0x395: {  	v9 =	vld.idx.msk [tilespmem:v11+s29+$0x0], vm0;
	_ =	sdelay $0x1  }
0x396: {  	v11 =	vor.u32 $0x2000, v6;
	_ =	sdelay $0x3  }
0x397: {  	[tilespmem:v10+s3+$0x0] =	vst.idx.msk vm0, v9  }
0x398: {  	v9 =	vld.idx.msk [tilespmem:v11+s18+$0x0], vm1  }
0x399: {  	v10 =	vor.u32 $0x8000, v8  }
0x39a: {  	v11 =	vor.u32 $0x400, v7;
	_ =	sdelay $0x3  }
0x39b: {  	[tilespmem:v10+s3+$0x0] =	vst.idx.msk vm1, v9  }
0x39c: {  	v9 =	vld.idx.msk [tilespmem:v11+s29+$0x0], vm0;
	_ =	sdelay $0x1  }
0x39d: {  	v11 =	vor.u32 $0x2080, v6;
	_ =	sdelay $0x3  }
0x39e: {  	[tilespmem:v10+s3+$0x0] =	vst.idx.msk vm0, v9  }
0x39f: {  	v9 =	vld.idx.msk [tilespmem:v11+s18+$0x0], vm1  }
0x3a0: {  	v10 =	vor.u32 $0x8080, v8  }
0x3a1: {  	v11 =	vor.u32 $0x480, v7;
	_ =	sdelay $0x3  }
0x3a2: {  	[tilespmem:v10+s3+$0x0] =	vst.idx.msk vm1, v9  }
0x3a3: {  	v9 =	vld.idx.msk [tilespmem:v11+s29+$0x0], vm0;
	_ =	sdelay $0x1  }
0x3a4: {  	v11 =	vor.u32 $0x2100, v6;
	_ =	sdelay $0x3  }
0x3a5: {  	[tilespmem:v10+s3+$0x0] =	vst.idx.msk vm0, v9  }
0x3a6: {  	v9 =	vld.idx.msk [tilespmem:v11+s18+$0x0], vm1  }
0x3a7: {  	v10 =	vor.u32 $0x8100, v8  }
0x3a8: {  	v11 =	vor.u32 $0x500, v7;
	_ =	sdelay $0x3  }
0x3a9: {  	[tilespmem:v10+s3+$0x0] =	vst.idx.msk vm1, v9  }
0x3aa: {  	v9 =	vld.idx.msk [tilespmem:v11+s29+$0x0], vm0;
	_ =	sdelay $0x1  }
0x3ab: {  	v11 =	vor.u32 $0x2180, v6;
	_ =	sdelay $0x3  }
0x3ac: {  	[tilespmem:v10+s3+$0x0] =	vst.idx.msk vm0, v9  }
0x3ad: {  	v9 =	vld.idx.msk [tilespmem:v11+s18+$0x0], vm1  }
0x3ae: {  	v10 =	vor.u32 $0x8180, v8  }
0x3af: {  	v11 =	vor.u32 $0x580, v7;
	_ =	sdelay $0x3  }
0x3b0: {  	[tilespmem:v10+s3+$0x0] =	vst.idx.msk vm1, v9  }
0x3b1: {  	v9 =	vld.idx.msk [tilespmem:v11+s29+$0x0], vm0;
	_ =	sdelay $0x1  }
0x3b2: {  	v11 =	vor.u32 $0x2200, v6;
	_ =	sdelay $0x3  }
0x3b3: {  	[tilespmem:v10+s3+$0x0] =	vst.idx.msk vm0, v9  }
0x3b4: {  	v9 =	vld.idx.msk [tilespmem:v11+s18+$0x0], vm1  }
0x3b5: {  	v10 =	vor.u32 $0x8200, v8  }
0x3b6: {  	v11 =	vor.u32 $0x600, v7;
	_ =	sdelay $0x3  }
0x3b7: {  	[tilespmem:v10+s3+$0x0] =	vst.idx.msk vm1, v9  }
0x3b8: {  	v9 =	vld.idx.msk [tilespmem:v11+s29+$0x0], vm0;
	_ =	sdelay $0x1  }
0x3b9: {  	v11 =	vor.u32 $0x2280, v6;
	_ =	sdelay $0x3  }
0x3ba: {  	[tilespmem:v10+s3+$0x0] =	vst.idx.msk vm0, v9  }
0x3bb: {  	v9 =	vld.idx.msk [tilespmem:v11+s18+$0x0], vm1  }
0x3bc: {  	v10 =	vor.u32 $0x8280, v8  }
0x3bd: {  	v11 =	vor.u32 $0x680, v7;
	_ =	sdelay $0x3  }
0x3be: {  	[tilespmem:v10+s3+$0x0] =	vst.idx.msk vm1, v9  }
0x3bf: {  	v9 =	vld.idx.msk [tilespmem:v11+s29+$0x0], vm0;
	_ =	sdelay $0x1  }
0x3c0: {  	v11 =	vor.u32 $0x2300, v6;
	_ =	sdelay $0x3  }
0x3c1: {  	[tilespmem:v10+s3+$0x0] =	vst.idx.msk vm0, v9  }
0x3c2: {  	v9 =	vld.idx.msk [tilespmem:v11+s18+$0x0], vm1  }
0x3c3: {  	v10 =	vor.u32 $0x8300, v8  }
0x3c4: {  	v11 =	vor.u32 $0x700, v7;
	_ =	sdelay $0x3  }
0x3c5: {  	[tilespmem:v10+s3+$0x0] =	vst.idx.msk vm1, v9  }
0x3c6: {  	v9 =	vld.idx.msk [tilespmem:v11+s29+$0x0], vm0;
	_ =	sdelay $0x1  }
0x3c7: {  	v6 =	vor.u32 $0x2380, v6;
	_ =	sdelay $0x3  }
0x3c8: {  	[tilespmem:v10+s3+$0x0] =	vst.idx.msk vm0, v9  }
0x3c9: {  	v9 =	vld.idx.msk [tilespmem:v6+s18+$0x0], vm1  }
0x3ca: {  	v6 =	vor.u32 $0x8380, v8  }
0x3cb: {  	v7 =	vor.u32 $0x780, v7  }
.Ltmp24:
0x3cc: {  	(pc) =	sbr.rel @p0 .LBB2_30-.Ltmp24, $3  }
0x3cd: {  	_ =	sdelay $0x1  }
0x3ce: {  	[tilespmem:v6+s3+$0x0] =	vst.idx.msk vm1, v9  }
0x3cf: {  	v7 =	vld.idx.msk [tilespmem:v7+s29+$0x0], vm0  }
.Ltmp25:
0x3d0: {  	_ = 	snop;
	(pc) =	sbr.rel .LBB2_31-.Ltmp25, $1  }
0x3d1: {  	_ =	sdelay $0x3  }
.LBB2_33:
0x3d2: {  	_ =	sfence.sel $0x180000  }
0x3d3: {  	[bflag:$0x0] =	sbarrier.arrive $0xFFFF  }
0x3d4: {  	_ =	strace $0x90000047  }
0x3d5: {  	s0 =	stileid.u32;
	[bflag:$0x2] =	sbarrier.arrive $0xFFFF  }
0x3d6: {  	p0 =	sne.s32 s0, $0x0;
	s0 =	rddreg [dreg:$0x3]  }
0x3d7: {  	s0 =	sadd.s32 @!p0 $0x100000, s0  }
0x3d8: {  	[sflag:s0] =	ssyncadd.tile.s32 @!p0 $0x1;
	_ =	shalt  }
.Lfunc_end2:
_tile_overlayer_lowered:
.L_overlay_start_2:
0x3d9: {  	(tag) =	ssettag $0x2  }
0x3da: {  	s0 =	rddreg [dreg:$0x0];
	s2 =	stileid.u32  }
0x3db: {  	s1 =	rddreg [dreg:$0x1];
	p0 =	sne.s32 s2, $0x0  }
0x3dc: {  	s3 =	rddreg [dreg:$0x2];
	[bflag:$0x3] =	sbarrier.arrive $0xFFFF;
	s2 =	simm.s32 @!p0 $0x1C05  }
0x3dd: {  	[timem:s3], [sflag:s2] =	dma.local @!p0 [hbm:s0], s1  }
0x3de: {  	s0 =	simm.s32 @!p0 $0x5  }
0x3df: {  	_ =	swait.ge @!p0 [sflag:s0], s1  }
0x3e0: {  	s1 =	ssub.s32 @!p0 $0x0, s1;
	[sflag:s0] =	ssyncset.done @!p0 $0x0  }
0x3e1: {  	[sflag:s0] =	ssyncadd.s32 @!p0 s1  }
0x3e2: {  	[bflag:$0x3] =	sbarrier.arrive $0xFFFF  }
0x3e3: {  	_ =	shalt  }

</sc_bundles>
